<compile_context>
chip_gen: v7x
topology: tpu7x:2x2x1
jax: 0.10.2.dev20260603
libtpu: 0.0.44.dev20260713+nightly
codegen_flags: <defaults>
</compile_context>

<pallas_src>
import functools

import jax
import jax.numpy as jnp
from jax import lax
from jax.experimental import pallas as pl
from jax.experimental.pallas import tpu as pltpu
from jax.experimental.pallas import tpu_sc as plsc

EMBED = 128
VOCAB = 21
NC, NS = 2, 16
NW = NC * NS
CHUNK = 128
NBUF = 5


def _sc_lookup(w_flat, b, idx, per_w):
    n_chunks = per_w // CHUNK
    half = n_chunks // NBUF
    mesh = plsc.VectorSubcoreMesh(core_axis_name="c", subcore_axis_name="s")

    @functools.partial(
        pl.kernel,
        out_type=jax.ShapeDtypeStruct((NW * n_chunks, CHUNK, EMBED),
                                      jnp.float32),
        mesh=mesh,
        compiler_params=pltpu.CompilerParams(needs_layout_passes=False),
        scratch_types=[
            pltpu.VMEM((n_chunks, CHUNK), jnp.int32),
            pltpu.VMEM((VOCAB * EMBED,), jnp.float32),
            pltpu.VMEM((EMBED,), jnp.float32),
            pltpu.VMEM((VOCAB, EMBED), jnp.float32),
            pltpu.VMEM((CHUNK, EMBED), jnp.float32),
            pltpu.VMEM((CHUNK, EMBED), jnp.float32),
            pltpu.VMEM((CHUNK, EMBED), jnp.float32),
            pltpu.VMEM((CHUNK, EMBED), jnp.float32),
            pltpu.VMEM((CHUNK, EMBED), jnp.float32),
            pltpu.VMEM_SHARED((VOCAB, EMBED), jnp.float32),
            pltpu.SemaphoreType.DMA,
            pltpu.SemaphoreType.DMA,
            pltpu.SemaphoreType.DMA,
            pltpu.SemaphoreType.DMA,
            pltpu.SemaphoreType.DMA,
            pltpu.SemaphoreType.DMA,
            pltpu.SemaphoreType.DMA,
            pltpu.SemaphoreType.DMA,
            pltpu.SemaphoreType.DMA,
            pltpu.SemaphoreType.DMA,
        ],
    )
    def k(w_hbm, b_hbm, idx_hbm, out_hbm, idx_v, w_v, b_v, tab_v, rows0,
          rows1, rows2, rows3, rows4, shtab, g0, g1, g2, g3, g4,
          s0, s1, s2, s3, s4):
        rows = (rows0, rows1, rows2, rows3, rows4)
        gsem = (g0, g1, g2, g3, g4)
        ssem = (s0, s1, s2, s3, s4)
        iota = lax.iota(jnp.int32, 16)
        sid = lax.axis_index("s")
        wid = sid * NC + lax.axis_index("c")
        gbase = wid * n_chunks
        pltpu.sync_copy(idx_hbm.at[wid], idx_v)
        pltpu.sync_copy(w_hbm, w_v)
        pltpu.sync_copy(b_hbm, b_v)

        bvecs = [b_v[pl.ds(e8 * 16, 16)] for e8 in range(8)]
        for v in range(VOCAB):
            for e8 in range(8):
                widx = (e8 * 16 + iota) * VOCAB + v
                col = plsc.load_gather(w_v, [widx])
                tab_v[v, pl.ds(e8 * 16, 16)] = col + bvecs[e8]

        @pl.when(sid == 0)
        def _():
            pltpu.sync_copy(tab_v, shtab)

        plsc.subcore_barrier()

        def fire(slot, g):
            pltpu.async_copy(shtab.at[idx_v.at[g]], rows[slot], gsem[slot])

        def drain(slot, g):
            pltpu.make_async_copy(shtab.at[idx_v.at[g]], rows[slot],
                                  gsem[slot]).wait()

        def scat(slot, g):
            pltpu.async_copy(rows[slot], out_hbm.at[gbase + g], ssem[slot])

        def scat_wait(slot, g):
            pltpu.make_async_copy(rows[slot], out_hbm.at[gbase + g],
                                  ssem[slot]).wait()

        def body(h, carry):
            g0h = NBUF * h
            for i in range(NBUF):
                @pl.when(h >= 1)
                def _(i=i):
                    scat_wait(i, g0h + i - NBUF)

                fire(i, g0h + i)
            for i in range(NBUF):
                drain(i, g0h + i)
                scat(i, g0h + i)
            return carry

        lax.fori_loop(0, half, body, 0)
        for i in range(NBUF):
            scat_wait(i, NBUF * (half - 1) + i)

    return k(w_flat, b, idx)


def kernel(seq_ids, W, b):
    B, L = seq_ids.shape
    n = B * L
    per_w = n // NW
    idx = seq_ids.reshape(NW, per_w // CHUNK, CHUNK).astype(jnp.int32)
    out = _sc_lookup(W.reshape(-1), b, idx, per_w)
    return out.reshape(B, L, EMBED)

# --- scband reference (transcript-rebuilt; emitter-appended) ---
"""Pipeline reference for scband-aaembeddings-67018669686800 (READ-ONLY COPY).

The authoritative reference and input builder live on the scoring server;
editing this copy changes nothing except your own understanding.
"""

import jax, jax.numpy as jnp
import numpy as np

EMBED_DIM = 128
B, L = 4096, 200
VOCAB = 21

def setup_inputs(seed: int = 0) -> dict:
    key = jax.random.key(seed)
    k1, k2, k3 = jax.random.split(key, 3)
    seq_ids = jax.random.randint(k1, (B, L), 0, VOCAB, dtype=jnp.int64 if jax.config.jax_enable_x64 else jnp.int32)
    # nn.Linear(21, embed_dim): weight [embed_dim, 21], bias [embed_dim]
    bound = 1.0 / np.sqrt(VOCAB)
    W = jax.random.uniform(k2, (EMBED_DIM, VOCAB), dtype=jnp.float32, minval=-bound, maxval=bound)
    b = jax.random.uniform(k3, (EMBED_DIM,), dtype=jnp.float32, minval=-bound, maxval=bound)
    return {"seq_ids": seq_ids, "W": W, "b": b}

def reference(seq_ids, W, b):
    # onehot embedding with frozen identity table (nn.Embedding(21,21) with eye weights)
    onehot_table = jnp.eye(VOCAB, dtype=jnp.float32)
    x = jnp.take(onehot_table, seq_ids, axis=0)  # (B, L, 21)
    # nn.Linear: x @ W.T + b
    out = jnp.einsum('blv,ev->ble', x, W) + b  # (B, L, embed_dim)
    return out

if __name__ == "__main__":
    import jax
    _d = setup_inputs()
    print(jax.jit(kernel)(*tuple(_d.values())))

</pallas_src>

<mosaic_0001>
#map = affine_map<(d0, d1) -> (0)>
#map1 = affine_map<(d0, d1) -> (0, 0, 0)>
module attributes {stable_mosaic.version = 14 : i64} {
  func.func @k(%arg0: i32, %arg1: i32, %arg2: memref<2688xf32, #tpu.memory_space<hbm>>, %arg3: memref<128xf32, #tpu.memory_space<hbm>>, %arg4: memref<32x200x128xi32, #tpu.memory_space<hbm>>, %arg5: memref<6400x128x128xf32, #tpu.memory_space<hbm>>, %arg6: memref<200x128xi32, #tpu.memory_space<vmem>>, %arg7: memref<2688xf32, #tpu.memory_space<vmem>>, %arg8: memref<128xf32, #tpu.memory_space<vmem>>, %arg9: memref<21x128xf32, #tpu.memory_space<vmem>>, %arg10: memref<128x128xf32, #tpu.memory_space<vmem>>, %arg11: memref<128x128xf32, #tpu.memory_space<vmem>>, %arg12: memref<128x128xf32, #tpu.memory_space<vmem>>, %arg13: memref<128x128xf32, #tpu.memory_space<vmem>>, %arg14: memref<128x128xf32, #tpu.memory_space<vmem>>, %arg15: memref<21x128xf32, #tpu.memory_space<vmem_shared>>, %arg16: memref<!tpu.dma_semaphore, #tpu.memory_space<semaphore_mem>>, %arg17: memref<!tpu.dma_semaphore, #tpu.memory_space<semaphore_mem>>, %arg18: memref<!tpu.dma_semaphore, #tpu.memory_space<semaphore_mem>>, %arg19: memref<!tpu.dma_semaphore, #tpu.memory_space<semaphore_mem>>, %arg20: memref<!tpu.dma_semaphore, #tpu.memory_space<semaphore_mem>>, %arg21: memref<!tpu.dma_semaphore, #tpu.memory_space<semaphore_mem>>, %arg22: memref<!tpu.dma_semaphore, #tpu.memory_space<semaphore_mem>>, %arg23: memref<!tpu.dma_semaphore, #tpu.memory_space<semaphore_mem>>, %arg24: memref<!tpu.dma_semaphore, #tpu.memory_space<semaphore_mem>>, %arg25: memref<!tpu.dma_semaphore, #tpu.memory_space<semaphore_mem>>) attributes {dimension_semantics = [#tpu.dimension_semantics<core_parallel>, #tpu.dimension_semantics<subcore_parallel>], iteration_bounds = array<i64: 2, 16>, scalar_prefetch = 0 : i64, scratch_operands = 20 : i64, tpu.core_type = #tpu.core_type<sc_vector_subcore>, window_params = [{transform_indices = #map}, {transform_indices = #map}, {transform_indices = #map1}, {transform_indices = #map1}]} {
    %iota3A = tpu.iota {dimensions = array<i32: 0>} : vector<16xi32>
    %mul3A = arith.constant 2 : i32
    %mul3A_0 = arith.muli %arg1, %mul3A : i32
    %add3A = arith.addi %mul3A_0, %arg0 : i32
    %mul3A_1 = arith.constant 200 : i32
    %mul3A_2 = arith.muli %add3A, %mul3A_1 : i32
    "tpu.region"() ({
      %run_scoped3A = tpu.sem_alloc : memref<!tpu.dma_semaphore, #tpu.memory_space<semaphore_mem>>
      %dma_start3A = arith.constant 0 : i32
      %dma_start3A_2592 = arith.constant 0 : i32
      %dma_start3A_2593 = tpu.memref_slice %arg4[%add3A, %dma_start3A, %dma_start3A_2592] : memref<32x200x128xi32, #tpu.memory_space<hbm>> -> memref<1x200x128xi32, #tpu.memory_space<hbm>>
      %dma_start3A_2594 = tpu.memref_squeeze %dma_start3A_2593 : memref<1x200x128xi32, #tpu.memory_space<hbm>> -> memref<200x128xi32, #tpu.memory_space<hbm>>
      %dma_start3A_2595 = arith.constant 0 : i32
      %dma_start3A_2596 = arith.constant 0 : i32
      %dma_start3A_2597 = tpu.memref_slice %arg4[%add3A, %dma_start3A_2595, %dma_start3A_2596] : memref<32x200x128xi32, #tpu.memory_space<hbm>> -> memref<1x200x128xi32, #tpu.memory_space<hbm>>
      %dma_start3A_2598 = tpu.memref_squeeze %dma_start3A_2597 : memref<1x200x128xi32, #tpu.memory_space<hbm>> -> memref<200x128xi32, #tpu.memory_space<hbm>>
      tpu.enqueue_dma source(%dma_start3A_2598 : memref<200x128xi32, #tpu.memory_space<hbm>>) target(%arg6 : memref<200x128xi32, #tpu.memory_space<vmem>>) target_semaphore(%run_scoped3A : memref<!tpu.dma_semaphore, #tpu.memory_space<semaphore_mem>>)
      %dma_wait3A_2599 = arith.constant 0 : i32
      %dma_wait3A_2600 = arith.constant 0 : i32
      %dma_wait3A_2601 = tpu.memref_slice %arg4[%add3A, %dma_wait3A_2599, %dma_wait3A_2600] : memref<32x200x128xi32, #tpu.memory_space<hbm>> -> memref<1x200x128xi32, #tpu.memory_space<hbm>>
      %dma_wait3A_2602 = tpu.memref_squeeze %dma_wait3A_2601 : memref<1x200x128xi32, #tpu.memory_space<hbm>> -> memref<200x128xi32, #tpu.memory_space<hbm>>
      %dma_wait3A_2603 = arith.constant 0 : i32
      %dma_wait3A_2604 = arith.constant 0 : i32
      %dma_wait3A_2605 = tpu.memref_slice %arg4[%add3A, %dma_wait3A_2603, %dma_wait3A_2604] : memref<32x200x128xi32, #tpu.memory_space<hbm>> -> memref<1x200x128xi32, #tpu.memory_space<hbm>>
      %dma_wait3A_2606 = tpu.memref_squeeze %dma_wait3A_2605 : memref<1x200x128xi32, #tpu.memory_space<hbm>> -> memref<200x128xi32, #tpu.memory_space<hbm>>
      tpu.wait_dma2 semaphore(%run_scoped3A : memref<!tpu.dma_semaphore, #tpu.memory_space<semaphore_mem>>) src(%dma_wait3A_2606 : memref<200x128xi32, #tpu.memory_space<hbm>>) dst(%arg6 : memref<200x128xi32, #tpu.memory_space<vmem>>)
      tpu.yield
    }) : () -> ()
    "tpu.region"() ({
      %run_scoped3A = tpu.sem_alloc : memref<!tpu.dma_semaphore, #tpu.memory_space<semaphore_mem>>
      tpu.enqueue_dma source(%arg2 : memref<2688xf32, #tpu.memory_space<hbm>>) target(%arg7 : memref<2688xf32, #tpu.memory_space<vmem>>) target_semaphore(%run_scoped3A : memref<!tpu.dma_semaphore, #tpu.memory_space<semaphore_mem>>)
      tpu.wait_dma2 semaphore(%run_scoped3A : memref<!tpu.dma_semaphore, #tpu.memory_space<semaphore_mem>>) src(%arg2 : memref<2688xf32, #tpu.memory_space<hbm>>) dst(%arg7 : memref<2688xf32, #tpu.memory_space<vmem>>)
      tpu.yield
    }) : () -> ()
    "tpu.region"() ({
      %run_scoped3A = tpu.sem_alloc : memref<!tpu.dma_semaphore, #tpu.memory_space<semaphore_mem>>
      tpu.enqueue_dma source(%arg3 : memref<128xf32, #tpu.memory_space<hbm>>) target(%arg8 : memref<128xf32, #tpu.memory_space<vmem>>) target_semaphore(%run_scoped3A : memref<!tpu.dma_semaphore, #tpu.memory_space<semaphore_mem>>)
      tpu.wait_dma2 semaphore(%run_scoped3A : memref<!tpu.dma_semaphore, #tpu.memory_space<semaphore_mem>>) src(%arg3 : memref<128xf32, #tpu.memory_space<hbm>>) dst(%arg8 : memref<128xf32, #tpu.memory_space<vmem>>)
      tpu.yield
    }) : () -> ()
    %get3A = arith.constant 0 : index
    %get3A_3 = tpu.vector_load %arg8[%get3A] {strides = array<i32>} : memref<128xf32, #tpu.memory_space<vmem>>, vector<16xf32>,
    %get3A_4 = arith.constant 16 : index
    %get3A_5 = tpu.vector_load %arg8[%get3A_4] {strides = array<i32>} : memref<128xf32, #tpu.memory_space<vmem>>, vector<16xf32>,
    %get3A_6 = arith.constant 32 : index
    %get3A_7 = tpu.vector_load %arg8[%get3A_6] {strides = array<i32>} : memref<128xf32, #tpu.memory_space<vmem>>, vector<16xf32>,
    %get3A_8 = arith.constant 48 : index
    %get3A_9 = tpu.vector_load %arg8[%get3A_8] {strides = array<i32>} : memref<128xf32, #tpu.memory_space<vmem>>, vector<16xf32>,
    %get3A_10 = arith.constant 64 : index
    %get3A_11 = tpu.vector_load %arg8[%get3A_10] {strides = array<i32>} : memref<128xf32, #tpu.memory_space<vmem>>, vector<16xf32>,
    %get3A_12 = arith.constant 80 : index
    %get3A_13 = tpu.vector_load %arg8[%get3A_12] {strides = array<i32>} : memref<128xf32, #tpu.memory_space<vmem>>, vector<16xf32>,
    %get3A_14 = arith.constant 96 : index
    %get3A_15 = tpu.vector_load %arg8[%get3A_14] {strides = array<i32>} : memref<128xf32, #tpu.memory_space<vmem>>, vector<16xf32>,
    %get3A_16 = arith.constant 112 : index
    %get3A_17 = tpu.vector_load %arg8[%get3A_16] {strides = array<i32>} : memref<128xf32, #tpu.memory_space<vmem>>, vector<16xf32>,
    %add3A_18 = arith.constant 0 : i32
    %add3A_19 = vector.broadcast %add3A_18 : i32 to vector<16xi32>
    %add3A_20 = arith.addi %add3A_19, %iota3A : vector<16xi32>
    %mul3A_21 = arith.constant 21 : i32
    %mul3A_22 = vector.broadcast %mul3A_21 : i32 to vector<16xi32>
    %mul3A_23 = arith.muli %add3A_20, %mul3A_22 : vector<16xi32>
    %add3A_24 = arith.constant 0 : i32
    %add3A_25 = vector.broadcast %add3A_24 : i32 to vector<16xi32>
    %add3A_26 = arith.addi %mul3A_23, %add3A_25 : vector<16xi32>
    %gather3A = tpu.vector_load_idx %arg7[%add3A_26] : memref<2688xf32, #tpu.memory_space<vmem>>[vector<16xi32>], vector<16xf32>,
    %add3A_27 = arith.addf %gather3A, %get3A_3 : vector<16xf32>
    %swap3A = arith.constant 0 : i32
    %swap3A_28 = arith.index_cast %swap3A : i32 to index
    %swap3A_29 = arith.constant 0 : index
    %swap3A_30 = tpu.vector_load %arg9[%swap3A_28, %swap3A_29] {strides = array<i32>} : memref<21x128xf32, #tpu.memory_space<vmem>>, vector<16xf32>,
    tpu.vector_store %arg9[%swap3A_28, %swap3A_29], %add3A_27 {strides = array<i32>} : memref<21x128xf32, #tpu.memory_space<vmem>>, vector<16xf32>,
    %add3A_31 = arith.constant 16 : i32
    %add3A_32 = vector.broadcast %add3A_31 : i32 to vector<16xi32>
    %add3A_33 = arith.addi %add3A_32, %iota3A : vector<16xi32>
    %mul3A_34 = arith.constant 21 : i32
    %mul3A_35 = vector.broadcast %mul3A_34 : i32 to vector<16xi32>
    %mul3A_36 = arith.muli %add3A_33, %mul3A_35 : vector<16xi32>
    %add3A_37 = arith.constant 0 : i32
    %add3A_38 = vector.broadcast %add3A_37 : i32 to vector<16xi32>
    %add3A_39 = arith.addi %mul3A_36, %add3A_38 : vector<16xi32>
    %gather3A_40 = tpu.vector_load_idx %arg7[%add3A_39] : memref<2688xf32, #tpu.memory_space<vmem>>[vector<16xi32>], vector<16xf32>,
    %add3A_41 = arith.addf %gather3A_40, %get3A_5 : vector<16xf32>
    %swap3A_42 = arith.constant 0 : i32
    %swap3A_43 = arith.index_cast %swap3A_42 : i32 to index
    %swap3A_44 = arith.constant 16 : index
    %swap3A_45 = tpu.vector_load %arg9[%swap3A_43, %swap3A_44] {strides = array<i32>} : memref<21x128xf32, #tpu.memory_space<vmem>>, vector<16xf32>,
    tpu.vector_store %arg9[%swap3A_43, %swap3A_44], %add3A_41 {strides = array<i32>} : memref<21x128xf32, #tpu.memory_space<vmem>>, vector<16xf32>,
    %add3A_46 = arith.constant 32 : i32
    %add3A_47 = vector.broadcast %add3A_46 : i32 to vector<16xi32>
    %add3A_48 = arith.addi %add3A_47, %iota3A : vector<16xi32>
    %mul3A_49 = arith.constant 21 : i32
    %mul3A_50 = vector.broadcast %mul3A_49 : i32 to vector<16xi32>
    %mul3A_51 = arith.muli %add3A_48, %mul3A_50 : vector<16xi32>
    %add3A_52 = arith.constant 0 : i32
    %add3A_53 = vector.broadcast %add3A_52 : i32 to vector<16xi32>
    %add3A_54 = arith.addi %mul3A_51, %add3A_53 : vector<16xi32>
    %gather3A_55 = tpu.vector_load_idx %arg7[%add3A_54] : memref<2688xf32, #tpu.memory_space<vmem>>[vector<16xi32>], vector<16xf32>,
    %add3A_56 = arith.addf %gather3A_55, %get3A_7 : vector<16xf32>
    %swap3A_57 = arith.constant 0 : i32
    %swap3A_58 = arith.index_cast %swap3A_57 : i32 to index
    %swap3A_59 = arith.constant 32 : index
    %swap3A_60 = tpu.vector_load %arg9[%swap3A_58, %swap3A_59] {strides = array<i32>} : memref<21x128xf32, #tpu.memory_space<vmem>>, vector<16xf32>,
    tpu.vector_store %arg9[%swap3A_58, %swap3A_59], %add3A_56 {strides = array<i32>} : memref<21x128xf32, #tpu.memory_space<vmem>>, vector<16xf32>,
    %add3A_61 = arith.constant 48 : i32
    %add3A_62 = vector.broadcast %add3A_61 : i32 to vector<16xi32>
    %add3A_63 = arith.addi %add3A_62, %iota3A : vector<16xi32>
    %mul3A_64 = arith.constant 21 : i32
    %mul3A_65 = vector.broadcast %mul3A_64 : i32 to vector<16xi32>
    %mul3A_66 = arith.muli %add3A_63, %mul3A_65 : vector<16xi32>
    %add3A_67 = arith.constant 0 : i32
    %add3A_68 = vector.broadcast %add3A_67 : i32 to vector<16xi32>
    %add3A_69 = arith.addi %mul3A_66, %add3A_68 : vector<16xi32>
    %gather3A_70 = tpu.vector_load_idx %arg7[%add3A_69] : memref<2688xf32, #tpu.memory_space<vmem>>[vector<16xi32>], vector<16xf32>,
    %add3A_71 = arith.addf %gather3A_70, %get3A_9 : vector<16xf32>
    %swap3A_72 = arith.constant 0 : i32
    %swap3A_73 = arith.index_cast %swap3A_72 : i32 to index
    %swap3A_74 = arith.constant 48 : index
    %swap3A_75 = tpu.vector_load %arg9[%swap3A_73, %swap3A_74] {strides = array<i32>} : memref<21x128xf32, #tpu.memory_space<vmem>>, vector<16xf32>,
    tpu.vector_store %arg9[%swap3A_73, %swap3A_74], %add3A_71 {strides = array<i32>} : memref<21x128xf32, #tpu.memory_space<vmem>>, vector<16xf32>,
    %add3A_76 = arith.constant 64 : i32
    %add3A_77 = vector.broadcast %add3A_76 : i32 to vector<16xi32>
    %add3A_78 = arith.addi %add3A_77, %iota3A : vector<16xi32>
    %mul3A_79 = arith.constant 21 : i32
    %mul3A_80 = vector.broadcast %mul3A_79 : i32 to vector<16xi32>
    %mul3A_81 = arith.muli %add3A_78, %mul3A_80 : vector<16xi32>
    %add3A_82 = arith.constant 0 : i32
    %add3A_83 = vector.broadcast %add3A_82 : i32 to vector<16xi32>
    %add3A_84 = arith.addi %mul3A_81, %add3A_83 : vector<16xi32>
    %gather3A_85 = tpu.vector_load_idx %arg7[%add3A_84] : memref<2688xf32, #tpu.memory_space<vmem>>[vector<16xi32>], vector<16xf32>,
    %add3A_86 = arith.addf %gather3A_85, %get3A_11 : vector<16xf32>
    %swap3A_87 = arith.constant 0 : i32
    %swap3A_88 = arith.index_cast %swap3A_87 : i32 to index
    %swap3A_89 = arith.constant 64 : index
    %swap3A_90 = tpu.vector_load %arg9[%swap3A_88, %swap3A_89] {strides = array<i32>} : memref<21x128xf32, #tpu.memory_space<vmem>>, vector<16xf32>,
    tpu.vector_store %arg9[%swap3A_88, %swap3A_89], %add3A_86 {strides = array<i32>} : memref<21x128xf32, #tpu.memory_space<vmem>>, vector<16xf32>,
    %add3A_91 = arith.constant 80 : i32
    %add3A_92 = vector.broadcast %add3A_91 : i32 to vector<16xi32>
    %add3A_93 = arith.addi %add3A_92, %iota3A : vector<16xi32>
    %mul3A_94 = arith.constant 21 : i32
    %mul3A_95 = vector.broadcast %mul3A_94 : i32 to vector<16xi32>
    %mul3A_96 = arith.muli %add3A_93, %mul3A_95 : vector<16xi32>
    %add3A_97 = arith.constant 0 : i32
    %add3A_98 = vector.broadcast %add3A_97 : i32 to vector<16xi32>
    %add3A_99 = arith.addi %mul3A_96, %add3A_98 : vector<16xi32>
    %gather3A_100 = tpu.vector_load_idx %arg7[%add3A_99] : memref<2688xf32, #tpu.memory_space<vmem>>[vector<16xi32>], vector<16xf32>,
    %add3A_101 = arith.addf %gather3A_100, %get3A_13 : vector<16xf32>
    %swap3A_102 = arith.constant 0 : i32
    %swap3A_103 = arith.index_cast %swap3A_102 : i32 to index
    %swap3A_104 = arith.constant 80 : index
    %swap3A_105 = tpu.vector_load %arg9[%swap3A_103, %swap3A_104] {strides = array<i32>} : memref<21x128xf32, #tpu.memory_space<vmem>>, vector<16xf32>,
    tpu.vector_store %arg9[%swap3A_103, %swap3A_104], %add3A_101 {strides = array<i32>} : memref<21x128xf32, #tpu.memory_space<vmem>>, vector<16xf32>,
    %add3A_106 = arith.constant 96 : i32
    %add3A_107 = vector.broadcast %add3A_106 : i32 to vector<16xi32>
    %add3A_108 = arith.addi %add3A_107, %iota3A : vector<16xi32>
    %mul3A_109 = arith.constant 21 : i32
    %mul3A_110 = vector.broadcast %mul3A_109 : i32 to vector<16xi32>
    %mul3A_111 = arith.muli %add3A_108, %mul3A_110 : vector<16xi32>
    %add3A_112 = arith.constant 0 : i32
    %add3A_113 = vector.broadcast %add3A_112 : i32 to vector<16xi32>
    %add3A_114 = arith.addi %mul3A_111, %add3A_113 : vector<16xi32>
    %gather3A_115 = tpu.vector_load_idx %arg7[%add3A_114] : memref<2688xf32, #tpu.memory_space<vmem>>[vector<16xi32>], vector<16xf32>,
    %add3A_116 = arith.addf %gather3A_115, %get3A_15 : vector<16xf32>
    %swap3A_117 = arith.constant 0 : i32
    %swap3A_118 = arith.index_cast %swap3A_117 : i32 to index
    %swap3A_119 = arith.constant 96 : index
    %swap3A_120 = tpu.vector_load %arg9[%swap3A_118, %swap3A_119] {strides = array<i32>} : memref<21x128xf32, #tpu.memory_space<vmem>>, vector<16xf32>,
    tpu.vector_store %arg9[%swap3A_118, %swap3A_119], %add3A_116 {strides = array<i32>} : memref<21x128xf32, #tpu.memory_space<vmem>>, vector<16xf32>,
    %add3A_121 = arith.constant 112 : i32
    %add3A_122 = vector.broadcast %add3A_121 : i32 to vector<16xi32>
    %add3A_123 = arith.addi %add3A_122, %iota3A : vector<16xi32>
    %mul3A_124 = arith.constant 21 : i32
    %mul3A_125 = vector.broadcast %mul3A_124 : i32 to vector<16xi32>
    %mul3A_126 = arith.muli %add3A_123, %mul3A_125 : vector<16xi32>
    %add3A_127 = arith.constant 0 : i32
    %add3A_128 = vector.broadcast %add3A_127 : i32 to vector<16xi32>
    %add3A_129 = arith.addi %mul3A_126, %add3A_128 : vector<16xi32>
    %gather3A_130 = tpu.vector_load_idx %arg7[%add3A_129] : memref<2688xf32, #tpu.memory_space<vmem>>[vector<16xi32>], vector<16xf32>,
    %add3A_131 = arith.addf %gather3A_130, %get3A_17 : vector<16xf32>
    %swap3A_132 = arith.constant 0 : i32
    %swap3A_133 = arith.index_cast %swap3A_132 : i32 to index
    %swap3A_134 = arith.constant 112 : index
    %swap3A_135 = tpu.vector_load %arg9[%swap3A_133, %swap3A_134] {strides = array<i32>} : memref<21x128xf32, #tpu.memory_space<vmem>>, vector<16xf32>,
    tpu.vector_store %arg9[%swap3A_133, %swap3A_134], %add3A_131 {strides = array<i32>} : memref<21x128xf32, #tpu.memory_space<vmem>>, vector<16xf32>,
    %add3A_136 = arith.constant 0 : i32
    %add3A_137 = vector.broadcast %add3A_136 : i32 to vector<16xi32>
    %add3A_138 = arith.addi %add3A_137, %iota3A : vector<16xi32>
    %mul3A_139 = arith.constant 21 : i32
    %mul3A_140 = vector.broadcast %mul3A_139 : i32 to vector<16xi32>
    %mul3A_141 = arith.muli %add3A_138, %mul3A_140 : vector<16xi32>
    %add3A_142 = arith.constant 1 : i32
    %add3A_143 = vector.broadcast %add3A_142 : i32 to vector<16xi32>
    %add3A_144 = arith.addi %mul3A_141, %add3A_143 : vector<16xi32>
    %gather3A_145 = tpu.vector_load_idx %arg7[%add3A_144] : memref<2688xf32, #tpu.memory_space<vmem>>[vector<16xi32>], vector<16xf32>,
    %add3A_146 = arith.addf %gather3A_145, %get3A_3 : vector<16xf32>
    %swap3A_147 = arith.constant 1 : i32
    %swap3A_148 = arith.index_cast %swap3A_147 : i32 to index
    %swap3A_149 = arith.constant 0 : index
    %swap3A_150 = tpu.vector_load %arg9[%swap3A_148, %swap3A_149] {strides = array<i32>} : memref<21x128xf32, #tpu.memory_space<vmem>>, vector<16xf32>,
    tpu.vector_store %arg9[%swap3A_148, %swap3A_149], %add3A_146 {strides = array<i32>} : memref<21x128xf32, #tpu.memory_space<vmem>>, vector<16xf32>,
    %add3A_151 = arith.constant 16 : i32
    %add3A_152 = vector.broadcast %add3A_151 : i32 to vector<16xi32>
    %add3A_153 = arith.addi %add3A_152, %iota3A : vector<16xi32>
    %mul3A_154 = arith.constant 21 : i32
    %mul3A_155 = vector.broadcast %mul3A_154 : i32 to vector<16xi32>
    %mul3A_156 = arith.muli %add3A_153, %mul3A_155 : vector<16xi32>
    %add3A_157 = arith.constant 1 : i32
    %add3A_158 = vector.broadcast %add3A_157 : i32 to vector<16xi32>
    %add3A_159 = arith.addi %mul3A_156, %add3A_158 : vector<16xi32>
    %gather3A_160 = tpu.vector_load_idx %arg7[%add3A_159] : memref<2688xf32, #tpu.memory_space<vmem>>[vector<16xi32>], vector<16xf32>,
    %add3A_161 = arith.addf %gather3A_160, %get3A_5 : vector<16xf32>
    %swap3A_162 = arith.constant 1 : i32
    %swap3A_163 = arith.index_cast %swap3A_162 : i32 to index
    %swap3A_164 = arith.constant 16 : index
    %swap3A_165 = tpu.vector_load %arg9[%swap3A_163, %swap3A_164] {strides = array<i32>} : memref<21x128xf32, #tpu.memory_space<vmem>>, vector<16xf32>,
    tpu.vector_store %arg9[%swap3A_163, %swap3A_164], %add3A_161 {strides = array<i32>} : memref<21x128xf32, #tpu.memory_space<vmem>>, vector<16xf32>,
    %add3A_166 = arith.constant 32 : i32
    %add3A_167 = vector.broadcast %add3A_166 : i32 to vector<16xi32>
    %add3A_168 = arith.addi %add3A_167, %iota3A : vector<16xi32>
    %mul3A_169 = arith.constant 21 : i32
    %mul3A_170 = vector.broadcast %mul3A_169 : i32 to vector<16xi32>
    %mul3A_171 = arith.muli %add3A_168, %mul3A_170 : vector<16xi32>
    %add3A_172 = arith.constant 1 : i32
    %add3A_173 = vector.broadcast %add3A_172 : i32 to vector<16xi32>
    %add3A_174 = arith.addi %mul3A_171, %add3A_173 : vector<16xi32>
    %gather3A_175 = tpu.vector_load_idx %arg7[%add3A_174] : memref<2688xf32, #tpu.memory_space<vmem>>[vector<16xi32>], vector<16xf32>,
    %add3A_176 = arith.addf %gather3A_175, %get3A_7 : vector<16xf32>
    %swap3A_177 = arith.constant 1 : i32
    %swap3A_178 = arith.index_cast %swap3A_177 : i32 to index
    %swap3A_179 = arith.constant 32 : index
    %swap3A_180 = tpu.vector_load %arg9[%swap3A_178, %swap3A_179] {strides = array<i32>} : memref<21x128xf32, #tpu.memory_space<vmem>>, vector<16xf32>,
    tpu.vector_store %arg9[%swap3A_178, %swap3A_179], %add3A_176 {strides = array<i32>} : memref<21x128xf32, #tpu.memory_space<vmem>>, vector<16xf32>,
    %add3A_181 = arith.constant 48 : i32
    %add3A_182 = vector.broadcast %add3A_181 : i32 to vector<16xi32>
    %add3A_183 = arith.addi %add3A_182, %iota3A : vector<16xi32>
    %mul3A_184 = arith.constant 21 : i32
    %mul3A_185 = vector.broadcast %mul3A_184 : i32 to vector<16xi32>
    %mul3A_186 = arith.muli %add3A_183, %mul3A_185 : vector<16xi32>
    %add3A_187 = arith.constant 1 : i32
    %add3A_188 = vector.broadcast %add3A_187 : i32 to vector<16xi32>
    %add3A_189 = arith.addi %mul3A_186, %add3A_188 : vector<16xi32>
    %gather3A_190 = tpu.vector_load_idx %arg7[%add3A_189] : memref<2688xf32, #tpu.memory_space<vmem>>[vector<16xi32>], vector<16xf32>,
    %add3A_191 = arith.addf %gather3A_190, %get3A_9 : vector<16xf32>
    %swap3A_192 = arith.constant 1 : i32
    %swap3A_193 = arith.index_cast %swap3A_192 : i32 to index
    %swap3A_194 = arith.constant 48 : index
    %swap3A_195 = tpu.vector_load %arg9[%swap3A_193, %swap3A_194] {strides = array<i32>} : memref<21x128xf32, #tpu.memory_space<vmem>>, vector<16xf32>,
    tpu.vector_store %arg9[%swap3A_193, %swap3A_194], %add3A_191 {strides = array<i32>} : memref<21x128xf32, #tpu.memory_space<vmem>>, vector<16xf32>,
    %add3A_196 = arith.constant 64 : i32
    %add3A_197 = vector.broadcast %add3A_196 : i32 to vector<16xi32>
    %add3A_198 = arith.addi %add3A_197, %iota3A : vector<16xi32>
    %mul3A_199 = arith.constant 21 : i32
    %mul3A_200 = vector.broadcast %mul3A_199 : i32 to vector<16xi32>
    %mul3A_201 = arith.muli %add3A_198, %mul3A_200 : vector<16xi32>
    %add3A_202 = arith.constant 1 : i32
    %add3A_203 = vector.broadcast %add3A_202 : i32 to vector<16xi32>
    %add3A_204 = arith.addi %mul3A_201, %add3A_203 : vector<16xi32>
    %gather3A_205 = tpu.vector_load_idx %arg7[%add3A_204] : memref<2688xf32, #tpu.memory_space<vmem>>[vector<16xi32>], vector<16xf32>,
    %add3A_206 = arith.addf %gather3A_205, %get3A_11 : vector<16xf32>
    %swap3A_207 = arith.constant 1 : i32
    %swap3A_208 = arith.index_cast %swap3A_207 : i32 to index
    %swap3A_209 = arith.constant 64 : index
    %swap3A_210 = tpu.vector_load %arg9[%swap3A_208, %swap3A_209] {strides = array<i32>} : memref<21x128xf32, #tpu.memory_space<vmem>>, vector<16xf32>,
    tpu.vector_store %arg9[%swap3A_208, %swap3A_209], %add3A_206 {strides = array<i32>} : memref<21x128xf32, #tpu.memory_space<vmem>>, vector<16xf32>,
    %add3A_211 = arith.constant 80 : i32
    %add3A_212 = vector.broadcast %add3A_211 : i32 to vector<16xi32>
    %add3A_213 = arith.addi %add3A_212, %iota3A : vector<16xi32>
    %mul3A_214 = arith.constant 21 : i32
    %mul3A_215 = vector.broadcast %mul3A_214 : i32 to vector<16xi32>
    %mul3A_216 = arith.muli %add3A_213, %mul3A_215 : vector<16xi32>
    %add3A_217 = arith.constant 1 : i32
    %add3A_218 = vector.broadcast %add3A_217 : i32 to vector<16xi32>
    %add3A_219 = arith.addi %mul3A_216, %add3A_218 : vector<16xi32>
    %gather3A_220 = tpu.vector_load_idx %arg7[%add3A_219] : memref<2688xf32, #tpu.memory_space<vmem>>[vector<16xi32>], vector<16xf32>,
    %add3A_221 = arith.addf %gather3A_220, %get3A_13 : vector<16xf32>
    %swap3A_222 = arith.constant 1 : i32
    %swap3A_223 = arith.index_cast %swap3A_222 : i32 to index
    %swap3A_224 = arith.constant 80 : index
    %swap3A_225 = tpu.vector_load %arg9[%swap3A_223, %swap3A_224] {strides = array<i32>} : memref<21x128xf32, #tpu.memory_space<vmem>>, vector<16xf32>,
    tpu.vector_store %arg9[%swap3A_223, %swap3A_224], %add3A_221 {strides = array<i32>} : memref<21x128xf32, #tpu.memory_space<vmem>>, vector<16xf32>,
    %add3A_226 = arith.constant 96 : i32
    %add3A_227 = vector.broadcast %add3A_226 : i32 to vector<16xi32>
    %add3A_228 = arith.addi %add3A_227, %iota3A : vector<16xi32>
    %mul3A_229 = arith.constant 21 : i32
    %mul3A_230 = vector.broadcast %mul3A_229 : i32 to vector<16xi32>
    %mul3A_231 = arith.muli %add3A_228, %mul3A_230 : vector<16xi32>
    %add3A_232 = arith.constant 1 : i32
    %add3A_233 = vector.broadcast %add3A_232 : i32 to vector<16xi32>
    %add3A_234 = arith.addi %mul3A_231, %add3A_233 : vector<16xi32>
    %gather3A_235 = tpu.vector_load_idx %arg7[%add3A_234] : memref<2688xf32, #tpu.memory_space<vmem>>[vector<16xi32>], vector<16xf32>,
    %add3A_236 = arith.addf %gather3A_235, %get3A_15 : vector<16xf32>
    %swap3A_237 = arith.constant 1 : i32
    %swap3A_238 = arith.index_cast %swap3A_237 : i32 to index
    %swap3A_239 = arith.constant 96 : index
    %swap3A_240 = tpu.vector_load %arg9[%swap3A_238, %swap3A_239] {strides = array<i32>} : memref<21x128xf32, #tpu.memory_space<vmem>>, vector<16xf32>,
    tpu.vector_store %arg9[%swap3A_238, %swap3A_239], %add3A_236 {strides = array<i32>} : memref<21x128xf32, #tpu.memory_space<vmem>>, vector<16xf32>,
    %add3A_241 = arith.constant 112 : i32
    %add3A_242 = vector.broadcast %add3A_241 : i32 to vector<16xi32>
    %add3A_243 = arith.addi %add3A_242, %iota3A : vector<16xi32>
    %mul3A_244 = arith.constant 21 : i32
    %mul3A_245 = vector.broadcast %mul3A_244 : i32 to vector<16xi32>
    %mul3A_246 = arith.muli %add3A_243, %mul3A_245 : vector<16xi32>
    %add3A_247 = arith.constant 1 : i32
    %add3A_248 = vector.broadcast %add3A_247 : i32 to vector<16xi32>
    %add3A_249 = arith.addi %mul3A_246, %add3A_248 : vector<16xi32>
    %gather3A_250 = tpu.vector_load_idx %arg7[%add3A_249] : memref<2688xf32, #tpu.memory_space<vmem>>[vector<16xi32>], vector<16xf32>,
    %add3A_251 = arith.addf %gather3A_250, %get3A_17 : vector<16xf32>
    %swap3A_252 = arith.constant 1 : i32
    %swap3A_253 = arith.index_cast %swap3A_252 : i32 to index
    %swap3A_254 = arith.constant 112 : index
    %swap3A_255 = tpu.vector_load %arg9[%swap3A_253, %swap3A_254] {strides = array<i32>} : memref<21x128xf32, #tpu.memory_space<vmem>>, vector<16xf32>,
    tpu.vector_store %arg9[%swap3A_253, %swap3A_254], %add3A_251 {strides = array<i32>} : memref<21x128xf32, #tpu.memory_space<vmem>>, vector<16xf32>,
    %add3A_256 = arith.constant 0 : i32
    %add3A_257 = vector.broadcast %add3A_256 : i32 to vector<16xi32>
    %add3A_258 = arith.addi %add3A_257, %iota3A : vector<16xi32>
    %mul3A_259 = arith.constant 21 : i32
    %mul3A_260 = vector.broadcast %mul3A_259 : i32 to vector<16xi32>
    %mul3A_261 = arith.muli %add3A_258, %mul3A_260 : vector<16xi32>
    %add3A_262 = arith.constant 2 : i32
    %add3A_263 = vector.broadcast %add3A_262 : i32 to vector<16xi32>
    %add3A_264 = arith.addi %mul3A_261, %add3A_263 : vector<16xi32>
    %gather3A_265 = tpu.vector_load_idx %arg7[%add3A_264] : memref<2688xf32, #tpu.memory_space<vmem>>[vector<16xi32>], vector<16xf32>,
    %add3A_266 = arith.addf %gather3A_265, %get3A_3 : vector<16xf32>
    %swap3A_267 = arith.constant 2 : i32
    %swap3A_268 = arith.index_cast %swap3A_267 : i32 to index
    %swap3A_269 = arith.constant 0 : index
    %swap3A_270 = tpu.vector_load %arg9[%swap3A_268, %swap3A_269] {strides = array<i32>} : memref<21x128xf32, #tpu.memory_space<vmem>>, vector<16xf32>,
    tpu.vector_store %arg9[%swap3A_268, %swap3A_269], %add3A_266 {strides = array<i32>} : memref<21x128xf32, #tpu.memory_space<vmem>>, vector<16xf32>,
    %add3A_271 = arith.constant 16 : i32
    %add3A_272 = vector.broadcast %add3A_271 : i32 to vector<16xi32>
    %add3A_273 = arith.addi %add3A_272, %iota3A : vector<16xi32>
    %mul3A_274 = arith.constant 21 : i32
    %mul3A_275 = vector.broadcast %mul3A_274 : i32 to vector<16xi32>
    %mul3A_276 = arith.muli %add3A_273, %mul3A_275 : vector<16xi32>
    %add3A_277 = arith.constant 2 : i32
    %add3A_278 = vector.broadcast %add3A_277 : i32 to vector<16xi32>
    %add3A_279 = arith.addi %mul3A_276, %add3A_278 : vector<16xi32>
    %gather3A_280 = tpu.vector_load_idx %arg7[%add3A_279] : memref<2688xf32, #tpu.memory_space<vmem>>[vector<16xi32>], vector<16xf32>,
    %add3A_281 = arith.addf %gather3A_280, %get3A_5 : vector<16xf32>
    %swap3A_282 = arith.constant 2 : i32
    %swap3A_283 = arith.index_cast %swap3A_282 : i32 to index
    %swap3A_284 = arith.constant 16 : index
    %swap3A_285 = tpu.vector_load %arg9[%swap3A_283, %swap3A_284] {strides = array<i32>} : memref<21x128xf32, #tpu.memory_space<vmem>>, vector<16xf32>,
    tpu.vector_store %arg9[%swap3A_283, %swap3A_284], %add3A_281 {strides = array<i32>} : memref<21x128xf32, #tpu.memory_space<vmem>>, vector<16xf32>,
    %add3A_286 = arith.constant 32 : i32
    %add3A_287 = vector.broadcast %add3A_286 : i32 to vector<16xi32>
    %add3A_288 = arith.addi %add3A_287, %iota3A : vector<16xi32>
    %mul3A_289 = arith.constant 21 : i32
    %mul3A_290 = vector.broadcast %mul3A_289 : i32 to vector<16xi32>
    %mul3A_291 = arith.muli %add3A_288, %mul3A_290 : vector<16xi32>
    %add3A_292 = arith.constant 2 : i32
    %add3A_293 = vector.broadcast %add3A_292 : i32 to vector<16xi32>
    %add3A_294 = arith.addi %mul3A_291, %add3A_293 : vector<16xi32>
    %gather3A_295 = tpu.vector_load_idx %arg7[%add3A_294] : memref<2688xf32, #tpu.memory_space<vmem>>[vector<16xi32>], vector<16xf32>,
    %add3A_296 = arith.addf %gather3A_295, %get3A_7 : vector<16xf32>
    %swap3A_297 = arith.constant 2 : i32
    %swap3A_298 = arith.index_cast %swap3A_297 : i32 to index
    %swap3A_299 = arith.constant 32 : index
    %swap3A_300 = tpu.vector_load %arg9[%swap3A_298, %swap3A_299] {strides = array<i32>} : memref<21x128xf32, #tpu.memory_space<vmem>>, vector<16xf32>,
    tpu.vector_store %arg9[%swap3A_298, %swap3A_299], %add3A_296 {strides = array<i32>} : memref<21x128xf32, #tpu.memory_space<vmem>>, vector<16xf32>,
    %add3A_301 = arith.constant 48 : i32
    %add3A_302 = vector.broadcast %add3A_301 : i32 to vector<16xi32>
    %add3A_303 = arith.addi %add3A_302, %iota3A : vector<16xi32>
    %mul3A_304 = arith.constant 21 : i32
    %mul3A_305 = vector.broadcast %mul3A_304 : i32 to vector<16xi32>
    %mul3A_306 = arith.muli %add3A_303, %mul3A_305 : vector<16xi32>
    %add3A_307 = arith.constant 2 : i32
    %add3A_308 = vector.broadcast %add3A_307 : i32 to vector<16xi32>
    %add3A_309 = arith.addi %mul3A_306, %add3A_308 : vector<16xi32>
    %gather3A_310 = tpu.vector_load_idx %arg7[%add3A_309] : memref<2688xf32, #tpu.memory_space<vmem>>[vector<16xi32>], vector<16xf32>,
    %add3A_311 = arith.addf %gather3A_310, %get3A_9 : vector<16xf32>
    %swap3A_312 = arith.constant 2 : i32
    %swap3A_313 = arith.index_cast %swap3A_312 : i32 to index
    %swap3A_314 = arith.constant 48 : index
    %swap3A_315 = tpu.vector_load %arg9[%swap3A_313, %swap3A_314] {strides = array<i32>} : memref<21x128xf32, #tpu.memory_space<vmem>>, vector<16xf32>,
    tpu.vector_store %arg9[%swap3A_313, %swap3A_314], %add3A_311 {strides = array<i32>} : memref<21x128xf32, #tpu.memory_space<vmem>>, vector<16xf32>,
    %add3A_316 = arith.constant 64 : i32
    %add3A_317 = vector.broadcast %add3A_316 : i32 to vector<16xi32>
    %add3A_318 = arith.addi %add3A_317, %iota3A : vector<16xi32>
    %mul3A_319 = arith.constant 21 : i32
    %mul3A_320 = vector.broadcast %mul3A_319 : i32 to vector<16xi32>
    %mul3A_321 = arith.muli %add3A_318, %mul3A_320 : vector<16xi32>
    %add3A_322 = arith.constant 2 : i32
    %add3A_323 = vector.broadcast %add3A_322 : i32 to vector<16xi32>
    %add3A_324 = arith.addi %mul3A_321, %add3A_323 : vector<16xi32>
    %gather3A_325 = tpu.vector_load_idx %arg7[%add3A_324] : memref<2688xf32, #tpu.memory_space<vmem>>[vector<16xi32>], vector<16xf32>,
    %add3A_326 = arith.addf %gather3A_325, %get3A_11 : vector<16xf32>
    %swap3A_327 = arith.constant 2 : i32
    %swap3A_328 = arith.index_cast %swap3A_327 : i32 to index
    %swap3A_329 = arith.constant 64 : index
    %swap3A_330 = tpu.vector_load %arg9[%swap3A_328, %swap3A_329] {strides = array<i32>} : memref<21x128xf32, #tpu.memory_space<vmem>>, vector<16xf32>,
    tpu.vector_store %arg9[%swap3A_328, %swap3A_329], %add3A_326 {strides = array<i32>} : memref<21x128xf32, #tpu.memory_space<vmem>>, vector<16xf32>,
    %add3A_331 = arith.constant 80 : i32
    %add3A_332 = vector.broadcast %add3A_331 : i32 to vector<16xi32>
    %add3A_333 = arith.addi %add3A_332, %iota3A : vector<16xi32>
    %mul3A_334 = arith.constant 21 : i32
    %mul3A_335 = vector.broadcast %mul3A_334 : i32 to vector<16xi32>
    %mul3A_336 = arith.muli %add3A_333, %mul3A_335 : vector<16xi32>
    %add3A_337 = arith.constant 2 : i32
    %add3A_338 = vector.broadcast %add3A_337 : i32 to vector<16xi32>
    %add3A_339 = arith.addi %mul3A_336, %add3A_338 : vector<16xi32>
    %gather3A_340 = tpu.vector_load_idx %arg7[%add3A_339] : memref<2688xf32, #tpu.memory_space<vmem>>[vector<16xi32>], vector<16xf32>,
    %add3A_341 = arith.addf %gather3A_340, %get3A_13 : vector<16xf32>
    %swap3A_342 = arith.constant 2 : i32
    %swap3A_343 = arith.index_cast %swap3A_342 : i32 to index
    %swap3A_344 = arith.constant 80 : index
    %swap3A_345 = tpu.vector_load %arg9[%swap3A_343, %swap3A_344] {strides = array<i32>} : memref<21x128xf32, #tpu.memory_space<vmem>>, vector<16xf32>,
    tpu.vector_store %arg9[%swap3A_343, %swap3A_344], %add3A_341 {strides = array<i32>} : memref<21x128xf32, #tpu.memory_space<vmem>>, vector<16xf32>,
    %add3A_346 = arith.constant 96 : i32
    %add3A_347 = vector.broadcast %add3A_346 : i32 to vector<16xi32>
    %add3A_348 = arith.addi %add3A_347, %iota3A : vector<16xi32>
    %mul3A_349 = arith.constant 21 : i32
    %mul3A_350 = vector.broadcast %mul3A_349 : i32 to vector<16xi32>
    %mul3A_351 = arith.muli %add3A_348, %mul3A_350 : vector<16xi32>
    %add3A_352 = arith.constant 2 : i32
    %add3A_353 = vector.broadcast %add3A_352 : i32 to vector<16xi32>
    %add3A_354 = arith.addi %mul3A_351, %add3A_353 : vector<16xi32>
    %gather3A_355 = tpu.vector_load_idx %arg7[%add3A_354] : memref<2688xf32, #tpu.memory_space<vmem>>[vector<16xi32>], vector<16xf32>,
    %add3A_356 = arith.addf %gather3A_355, %get3A_15 : vector<16xf32>
    %swap3A_357 = arith.constant 2 : i32
    %swap3A_358 = arith.index_cast %swap3A_357 : i32 to index
    %swap3A_359 = arith.constant 96 : index
    %swap3A_360 = tpu.vector_load %arg9[%swap3A_358, %swap3A_359] {strides = array<i32>} : memref<21x128xf32, #tpu.memory_space<vmem>>, vector<16xf32>,
    tpu.vector_store %arg9[%swap3A_358, %swap3A_359], %add3A_356 {strides = array<i32>} : memref<21x128xf32, #tpu.memory_space<vmem>>, vector<16xf32>,
    %add3A_361 = arith.constant 112 : i32
    %add3A_362 = vector.broadcast %add3A_361 : i32 to vector<16xi32>
    %add3A_363 = arith.addi %add3A_362, %iota3A : vector<16xi32>
    %mul3A_364 = arith.constant 21 : i32
    %mul3A_365 = vector.broadcast %mul3A_364 : i32 to vector<16xi32>
    %mul3A_366 = arith.muli %add3A_363, %mul3A_365 : vector<16xi32>
    %add3A_367 = arith.constant 2 : i32
    %add3A_368 = vector.broadcast %add3A_367 : i32 to vector<16xi32>
    %add3A_369 = arith.addi %mul3A_366, %add3A_368 : vector<16xi32>
    %gather3A_370 = tpu.vector_load_idx %arg7[%add3A_369] : memref<2688xf32, #tpu.memory_space<vmem>>[vector<16xi32>], vector<16xf32>,
    %add3A_371 = arith.addf %gather3A_370, %get3A_17 : vector<16xf32>
    %swap3A_372 = arith.constant 2 : i32
    %swap3A_373 = arith.index_cast %swap3A_372 : i32 to index
    %swap3A_374 = arith.constant 112 : index
    %swap3A_375 = tpu.vector_load %arg9[%swap3A_373, %swap3A_374] {strides = array<i32>} : memref<21x128xf32, #tpu.memory_space<vmem>>, vector<16xf32>,
    tpu.vector_store %arg9[%swap3A_373, %swap3A_374], %add3A_371 {strides = array<i32>} : memref<21x128xf32, #tpu.memory_space<vmem>>, vector<16xf32>,
    %add3A_376 = arith.constant 0 : i32
    %add3A_377 = vector.broadcast %add3A_376 : i32 to vector<16xi32>
    %add3A_378 = arith.addi %add3A_377, %iota3A : vector<16xi32>
    %mul3A_379 = arith.constant 21 : i32
    %mul3A_380 = vector.broadcast %mul3A_379 : i32 to vector<16xi32>
    %mul3A_381 = arith.muli %add3A_378, %mul3A_380 : vector<16xi32>
    %add3A_382 = arith.constant 3 : i32
    %add3A_383 = vector.broadcast %add3A_382 : i32 to vector<16xi32>
    %add3A_384 = arith.addi %mul3A_381, %add3A_383 : vector<16xi32>
    %gather3A_385 = tpu.vector_load_idx %arg7[%add3A_384] : memref<2688xf32, #tpu.memory_space<vmem>>[vector<16xi32>], vector<16xf32>,
    %add3A_386 = arith.addf %gather3A_385, %get3A_3 : vector<16xf32>
    %swap3A_387 = arith.constant 3 : i32
    %swap3A_388 = arith.index_cast %swap3A_387 : i32 to index
    %swap3A_389 = arith.constant 0 : index
    %swap3A_390 = tpu.vector_load %arg9[%swap3A_388, %swap3A_389] {strides = array<i32>} : memref<21x128xf32, #tpu.memory_space<vmem>>, vector<16xf32>,
    tpu.vector_store %arg9[%swap3A_388, %swap3A_389], %add3A_386 {strides = array<i32>} : memref<21x128xf32, #tpu.memory_space<vmem>>, vector<16xf32>,
    %add3A_391 = arith.constant 16 : i32
    %add3A_392 = vector.broadcast %add3A_391 : i32 to vector<16xi32>
    %add3A_393 = arith.addi %add3A_392, %iota3A : vector<16xi32>
    %mul3A_394 = arith.constant 21 : i32
    %mul3A_395 = vector.broadcast %mul3A_394 : i32 to vector<16xi32>
    %mul3A_396 = arith.muli %add3A_393, %mul3A_395 : vector<16xi32>
    %add3A_397 = arith.constant 3 : i32
    %add3A_398 = vector.broadcast %add3A_397 : i32 to vector<16xi32>
    %add3A_399 = arith.addi %mul3A_396, %add3A_398 : vector<16xi32>
    %gather3A_400 = tpu.vector_load_idx %arg7[%add3A_399] : memref<2688xf32, #tpu.memory_space<vmem>>[vector<16xi32>], vector<16xf32>,
    %add3A_401 = arith.addf %gather3A_400, %get3A_5 : vector<16xf32>
    %swap3A_402 = arith.constant 3 : i32
    %swap3A_403 = arith.index_cast %swap3A_402 : i32 to index
    %swap3A_404 = arith.constant 16 : index
    %swap3A_405 = tpu.vector_load %arg9[%swap3A_403, %swap3A_404] {strides = array<i32>} : memref<21x128xf32, #tpu.memory_space<vmem>>, vector<16xf32>,
    tpu.vector_store %arg9[%swap3A_403, %swap3A_404], %add3A_401 {strides = array<i32>} : memref<21x128xf32, #tpu.memory_space<vmem>>, vector<16xf32>,
    %add3A_406 = arith.constant 32 : i32
    %add3A_407 = vector.broadcast %add3A_406 : i32 to vector<16xi32>
    %add3A_408 = arith.addi %add3A_407, %iota3A : vector<16xi32>
    %mul3A_409 = arith.constant 21 : i32
    %mul3A_410 = vector.broadcast %mul3A_409 : i32 to vector<16xi32>
    %mul3A_411 = arith.muli %add3A_408, %mul3A_410 : vector<16xi32>
    %add3A_412 = arith.constant 3 : i32
    %add3A_413 = vector.broadcast %add3A_412 : i32 to vector<16xi32>
    %add3A_414 = arith.addi %mul3A_411, %add3A_413 : vector<16xi32>
    %gather3A_415 = tpu.vector_load_idx %arg7[%add3A_414] : memref<2688xf32, #tpu.memory_space<vmem>>[vector<16xi32>], vector<16xf32>,
    %add3A_416 = arith.addf %gather3A_415, %get3A_7 : vector<16xf32>
    %swap3A_417 = arith.constant 3 : i32
    %swap3A_418 = arith.index_cast %swap3A_417 : i32 to index
    %swap3A_419 = arith.constant 32 : index
    %swap3A_420 = tpu.vector_load %arg9[%swap3A_418, %swap3A_419] {strides = array<i32>} : memref<21x128xf32, #tpu.memory_space<vmem>>, vector<16xf32>,
    tpu.vector_store %arg9[%swap3A_418, %swap3A_419], %add3A_416 {strides = array<i32>} : memref<21x128xf32, #tpu.memory_space<vmem>>, vector<16xf32>,
    %add3A_421 = arith.constant 48 : i32
    %add3A_422 = vector.broadcast %add3A_421 : i32 to vector<16xi32>
    %add3A_423 = arith.addi %add3A_422, %iota3A : vector<16xi32>
    %mul3A_424 = arith.constant 21 : i32
    %mul3A_425 = vector.broadcast %mul3A_424 : i32 to vector<16xi32>
    %mul3A_426 = arith.muli %add3A_423, %mul3A_425 : vector<16xi32>
    %add3A_427 = arith.constant 3 : i32
    %add3A_428 = vector.broadcast %add3A_427 : i32 to vector<16xi32>
    %add3A_429 = arith.addi %mul3A_426, %add3A_428 : vector<16xi32>
    %gather3A_430 = tpu.vector_load_idx %arg7[%add3A_429] : memref<2688xf32, #tpu.memory_space<vmem>>[vector<16xi32>], vector<16xf32>,
    %add3A_431 = arith.addf %gather3A_430, %get3A_9 : vector<16xf32>
    %swap3A_432 = arith.constant 3 : i32
    %swap3A_433 = arith.index_cast %swap3A_432 : i32 to index
    %swap3A_434 = arith.constant 48 : index
    %swap3A_435 = tpu.vector_load %arg9[%swap3A_433, %swap3A_434] {strides = array<i32>} : memref<21x128xf32, #tpu.memory_space<vmem>>, vector<16xf32>,
    tpu.vector_store %arg9[%swap3A_433, %swap3A_434], %add3A_431 {strides = array<i32>} : memref<21x128xf32, #tpu.memory_space<vmem>>, vector<16xf32>,
    %add3A_436 = arith.constant 64 : i32
    %add3A_437 = vector.broadcast %add3A_436 : i32 to vector<16xi32>
    %add3A_438 = arith.addi %add3A_437, %iota3A : vector<16xi32>
    %mul3A_439 = arith.constant 21 : i32
    %mul3A_440 = vector.broadcast %mul3A_439 : i32 to vector<16xi32>
    %mul3A_441 = arith.muli %add3A_438, %mul3A_440 : vector<16xi32>
    %add3A_442 = arith.constant 3 : i32
    %add3A_443 = vector.broadcast %add3A_442 : i32 to vector<16xi32>
    %add3A_444 = arith.addi %mul3A_441, %add3A_443 : vector<16xi32>
    %gather3A_445 = tpu.vector_load_idx %arg7[%add3A_444] : memref<2688xf32, #tpu.memory_space<vmem>>[vector<16xi32>], vector<16xf32>,
    %add3A_446 = arith.addf %gather3A_445, %get3A_11 : vector<16xf32>
    %swap3A_447 = arith.constant 3 : i32
    %swap3A_448 = arith.index_cast %swap3A_447 : i32 to index
    %swap3A_449 = arith.constant 64 : index
    %swap3A_450 = tpu.vector_load %arg9[%swap3A_448, %swap3A_449] {strides = array<i32>} : memref<21x128xf32, #tpu.memory_space<vmem>>, vector<16xf32>,
    tpu.vector_store %arg9[%swap3A_448, %swap3A_449], %add3A_446 {strides = array<i32>} : memref<21x128xf32, #tpu.memory_space<vmem>>, vector<16xf32>,
    %add3A_451 = arith.constant 80 : i32
    %add3A_452 = vector.broadcast %add3A_451 : i32 to vector<16xi32>
    %add3A_453 = arith.addi %add3A_452, %iota3A : vector<16xi32>
    %mul3A_454 = arith.constant 21 : i32
    %mul3A_455 = vector.broadcast %mul3A_454 : i32 to vector<16xi32>
    %mul3A_456 = arith.muli %add3A_453, %mul3A_455 : vector<16xi32>
    %add3A_457 = arith.constant 3 : i32
    %add3A_458 = vector.broadcast %add3A_457 : i32 to vector<16xi32>
    %add3A_459 = arith.addi %mul3A_456, %add3A_458 : vector<16xi32>
    %gather3A_460 = tpu.vector_load_idx %arg7[%add3A_459] : memref<2688xf32, #tpu.memory_space<vmem>>[vector<16xi32>], vector<16xf32>,
    %add3A_461 = arith.addf %gather3A_460, %get3A_13 : vector<16xf32>
    %swap3A_462 = arith.constant 3 : i32
    %swap3A_463 = arith.index_cast %swap3A_462 : i32 to index
    %swap3A_464 = arith.constant 80 : index
    %swap3A_465 = tpu.vector_load %arg9[%swap3A_463, %swap3A_464] {strides = array<i32>} : memref<21x128xf32, #tpu.memory_space<vmem>>, vector<16xf32>,
    tpu.vector_store %arg9[%swap3A_463, %swap3A_464], %add3A_461 {strides = array<i32>} : memref<21x128xf32, #tpu.memory_space<vmem>>, vector<16xf32>,
    %add3A_466 = arith.constant 96 : i32
    %add3A_467 = vector.broadcast %add3A_466 : i32 to vector<16xi32>
    %add3A_468 = arith.addi %add3A_467, %iota3A : vector<16xi32>
    %mul3A_469 = arith.constant 21 : i32
    %mul3A_470 = vector.broadcast %mul3A_469 : i32 to vector<16xi32>
    %mul3A_471 = arith.muli %add3A_468, %mul3A_470 : vector<16xi32>
    %add3A_472 = arith.constant 3 : i32
    %add3A_473 = vector.broadcast %add3A_472 : i32 to vector<16xi32>
    %add3A_474 = arith.addi %mul3A_471, %add3A_473 : vector<16xi32>
    %gather3A_475 = tpu.vector_load_idx %arg7[%add3A_474] : memref<2688xf32, #tpu.memory_space<vmem>>[vector<16xi32>], vector<16xf32>,
    %add3A_476 = arith.addf %gather3A_475, %get3A_15 : vector<16xf32>
    %swap3A_477 = arith.constant 3 : i32
    %swap3A_478 = arith.index_cast %swap3A_477 : i32 to index
    %swap3A_479 = arith.constant 96 : index
    %swap3A_480 = tpu.vector_load %arg9[%swap3A_478, %swap3A_479] {strides = array<i32>} : memref<21x128xf32, #tpu.memory_space<vmem>>, vector<16xf32>,
    tpu.vector_store %arg9[%swap3A_478, %swap3A_479], %add3A_476 {strides = array<i32>} : memref<21x128xf32, #tpu.memory_space<vmem>>, vector<16xf32>,
    %add3A_481 = arith.constant 112 : i32
    %add3A_482 = vector.broadcast %add3A_481 : i32 to vector<16xi32>
    %add3A_483 = arith.addi %add3A_482, %iota3A : vector<16xi32>
    %mul3A_484 = arith.constant 21 : i32
    %mul3A_485 = vector.broadcast %mul3A_484 : i32 to vector<16xi32>
    %mul3A_486 = arith.muli %add3A_483, %mul3A_485 : vector<16xi32>
    %add3A_487 = arith.constant 3 : i32
    %add3A_488 = vector.broadcast %add3A_487 : i32 to vector<16xi32>
    %add3A_489 = arith.addi %mul3A_486, %add3A_488 : vector<16xi32>
    %gather3A_490 = tpu.vector_load_idx %arg7[%add3A_489] : memref<2688xf32, #tpu.memory_space<vmem>>[vector<16xi32>], vector<16xf32>,
    %add3A_491 = arith.addf %gather3A_490, %get3A_17 : vector<16xf32>
    %swap3A_492 = arith.constant 3 : i32
    %swap3A_493 = arith.index_cast %swap3A_492 : i32 to index
    %swap3A_494 = arith.constant 112 : index
    %swap3A_495 = tpu.vector_load %arg9[%swap3A_493, %swap3A_494] {strides = array<i32>} : memref<21x128xf32, #tpu.memory_space<vmem>>, vector<16xf32>,
    tpu.vector_store %arg9[%swap3A_493, %swap3A_494], %add3A_491 {strides = array<i32>} : memref<21x128xf32, #tpu.memory_space<vmem>>, vector<16xf32>,
    %add3A_496 = arith.constant 0 : i32
    %add3A_497 = vector.broadcast %add3A_496 : i32 to vector<16xi32>
    %add3A_498 = arith.addi %add3A_497, %iota3A : vector<16xi32>
    %mul3A_499 = arith.constant 21 : i32
    %mul3A_500 = vector.broadcast %mul3A_499 : i32 to vector<16xi32>
    %mul3A_501 = arith.muli %add3A_498, %mul3A_500 : vector<16xi32>
    %add3A_502 = arith.constant 4 : i32
    %add3A_503 = vector.broadcast %add3A_502 : i32 to vector<16xi32>
    %add3A_504 = arith.addi %mul3A_501, %add3A_503 : vector<16xi32>
    %gather3A_505 = tpu.vector_load_idx %arg7[%add3A_504] : memref<2688xf32, #tpu.memory_space<vmem>>[vector<16xi32>], vector<16xf32>,
    %add3A_506 = arith.addf %gather3A_505, %get3A_3 : vector<16xf32>
    %swap3A_507 = arith.constant 4 : i32
    %swap3A_508 = arith.index_cast %swap3A_507 : i32 to index
    %swap3A_509 = arith.constant 0 : index
    %swap3A_510 = tpu.vector_load %arg9[%swap3A_508, %swap3A_509] {strides = array<i32>} : memref<21x128xf32, #tpu.memory_space<vmem>>, vector<16xf32>,
    tpu.vector_store %arg9[%swap3A_508, %swap3A_509], %add3A_506 {strides = array<i32>} : memref<21x128xf32, #tpu.memory_space<vmem>>, vector<16xf32>,
    %add3A_511 = arith.constant 16 : i32
    %add3A_512 = vector.broadcast %add3A_511 : i32 to vector<16xi32>
    %add3A_513 = arith.addi %add3A_512, %iota3A : vector<16xi32>
    %mul3A_514 = arith.constant 21 : i32
    %mul3A_515 = vector.broadcast %mul3A_514 : i32 to vector<16xi32>
    %mul3A_516 = arith.muli %add3A_513, %mul3A_515 : vector<16xi32>
    %add3A_517 = arith.constant 4 : i32
    %add3A_518 = vector.broadcast %add3A_517 : i32 to vector<16xi32>
    %add3A_519 = arith.addi %mul3A_516, %add3A_518 : vector<16xi32>
    %gather3A_520 = tpu.vector_load_idx %arg7[%add3A_519] : memref<2688xf32, #tpu.memory_space<vmem>>[vector<16xi32>], vector<16xf32>,
    %add3A_521 = arith.addf %gather3A_520, %get3A_5 : vector<16xf32>
    %swap3A_522 = arith.constant 4 : i32
    %swap3A_523 = arith.index_cast %swap3A_522 : i32 to index
    %swap3A_524 = arith.constant 16 : index
    %swap3A_525 = tpu.vector_load %arg9[%swap3A_523, %swap3A_524] {strides = array<i32>} : memref<21x128xf32, #tpu.memory_space<vmem>>, vector<16xf32>,
    tpu.vector_store %arg9[%swap3A_523, %swap3A_524], %add3A_521 {strides = array<i32>} : memref<21x128xf32, #tpu.memory_space<vmem>>, vector<16xf32>,
    %add3A_526 = arith.constant 32 : i32
    %add3A_527 = vector.broadcast %add3A_526 : i32 to vector<16xi32>
    %add3A_528 = arith.addi %add3A_527, %iota3A : vector<16xi32>
    %mul3A_529 = arith.constant 21 : i32
    %mul3A_530 = vector.broadcast %mul3A_529 : i32 to vector<16xi32>
    %mul3A_531 = arith.muli %add3A_528, %mul3A_530 : vector<16xi32>
    %add3A_532 = arith.constant 4 : i32
    %add3A_533 = vector.broadcast %add3A_532 : i32 to vector<16xi32>
    %add3A_534 = arith.addi %mul3A_531, %add3A_533 : vector<16xi32>
    %gather3A_535 = tpu.vector_load_idx %arg7[%add3A_534] : memref<2688xf32, #tpu.memory_space<vmem>>[vector<16xi32>], vector<16xf32>,
    %add3A_536 = arith.addf %gather3A_535, %get3A_7 : vector<16xf32>
    %swap3A_537 = arith.constant 4 : i32
    %swap3A_538 = arith.index_cast %swap3A_537 : i32 to index
    %swap3A_539 = arith.constant 32 : index
    %swap3A_540 = tpu.vector_load %arg9[%swap3A_538, %swap3A_539] {strides = array<i32>} : memref<21x128xf32, #tpu.memory_space<vmem>>, vector<16xf32>,
    tpu.vector_store %arg9[%swap3A_538, %swap3A_539], %add3A_536 {strides = array<i32>} : memref<21x128xf32, #tpu.memory_space<vmem>>, vector<16xf32>,
    %add3A_541 = arith.constant 48 : i32
    %add3A_542 = vector.broadcast %add3A_541 : i32 to vector<16xi32>
    %add3A_543 = arith.addi %add3A_542, %iota3A : vector<16xi32>
    %mul3A_544 = arith.constant 21 : i32
    %mul3A_545 = vector.broadcast %mul3A_544 : i32 to vector<16xi32>
    %mul3A_546 = arith.muli %add3A_543, %mul3A_545 : vector<16xi32>
    %add3A_547 = arith.constant 4 : i32
    %add3A_548 = vector.broadcast %add3A_547 : i32 to vector<16xi32>
    %add3A_549 = arith.addi %mul3A_546, %add3A_548 : vector<16xi32>
    %gather3A_550 = tpu.vector_load_idx %arg7[%add3A_549] : memref<2688xf32, #tpu.memory_space<vmem>>[vector<16xi32>], vector<16xf32>,
    %add3A_551 = arith.addf %gather3A_550, %get3A_9 : vector<16xf32>
    %swap3A_552 = arith.constant 4 : i32
    %swap3A_553 = arith.index_cast %swap3A_552 : i32 to index
    %swap3A_554 = arith.constant 48 : index
    %swap3A_555 = tpu.vector_load %arg9[%swap3A_553, %swap3A_554] {strides = array<i32>} : memref<21x128xf32, #tpu.memory_space<vmem>>, vector<16xf32>,
    tpu.vector_store %arg9[%swap3A_553, %swap3A_554], %add3A_551 {strides = array<i32>} : memref<21x128xf32, #tpu.memory_space<vmem>>, vector<16xf32>,
    %add3A_556 = arith.constant 64 : i32
    %add3A_557 = vector.broadcast %add3A_556 : i32 to vector<16xi32>
    %add3A_558 = arith.addi %add3A_557, %iota3A : vector<16xi32>
    %mul3A_559 = arith.constant 21 : i32
    %mul3A_560 = vector.broadcast %mul3A_559 : i32 to vector<16xi32>
    %mul3A_561 = arith.muli %add3A_558, %mul3A_560 : vector<16xi32>
    %add3A_562 = arith.constant 4 : i32
    %add3A_563 = vector.broadcast %add3A_562 : i32 to vector<16xi32>
    %add3A_564 = arith.addi %mul3A_561, %add3A_563 : vector<16xi32>
    %gather3A_565 = tpu.vector_load_idx %arg7[%add3A_564] : memref<2688xf32, #tpu.memory_space<vmem>>[vector<16xi32>], vector<16xf32>,
    %add3A_566 = arith.addf %gather3A_565, %get3A_11 : vector<16xf32>
    %swap3A_567 = arith.constant 4 : i32
    %swap3A_568 = arith.index_cast %swap3A_567 : i32 to index
    %swap3A_569 = arith.constant 64 : index
    %swap3A_570 = tpu.vector_load %arg9[%swap3A_568, %swap3A_569] {strides = array<i32>} : memref<21x128xf32, #tpu.memory_space<vmem>>, vector<16xf32>,
    tpu.vector_store %arg9[%swap3A_568, %swap3A_569], %add3A_566 {strides = array<i32>} : memref<21x128xf32, #tpu.memory_space<vmem>>, vector<16xf32>,
    %add3A_571 = arith.constant 80 : i32
    %add3A_572 = vector.broadcast %add3A_571 : i32 to vector<16xi32>
    %add3A_573 = arith.addi %add3A_572, %iota3A : vector<16xi32>
    %mul3A_574 = arith.constant 21 : i32
    %mul3A_575 = vector.broadcast %mul3A_574 : i32 to vector<16xi32>
    %mul3A_576 = arith.muli %add3A_573, %mul3A_575 : vector<16xi32>
    %add3A_577 = arith.constant 4 : i32
    %add3A_578 = vector.broadcast %add3A_577 : i32 to vector<16xi32>
    %add3A_579 = arith.addi %mul3A_576, %add3A_578 : vector<16xi32>
    %gather3A_580 = tpu.vector_load_idx %arg7[%add3A_579] : memref<2688xf32, #tpu.memory_space<vmem>>[vector<16xi32>], vector<16xf32>,
    %add3A_581 = arith.addf %gather3A_580, %get3A_13 : vector<16xf32>
    %swap3A_582 = arith.constant 4 : i32
    %swap3A_583 = arith.index_cast %swap3A_582 : i32 to index
    %swap3A_584 = arith.constant 80 : index
    %swap3A_585 = tpu.vector_load %arg9[%swap3A_583, %swap3A_584] {strides = array<i32>} : memref<21x128xf32, #tpu.memory_space<vmem>>, vector<16xf32>,
    tpu.vector_store %arg9[%swap3A_583, %swap3A_584], %add3A_581 {strides = array<i32>} : memref<21x128xf32, #tpu.memory_space<vmem>>, vector<16xf32>,
    %add3A_586 = arith.constant 96 : i32
    %add3A_587 = vector.broadcast %add3A_586 : i32 to vector<16xi32>
    %add3A_588 = arith.addi %add3A_587, %iota3A : vector<16xi32>
    %mul3A_589 = arith.constant 21 : i32
    %mul3A_590 = vector.broadcast %mul3A_589 : i32 to vector<16xi32>
    %mul3A_591 = arith.muli %add3A_588, %mul3A_590 : vector<16xi32>
    %add3A_592 = arith.constant 4 : i32
    %add3A_593 = vector.broadcast %add3A_592 : i32 to vector<16xi32>
    %add3A_594 = arith.addi %mul3A_591, %add3A_593 : vector<16xi32>
    %gather3A_595 = tpu.vector_load_idx %arg7[%add3A_594] : memref<2688xf32, #tpu.memory_space<vmem>>[vector<16xi32>], vector<16xf32>,
    %add3A_596 = arith.addf %gather3A_595, %get3A_15 : vector<16xf32>
    %swap3A_597 = arith.constant 4 : i32
    %swap3A_598 = arith.index_cast %swap3A_597 : i32 to index
    %swap3A_599 = arith.constant 96 : index
    %swap3A_600 = tpu.vector_load %arg9[%swap3A_598, %swap3A_599] {strides = array<i32>} : memref<21x128xf32, #tpu.memory_space<vmem>>, vector<16xf32>,
    tpu.vector_store %arg9[%swap3A_598, %swap3A_599], %add3A_596 {strides = array<i32>} : memref<21x128xf32, #tpu.memory_space<vmem>>, vector<16xf32>,
    %add3A_601 = arith.constant 112 : i32
    %add3A_602 = vector.broadcast %add3A_601 : i32 to vector<16xi32>
    %add3A_603 = arith.addi %add3A_602, %iota3A : vector<16xi32>
    %mul3A_604 = arith.constant 21 : i32
    %mul3A_605 = vector.broadcast %mul3A_604 : i32 to vector<16xi32>
    %mul3A_606 = arith.muli %add3A_603, %mul3A_605 : vector<16xi32>
    %add3A_607 = arith.constant 4 : i32
    %add3A_608 = vector.broadcast %add3A_607 : i32 to vector<16xi32>
    %add3A_609 = arith.addi %mul3A_606, %add3A_608 : vector<16xi32>
    %gather3A_610 = tpu.vector_load_idx %arg7[%add3A_609] : memref<2688xf32, #tpu.memory_space<vmem>>[vector<16xi32>], vector<16xf32>,
    %add3A_611 = arith.addf %gather3A_610, %get3A_17 : vector<16xf32>
    %swap3A_612 = arith.constant 4 : i32
    %swap3A_613 = arith.index_cast %swap3A_612 : i32 to index
    %swap3A_614 = arith.constant 112 : index
    %swap3A_615 = tpu.vector_load %arg9[%swap3A_613, %swap3A_614] {strides = array<i32>} : memref<21x128xf32, #tpu.memory_space<vmem>>, vector<16xf32>,
    tpu.vector_store %arg9[%swap3A_613, %swap3A_614], %add3A_611 {strides = array<i32>} : memref<21x128xf32, #tpu.memory_space<vmem>>, vector<16xf32>,
    %add3A_616 = arith.constant 0 : i32
    %add3A_617 = vector.broadcast %add3A_616 : i32 to vector<16xi32>
    %add3A_618 = arith.addi %add3A_617, %iota3A : vector<16xi32>
    %mul3A_619 = arith.constant 21 : i32
    %mul3A_620 = vector.broadcast %mul3A_619 : i32 to vector<16xi32>
    %mul3A_621 = arith.muli %add3A_618, %mul3A_620 : vector<16xi32>
    %add3A_622 = arith.constant 5 : i32
    %add3A_623 = vector.broadcast %add3A_622 : i32 to vector<16xi32>
    %add3A_624 = arith.addi %mul3A_621, %add3A_623 : vector<16xi32>
    %gather3A_625 = tpu.vector_load_idx %arg7[%add3A_624] : memref<2688xf32, #tpu.memory_space<vmem>>[vector<16xi32>], vector<16xf32>,
    %add3A_626 = arith.addf %gather3A_625, %get3A_3 : vector<16xf32>
    %swap3A_627 = arith.constant 5 : i32
    %swap3A_628 = arith.index_cast %swap3A_627 : i32 to index
    %swap3A_629 = arith.constant 0 : index
    %swap3A_630 = tpu.vector_load %arg9[%swap3A_628, %swap3A_629] {strides = array<i32>} : memref<21x128xf32, #tpu.memory_space<vmem>>, vector<16xf32>,
    tpu.vector_store %arg9[%swap3A_628, %swap3A_629], %add3A_626 {strides = array<i32>} : memref<21x128xf32, #tpu.memory_space<vmem>>, vector<16xf32>,
    %add3A_631 = arith.constant 16 : i32
    %add3A_632 = vector.broadcast %add3A_631 : i32 to vector<16xi32>
    %add3A_633 = arith.addi %add3A_632, %iota3A : vector<16xi32>
    %mul3A_634 = arith.constant 21 : i32
    %mul3A_635 = vector.broadcast %mul3A_634 : i32 to vector<16xi32>
    %mul3A_636 = arith.muli %add3A_633, %mul3A_635 : vector<16xi32>
    %add3A_637 = arith.constant 5 : i32
    %add3A_638 = vector.broadcast %add3A_637 : i32 to vector<16xi32>
    %add3A_639 = arith.addi %mul3A_636, %add3A_638 : vector<16xi32>
    %gather3A_640 = tpu.vector_load_idx %arg7[%add3A_639] : memref<2688xf32, #tpu.memory_space<vmem>>[vector<16xi32>], vector<16xf32>,
    %add3A_641 = arith.addf %gather3A_640, %get3A_5 : vector<16xf32>
    %swap3A_642 = arith.constant 5 : i32
    %swap3A_643 = arith.index_cast %swap3A_642 : i32 to index
    %swap3A_644 = arith.constant 16 : index
    %swap3A_645 = tpu.vector_load %arg9[%swap3A_643, %swap3A_644] {strides = array<i32>} : memref<21x128xf32, #tpu.memory_space<vmem>>, vector<16xf32>,
    tpu.vector_store %arg9[%swap3A_643, %swap3A_644], %add3A_641 {strides = array<i32>} : memref<21x128xf32, #tpu.memory_space<vmem>>, vector<16xf32>,
    %add3A_646 = arith.constant 32 : i32
    %add3A_647 = vector.broadcast %add3A_646 : i32 to vector<16xi32>
    %add3A_648 = arith.addi %add3A_647, %iota3A : vector<16xi32>
    %mul3A_649 = arith.constant 21 : i32
    %mul3A_650 = vector.broadcast %mul3A_649 : i32 to vector<16xi32>
    %mul3A_651 = arith.muli %add3A_648, %mul3A_650 : vector<16xi32>
    %add3A_652 = arith.constant 5 : i32
    %add3A_653 = vector.broadcast %add3A_652 : i32 to vector<16xi32>
    %add3A_654 = arith.addi %mul3A_651, %add3A_653 : vector<16xi32>
    %gather3A_655 = tpu.vector_load_idx %arg7[%add3A_654] : memref<2688xf32, #tpu.memory_space<vmem>>[vector<16xi32>], vector<16xf32>,
    %add3A_656 = arith.addf %gather3A_655, %get3A_7 : vector<16xf32>
    %swap3A_657 = arith.constant 5 : i32
    %swap3A_658 = arith.index_cast %swap3A_657 : i32 to index
    %swap3A_659 = arith.constant 32 : index
    %swap3A_660 = tpu.vector_load %arg9[%swap3A_658, %swap3A_659] {strides = array<i32>} : memref<21x128xf32, #tpu.memory_space<vmem>>, vector<16xf32>,
    tpu.vector_store %arg9[%swap3A_658, %swap3A_659], %add3A_656 {strides = array<i32>} : memref<21x128xf32, #tpu.memory_space<vmem>>, vector<16xf32>,
    %add3A_661 = arith.constant 48 : i32
    %add3A_662 = vector.broadcast %add3A_661 : i32 to vector<16xi32>
    %add3A_663 = arith.addi %add3A_662, %iota3A : vector<16xi32>
    %mul3A_664 = arith.constant 21 : i32
    %mul3A_665 = vector.broadcast %mul3A_664 : i32 to vector<16xi32>
    %mul3A_666 = arith.muli %add3A_663, %mul3A_665 : vector<16xi32>
    %add3A_667 = arith.constant 5 : i32
    %add3A_668 = vector.broadcast %add3A_667 : i32 to vector<16xi32>
    %add3A_669 = arith.addi %mul3A_666, %add3A_668 : vector<16xi32>
    %gather3A_670 = tpu.vector_load_idx %arg7[%add3A_669] : memref<2688xf32, #tpu.memory_space<vmem>>[vector<16xi32>], vector<16xf32>,
    %add3A_671 = arith.addf %gather3A_670, %get3A_9 : vector<16xf32>
    %swap3A_672 = arith.constant 5 : i32
    %swap3A_673 = arith.index_cast %swap3A_672 : i32 to index
    %swap3A_674 = arith.constant 48 : index
    %swap3A_675 = tpu.vector_load %arg9[%swap3A_673, %swap3A_674] {strides = array<i32>} : memref<21x128xf32, #tpu.memory_space<vmem>>, vector<16xf32>,
    tpu.vector_store %arg9[%swap3A_673, %swap3A_674], %add3A_671 {strides = array<i32>} : memref<21x128xf32, #tpu.memory_space<vmem>>, vector<16xf32>,
    %add3A_676 = arith.constant 64 : i32
    %add3A_677 = vector.broadcast %add3A_676 : i32 to vector<16xi32>
    %add3A_678 = arith.addi %add3A_677, %iota3A : vector<16xi32>
    %mul3A_679 = arith.constant 21 : i32
    %mul3A_680 = vector.broadcast %mul3A_679 : i32 to vector<16xi32>
    %mul3A_681 = arith.muli %add3A_678, %mul3A_680 : vector<16xi32>
    %add3A_682 = arith.constant 5 : i32
    %add3A_683 = vector.broadcast %add3A_682 : i32 to vector<16xi32>
    %add3A_684 = arith.addi %mul3A_681, %add3A_683 : vector<16xi32>
    %gather3A_685 = tpu.vector_load_idx %arg7[%add3A_684] : memref<2688xf32, #tpu.memory_space<vmem>>[vector<16xi32>], vector<16xf32>,
    %add3A_686 = arith.addf %gather3A_685, %get3A_11 : vector<16xf32>
    %swap3A_687 = arith.constant 5 : i32
    %swap3A_688 = arith.index_cast %swap3A_687 : i32 to index
    %swap3A_689 = arith.constant 64 : index
    %swap3A_690 = tpu.vector_load %arg9[%swap3A_688, %swap3A_689] {strides = array<i32>} : memref<21x128xf32, #tpu.memory_space<vmem>>, vector<16xf32>,
    tpu.vector_store %arg9[%swap3A_688, %swap3A_689], %add3A_686 {strides = array<i32>} : memref<21x128xf32, #tpu.memory_space<vmem>>, vector<16xf32>,
    %add3A_691 = arith.constant 80 : i32
    %add3A_692 = vector.broadcast %add3A_691 : i32 to vector<16xi32>
    %add3A_693 = arith.addi %add3A_692, %iota3A : vector<16xi32>
    %mul3A_694 = arith.constant 21 : i32
    %mul3A_695 = vector.broadcast %mul3A_694 : i32 to vector<16xi32>
    %mul3A_696 = arith.muli %add3A_693, %mul3A_695 : vector<16xi32>
    %add3A_697 = arith.constant 5 : i32
    %add3A_698 = vector.broadcast %add3A_697 : i32 to vector<16xi32>
    %add3A_699 = arith.addi %mul3A_696, %add3A_698 : vector<16xi32>
    %gather3A_700 = tpu.vector_load_idx %arg7[%add3A_699] : memref<2688xf32, #tpu.memory_space<vmem>>[vector<16xi32>], vector<16xf32>,
    %add3A_701 = arith.addf %gather3A_700, %get3A_13 : vector<16xf32>
    %swap3A_702 = arith.constant 5 : i32
    %swap3A_703 = arith.index_cast %swap3A_702 : i32 to index
    %swap3A_704 = arith.constant 80 : index
    %swap3A_705 = tpu.vector_load %arg9[%swap3A_703, %swap3A_704] {strides = array<i32>} : memref<21x128xf32, #tpu.memory_space<vmem>>, vector<16xf32>,
    tpu.vector_store %arg9[%swap3A_703, %swap3A_704], %add3A_701 {strides = array<i32>} : memref<21x128xf32, #tpu.memory_space<vmem>>, vector<16xf32>,
    %add3A_706 = arith.constant 96 : i32
    %add3A_707 = vector.broadcast %add3A_706 : i32 to vector<16xi32>
    %add3A_708 = arith.addi %add3A_707, %iota3A : vector<16xi32>
    %mul3A_709 = arith.constant 21 : i32
    %mul3A_710 = vector.broadcast %mul3A_709 : i32 to vector<16xi32>
    %mul3A_711 = arith.muli %add3A_708, %mul3A_710 : vector<16xi32>
    %add3A_712 = arith.constant 5 : i32
    %add3A_713 = vector.broadcast %add3A_712 : i32 to vector<16xi32>
    %add3A_714 = arith.addi %mul3A_711, %add3A_713 : vector<16xi32>
    %gather3A_715 = tpu.vector_load_idx %arg7[%add3A_714] : memref<2688xf32, #tpu.memory_space<vmem>>[vector<16xi32>], vector<16xf32>,
    %add3A_716 = arith.addf %gather3A_715, %get3A_15 : vector<16xf32>
    %swap3A_717 = arith.constant 5 : i32
    %swap3A_718 = arith.index_cast %swap3A_717 : i32 to index
    %swap3A_719 = arith.constant 96 : index
    %swap3A_720 = tpu.vector_load %arg9[%swap3A_718, %swap3A_719] {strides = array<i32>} : memref<21x128xf32, #tpu.memory_space<vmem>>, vector<16xf32>,
    tpu.vector_store %arg9[%swap3A_718, %swap3A_719], %add3A_716 {strides = array<i32>} : memref<21x128xf32, #tpu.memory_space<vmem>>, vector<16xf32>,
    %add3A_721 = arith.constant 112 : i32
    %add3A_722 = vector.broadcast %add3A_721 : i32 to vector<16xi32>
    %add3A_723 = arith.addi %add3A_722, %iota3A : vector<16xi32>
    %mul3A_724 = arith.constant 21 : i32
    %mul3A_725 = vector.broadcast %mul3A_724 : i32 to vector<16xi32>
    %mul3A_726 = arith.muli %add3A_723, %mul3A_725 : vector<16xi32>
    %add3A_727 = arith.constant 5 : i32
    %add3A_728 = vector.broadcast %add3A_727 : i32 to vector<16xi32>
    %add3A_729 = arith.addi %mul3A_726, %add3A_728 : vector<16xi32>
    %gather3A_730 = tpu.vector_load_idx %arg7[%add3A_729] : memref<2688xf32, #tpu.memory_space<vmem>>[vector<16xi32>], vector<16xf32>,
    %add3A_731 = arith.addf %gather3A_730, %get3A_17 : vector<16xf32>
    %swap3A_732 = arith.constant 5 : i32
    %swap3A_733 = arith.index_cast %swap3A_732 : i32 to index
    %swap3A_734 = arith.constant 112 : index
    %swap3A_735 = tpu.vector_load %arg9[%swap3A_733, %swap3A_734] {strides = array<i32>} : memref<21x128xf32, #tpu.memory_space<vmem>>, vector<16xf32>,
    tpu.vector_store %arg9[%swap3A_733, %swap3A_734], %add3A_731 {strides = array<i32>} : memref<21x128xf32, #tpu.memory_space<vmem>>, vector<16xf32>,
    %add3A_736 = arith.constant 0 : i32
    %add3A_737 = vector.broadcast %add3A_736 : i32 to vector<16xi32>
    %add3A_738 = arith.addi %add3A_737, %iota3A : vector<16xi32>
    %mul3A_739 = arith.constant 21 : i32
    %mul3A_740 = vector.broadcast %mul3A_739 : i32 to vector<16xi32>
    %mul3A_741 = arith.muli %add3A_738, %mul3A_740 : vector<16xi32>
    %add3A_742 = arith.constant 6 : i32
    %add3A_743 = vector.broadcast %add3A_742 : i32 to vector<16xi32>
    %add3A_744 = arith.addi %mul3A_741, %add3A_743 : vector<16xi32>
    %gather3A_745 = tpu.vector_load_idx %arg7[%add3A_744] : memref<2688xf32, #tpu.memory_space<vmem>>[vector<16xi32>], vector<16xf32>,
    %add3A_746 = arith.addf %gather3A_745, %get3A_3 : vector<16xf32>
    %swap3A_747 = arith.constant 6 : i32
    %swap3A_748 = arith.index_cast %swap3A_747 : i32 to index
    %swap3A_749 = arith.constant 0 : index
    %swap3A_750 = tpu.vector_load %arg9[%swap3A_748, %swap3A_749] {strides = array<i32>} : memref<21x128xf32, #tpu.memory_space<vmem>>, vector<16xf32>,
    tpu.vector_store %arg9[%swap3A_748, %swap3A_749], %add3A_746 {strides = array<i32>} : memref<21x128xf32, #tpu.memory_space<vmem>>, vector<16xf32>,
    %add3A_751 = arith.constant 16 : i32
    %add3A_752 = vector.broadcast %add3A_751 : i32 to vector<16xi32>
    %add3A_753 = arith.addi %add3A_752, %iota3A : vector<16xi32>
    %mul3A_754 = arith.constant 21 : i32
    %mul3A_755 = vector.broadcast %mul3A_754 : i32 to vector<16xi32>
    %mul3A_756 = arith.muli %add3A_753, %mul3A_755 : vector<16xi32>
    %add3A_757 = arith.constant 6 : i32
    %add3A_758 = vector.broadcast %add3A_757 : i32 to vector<16xi32>
    %add3A_759 = arith.addi %mul3A_756, %add3A_758 : vector<16xi32>
    %gather3A_760 = tpu.vector_load_idx %arg7[%add3A_759] : memref<2688xf32, #tpu.memory_space<vmem>>[vector<16xi32>], vector<16xf32>,
    %add3A_761 = arith.addf %gather3A_760, %get3A_5 : vector<16xf32>
    %swap3A_762 = arith.constant 6 : i32
    %swap3A_763 = arith.index_cast %swap3A_762 : i32 to index
    %swap3A_764 = arith.constant 16 : index
    %swap3A_765 = tpu.vector_load %arg9[%swap3A_763, %swap3A_764] {strides = array<i32>} : memref<21x128xf32, #tpu.memory_space<vmem>>, vector<16xf32>,
    tpu.vector_store %arg9[%swap3A_763, %swap3A_764], %add3A_761 {strides = array<i32>} : memref<21x128xf32, #tpu.memory_space<vmem>>, vector<16xf32>,
    %add3A_766 = arith.constant 32 : i32
    %add3A_767 = vector.broadcast %add3A_766 : i32 to vector<16xi32>
    %add3A_768 = arith.addi %add3A_767, %iota3A : vector<16xi32>
    %mul3A_769 = arith.constant 21 : i32
    %mul3A_770 = vector.broadcast %mul3A_769 : i32 to vector<16xi32>
    %mul3A_771 = arith.muli %add3A_768, %mul3A_770 : vector<16xi32>
    %add3A_772 = arith.constant 6 : i32
    %add3A_773 = vector.broadcast %add3A_772 : i32 to vector<16xi32>
    %add3A_774 = arith.addi %mul3A_771, %add3A_773 : vector<16xi32>
    %gather3A_775 = tpu.vector_load_idx %arg7[%add3A_774] : memref<2688xf32, #tpu.memory_space<vmem>>[vector<16xi32>], vector<16xf32>,
    %add3A_776 = arith.addf %gather3A_775, %get3A_7 : vector<16xf32>
    %swap3A_777 = arith.constant 6 : i32
    %swap3A_778 = arith.index_cast %swap3A_777 : i32 to index
    %swap3A_779 = arith.constant 32 : index
    %swap3A_780 = tpu.vector_load %arg9[%swap3A_778, %swap3A_779] {strides = array<i32>} : memref<21x128xf32, #tpu.memory_space<vmem>>, vector<16xf32>,
    tpu.vector_store %arg9[%swap3A_778, %swap3A_779], %add3A_776 {strides = array<i32>} : memref<21x128xf32, #tpu.memory_space<vmem>>, vector<16xf32>,
    %add3A_781 = arith.constant 48 : i32
    %add3A_782 = vector.broadcast %add3A_781 : i32 to vector<16xi32>
    %add3A_783 = arith.addi %add3A_782, %iota3A : vector<16xi32>
    %mul3A_784 = arith.constant 21 : i32
    %mul3A_785 = vector.broadcast %mul3A_784 : i32 to vector<16xi32>
    %mul3A_786 = arith.muli %add3A_783, %mul3A_785 : vector<16xi32>
    %add3A_787 = arith.constant 6 : i32
    %add3A_788 = vector.broadcast %add3A_787 : i32 to vector<16xi32>
    %add3A_789 = arith.addi %mul3A_786, %add3A_788 : vector<16xi32>
    %gather3A_790 = tpu.vector_load_idx %arg7[%add3A_789] : memref<2688xf32, #tpu.memory_space<vmem>>[vector<16xi32>], vector<16xf32>,
    %add3A_791 = arith.addf %gather3A_790, %get3A_9 : vector<16xf32>
    %swap3A_792 = arith.constant 6 : i32
    %swap3A_793 = arith.index_cast %swap3A_792 : i32 to index
    %swap3A_794 = arith.constant 48 : index
    %swap3A_795 = tpu.vector_load %arg9[%swap3A_793, %swap3A_794] {strides = array<i32>} : memref<21x128xf32, #tpu.memory_space<vmem>>, vector<16xf32>,
    tpu.vector_store %arg9[%swap3A_793, %swap3A_794], %add3A_791 {strides = array<i32>} : memref<21x128xf32, #tpu.memory_space<vmem>>, vector<16xf32>,
    %add3A_796 = arith.constant 64 : i32
    %add3A_797 = vector.broadcast %add3A_796 : i32 to vector<16xi32>
    %add3A_798 = arith.addi %add3A_797, %iota3A : vector<16xi32>
    %mul3A_799 = arith.constant 21 : i32
    %mul3A_800 = vector.broadcast %mul3A_799 : i32 to vector<16xi32>
    %mul3A_801 = arith.muli %add3A_798, %mul3A_800 : vector<16xi32>
    %add3A_802 = arith.constant 6 : i32
    %add3A_803 = vector.broadcast %add3A_802 : i32 to vector<16xi32>
    %add3A_804 = arith.addi %mul3A_801, %add3A_803 : vector<16xi32>
    %gather3A_805 = tpu.vector_load_idx %arg7[%add3A_804] : memref<2688xf32, #tpu.memory_space<vmem>>[vector<16xi32>], vector<16xf32>,
    %add3A_806 = arith.addf %gather3A_805, %get3A_11 : vector<16xf32>
    %swap3A_807 = arith.constant 6 : i32
    %swap3A_808 = arith.index_cast %swap3A_807 : i32 to index
    %swap3A_809 = arith.constant 64 : index
    %swap3A_810 = tpu.vector_load %arg9[%swap3A_808, %swap3A_809] {strides = array<i32>} : memref<21x128xf32, #tpu.memory_space<vmem>>, vector<16xf32>,
    tpu.vector_store %arg9[%swap3A_808, %swap3A_809], %add3A_806 {strides = array<i32>} : memref<21x128xf32, #tpu.memory_space<vmem>>, vector<16xf32>,
    %add3A_811 = arith.constant 80 : i32
    %add3A_812 = vector.broadcast %add3A_811 : i32 to vector<16xi32>
    %add3A_813 = arith.addi %add3A_812, %iota3A : vector<16xi32>
    %mul3A_814 = arith.constant 21 : i32
    %mul3A_815 = vector.broadcast %mul3A_814 : i32 to vector<16xi32>
    %mul3A_816 = arith.muli %add3A_813, %mul3A_815 : vector<16xi32>
    %add3A_817 = arith.constant 6 : i32
    %add3A_818 = vector.broadcast %add3A_817 : i32 to vector<16xi32>
    %add3A_819 = arith.addi %mul3A_816, %add3A_818 : vector<16xi32>
    %gather3A_820 = tpu.vector_load_idx %arg7[%add3A_819] : memref<2688xf32, #tpu.memory_space<vmem>>[vector<16xi32>], vector<16xf32>,
    %add3A_821 = arith.addf %gather3A_820, %get3A_13 : vector<16xf32>
    %swap3A_822 = arith.constant 6 : i32
    %swap3A_823 = arith.index_cast %swap3A_822 : i32 to index
    %swap3A_824 = arith.constant 80 : index
    %swap3A_825 = tpu.vector_load %arg9[%swap3A_823, %swap3A_824] {strides = array<i32>} : memref<21x128xf32, #tpu.memory_space<vmem>>, vector<16xf32>,
    tpu.vector_store %arg9[%swap3A_823, %swap3A_824], %add3A_821 {strides = array<i32>} : memref<21x128xf32, #tpu.memory_space<vmem>>, vector<16xf32>,
    %add3A_826 = arith.constant 96 : i32
    %add3A_827 = vector.broadcast %add3A_826 : i32 to vector<16xi32>
    %add3A_828 = arith.addi %add3A_827, %iota3A : vector<16xi32>
    %mul3A_829 = arith.constant 21 : i32
    %mul3A_830 = vector.broadcast %mul3A_829 : i32 to vector<16xi32>
    %mul3A_831 = arith.muli %add3A_828, %mul3A_830 : vector<16xi32>
    %add3A_832 = arith.constant 6 : i32
    %add3A_833 = vector.broadcast %add3A_832 : i32 to vector<16xi32>
    %add3A_834 = arith.addi %mul3A_831, %add3A_833 : vector<16xi32>
    %gather3A_835 = tpu.vector_load_idx %arg7[%add3A_834] : memref<2688xf32, #tpu.memory_space<vmem>>[vector<16xi32>], vector<16xf32>,
    %add3A_836 = arith.addf %gather3A_835, %get3A_15 : vector<16xf32>
    %swap3A_837 = arith.constant 6 : i32
    %swap3A_838 = arith.index_cast %swap3A_837 : i32 to index
    %swap3A_839 = arith.constant 96 : index
    %swap3A_840 = tpu.vector_load %arg9[%swap3A_838, %swap3A_839] {strides = array<i32>} : memref<21x128xf32, #tpu.memory_space<vmem>>, vector<16xf32>,
    tpu.vector_store %arg9[%swap3A_838, %swap3A_839], %add3A_836 {strides = array<i32>} : memref<21x128xf32, #tpu.memory_space<vmem>>, vector<16xf32>,
    %add3A_841 = arith.constant 112 : i32
    %add3A_842 = vector.broadcast %add3A_841 : i32 to vector<16xi32>
    %add3A_843 = arith.addi %add3A_842, %iota3A : vector<16xi32>
    %mul3A_844 = arith.constant 21 : i32
    %mul3A_845 = vector.broadcast %mul3A_844 : i32 to vector<16xi32>
    %mul3A_846 = arith.muli %add3A_843, %mul3A_845 : vector<16xi32>
    %add3A_847 = arith.constant 6 : i32
    %add3A_848 = vector.broadcast %add3A_847 : i32 to vector<16xi32>
    %add3A_849 = arith.addi %mul3A_846, %add3A_848 : vector<16xi32>
    %gather3A_850 = tpu.vector_load_idx %arg7[%add3A_849] : memref<2688xf32, #tpu.memory_space<vmem>>[vector<16xi32>], vector<16xf32>,
    %add3A_851 = arith.addf %gather3A_850, %get3A_17 : vector<16xf32>
    %swap3A_852 = arith.constant 6 : i32
    %swap3A_853 = arith.index_cast %swap3A_852 : i32 to index
    %swap3A_854 = arith.constant 112 : index
    %swap3A_855 = tpu.vector_load %arg9[%swap3A_853, %swap3A_854] {strides = array<i32>} : memref<21x128xf32, #tpu.memory_space<vmem>>, vector<16xf32>,
    tpu.vector_store %arg9[%swap3A_853, %swap3A_854], %add3A_851 {strides = array<i32>} : memref<21x128xf32, #tpu.memory_space<vmem>>, vector<16xf32>,
    %add3A_856 = arith.constant 0 : i32
    %add3A_857 = vector.broadcast %add3A_856 : i32 to vector<16xi32>
    %add3A_858 = arith.addi %add3A_857, %iota3A : vector<16xi32>
    %mul3A_859 = arith.constant 21 : i32
    %mul3A_860 = vector.broadcast %mul3A_859 : i32 to vector<16xi32>
    %mul3A_861 = arith.muli %add3A_858, %mul3A_860 : vector<16xi32>
    %add3A_862 = arith.constant 7 : i32
    %add3A_863 = vector.broadcast %add3A_862 : i32 to vector<16xi32>
    %add3A_864 = arith.addi %mul3A_861, %add3A_863 : vector<16xi32>
    %gather3A_865 = tpu.vector_load_idx %arg7[%add3A_864] : memref<2688xf32, #tpu.memory_space<vmem>>[vector<16xi32>], vector<16xf32>,
    %add3A_866 = arith.addf %gather3A_865, %get3A_3 : vector<16xf32>
    %swap3A_867 = arith.constant 7 : i32
    %swap3A_868 = arith.index_cast %swap3A_867 : i32 to index
    %swap3A_869 = arith.constant 0 : index
    %swap3A_870 = tpu.vector_load %arg9[%swap3A_868, %swap3A_869] {strides = array<i32>} : memref<21x128xf32, #tpu.memory_space<vmem>>, vector<16xf32>,
    tpu.vector_store %arg9[%swap3A_868, %swap3A_869], %add3A_866 {strides = array<i32>} : memref<21x128xf32, #tpu.memory_space<vmem>>, vector<16xf32>,
    %add3A_871 = arith.constant 16 : i32
    %add3A_872 = vector.broadcast %add3A_871 : i32 to vector<16xi32>
    %add3A_873 = arith.addi %add3A_872, %iota3A : vector<16xi32>
    %mul3A_874 = arith.constant 21 : i32
    %mul3A_875 = vector.broadcast %mul3A_874 : i32 to vector<16xi32>
    %mul3A_876 = arith.muli %add3A_873, %mul3A_875 : vector<16xi32>
    %add3A_877 = arith.constant 7 : i32
    %add3A_878 = vector.broadcast %add3A_877 : i32 to vector<16xi32>
    %add3A_879 = arith.addi %mul3A_876, %add3A_878 : vector<16xi32>
    %gather3A_880 = tpu.vector_load_idx %arg7[%add3A_879] : memref<2688xf32, #tpu.memory_space<vmem>>[vector<16xi32>], vector<16xf32>,
    %add3A_881 = arith.addf %gather3A_880, %get3A_5 : vector<16xf32>
    %swap3A_882 = arith.constant 7 : i32
    %swap3A_883 = arith.index_cast %swap3A_882 : i32 to index
    %swap3A_884 = arith.constant 16 : index
    %swap3A_885 = tpu.vector_load %arg9[%swap3A_883, %swap3A_884] {strides = array<i32>} : memref<21x128xf32, #tpu.memory_space<vmem>>, vector<16xf32>,
    tpu.vector_store %arg9[%swap3A_883, %swap3A_884], %add3A_881 {strides = array<i32>} : memref<21x128xf32, #tpu.memory_space<vmem>>, vector<16xf32>,
    %add3A_886 = arith.constant 32 : i32
    %add3A_887 = vector.broadcast %add3A_886 : i32 to vector<16xi32>
    %add3A_888 = arith.addi %add3A_887, %iota3A : vector<16xi32>
    %mul3A_889 = arith.constant 21 : i32
    %mul3A_890 = vector.broadcast %mul3A_889 : i32 to vector<16xi32>
    %mul3A_891 = arith.muli %add3A_888, %mul3A_890 : vector<16xi32>
    %add3A_892 = arith.constant 7 : i32
    %add3A_893 = vector.broadcast %add3A_892 : i32 to vector<16xi32>
    %add3A_894 = arith.addi %mul3A_891, %add3A_893 : vector<16xi32>
    %gather3A_895 = tpu.vector_load_idx %arg7[%add3A_894] : memref<2688xf32, #tpu.memory_space<vmem>>[vector<16xi32>], vector<16xf32>,
    %add3A_896 = arith.addf %gather3A_895, %get3A_7 : vector<16xf32>
    %swap3A_897 = arith.constant 7 : i32
    %swap3A_898 = arith.index_cast %swap3A_897 : i32 to index
    %swap3A_899 = arith.constant 32 : index
    %swap3A_900 = tpu.vector_load %arg9[%swap3A_898, %swap3A_899] {strides = array<i32>} : memref<21x128xf32, #tpu.memory_space<vmem>>, vector<16xf32>,
    tpu.vector_store %arg9[%swap3A_898, %swap3A_899], %add3A_896 {strides = array<i32>} : memref<21x128xf32, #tpu.memory_space<vmem>>, vector<16xf32>,
    %add3A_901 = arith.constant 48 : i32
    %add3A_902 = vector.broadcast %add3A_901 : i32 to vector<16xi32>
    %add3A_903 = arith.addi %add3A_902, %iota3A : vector<16xi32>
    %mul3A_904 = arith.constant 21 : i32
    %mul3A_905 = vector.broadcast %mul3A_904 : i32 to vector<16xi32>
    %mul3A_906 = arith.muli %add3A_903, %mul3A_905 : vector<16xi32>
    %add3A_907 = arith.constant 7 : i32
    %add3A_908 = vector.broadcast %add3A_907 : i32 to vector<16xi32>
    %add3A_909 = arith.addi %mul3A_906, %add3A_908 : vector<16xi32>
    %gather3A_910 = tpu.vector_load_idx %arg7[%add3A_909] : memref<2688xf32, #tpu.memory_space<vmem>>[vector<16xi32>], vector<16xf32>,
    %add3A_911 = arith.addf %gather3A_910, %get3A_9 : vector<16xf32>
    %swap3A_912 = arith.constant 7 : i32
    %swap3A_913 = arith.index_cast %swap3A_912 : i32 to index
    %swap3A_914 = arith.constant 48 : index
    %swap3A_915 = tpu.vector_load %arg9[%swap3A_913, %swap3A_914] {strides = array<i32>} : memref<21x128xf32, #tpu.memory_space<vmem>>, vector<16xf32>,
    tpu.vector_store %arg9[%swap3A_913, %swap3A_914], %add3A_911 {strides = array<i32>} : memref<21x128xf32, #tpu.memory_space<vmem>>, vector<16xf32>,
    %add3A_916 = arith.constant 64 : i32
    %add3A_917 = vector.broadcast %add3A_916 : i32 to vector<16xi32>
    %add3A_918 = arith.addi %add3A_917, %iota3A : vector<16xi32>
    %mul3A_919 = arith.constant 21 : i32
    %mul3A_920 = vector.broadcast %mul3A_919 : i32 to vector<16xi32>
    %mul3A_921 = arith.muli %add3A_918, %mul3A_920 : vector<16xi32>
    %add3A_922 = arith.constant 7 : i32
    %add3A_923 = vector.broadcast %add3A_922 : i32 to vector<16xi32>
    %add3A_924 = arith.addi %mul3A_921, %add3A_923 : vector<16xi32>
    %gather3A_925 = tpu.vector_load_idx %arg7[%add3A_924] : memref<2688xf32, #tpu.memory_space<vmem>>[vector<16xi32>], vector<16xf32>,
    %add3A_926 = arith.addf %gather3A_925, %get3A_11 : vector<16xf32>
    %swap3A_927 = arith.constant 7 : i32
    %swap3A_928 = arith.index_cast %swap3A_927 : i32 to index
    %swap3A_929 = arith.constant 64 : index
    %swap3A_930 = tpu.vector_load %arg9[%swap3A_928, %swap3A_929] {strides = array<i32>} : memref<21x128xf32, #tpu.memory_space<vmem>>, vector<16xf32>,
    tpu.vector_store %arg9[%swap3A_928, %swap3A_929], %add3A_926 {strides = array<i32>} : memref<21x128xf32, #tpu.memory_space<vmem>>, vector<16xf32>,
    %add3A_931 = arith.constant 80 : i32
    %add3A_932 = vector.broadcast %add3A_931 : i32 to vector<16xi32>
    %add3A_933 = arith.addi %add3A_932, %iota3A : vector<16xi32>
    %mul3A_934 = arith.constant 21 : i32
    %mul3A_935 = vector.broadcast %mul3A_934 : i32 to vector<16xi32>
    %mul3A_936 = arith.muli %add3A_933, %mul3A_935 : vector<16xi32>
    %add3A_937 = arith.constant 7 : i32
    %add3A_938 = vector.broadcast %add3A_937 : i32 to vector<16xi32>
    %add3A_939 = arith.addi %mul3A_936, %add3A_938 : vector<16xi32>
    %gather3A_940 = tpu.vector_load_idx %arg7[%add3A_939] : memref<2688xf32, #tpu.memory_space<vmem>>[vector<16xi32>], vector<16xf32>,
    %add3A_941 = arith.addf %gather3A_940, %get3A_13 : vector<16xf32>
    %swap3A_942 = arith.constant 7 : i32
    %swap3A_943 = arith.index_cast %swap3A_942 : i32 to index
    %swap3A_944 = arith.constant 80 : index
    %swap3A_945 = tpu.vector_load %arg9[%swap3A_943, %swap3A_944] {strides = array<i32>} : memref<21x128xf32, #tpu.memory_space<vmem>>, vector<16xf32>,
    tpu.vector_store %arg9[%swap3A_943, %swap3A_944], %add3A_941 {strides = array<i32>} : memref<21x128xf32, #tpu.memory_space<vmem>>, vector<16xf32>,
    %add3A_946 = arith.constant 96 : i32
    %add3A_947 = vector.broadcast %add3A_946 : i32 to vector<16xi32>
    %add3A_948 = arith.addi %add3A_947, %iota3A : vector<16xi32>
    %mul3A_949 = arith.constant 21 : i32
    %mul3A_950 = vector.broadcast %mul3A_949 : i32 to vector<16xi32>
    %mul3A_951 = arith.muli %add3A_948, %mul3A_950 : vector<16xi32>
    %add3A_952 = arith.constant 7 : i32
    %add3A_953 = vector.broadcast %add3A_952 : i32 to vector<16xi32>
    %add3A_954 = arith.addi %mul3A_951, %add3A_953 : vector<16xi32>
    %gather3A_955 = tpu.vector_load_idx %arg7[%add3A_954] : memref<2688xf32, #tpu.memory_space<vmem>>[vector<16xi32>], vector<16xf32>,
    %add3A_956 = arith.addf %gather3A_955, %get3A_15 : vector<16xf32>
    %swap3A_957 = arith.constant 7 : i32
    %swap3A_958 = arith.index_cast %swap3A_957 : i32 to index
    %swap3A_959 = arith.constant 96 : index
    %swap3A_960 = tpu.vector_load %arg9[%swap3A_958, %swap3A_959] {strides = array<i32>} : memref<21x128xf32, #tpu.memory_space<vmem>>, vector<16xf32>,
    tpu.vector_store %arg9[%swap3A_958, %swap3A_959], %add3A_956 {strides = array<i32>} : memref<21x128xf32, #tpu.memory_space<vmem>>, vector<16xf32>,
    %add3A_961 = arith.constant 112 : i32
    %add3A_962 = vector.broadcast %add3A_961 : i32 to vector<16xi32>
    %add3A_963 = arith.addi %add3A_962, %iota3A : vector<16xi32>
    %mul3A_964 = arith.constant 21 : i32
    %mul3A_965 = vector.broadcast %mul3A_964 : i32 to vector<16xi32>
    %mul3A_966 = arith.muli %add3A_963, %mul3A_965 : vector<16xi32>
    %add3A_967 = arith.constant 7 : i32
    %add3A_968 = vector.broadcast %add3A_967 : i32 to vector<16xi32>
    %add3A_969 = arith.addi %mul3A_966, %add3A_968 : vector<16xi32>
    %gather3A_970 = tpu.vector_load_idx %arg7[%add3A_969] : memref<2688xf32, #tpu.memory_space<vmem>>[vector<16xi32>], vector<16xf32>,
    %add3A_971 = arith.addf %gather3A_970, %get3A_17 : vector<16xf32>
    %swap3A_972 = arith.constant 7 : i32
    %swap3A_973 = arith.index_cast %swap3A_972 : i32 to index
    %swap3A_974 = arith.constant 112 : index
    %swap3A_975 = tpu.vector_load %arg9[%swap3A_973, %swap3A_974] {strides = array<i32>} : memref<21x128xf32, #tpu.memory_space<vmem>>, vector<16xf32>,
    tpu.vector_store %arg9[%swap3A_973, %swap3A_974], %add3A_971 {strides = array<i32>} : memref<21x128xf32, #tpu.memory_space<vmem>>, vector<16xf32>,
    %add3A_976 = arith.constant 0 : i32
    %add3A_977 = vector.broadcast %add3A_976 : i32 to vector<16xi32>
    %add3A_978 = arith.addi %add3A_977, %iota3A : vector<16xi32>
    %mul3A_979 = arith.constant 21 : i32
    %mul3A_980 = vector.broadcast %mul3A_979 : i32 to vector<16xi32>
    %mul3A_981 = arith.muli %add3A_978, %mul3A_980 : vector<16xi32>
    %add3A_982 = arith.constant 8 : i32
    %add3A_983 = vector.broadcast %add3A_982 : i32 to vector<16xi32>
    %add3A_984 = arith.addi %mul3A_981, %add3A_983 : vector<16xi32>
    %gather3A_985 = tpu.vector_load_idx %arg7[%add3A_984] : memref<2688xf32, #tpu.memory_space<vmem>>[vector<16xi32>], vector<16xf32>,
    %add3A_986 = arith.addf %gather3A_985, %get3A_3 : vector<16xf32>
    %swap3A_987 = arith.constant 8 : i32
    %swap3A_988 = arith.index_cast %swap3A_987 : i32 to index
    %swap3A_989 = arith.constant 0 : index
    %swap3A_990 = tpu.vector_load %arg9[%swap3A_988, %swap3A_989] {strides = array<i32>} : memref<21x128xf32, #tpu.memory_space<vmem>>, vector<16xf32>,
    tpu.vector_store %arg9[%swap3A_988, %swap3A_989], %add3A_986 {strides = array<i32>} : memref<21x128xf32, #tpu.memory_space<vmem>>, vector<16xf32>,
    %add3A_991 = arith.constant 16 : i32
    %add3A_992 = vector.broadcast %add3A_991 : i32 to vector<16xi32>
    %add3A_993 = arith.addi %add3A_992, %iota3A : vector<16xi32>
    %mul3A_994 = arith.constant 21 : i32
    %mul3A_995 = vector.broadcast %mul3A_994 : i32 to vector<16xi32>
    %mul3A_996 = arith.muli %add3A_993, %mul3A_995 : vector<16xi32>
    %add3A_997 = arith.constant 8 : i32
    %add3A_998 = vector.broadcast %add3A_997 : i32 to vector<16xi32>
    %add3A_999 = arith.addi %mul3A_996, %add3A_998 : vector<16xi32>
    %gather3A_1000 = tpu.vector_load_idx %arg7[%add3A_999] : memref<2688xf32, #tpu.memory_space<vmem>>[vector<16xi32>], vector<16xf32>,
    %add3A_1001 = arith.addf %gather3A_1000, %get3A_5 : vector<16xf32>
    %swap3A_1002 = arith.constant 8 : i32
    %swap3A_1003 = arith.index_cast %swap3A_1002 : i32 to index
    %swap3A_1004 = arith.constant 16 : index
    %swap3A_1005 = tpu.vector_load %arg9[%swap3A_1003, %swap3A_1004] {strides = array<i32>} : memref<21x128xf32, #tpu.memory_space<vmem>>, vector<16xf32>,
    tpu.vector_store %arg9[%swap3A_1003, %swap3A_1004], %add3A_1001 {strides = array<i32>} : memref<21x128xf32, #tpu.memory_space<vmem>>, vector<16xf32>,
    %add3A_1006 = arith.constant 32 : i32
    %add3A_1007 = vector.broadcast %add3A_1006 : i32 to vector<16xi32>
    %add3A_1008 = arith.addi %add3A_1007, %iota3A : vector<16xi32>
    %mul3A_1009 = arith.constant 21 : i32
    %mul3A_1010 = vector.broadcast %mul3A_1009 : i32 to vector<16xi32>
    %mul3A_1011 = arith.muli %add3A_1008, %mul3A_1010 : vector<16xi32>
    %add3A_1012 = arith.constant 8 : i32
    %add3A_1013 = vector.broadcast %add3A_1012 : i32 to vector<16xi32>
    %add3A_1014 = arith.addi %mul3A_1011, %add3A_1013 : vector<16xi32>
    %gather3A_1015 = tpu.vector_load_idx %arg7[%add3A_1014] : memref<2688xf32, #tpu.memory_space<vmem>>[vector<16xi32>], vector<16xf32>,
    %add3A_1016 = arith.addf %gather3A_1015, %get3A_7 : vector<16xf32>
    %swap3A_1017 = arith.constant 8 : i32
    %swap3A_1018 = arith.index_cast %swap3A_1017 : i32 to index
    %swap3A_1019 = arith.constant 32 : index
    %swap3A_1020 = tpu.vector_load %arg9[%swap3A_1018, %swap3A_1019] {strides = array<i32>} : memref<21x128xf32, #tpu.memory_space<vmem>>, vector<16xf32>,
    tpu.vector_store %arg9[%swap3A_1018, %swap3A_1019], %add3A_1016 {strides = array<i32>} : memref<21x128xf32, #tpu.memory_space<vmem>>, vector<16xf32>,
    %add3A_1021 = arith.constant 48 : i32
    %add3A_1022 = vector.broadcast %add3A_1021 : i32 to vector<16xi32>
    %add3A_1023 = arith.addi %add3A_1022, %iota3A : vector<16xi32>
    %mul3A_1024 = arith.constant 21 : i32
    %mul3A_1025 = vector.broadcast %mul3A_1024 : i32 to vector<16xi32>
    %mul3A_1026 = arith.muli %add3A_1023, %mul3A_1025 : vector<16xi32>
    %add3A_1027 = arith.constant 8 : i32
    %add3A_1028 = vector.broadcast %add3A_1027 : i32 to vector<16xi32>
    %add3A_1029 = arith.addi %mul3A_1026, %add3A_1028 : vector<16xi32>
    %gather3A_1030 = tpu.vector_load_idx %arg7[%add3A_1029] : memref<2688xf32, #tpu.memory_space<vmem>>[vector<16xi32>], vector<16xf32>,
    %add3A_1031 = arith.addf %gather3A_1030, %get3A_9 : vector<16xf32>
    %swap3A_1032 = arith.constant 8 : i32
    %swap3A_1033 = arith.index_cast %swap3A_1032 : i32 to index
    %swap3A_1034 = arith.constant 48 : index
    %swap3A_1035 = tpu.vector_load %arg9[%swap3A_1033, %swap3A_1034] {strides = array<i32>} : memref<21x128xf32, #tpu.memory_space<vmem>>, vector<16xf32>,
    tpu.vector_store %arg9[%swap3A_1033, %swap3A_1034], %add3A_1031 {strides = array<i32>} : memref<21x128xf32, #tpu.memory_space<vmem>>, vector<16xf32>,
    %add3A_1036 = arith.constant 64 : i32
    %add3A_1037 = vector.broadcast %add3A_1036 : i32 to vector<16xi32>
    %add3A_1038 = arith.addi %add3A_1037, %iota3A : vector<16xi32>
    %mul3A_1039 = arith.constant 21 : i32
    %mul3A_1040 = vector.broadcast %mul3A_1039 : i32 to vector<16xi32>
    %mul3A_1041 = arith.muli %add3A_1038, %mul3A_1040 : vector<16xi32>
    %add3A_1042 = arith.constant 8 : i32
    %add3A_1043 = vector.broadcast %add3A_1042 : i32 to vector<16xi32>
    %add3A_1044 = arith.addi %mul3A_1041, %add3A_1043 : vector<16xi32>
    %gather3A_1045 = tpu.vector_load_idx %arg7[%add3A_1044] : memref<2688xf32, #tpu.memory_space<vmem>>[vector<16xi32>], vector<16xf32>,
    %add3A_1046 = arith.addf %gather3A_1045, %get3A_11 : vector<16xf32>
    %swap3A_1047 = arith.constant 8 : i32
    %swap3A_1048 = arith.index_cast %swap3A_1047 : i32 to index
    %swap3A_1049 = arith.constant 64 : index
    %swap3A_1050 = tpu.vector_load %arg9[%swap3A_1048, %swap3A_1049] {strides = array<i32>} : memref<21x128xf32, #tpu.memory_space<vmem>>, vector<16xf32>,
    tpu.vector_store %arg9[%swap3A_1048, %swap3A_1049], %add3A_1046 {strides = array<i32>} : memref<21x128xf32, #tpu.memory_space<vmem>>, vector<16xf32>,
    %add3A_1051 = arith.constant 80 : i32
    %add3A_1052 = vector.broadcast %add3A_1051 : i32 to vector<16xi32>
    %add3A_1053 = arith.addi %add3A_1052, %iota3A : vector<16xi32>
    %mul3A_1054 = arith.constant 21 : i32
    %mul3A_1055 = vector.broadcast %mul3A_1054 : i32 to vector<16xi32>
    %mul3A_1056 = arith.muli %add3A_1053, %mul3A_1055 : vector<16xi32>
    %add3A_1057 = arith.constant 8 : i32
    %add3A_1058 = vector.broadcast %add3A_1057 : i32 to vector<16xi32>
    %add3A_1059 = arith.addi %mul3A_1056, %add3A_1058 : vector<16xi32>
    %gather3A_1060 = tpu.vector_load_idx %arg7[%add3A_1059] : memref<2688xf32, #tpu.memory_space<vmem>>[vector<16xi32>], vector<16xf32>,
    %add3A_1061 = arith.addf %gather3A_1060, %get3A_13 : vector<16xf32>
    %swap3A_1062 = arith.constant 8 : i32
    %swap3A_1063 = arith.index_cast %swap3A_1062 : i32 to index
    %swap3A_1064 = arith.constant 80 : index
    %swap3A_1065 = tpu.vector_load %arg9[%swap3A_1063, %swap3A_1064] {strides = array<i32>} : memref<21x128xf32, #tpu.memory_space<vmem>>, vector<16xf32>,
    tpu.vector_store %arg9[%swap3A_1063, %swap3A_1064], %add3A_1061 {strides = array<i32>} : memref<21x128xf32, #tpu.memory_space<vmem>>, vector<16xf32>,
    %add3A_1066 = arith.constant 96 : i32
    %add3A_1067 = vector.broadcast %add3A_1066 : i32 to vector<16xi32>
    %add3A_1068 = arith.addi %add3A_1067, %iota3A : vector<16xi32>
    %mul3A_1069 = arith.constant 21 : i32
    %mul3A_1070 = vector.broadcast %mul3A_1069 : i32 to vector<16xi32>
    %mul3A_1071 = arith.muli %add3A_1068, %mul3A_1070 : vector<16xi32>
    %add3A_1072 = arith.constant 8 : i32
    %add3A_1073 = vector.broadcast %add3A_1072 : i32 to vector<16xi32>
    %add3A_1074 = arith.addi %mul3A_1071, %add3A_1073 : vector<16xi32>
    %gather3A_1075 = tpu.vector_load_idx %arg7[%add3A_1074] : memref<2688xf32, #tpu.memory_space<vmem>>[vector<16xi32>], vector<16xf32>,
    %add3A_1076 = arith.addf %gather3A_1075, %get3A_15 : vector<16xf32>
    %swap3A_1077 = arith.constant 8 : i32
    %swap3A_1078 = arith.index_cast %swap3A_1077 : i32 to index
    %swap3A_1079 = arith.constant 96 : index
    %swap3A_1080 = tpu.vector_load %arg9[%swap3A_1078, %swap3A_1079] {strides = array<i32>} : memref<21x128xf32, #tpu.memory_space<vmem>>, vector<16xf32>,
    tpu.vector_store %arg9[%swap3A_1078, %swap3A_1079], %add3A_1076 {strides = array<i32>} : memref<21x128xf32, #tpu.memory_space<vmem>>, vector<16xf32>,
    %add3A_1081 = arith.constant 112 : i32
    %add3A_1082 = vector.broadcast %add3A_1081 : i32 to vector<16xi32>
    %add3A_1083 = arith.addi %add3A_1082, %iota3A : vector<16xi32>
    %mul3A_1084 = arith.constant 21 : i32
    %mul3A_1085 = vector.broadcast %mul3A_1084 : i32 to vector<16xi32>
    %mul3A_1086 = arith.muli %add3A_1083, %mul3A_1085 : vector<16xi32>
    %add3A_1087 = arith.constant 8 : i32
    %add3A_1088 = vector.broadcast %add3A_1087 : i32 to vector<16xi32>
    %add3A_1089 = arith.addi %mul3A_1086, %add3A_1088 : vector<16xi32>
    %gather3A_1090 = tpu.vector_load_idx %arg7[%add3A_1089] : memref<2688xf32, #tpu.memory_space<vmem>>[vector<16xi32>], vector<16xf32>,
    %add3A_1091 = arith.addf %gather3A_1090, %get3A_17 : vector<16xf32>
    %swap3A_1092 = arith.constant 8 : i32
    %swap3A_1093 = arith.index_cast %swap3A_1092 : i32 to index
    %swap3A_1094 = arith.constant 112 : index
    %swap3A_1095 = tpu.vector_load %arg9[%swap3A_1093, %swap3A_1094] {strides = array<i32>} : memref<21x128xf32, #tpu.memory_space<vmem>>, vector<16xf32>,
    tpu.vector_store %arg9[%swap3A_1093, %swap3A_1094], %add3A_1091 {strides = array<i32>} : memref<21x128xf32, #tpu.memory_space<vmem>>, vector<16xf32>,
    %add3A_1096 = arith.constant 0 : i32
    %add3A_1097 = vector.broadcast %add3A_1096 : i32 to vector<16xi32>
    %add3A_1098 = arith.addi %add3A_1097, %iota3A : vector<16xi32>
    %mul3A_1099 = arith.constant 21 : i32
    %mul3A_1100 = vector.broadcast %mul3A_1099 : i32 to vector<16xi32>
    %mul3A_1101 = arith.muli %add3A_1098, %mul3A_1100 : vector<16xi32>
    %add3A_1102 = arith.constant 9 : i32
    %add3A_1103 = vector.broadcast %add3A_1102 : i32 to vector<16xi32>
    %add3A_1104 = arith.addi %mul3A_1101, %add3A_1103 : vector<16xi32>
    %gather3A_1105 = tpu.vector_load_idx %arg7[%add3A_1104] : memref<2688xf32, #tpu.memory_space<vmem>>[vector<16xi32>], vector<16xf32>,
    %add3A_1106 = arith.addf %gather3A_1105, %get3A_3 : vector<16xf32>
    %swap3A_1107 = arith.constant 9 : i32
    %swap3A_1108 = arith.index_cast %swap3A_1107 : i32 to index
    %swap3A_1109 = arith.constant 0 : index
    %swap3A_1110 = tpu.vector_load %arg9[%swap3A_1108, %swap3A_1109] {strides = array<i32>} : memref<21x128xf32, #tpu.memory_space<vmem>>, vector<16xf32>,
    tpu.vector_store %arg9[%swap3A_1108, %swap3A_1109], %add3A_1106 {strides = array<i32>} : memref<21x128xf32, #tpu.memory_space<vmem>>, vector<16xf32>,
    %add3A_1111 = arith.constant 16 : i32
    %add3A_1112 = vector.broadcast %add3A_1111 : i32 to vector<16xi32>
    %add3A_1113 = arith.addi %add3A_1112, %iota3A : vector<16xi32>
    %mul3A_1114 = arith.constant 21 : i32
    %mul3A_1115 = vector.broadcast %mul3A_1114 : i32 to vector<16xi32>
    %mul3A_1116 = arith.muli %add3A_1113, %mul3A_1115 : vector<16xi32>
    %add3A_1117 = arith.constant 9 : i32
    %add3A_1118 = vector.broadcast %add3A_1117 : i32 to vector<16xi32>
    %add3A_1119 = arith.addi %mul3A_1116, %add3A_1118 : vector<16xi32>
    %gather3A_1120 = tpu.vector_load_idx %arg7[%add3A_1119] : memref<2688xf32, #tpu.memory_space<vmem>>[vector<16xi32>], vector<16xf32>,
    %add3A_1121 = arith.addf %gather3A_1120, %get3A_5 : vector<16xf32>
    %swap3A_1122 = arith.constant 9 : i32
    %swap3A_1123 = arith.index_cast %swap3A_1122 : i32 to index
    %swap3A_1124 = arith.constant 16 : index
    %swap3A_1125 = tpu.vector_load %arg9[%swap3A_1123, %swap3A_1124] {strides = array<i32>} : memref<21x128xf32, #tpu.memory_space<vmem>>, vector<16xf32>,
    tpu.vector_store %arg9[%swap3A_1123, %swap3A_1124], %add3A_1121 {strides = array<i32>} : memref<21x128xf32, #tpu.memory_space<vmem>>, vector<16xf32>,
    %add3A_1126 = arith.constant 32 : i32
    %add3A_1127 = vector.broadcast %add3A_1126 : i32 to vector<16xi32>
    %add3A_1128 = arith.addi %add3A_1127, %iota3A : vector<16xi32>
    %mul3A_1129 = arith.constant 21 : i32
    %mul3A_1130 = vector.broadcast %mul3A_1129 : i32 to vector<16xi32>
    %mul3A_1131 = arith.muli %add3A_1128, %mul3A_1130 : vector<16xi32>
    %add3A_1132 = arith.constant 9 : i32
    %add3A_1133 = vector.broadcast %add3A_1132 : i32 to vector<16xi32>
    %add3A_1134 = arith.addi %mul3A_1131, %add3A_1133 : vector<16xi32>
    %gather3A_1135 = tpu.vector_load_idx %arg7[%add3A_1134] : memref<2688xf32, #tpu.memory_space<vmem>>[vector<16xi32>], vector<16xf32>,
    %add3A_1136 = arith.addf %gather3A_1135, %get3A_7 : vector<16xf32>
    %swap3A_1137 = arith.constant 9 : i32
    %swap3A_1138 = arith.index_cast %swap3A_1137 : i32 to index
    %swap3A_1139 = arith.constant 32 : index
    %swap3A_1140 = tpu.vector_load %arg9[%swap3A_1138, %swap3A_1139] {strides = array<i32>} : memref<21x128xf32, #tpu.memory_space<vmem>>, vector<16xf32>,
    tpu.vector_store %arg9[%swap3A_1138, %swap3A_1139], %add3A_1136 {strides = array<i32>} : memref<21x128xf32, #tpu.memory_space<vmem>>, vector<16xf32>,
    %add3A_1141 = arith.constant 48 : i32
    %add3A_1142 = vector.broadcast %add3A_1141 : i32 to vector<16xi32>
    %add3A_1143 = arith.addi %add3A_1142, %iota3A : vector<16xi32>
    %mul3A_1144 = arith.constant 21 : i32
    %mul3A_1145 = vector.broadcast %mul3A_1144 : i32 to vector<16xi32>
    %mul3A_1146 = arith.muli %add3A_1143, %mul3A_1145 : vector<16xi32>
    %add3A_1147 = arith.constant 9 : i32
    %add3A_1148 = vector.broadcast %add3A_1147 : i32 to vector<16xi32>
    %add3A_1149 = arith.addi %mul3A_1146, %add3A_1148 : vector<16xi32>
    %gather3A_1150 = tpu.vector_load_idx %arg7[%add3A_1149] : memref<2688xf32, #tpu.memory_space<vmem>>[vector<16xi32>], vector<16xf32>,
    %add3A_1151 = arith.addf %gather3A_1150, %get3A_9 : vector<16xf32>
    %swap3A_1152 = arith.constant 9 : i32
    %swap3A_1153 = arith.index_cast %swap3A_1152 : i32 to index
    %swap3A_1154 = arith.constant 48 : index
    %swap3A_1155 = tpu.vector_load %arg9[%swap3A_1153, %swap3A_1154] {strides = array<i32>} : memref<21x128xf32, #tpu.memory_space<vmem>>, vector<16xf32>,
    tpu.vector_store %arg9[%swap3A_1153, %swap3A_1154], %add3A_1151 {strides = array<i32>} : memref<21x128xf32, #tpu.memory_space<vmem>>, vector<16xf32>,
    %add3A_1156 = arith.constant 64 : i32
    %add3A_1157 = vector.broadcast %add3A_1156 : i32 to vector<16xi32>
    %add3A_1158 = arith.addi %add3A_1157, %iota3A : vector<16xi32>
    %mul3A_1159 = arith.constant 21 : i32
    %mul3A_1160 = vector.broadcast %mul3A_1159 : i32 to vector<16xi32>
    %mul3A_1161 = arith.muli %add3A_1158, %mul3A_1160 : vector<16xi32>
    %add3A_1162 = arith.constant 9 : i32
    %add3A_1163 = vector.broadcast %add3A_1162 : i32 to vector<16xi32>
    %add3A_1164 = arith.addi %mul3A_1161, %add3A_1163 : vector<16xi32>
    %gather3A_1165 = tpu.vector_load_idx %arg7[%add3A_1164] : memref<2688xf32, #tpu.memory_space<vmem>>[vector<16xi32>], vector<16xf32>,
    %add3A_1166 = arith.addf %gather3A_1165, %get3A_11 : vector<16xf32>
    %swap3A_1167 = arith.constant 9 : i32
    %swap3A_1168 = arith.index_cast %swap3A_1167 : i32 to index
    %swap3A_1169 = arith.constant 64 : index
    %swap3A_1170 = tpu.vector_load %arg9[%swap3A_1168, %swap3A_1169] {strides = array<i32>} : memref<21x128xf32, #tpu.memory_space<vmem>>, vector<16xf32>,
    tpu.vector_store %arg9[%swap3A_1168, %swap3A_1169], %add3A_1166 {strides = array<i32>} : memref<21x128xf32, #tpu.memory_space<vmem>>, vector<16xf32>,
    %add3A_1171 = arith.constant 80 : i32
    %add3A_1172 = vector.broadcast %add3A_1171 : i32 to vector<16xi32>
    %add3A_1173 = arith.addi %add3A_1172, %iota3A : vector<16xi32>
    %mul3A_1174 = arith.constant 21 : i32
    %mul3A_1175 = vector.broadcast %mul3A_1174 : i32 to vector<16xi32>
    %mul3A_1176 = arith.muli %add3A_1173, %mul3A_1175 : vector<16xi32>
    %add3A_1177 = arith.constant 9 : i32
    %add3A_1178 = vector.broadcast %add3A_1177 : i32 to vector<16xi32>
    %add3A_1179 = arith.addi %mul3A_1176, %add3A_1178 : vector<16xi32>
    %gather3A_1180 = tpu.vector_load_idx %arg7[%add3A_1179] : memref<2688xf32, #tpu.memory_space<vmem>>[vector<16xi32>], vector<16xf32>,
    %add3A_1181 = arith.addf %gather3A_1180, %get3A_13 : vector<16xf32>
    %swap3A_1182 = arith.constant 9 : i32
    %swap3A_1183 = arith.index_cast %swap3A_1182 : i32 to index
    %swap3A_1184 = arith.constant 80 : index
    %swap3A_1185 = tpu.vector_load %arg9[%swap3A_1183, %swap3A_1184] {strides = array<i32>} : memref<21x128xf32, #tpu.memory_space<vmem>>, vector<16xf32>,
    tpu.vector_store %arg9[%swap3A_1183, %swap3A_1184], %add3A_1181 {strides = array<i32>} : memref<21x128xf32, #tpu.memory_space<vmem>>, vector<16xf32>,
    %add3A_1186 = arith.constant 96 : i32
    %add3A_1187 = vector.broadcast %add3A_1186 : i32 to vector<16xi32>
    %add3A_1188 = arith.addi %add3A_1187, %iota3A : vector<16xi32>
    %mul3A_1189 = arith.constant 21 : i32
    %mul3A_1190 = vector.broadcast %mul3A_1189 : i32 to vector<16xi32>
    %mul3A_1191 = arith.muli %add3A_1188, %mul3A_1190 : vector<16xi32>
    %add3A_1192 = arith.constant 9 : i32
    %add3A_1193 = vector.broadcast %add3A_1192 : i32 to vector<16xi32>
    %add3A_1194 = arith.addi %mul3A_1191, %add3A_1193 : vector<16xi32>
    %gather3A_1195 = tpu.vector_load_idx %arg7[%add3A_1194] : memref<2688xf32, #tpu.memory_space<vmem>>[vector<16xi32>], vector<16xf32>,
    %add3A_1196 = arith.addf %gather3A_1195, %get3A_15 : vector<16xf32>
    %swap3A_1197 = arith.constant 9 : i32
    %swap3A_1198 = arith.index_cast %swap3A_1197 : i32 to index
    %swap3A_1199 = arith.constant 96 : index
    %swap3A_1200 = tpu.vector_load %arg9[%swap3A_1198, %swap3A_1199] {strides = array<i32>} : memref<21x128xf32, #tpu.memory_space<vmem>>, vector<16xf32>,
    tpu.vector_store %arg9[%swap3A_1198, %swap3A_1199], %add3A_1196 {strides = array<i32>} : memref<21x128xf32, #tpu.memory_space<vmem>>, vector<16xf32>,
    %add3A_1201 = arith.constant 112 : i32
    %add3A_1202 = vector.broadcast %add3A_1201 : i32 to vector<16xi32>
    %add3A_1203 = arith.addi %add3A_1202, %iota3A : vector<16xi32>
    %mul3A_1204 = arith.constant 21 : i32
    %mul3A_1205 = vector.broadcast %mul3A_1204 : i32 to vector<16xi32>
    %mul3A_1206 = arith.muli %add3A_1203, %mul3A_1205 : vector<16xi32>
    %add3A_1207 = arith.constant 9 : i32
    %add3A_1208 = vector.broadcast %add3A_1207 : i32 to vector<16xi32>
    %add3A_1209 = arith.addi %mul3A_1206, %add3A_1208 : vector<16xi32>
    %gather3A_1210 = tpu.vector_load_idx %arg7[%add3A_1209] : memref<2688xf32, #tpu.memory_space<vmem>>[vector<16xi32>], vector<16xf32>,
    %add3A_1211 = arith.addf %gather3A_1210, %get3A_17 : vector<16xf32>
    %swap3A_1212 = arith.constant 9 : i32
    %swap3A_1213 = arith.index_cast %swap3A_1212 : i32 to index
    %swap3A_1214 = arith.constant 112 : index
    %swap3A_1215 = tpu.vector_load %arg9[%swap3A_1213, %swap3A_1214] {strides = array<i32>} : memref<21x128xf32, #tpu.memory_space<vmem>>, vector<16xf32>,
    tpu.vector_store %arg9[%swap3A_1213, %swap3A_1214], %add3A_1211 {strides = array<i32>} : memref<21x128xf32, #tpu.memory_space<vmem>>, vector<16xf32>,
    %add3A_1216 = arith.constant 0 : i32
    %add3A_1217 = vector.broadcast %add3A_1216 : i32 to vector<16xi32>
    %add3A_1218 = arith.addi %add3A_1217, %iota3A : vector<16xi32>
    %mul3A_1219 = arith.constant 21 : i32
    %mul3A_1220 = vector.broadcast %mul3A_1219 : i32 to vector<16xi32>
    %mul3A_1221 = arith.muli %add3A_1218, %mul3A_1220 : vector<16xi32>
    %add3A_1222 = arith.constant 10 : i32
    %add3A_1223 = vector.broadcast %add3A_1222 : i32 to vector<16xi32>
    %add3A_1224 = arith.addi %mul3A_1221, %add3A_1223 : vector<16xi32>
    %gather3A_1225 = tpu.vector_load_idx %arg7[%add3A_1224] : memref<2688xf32, #tpu.memory_space<vmem>>[vector<16xi32>], vector<16xf32>,
    %add3A_1226 = arith.addf %gather3A_1225, %get3A_3 : vector<16xf32>
    %swap3A_1227 = arith.constant 10 : i32
    %swap3A_1228 = arith.index_cast %swap3A_1227 : i32 to index
    %swap3A_1229 = arith.constant 0 : index
    %swap3A_1230 = tpu.vector_load %arg9[%swap3A_1228, %swap3A_1229] {strides = array<i32>} : memref<21x128xf32, #tpu.memory_space<vmem>>, vector<16xf32>,
    tpu.vector_store %arg9[%swap3A_1228, %swap3A_1229], %add3A_1226 {strides = array<i32>} : memref<21x128xf32, #tpu.memory_space<vmem>>, vector<16xf32>,
    %add3A_1231 = arith.constant 16 : i32
    %add3A_1232 = vector.broadcast %add3A_1231 : i32 to vector<16xi32>
    %add3A_1233 = arith.addi %add3A_1232, %iota3A : vector<16xi32>
    %mul3A_1234 = arith.constant 21 : i32
    %mul3A_1235 = vector.broadcast %mul3A_1234 : i32 to vector<16xi32>
    %mul3A_1236 = arith.muli %add3A_1233, %mul3A_1235 : vector<16xi32>
    %add3A_1237 = arith.constant 10 : i32
    %add3A_1238 = vector.broadcast %add3A_1237 : i32 to vector<16xi32>
    %add3A_1239 = arith.addi %mul3A_1236, %add3A_1238 : vector<16xi32>
    %gather3A_1240 = tpu.vector_load_idx %arg7[%add3A_1239] : memref<2688xf32, #tpu.memory_space<vmem>>[vector<16xi32>], vector<16xf32>,
    %add3A_1241 = arith.addf %gather3A_1240, %get3A_5 : vector<16xf32>
    %swap3A_1242 = arith.constant 10 : i32
    %swap3A_1243 = arith.index_cast %swap3A_1242 : i32 to index
    %swap3A_1244 = arith.constant 16 : index
    %swap3A_1245 = tpu.vector_load %arg9[%swap3A_1243, %swap3A_1244] {strides = array<i32>} : memref<21x128xf32, #tpu.memory_space<vmem>>, vector<16xf32>,
    tpu.vector_store %arg9[%swap3A_1243, %swap3A_1244], %add3A_1241 {strides = array<i32>} : memref<21x128xf32, #tpu.memory_space<vmem>>, vector<16xf32>,
    %add3A_1246 = arith.constant 32 : i32
    %add3A_1247 = vector.broadcast %add3A_1246 : i32 to vector<16xi32>
    %add3A_1248 = arith.addi %add3A_1247, %iota3A : vector<16xi32>
    %mul3A_1249 = arith.constant 21 : i32
    %mul3A_1250 = vector.broadcast %mul3A_1249 : i32 to vector<16xi32>
    %mul3A_1251 = arith.muli %add3A_1248, %mul3A_1250 : vector<16xi32>
    %add3A_1252 = arith.constant 10 : i32
    %add3A_1253 = vector.broadcast %add3A_1252 : i32 to vector<16xi32>
    %add3A_1254 = arith.addi %mul3A_1251, %add3A_1253 : vector<16xi32>
    %gather3A_1255 = tpu.vector_load_idx %arg7[%add3A_1254] : memref<2688xf32, #tpu.memory_space<vmem>>[vector<16xi32>], vector<16xf32>,
    %add3A_1256 = arith.addf %gather3A_1255, %get3A_7 : vector<16xf32>
    %swap3A_1257 = arith.constant 10 : i32
    %swap3A_1258 = arith.index_cast %swap3A_1257 : i32 to index
    %swap3A_1259 = arith.constant 32 : index
    %swap3A_1260 = tpu.vector_load %arg9[%swap3A_1258, %swap3A_1259] {strides = array<i32>} : memref<21x128xf32, #tpu.memory_space<vmem>>, vector<16xf32>,
    tpu.vector_store %arg9[%swap3A_1258, %swap3A_1259], %add3A_1256 {strides = array<i32>} : memref<21x128xf32, #tpu.memory_space<vmem>>, vector<16xf32>,
    %add3A_1261 = arith.constant 48 : i32
    %add3A_1262 = vector.broadcast %add3A_1261 : i32 to vector<16xi32>
    %add3A_1263 = arith.addi %add3A_1262, %iota3A : vector<16xi32>
    %mul3A_1264 = arith.constant 21 : i32
    %mul3A_1265 = vector.broadcast %mul3A_1264 : i32 to vector<16xi32>
    %mul3A_1266 = arith.muli %add3A_1263, %mul3A_1265 : vector<16xi32>
    %add3A_1267 = arith.constant 10 : i32
    %add3A_1268 = vector.broadcast %add3A_1267 : i32 to vector<16xi32>
    %add3A_1269 = arith.addi %mul3A_1266, %add3A_1268 : vector<16xi32>
    %gather3A_1270 = tpu.vector_load_idx %arg7[%add3A_1269] : memref<2688xf32, #tpu.memory_space<vmem>>[vector<16xi32>], vector<16xf32>,
    %add3A_1271 = arith.addf %gather3A_1270, %get3A_9 : vector<16xf32>
    %swap3A_1272 = arith.constant 10 : i32
    %swap3A_1273 = arith.index_cast %swap3A_1272 : i32 to index
    %swap3A_1274 = arith.constant 48 : index
    %swap3A_1275 = tpu.vector_load %arg9[%swap3A_1273, %swap3A_1274] {strides = array<i32>} : memref<21x128xf32, #tpu.memory_space<vmem>>, vector<16xf32>,
    tpu.vector_store %arg9[%swap3A_1273, %swap3A_1274], %add3A_1271 {strides = array<i32>} : memref<21x128xf32, #tpu.memory_space<vmem>>, vector<16xf32>,
    %add3A_1276 = arith.constant 64 : i32
    %add3A_1277 = vector.broadcast %add3A_1276 : i32 to vector<16xi32>
    %add3A_1278 = arith.addi %add3A_1277, %iota3A : vector<16xi32>
    %mul3A_1279 = arith.constant 21 : i32
    %mul3A_1280 = vector.broadcast %mul3A_1279 : i32 to vector<16xi32>
    %mul3A_1281 = arith.muli %add3A_1278, %mul3A_1280 : vector<16xi32>
    %add3A_1282 = arith.constant 10 : i32
    %add3A_1283 = vector.broadcast %add3A_1282 : i32 to vector<16xi32>
    %add3A_1284 = arith.addi %mul3A_1281, %add3A_1283 : vector<16xi32>
    %gather3A_1285 = tpu.vector_load_idx %arg7[%add3A_1284] : memref<2688xf32, #tpu.memory_space<vmem>>[vector<16xi32>], vector<16xf32>,
    %add3A_1286 = arith.addf %gather3A_1285, %get3A_11 : vector<16xf32>
    %swap3A_1287 = arith.constant 10 : i32
    %swap3A_1288 = arith.index_cast %swap3A_1287 : i32 to index
    %swap3A_1289 = arith.constant 64 : index
    %swap3A_1290 = tpu.vector_load %arg9[%swap3A_1288, %swap3A_1289] {strides = array<i32>} : memref<21x128xf32, #tpu.memory_space<vmem>>, vector<16xf32>,
    tpu.vector_store %arg9[%swap3A_1288, %swap3A_1289], %add3A_1286 {strides = array<i32>} : memref<21x128xf32, #tpu.memory_space<vmem>>, vector<16xf32>,
    %add3A_1291 = arith.constant 80 : i32
    %add3A_1292 = vector.broadcast %add3A_1291 : i32 to vector<16xi32>
    %add3A_1293 = arith.addi %add3A_1292, %iota3A : vector<16xi32>
    %mul3A_1294 = arith.constant 21 : i32
    %mul3A_1295 = vector.broadcast %mul3A_1294 : i32 to vector<16xi32>
    %mul3A_1296 = arith.muli %add3A_1293, %mul3A_1295 : vector<16xi32>
    %add3A_1297 = arith.constant 10 : i32
    %add3A_1298 = vector.broadcast %add3A_1297 : i32 to vector<16xi32>
    %add3A_1299 = arith.addi %mul3A_1296, %add3A_1298 : vector<16xi32>
    %gather3A_1300 = tpu.vector_load_idx %arg7[%add3A_1299] : memref<2688xf32, #tpu.memory_space<vmem>>[vector<16xi32>], vector<16xf32>,
    %add3A_1301 = arith.addf %gather3A_1300, %get3A_13 : vector<16xf32>
    %swap3A_1302 = arith.constant 10 : i32
    %swap3A_1303 = arith.index_cast %swap3A_1302 : i32 to index
    %swap3A_1304 = arith.constant 80 : index
    %swap3A_1305 = tpu.vector_load %arg9[%swap3A_1303, %swap3A_1304] {strides = array<i32>} : memref<21x128xf32, #tpu.memory_space<vmem>>, vector<16xf32>,
    tpu.vector_store %arg9[%swap3A_1303, %swap3A_1304], %add3A_1301 {strides = array<i32>} : memref<21x128xf32, #tpu.memory_space<vmem>>, vector<16xf32>,
    %add3A_1306 = arith.constant 96 : i32
    %add3A_1307 = vector.broadcast %add3A_1306 : i32 to vector<16xi32>
    %add3A_1308 = arith.addi %add3A_1307, %iota3A : vector<16xi32>
    %mul3A_1309 = arith.constant 21 : i32
    %mul3A_1310 = vector.broadcast %mul3A_1309 : i32 to vector<16xi32>
    %mul3A_1311 = arith.muli %add3A_1308, %mul3A_1310 : vector<16xi32>
    %add3A_1312 = arith.constant 10 : i32
    %add3A_1313 = vector.broadcast %add3A_1312 : i32 to vector<16xi32>
    %add3A_1314 = arith.addi %mul3A_1311, %add3A_1313 : vector<16xi32>
    %gather3A_1315 = tpu.vector_load_idx %arg7[%add3A_1314] : memref<2688xf32, #tpu.memory_space<vmem>>[vector<16xi32>], vector<16xf32>,
    %add3A_1316 = arith.addf %gather3A_1315, %get3A_15 : vector<16xf32>
    %swap3A_1317 = arith.constant 10 : i32
    %swap3A_1318 = arith.index_cast %swap3A_1317 : i32 to index
    %swap3A_1319 = arith.constant 96 : index
    %swap3A_1320 = tpu.vector_load %arg9[%swap3A_1318, %swap3A_1319] {strides = array<i32>} : memref<21x128xf32, #tpu.memory_space<vmem>>, vector<16xf32>,
    tpu.vector_store %arg9[%swap3A_1318, %swap3A_1319], %add3A_1316 {strides = array<i32>} : memref<21x128xf32, #tpu.memory_space<vmem>>, vector<16xf32>,
    %add3A_1321 = arith.constant 112 : i32
    %add3A_1322 = vector.broadcast %add3A_1321 : i32 to vector<16xi32>
    %add3A_1323 = arith.addi %add3A_1322, %iota3A : vector<16xi32>
    %mul3A_1324 = arith.constant 21 : i32
    %mul3A_1325 = vector.broadcast %mul3A_1324 : i32 to vector<16xi32>
    %mul3A_1326 = arith.muli %add3A_1323, %mul3A_1325 : vector<16xi32>
    %add3A_1327 = arith.constant 10 : i32
    %add3A_1328 = vector.broadcast %add3A_1327 : i32 to vector<16xi32>
    %add3A_1329 = arith.addi %mul3A_1326, %add3A_1328 : vector<16xi32>
    %gather3A_1330 = tpu.vector_load_idx %arg7[%add3A_1329] : memref<2688xf32, #tpu.memory_space<vmem>>[vector<16xi32>], vector<16xf32>,
    %add3A_1331 = arith.addf %gather3A_1330, %get3A_17 : vector<16xf32>
    %swap3A_1332 = arith.constant 10 : i32
    %swap3A_1333 = arith.index_cast %swap3A_1332 : i32 to index
    %swap3A_1334 = arith.constant 112 : index
    %swap3A_1335 = tpu.vector_load %arg9[%swap3A_1333, %swap3A_1334] {strides = array<i32>} : memref<21x128xf32, #tpu.memory_space<vmem>>, vector<16xf32>,
    tpu.vector_store %arg9[%swap3A_1333, %swap3A_1334], %add3A_1331 {strides = array<i32>} : memref<21x128xf32, #tpu.memory_space<vmem>>, vector<16xf32>,
    %add3A_1336 = arith.constant 0 : i32
    %add3A_1337 = vector.broadcast %add3A_1336 : i32 to vector<16xi32>
    %add3A_1338 = arith.addi %add3A_1337, %iota3A : vector<16xi32>
    %mul3A_1339 = arith.constant 21 : i32
    %mul3A_1340 = vector.broadcast %mul3A_1339 : i32 to vector<16xi32>
    %mul3A_1341 = arith.muli %add3A_1338, %mul3A_1340 : vector<16xi32>
    %add3A_1342 = arith.constant 11 : i32
    %add3A_1343 = vector.broadcast %add3A_1342 : i32 to vector<16xi32>
    %add3A_1344 = arith.addi %mul3A_1341, %add3A_1343 : vector<16xi32>
    %gather3A_1345 = tpu.vector_load_idx %arg7[%add3A_1344] : memref<2688xf32, #tpu.memory_space<vmem>>[vector<16xi32>], vector<16xf32>,
    %add3A_1346 = arith.addf %gather3A_1345, %get3A_3 : vector<16xf32>
    %swap3A_1347 = arith.constant 11 : i32
    %swap3A_1348 = arith.index_cast %swap3A_1347 : i32 to index
    %swap3A_1349 = arith.constant 0 : index
    %swap3A_1350 = tpu.vector_load %arg9[%swap3A_1348, %swap3A_1349] {strides = array<i32>} : memref<21x128xf32, #tpu.memory_space<vmem>>, vector<16xf32>,
    tpu.vector_store %arg9[%swap3A_1348, %swap3A_1349], %add3A_1346 {strides = array<i32>} : memref<21x128xf32, #tpu.memory_space<vmem>>, vector<16xf32>,
    %add3A_1351 = arith.constant 16 : i32
    %add3A_1352 = vector.broadcast %add3A_1351 : i32 to vector<16xi32>
    %add3A_1353 = arith.addi %add3A_1352, %iota3A : vector<16xi32>
    %mul3A_1354 = arith.constant 21 : i32
    %mul3A_1355 = vector.broadcast %mul3A_1354 : i32 to vector<16xi32>
    %mul3A_1356 = arith.muli %add3A_1353, %mul3A_1355 : vector<16xi32>
    %add3A_1357 = arith.constant 11 : i32
    %add3A_1358 = vector.broadcast %add3A_1357 : i32 to vector<16xi32>
    %add3A_1359 = arith.addi %mul3A_1356, %add3A_1358 : vector<16xi32>
    %gather3A_1360 = tpu.vector_load_idx %arg7[%add3A_1359] : memref<2688xf32, #tpu.memory_space<vmem>>[vector<16xi32>], vector<16xf32>,
    %add3A_1361 = arith.addf %gather3A_1360, %get3A_5 : vector<16xf32>
    %swap3A_1362 = arith.constant 11 : i32
    %swap3A_1363 = arith.index_cast %swap3A_1362 : i32 to index
    %swap3A_1364 = arith.constant 16 : index
    %swap3A_1365 = tpu.vector_load %arg9[%swap3A_1363, %swap3A_1364] {strides = array<i32>} : memref<21x128xf32, #tpu.memory_space<vmem>>, vector<16xf32>,
    tpu.vector_store %arg9[%swap3A_1363, %swap3A_1364], %add3A_1361 {strides = array<i32>} : memref<21x128xf32, #tpu.memory_space<vmem>>, vector<16xf32>,
    %add3A_1366 = arith.constant 32 : i32
    %add3A_1367 = vector.broadcast %add3A_1366 : i32 to vector<16xi32>
    %add3A_1368 = arith.addi %add3A_1367, %iota3A : vector<16xi32>
    %mul3A_1369 = arith.constant 21 : i32
    %mul3A_1370 = vector.broadcast %mul3A_1369 : i32 to vector<16xi32>
    %mul3A_1371 = arith.muli %add3A_1368, %mul3A_1370 : vector<16xi32>
    %add3A_1372 = arith.constant 11 : i32
    %add3A_1373 = vector.broadcast %add3A_1372 : i32 to vector<16xi32>
    %add3A_1374 = arith.addi %mul3A_1371, %add3A_1373 : vector<16xi32>
    %gather3A_1375 = tpu.vector_load_idx %arg7[%add3A_1374] : memref<2688xf32, #tpu.memory_space<vmem>>[vector<16xi32>], vector<16xf32>,
    %add3A_1376 = arith.addf %gather3A_1375, %get3A_7 : vector<16xf32>
    %swap3A_1377 = arith.constant 11 : i32
    %swap3A_1378 = arith.index_cast %swap3A_1377 : i32 to index
    %swap3A_1379 = arith.constant 32 : index
    %swap3A_1380 = tpu.vector_load %arg9[%swap3A_1378, %swap3A_1379] {strides = array<i32>} : memref<21x128xf32, #tpu.memory_space<vmem>>, vector<16xf32>,
    tpu.vector_store %arg9[%swap3A_1378, %swap3A_1379], %add3A_1376 {strides = array<i32>} : memref<21x128xf32, #tpu.memory_space<vmem>>, vector<16xf32>,
    %add3A_1381 = arith.constant 48 : i32
    %add3A_1382 = vector.broadcast %add3A_1381 : i32 to vector<16xi32>
    %add3A_1383 = arith.addi %add3A_1382, %iota3A : vector<16xi32>
    %mul3A_1384 = arith.constant 21 : i32
    %mul3A_1385 = vector.broadcast %mul3A_1384 : i32 to vector<16xi32>
    %mul3A_1386 = arith.muli %add3A_1383, %mul3A_1385 : vector<16xi32>
    %add3A_1387 = arith.constant 11 : i32
    %add3A_1388 = vector.broadcast %add3A_1387 : i32 to vector<16xi32>
    %add3A_1389 = arith.addi %mul3A_1386, %add3A_1388 : vector<16xi32>
    %gather3A_1390 = tpu.vector_load_idx %arg7[%add3A_1389] : memref<2688xf32, #tpu.memory_space<vmem>>[vector<16xi32>], vector<16xf32>,
    %add3A_1391 = arith.addf %gather3A_1390, %get3A_9 : vector<16xf32>
    %swap3A_1392 = arith.constant 11 : i32
    %swap3A_1393 = arith.index_cast %swap3A_1392 : i32 to index
    %swap3A_1394 = arith.constant 48 : index
    %swap3A_1395 = tpu.vector_load %arg9[%swap3A_1393, %swap3A_1394] {strides = array<i32>} : memref<21x128xf32, #tpu.memory_space<vmem>>, vector<16xf32>,
    tpu.vector_store %arg9[%swap3A_1393, %swap3A_1394], %add3A_1391 {strides = array<i32>} : memref<21x128xf32, #tpu.memory_space<vmem>>, vector<16xf32>,
    %add3A_1396 = arith.constant 64 : i32
    %add3A_1397 = vector.broadcast %add3A_1396 : i32 to vector<16xi32>
    %add3A_1398 = arith.addi %add3A_1397, %iota3A : vector<16xi32>
    %mul3A_1399 = arith.constant 21 : i32
    %mul3A_1400 = vector.broadcast %mul3A_1399 : i32 to vector<16xi32>
    %mul3A_1401 = arith.muli %add3A_1398, %mul3A_1400 : vector<16xi32>
    %add3A_1402 = arith.constant 11 : i32
    %add3A_1403 = vector.broadcast %add3A_1402 : i32 to vector<16xi32>
    %add3A_1404 = arith.addi %mul3A_1401, %add3A_1403 : vector<16xi32>
    %gather3A_1405 = tpu.vector_load_idx %arg7[%add3A_1404] : memref<2688xf32, #tpu.memory_space<vmem>>[vector<16xi32>], vector<16xf32>,
    %add3A_1406 = arith.addf %gather3A_1405, %get3A_11 : vector<16xf32>
    %swap3A_1407 = arith.constant 11 : i32
    %swap3A_1408 = arith.index_cast %swap3A_1407 : i32 to index
    %swap3A_1409 = arith.constant 64 : index
    %swap3A_1410 = tpu.vector_load %arg9[%swap3A_1408, %swap3A_1409] {strides = array<i32>} : memref<21x128xf32, #tpu.memory_space<vmem>>, vector<16xf32>,
    tpu.vector_store %arg9[%swap3A_1408, %swap3A_1409], %add3A_1406 {strides = array<i32>} : memref<21x128xf32, #tpu.memory_space<vmem>>, vector<16xf32>,
    %add3A_1411 = arith.constant 80 : i32
    %add3A_1412 = vector.broadcast %add3A_1411 : i32 to vector<16xi32>
    %add3A_1413 = arith.addi %add3A_1412, %iota3A : vector<16xi32>
    %mul3A_1414 = arith.constant 21 : i32
    %mul3A_1415 = vector.broadcast %mul3A_1414 : i32 to vector<16xi32>
    %mul3A_1416 = arith.muli %add3A_1413, %mul3A_1415 : vector<16xi32>
    %add3A_1417 = arith.constant 11 : i32
    %add3A_1418 = vector.broadcast %add3A_1417 : i32 to vector<16xi32>
    %add3A_1419 = arith.addi %mul3A_1416, %add3A_1418 : vector<16xi32>
    %gather3A_1420 = tpu.vector_load_idx %arg7[%add3A_1419] : memref<2688xf32, #tpu.memory_space<vmem>>[vector<16xi32>], vector<16xf32>,
    %add3A_1421 = arith.addf %gather3A_1420, %get3A_13 : vector<16xf32>
    %swap3A_1422 = arith.constant 11 : i32
    %swap3A_1423 = arith.index_cast %swap3A_1422 : i32 to index
    %swap3A_1424 = arith.constant 80 : index
    %swap3A_1425 = tpu.vector_load %arg9[%swap3A_1423, %swap3A_1424] {strides = array<i32>} : memref<21x128xf32, #tpu.memory_space<vmem>>, vector<16xf32>,
    tpu.vector_store %arg9[%swap3A_1423, %swap3A_1424], %add3A_1421 {strides = array<i32>} : memref<21x128xf32, #tpu.memory_space<vmem>>, vector<16xf32>,
    %add3A_1426 = arith.constant 96 : i32
    %add3A_1427 = vector.broadcast %add3A_1426 : i32 to vector<16xi32>
    %add3A_1428 = arith.addi %add3A_1427, %iota3A : vector<16xi32>
    %mul3A_1429 = arith.constant 21 : i32
    %mul3A_1430 = vector.broadcast %mul3A_1429 : i32 to vector<16xi32>
    %mul3A_1431 = arith.muli %add3A_1428, %mul3A_1430 : vector<16xi32>
    %add3A_1432 = arith.constant 11 : i32
    %add3A_1433 = vector.broadcast %add3A_1432 : i32 to vector<16xi32>
    %add3A_1434 = arith.addi %mul3A_1431, %add3A_1433 : vector<16xi32>
    %gather3A_1435 = tpu.vector_load_idx %arg7[%add3A_1434] : memref<2688xf32, #tpu.memory_space<vmem>>[vector<16xi32>], vector<16xf32>,
    %add3A_1436 = arith.addf %gather3A_1435, %get3A_15 : vector<16xf32>
    %swap3A_1437 = arith.constant 11 : i32
    %swap3A_1438 = arith.index_cast %swap3A_1437 : i32 to index
    %swap3A_1439 = arith.constant 96 : index
    %swap3A_1440 = tpu.vector_load %arg9[%swap3A_1438, %swap3A_1439] {strides = array<i32>} : memref<21x128xf32, #tpu.memory_space<vmem>>, vector<16xf32>,
    tpu.vector_store %arg9[%swap3A_1438, %swap3A_1439], %add3A_1436 {strides = array<i32>} : memref<21x128xf32, #tpu.memory_space<vmem>>, vector<16xf32>,
    %add3A_1441 = arith.constant 112 : i32
    %add3A_1442 = vector.broadcast %add3A_1441 : i32 to vector<16xi32>
    %add3A_1443 = arith.addi %add3A_1442, %iota3A : vector<16xi32>
    %mul3A_1444 = arith.constant 21 : i32
    %mul3A_1445 = vector.broadcast %mul3A_1444 : i32 to vector<16xi32>
    %mul3A_1446 = arith.muli %add3A_1443, %mul3A_1445 : vector<16xi32>
    %add3A_1447 = arith.constant 11 : i32
    %add3A_1448 = vector.broadcast %add3A_1447 : i32 to vector<16xi32>
    %add3A_1449 = arith.addi %mul3A_1446, %add3A_1448 : vector<16xi32>
    %gather3A_1450 = tpu.vector_load_idx %arg7[%add3A_1449] : memref<2688xf32, #tpu.memory_space<vmem>>[vector<16xi32>], vector<16xf32>,
    %add3A_1451 = arith.addf %gather3A_1450, %get3A_17 : vector<16xf32>
    %swap3A_1452 = arith.constant 11 : i32
    %swap3A_1453 = arith.index_cast %swap3A_1452 : i32 to index
    %swap3A_1454 = arith.constant 112 : index
    %swap3A_1455 = tpu.vector_load %arg9[%swap3A_1453, %swap3A_1454] {strides = array<i32>} : memref<21x128xf32, #tpu.memory_space<vmem>>, vector<16xf32>,
    tpu.vector_store %arg9[%swap3A_1453, %swap3A_1454], %add3A_1451 {strides = array<i32>} : memref<21x128xf32, #tpu.memory_space<vmem>>, vector<16xf32>,
    %add3A_1456 = arith.constant 0 : i32
    %add3A_1457 = vector.broadcast %add3A_1456 : i32 to vector<16xi32>
    %add3A_1458 = arith.addi %add3A_1457, %iota3A : vector<16xi32>
    %mul3A_1459 = arith.constant 21 : i32
    %mul3A_1460 = vector.broadcast %mul3A_1459 : i32 to vector<16xi32>
    %mul3A_1461 = arith.muli %add3A_1458, %mul3A_1460 : vector<16xi32>
    %add3A_1462 = arith.constant 12 : i32
    %add3A_1463 = vector.broadcast %add3A_1462 : i32 to vector<16xi32>
    %add3A_1464 = arith.addi %mul3A_1461, %add3A_1463 : vector<16xi32>
    %gather3A_1465 = tpu.vector_load_idx %arg7[%add3A_1464] : memref<2688xf32, #tpu.memory_space<vmem>>[vector<16xi32>], vector<16xf32>,
    %add3A_1466 = arith.addf %gather3A_1465, %get3A_3 : vector<16xf32>
    %swap3A_1467 = arith.constant 12 : i32
    %swap3A_1468 = arith.index_cast %swap3A_1467 : i32 to index
    %swap3A_1469 = arith.constant 0 : index
    %swap3A_1470 = tpu.vector_load %arg9[%swap3A_1468, %swap3A_1469] {strides = array<i32>} : memref<21x128xf32, #tpu.memory_space<vmem>>, vector<16xf32>,
    tpu.vector_store %arg9[%swap3A_1468, %swap3A_1469], %add3A_1466 {strides = array<i32>} : memref<21x128xf32, #tpu.memory_space<vmem>>, vector<16xf32>,
    %add3A_1471 = arith.constant 16 : i32
    %add3A_1472 = vector.broadcast %add3A_1471 : i32 to vector<16xi32>
    %add3A_1473 = arith.addi %add3A_1472, %iota3A : vector<16xi32>
    %mul3A_1474 = arith.constant 21 : i32
    %mul3A_1475 = vector.broadcast %mul3A_1474 : i32 to vector<16xi32>
    %mul3A_1476 = arith.muli %add3A_1473, %mul3A_1475 : vector<16xi32>
    %add3A_1477 = arith.constant 12 : i32
    %add3A_1478 = vector.broadcast %add3A_1477 : i32 to vector<16xi32>
    %add3A_1479 = arith.addi %mul3A_1476, %add3A_1478 : vector<16xi32>
    %gather3A_1480 = tpu.vector_load_idx %arg7[%add3A_1479] : memref<2688xf32, #tpu.memory_space<vmem>>[vector<16xi32>], vector<16xf32>,
    %add3A_1481 = arith.addf %gather3A_1480, %get3A_5 : vector<16xf32>
    %swap3A_1482 = arith.constant 12 : i32
    %swap3A_1483 = arith.index_cast %swap3A_1482 : i32 to index
    %swap3A_1484 = arith.constant 16 : index
    %swap3A_1485 = tpu.vector_load %arg9[%swap3A_1483, %swap3A_1484] {strides = array<i32>} : memref<21x128xf32, #tpu.memory_space<vmem>>, vector<16xf32>,
    tpu.vector_store %arg9[%swap3A_1483, %swap3A_1484], %add3A_1481 {strides = array<i32>} : memref<21x128xf32, #tpu.memory_space<vmem>>, vector<16xf32>,
    %add3A_1486 = arith.constant 32 : i32
    %add3A_1487 = vector.broadcast %add3A_1486 : i32 to vector<16xi32>
    %add3A_1488 = arith.addi %add3A_1487, %iota3A : vector<16xi32>
    %mul3A_1489 = arith.constant 21 : i32
    %mul3A_1490 = vector.broadcast %mul3A_1489 : i32 to vector<16xi32>
    %mul3A_1491 = arith.muli %add3A_1488, %mul3A_1490 : vector<16xi32>
    %add3A_1492 = arith.constant 12 : i32
    %add3A_1493 = vector.broadcast %add3A_1492 : i32 to vector<16xi32>
    %add3A_1494 = arith.addi %mul3A_1491, %add3A_1493 : vector<16xi32>
    %gather3A_1495 = tpu.vector_load_idx %arg7[%add3A_1494] : memref<2688xf32, #tpu.memory_space<vmem>>[vector<16xi32>], vector<16xf32>,
    %add3A_1496 = arith.addf %gather3A_1495, %get3A_7 : vector<16xf32>
    %swap3A_1497 = arith.constant 12 : i32
    %swap3A_1498 = arith.index_cast %swap3A_1497 : i32 to index
    %swap3A_1499 = arith.constant 32 : index
    %swap3A_1500 = tpu.vector_load %arg9[%swap3A_1498, %swap3A_1499] {strides = array<i32>} : memref<21x128xf32, #tpu.memory_space<vmem>>, vector<16xf32>,
    tpu.vector_store %arg9[%swap3A_1498, %swap3A_1499], %add3A_1496 {strides = array<i32>} : memref<21x128xf32, #tpu.memory_space<vmem>>, vector<16xf32>,
    %add3A_1501 = arith.constant 48 : i32
    %add3A_1502 = vector.broadcast %add3A_1501 : i32 to vector<16xi32>
    %add3A_1503 = arith.addi %add3A_1502, %iota3A : vector<16xi32>
    %mul3A_1504 = arith.constant 21 : i32
    %mul3A_1505 = vector.broadcast %mul3A_1504 : i32 to vector<16xi32>
    %mul3A_1506 = arith.muli %add3A_1503, %mul3A_1505 : vector<16xi32>
    %add3A_1507 = arith.constant 12 : i32
    %add3A_1508 = vector.broadcast %add3A_1507 : i32 to vector<16xi32>
    %add3A_1509 = arith.addi %mul3A_1506, %add3A_1508 : vector<16xi32>
    %gather3A_1510 = tpu.vector_load_idx %arg7[%add3A_1509] : memref<2688xf32, #tpu.memory_space<vmem>>[vector<16xi32>], vector<16xf32>,
    %add3A_1511 = arith.addf %gather3A_1510, %get3A_9 : vector<16xf32>
    %swap3A_1512 = arith.constant 12 : i32
    %swap3A_1513 = arith.index_cast %swap3A_1512 : i32 to index
    %swap3A_1514 = arith.constant 48 : index
    %swap3A_1515 = tpu.vector_load %arg9[%swap3A_1513, %swap3A_1514] {strides = array<i32>} : memref<21x128xf32, #tpu.memory_space<vmem>>, vector<16xf32>,
    tpu.vector_store %arg9[%swap3A_1513, %swap3A_1514], %add3A_1511 {strides = array<i32>} : memref<21x128xf32, #tpu.memory_space<vmem>>, vector<16xf32>,
    %add3A_1516 = arith.constant 64 : i32
    %add3A_1517 = vector.broadcast %add3A_1516 : i32 to vector<16xi32>
    %add3A_1518 = arith.addi %add3A_1517, %iota3A : vector<16xi32>
    %mul3A_1519 = arith.constant 21 : i32
    %mul3A_1520 = vector.broadcast %mul3A_1519 : i32 to vector<16xi32>
    %mul3A_1521 = arith.muli %add3A_1518, %mul3A_1520 : vector<16xi32>
    %add3A_1522 = arith.constant 12 : i32
    %add3A_1523 = vector.broadcast %add3A_1522 : i32 to vector<16xi32>
    %add3A_1524 = arith.addi %mul3A_1521, %add3A_1523 : vector<16xi32>
    %gather3A_1525 = tpu.vector_load_idx %arg7[%add3A_1524] : memref<2688xf32, #tpu.memory_space<vmem>>[vector<16xi32>], vector<16xf32>,
    %add3A_1526 = arith.addf %gather3A_1525, %get3A_11 : vector<16xf32>
    %swap3A_1527 = arith.constant 12 : i32
    %swap3A_1528 = arith.index_cast %swap3A_1527 : i32 to index
    %swap3A_1529 = arith.constant 64 : index
    %swap3A_1530 = tpu.vector_load %arg9[%swap3A_1528, %swap3A_1529] {strides = array<i32>} : memref<21x128xf32, #tpu.memory_space<vmem>>, vector<16xf32>,
    tpu.vector_store %arg9[%swap3A_1528, %swap3A_1529], %add3A_1526 {strides = array<i32>} : memref<21x128xf32, #tpu.memory_space<vmem>>, vector<16xf32>,
    %add3A_1531 = arith.constant 80 : i32
    %add3A_1532 = vector.broadcast %add3A_1531 : i32 to vector<16xi32>
    %add3A_1533 = arith.addi %add3A_1532, %iota3A : vector<16xi32>
    %mul3A_1534 = arith.constant 21 : i32
    %mul3A_1535 = vector.broadcast %mul3A_1534 : i32 to vector<16xi32>
    %mul3A_1536 = arith.muli %add3A_1533, %mul3A_1535 : vector<16xi32>
    %add3A_1537 = arith.constant 12 : i32
    %add3A_1538 = vector.broadcast %add3A_1537 : i32 to vector<16xi32>
    %add3A_1539 = arith.addi %mul3A_1536, %add3A_1538 : vector<16xi32>
    %gather3A_1540 = tpu.vector_load_idx %arg7[%add3A_1539] : memref<2688xf32, #tpu.memory_space<vmem>>[vector<16xi32>], vector<16xf32>,
    %add3A_1541 = arith.addf %gather3A_1540, %get3A_13 : vector<16xf32>
    %swap3A_1542 = arith.constant 12 : i32
    %swap3A_1543 = arith.index_cast %swap3A_1542 : i32 to index
    %swap3A_1544 = arith.constant 80 : index
    %swap3A_1545 = tpu.vector_load %arg9[%swap3A_1543, %swap3A_1544] {strides = array<i32>} : memref<21x128xf32, #tpu.memory_space<vmem>>, vector<16xf32>,
    tpu.vector_store %arg9[%swap3A_1543, %swap3A_1544], %add3A_1541 {strides = array<i32>} : memref<21x128xf32, #tpu.memory_space<vmem>>, vector<16xf32>,
    %add3A_1546 = arith.constant 96 : i32
    %add3A_1547 = vector.broadcast %add3A_1546 : i32 to vector<16xi32>
    %add3A_1548 = arith.addi %add3A_1547, %iota3A : vector<16xi32>
    %mul3A_1549 = arith.constant 21 : i32
    %mul3A_1550 = vector.broadcast %mul3A_1549 : i32 to vector<16xi32>
    %mul3A_1551 = arith.muli %add3A_1548, %mul3A_1550 : vector<16xi32>
    %add3A_1552 = arith.constant 12 : i32
    %add3A_1553 = vector.broadcast %add3A_1552 : i32 to vector<16xi32>
    %add3A_1554 = arith.addi %mul3A_1551, %add3A_1553 : vector<16xi32>
    %gather3A_1555 = tpu.vector_load_idx %arg7[%add3A_1554] : memref<2688xf32, #tpu.memory_space<vmem>>[vector<16xi32>], vector<16xf32>,
    %add3A_1556 = arith.addf %gather3A_1555, %get3A_15 : vector<16xf32>
    %swap3A_1557 = arith.constant 12 : i32
    %swap3A_1558 = arith.index_cast %swap3A_1557 : i32 to index
    %swap3A_1559 = arith.constant 96 : index
    %swap3A_1560 = tpu.vector_load %arg9[%swap3A_1558, %swap3A_1559] {strides = array<i32>} : memref<21x128xf32, #tpu.memory_space<vmem>>, vector<16xf32>,
    tpu.vector_store %arg9[%swap3A_1558, %swap3A_1559], %add3A_1556 {strides = array<i32>} : memref<21x128xf32, #tpu.memory_space<vmem>>, vector<16xf32>,
    %add3A_1561 = arith.constant 112 : i32
    %add3A_1562 = vector.broadcast %add3A_1561 : i32 to vector<16xi32>
    %add3A_1563 = arith.addi %add3A_1562, %iota3A : vector<16xi32>
    %mul3A_1564 = arith.constant 21 : i32
    %mul3A_1565 = vector.broadcast %mul3A_1564 : i32 to vector<16xi32>
    %mul3A_1566 = arith.muli %add3A_1563, %mul3A_1565 : vector<16xi32>
    %add3A_1567 = arith.constant 12 : i32
    %add3A_1568 = vector.broadcast %add3A_1567 : i32 to vector<16xi32>
    %add3A_1569 = arith.addi %mul3A_1566, %add3A_1568 : vector<16xi32>
    %gather3A_1570 = tpu.vector_load_idx %arg7[%add3A_1569] : memref<2688xf32, #tpu.memory_space<vmem>>[vector<16xi32>], vector<16xf32>,
    %add3A_1571 = arith.addf %gather3A_1570, %get3A_17 : vector<16xf32>
    %swap3A_1572 = arith.constant 12 : i32
    %swap3A_1573 = arith.index_cast %swap3A_1572 : i32 to index
    %swap3A_1574 = arith.constant 112 : index
    %swap3A_1575 = tpu.vector_load %arg9[%swap3A_1573, %swap3A_1574] {strides = array<i32>} : memref<21x128xf32, #tpu.memory_space<vmem>>, vector<16xf32>,
    tpu.vector_store %arg9[%swap3A_1573, %swap3A_1574], %add3A_1571 {strides = array<i32>} : memref<21x128xf32, #tpu.memory_space<vmem>>, vector<16xf32>,
    %add3A_1576 = arith.constant 0 : i32
    %add3A_1577 = vector.broadcast %add3A_1576 : i32 to vector<16xi32>
    %add3A_1578 = arith.addi %add3A_1577, %iota3A : vector<16xi32>
    %mul3A_1579 = arith.constant 21 : i32
    %mul3A_1580 = vector.broadcast %mul3A_1579 : i32 to vector<16xi32>
    %mul3A_1581 = arith.muli %add3A_1578, %mul3A_1580 : vector<16xi32>
    %add3A_1582 = arith.constant 13 : i32
    %add3A_1583 = vector.broadcast %add3A_1582 : i32 to vector<16xi32>
    %add3A_1584 = arith.addi %mul3A_1581, %add3A_1583 : vector<16xi32>
    %gather3A_1585 = tpu.vector_load_idx %arg7[%add3A_1584] : memref<2688xf32, #tpu.memory_space<vmem>>[vector<16xi32>], vector<16xf32>,
    %add3A_1586 = arith.addf %gather3A_1585, %get3A_3 : vector<16xf32>
    %swap3A_1587 = arith.constant 13 : i32
    %swap3A_1588 = arith.index_cast %swap3A_1587 : i32 to index
    %swap3A_1589 = arith.constant 0 : index
    %swap3A_1590 = tpu.vector_load %arg9[%swap3A_1588, %swap3A_1589] {strides = array<i32>} : memref<21x128xf32, #tpu.memory_space<vmem>>, vector<16xf32>,
    tpu.vector_store %arg9[%swap3A_1588, %swap3A_1589], %add3A_1586 {strides = array<i32>} : memref<21x128xf32, #tpu.memory_space<vmem>>, vector<16xf32>,
    %add3A_1591 = arith.constant 16 : i32
    %add3A_1592 = vector.broadcast %add3A_1591 : i32 to vector<16xi32>
    %add3A_1593 = arith.addi %add3A_1592, %iota3A : vector<16xi32>
    %mul3A_1594 = arith.constant 21 : i32
    %mul3A_1595 = vector.broadcast %mul3A_1594 : i32 to vector<16xi32>
    %mul3A_1596 = arith.muli %add3A_1593, %mul3A_1595 : vector<16xi32>
    %add3A_1597 = arith.constant 13 : i32
    %add3A_1598 = vector.broadcast %add3A_1597 : i32 to vector<16xi32>
    %add3A_1599 = arith.addi %mul3A_1596, %add3A_1598 : vector<16xi32>
    %gather3A_1600 = tpu.vector_load_idx %arg7[%add3A_1599] : memref<2688xf32, #tpu.memory_space<vmem>>[vector<16xi32>], vector<16xf32>,
    %add3A_1601 = arith.addf %gather3A_1600, %get3A_5 : vector<16xf32>
    %swap3A_1602 = arith.constant 13 : i32
    %swap3A_1603 = arith.index_cast %swap3A_1602 : i32 to index
    %swap3A_1604 = arith.constant 16 : index
    %swap3A_1605 = tpu.vector_load %arg9[%swap3A_1603, %swap3A_1604] {strides = array<i32>} : memref<21x128xf32, #tpu.memory_space<vmem>>, vector<16xf32>,
    tpu.vector_store %arg9[%swap3A_1603, %swap3A_1604], %add3A_1601 {strides = array<i32>} : memref<21x128xf32, #tpu.memory_space<vmem>>, vector<16xf32>,
    %add3A_1606 = arith.constant 32 : i32
    %add3A_1607 = vector.broadcast %add3A_1606 : i32 to vector<16xi32>
    %add3A_1608 = arith.addi %add3A_1607, %iota3A : vector<16xi32>
    %mul3A_1609 = arith.constant 21 : i32
    %mul3A_1610 = vector.broadcast %mul3A_1609 : i32 to vector<16xi32>
    %mul3A_1611 = arith.muli %add3A_1608, %mul3A_1610 : vector<16xi32>
    %add3A_1612 = arith.constant 13 : i32
    %add3A_1613 = vector.broadcast %add3A_1612 : i32 to vector<16xi32>
    %add3A_1614 = arith.addi %mul3A_1611, %add3A_1613 : vector<16xi32>
    %gather3A_1615 = tpu.vector_load_idx %arg7[%add3A_1614] : memref<2688xf32, #tpu.memory_space<vmem>>[vector<16xi32>], vector<16xf32>,
    %add3A_1616 = arith.addf %gather3A_1615, %get3A_7 : vector<16xf32>
    %swap3A_1617 = arith.constant 13 : i32
    %swap3A_1618 = arith.index_cast %swap3A_1617 : i32 to index
    %swap3A_1619 = arith.constant 32 : index
    %swap3A_1620 = tpu.vector_load %arg9[%swap3A_1618, %swap3A_1619] {strides = array<i32>} : memref<21x128xf32, #tpu.memory_space<vmem>>, vector<16xf32>,
    tpu.vector_store %arg9[%swap3A_1618, %swap3A_1619], %add3A_1616 {strides = array<i32>} : memref<21x128xf32, #tpu.memory_space<vmem>>, vector<16xf32>,
    %add3A_1621 = arith.constant 48 : i32
    %add3A_1622 = vector.broadcast %add3A_1621 : i32 to vector<16xi32>
    %add3A_1623 = arith.addi %add3A_1622, %iota3A : vector<16xi32>
    %mul3A_1624 = arith.constant 21 : i32
    %mul3A_1625 = vector.broadcast %mul3A_1624 : i32 to vector<16xi32>
    %mul3A_1626 = arith.muli %add3A_1623, %mul3A_1625 : vector<16xi32>
    %add3A_1627 = arith.constant 13 : i32
    %add3A_1628 = vector.broadcast %add3A_1627 : i32 to vector<16xi32>
    %add3A_1629 = arith.addi %mul3A_1626, %add3A_1628 : vector<16xi32>
    %gather3A_1630 = tpu.vector_load_idx %arg7[%add3A_1629] : memref<2688xf32, #tpu.memory_space<vmem>>[vector<16xi32>], vector<16xf32>,
    %add3A_1631 = arith.addf %gather3A_1630, %get3A_9 : vector<16xf32>
    %swap3A_1632 = arith.constant 13 : i32
    %swap3A_1633 = arith.index_cast %swap3A_1632 : i32 to index
    %swap3A_1634 = arith.constant 48 : index
    %swap3A_1635 = tpu.vector_load %arg9[%swap3A_1633, %swap3A_1634] {strides = array<i32>} : memref<21x128xf32, #tpu.memory_space<vmem>>, vector<16xf32>,
    tpu.vector_store %arg9[%swap3A_1633, %swap3A_1634], %add3A_1631 {strides = array<i32>} : memref<21x128xf32, #tpu.memory_space<vmem>>, vector<16xf32>,
    %add3A_1636 = arith.constant 64 : i32
    %add3A_1637 = vector.broadcast %add3A_1636 : i32 to vector<16xi32>
    %add3A_1638 = arith.addi %add3A_1637, %iota3A : vector<16xi32>
    %mul3A_1639 = arith.constant 21 : i32
    %mul3A_1640 = vector.broadcast %mul3A_1639 : i32 to vector<16xi32>
    %mul3A_1641 = arith.muli %add3A_1638, %mul3A_1640 : vector<16xi32>
    %add3A_1642 = arith.constant 13 : i32
    %add3A_1643 = vector.broadcast %add3A_1642 : i32 to vector<16xi32>
    %add3A_1644 = arith.addi %mul3A_1641, %add3A_1643 : vector<16xi32>
    %gather3A_1645 = tpu.vector_load_idx %arg7[%add3A_1644] : memref<2688xf32, #tpu.memory_space<vmem>>[vector<16xi32>], vector<16xf32>,
    %add3A_1646 = arith.addf %gather3A_1645, %get3A_11 : vector<16xf32>
    %swap3A_1647 = arith.constant 13 : i32
    %swap3A_1648 = arith.index_cast %swap3A_1647 : i32 to index
    %swap3A_1649 = arith.constant 64 : index
    %swap3A_1650 = tpu.vector_load %arg9[%swap3A_1648, %swap3A_1649] {strides = array<i32>} : memref<21x128xf32, #tpu.memory_space<vmem>>, vector<16xf32>,
    tpu.vector_store %arg9[%swap3A_1648, %swap3A_1649], %add3A_1646 {strides = array<i32>} : memref<21x128xf32, #tpu.memory_space<vmem>>, vector<16xf32>,
    %add3A_1651 = arith.constant 80 : i32
    %add3A_1652 = vector.broadcast %add3A_1651 : i32 to vector<16xi32>
    %add3A_1653 = arith.addi %add3A_1652, %iota3A : vector<16xi32>
    %mul3A_1654 = arith.constant 21 : i32
    %mul3A_1655 = vector.broadcast %mul3A_1654 : i32 to vector<16xi32>
    %mul3A_1656 = arith.muli %add3A_1653, %mul3A_1655 : vector<16xi32>
    %add3A_1657 = arith.constant 13 : i32
    %add3A_1658 = vector.broadcast %add3A_1657 : i32 to vector<16xi32>
    %add3A_1659 = arith.addi %mul3A_1656, %add3A_1658 : vector<16xi32>
    %gather3A_1660 = tpu.vector_load_idx %arg7[%add3A_1659] : memref<2688xf32, #tpu.memory_space<vmem>>[vector<16xi32>], vector<16xf32>,
    %add3A_1661 = arith.addf %gather3A_1660, %get3A_13 : vector<16xf32>
    %swap3A_1662 = arith.constant 13 : i32
    %swap3A_1663 = arith.index_cast %swap3A_1662 : i32 to index
    %swap3A_1664 = arith.constant 80 : index
    %swap3A_1665 = tpu.vector_load %arg9[%swap3A_1663, %swap3A_1664] {strides = array<i32>} : memref<21x128xf32, #tpu.memory_space<vmem>>, vector<16xf32>,
    tpu.vector_store %arg9[%swap3A_1663, %swap3A_1664], %add3A_1661 {strides = array<i32>} : memref<21x128xf32, #tpu.memory_space<vmem>>, vector<16xf32>,
    %add3A_1666 = arith.constant 96 : i32
    %add3A_1667 = vector.broadcast %add3A_1666 : i32 to vector<16xi32>
    %add3A_1668 = arith.addi %add3A_1667, %iota3A : vector<16xi32>
    %mul3A_1669 = arith.constant 21 : i32
    %mul3A_1670 = vector.broadcast %mul3A_1669 : i32 to vector<16xi32>
    %mul3A_1671 = arith.muli %add3A_1668, %mul3A_1670 : vector<16xi32>
    %add3A_1672 = arith.constant 13 : i32
    %add3A_1673 = vector.broadcast %add3A_1672 : i32 to vector<16xi32>
    %add3A_1674 = arith.addi %mul3A_1671, %add3A_1673 : vector<16xi32>
    %gather3A_1675 = tpu.vector_load_idx %arg7[%add3A_1674] : memref<2688xf32, #tpu.memory_space<vmem>>[vector<16xi32>], vector<16xf32>,
    %add3A_1676 = arith.addf %gather3A_1675, %get3A_15 : vector<16xf32>
    %swap3A_1677 = arith.constant 13 : i32
    %swap3A_1678 = arith.index_cast %swap3A_1677 : i32 to index
    %swap3A_1679 = arith.constant 96 : index
    %swap3A_1680 = tpu.vector_load %arg9[%swap3A_1678, %swap3A_1679] {strides = array<i32>} : memref<21x128xf32, #tpu.memory_space<vmem>>, vector<16xf32>,
    tpu.vector_store %arg9[%swap3A_1678, %swap3A_1679], %add3A_1676 {strides = array<i32>} : memref<21x128xf32, #tpu.memory_space<vmem>>, vector<16xf32>,
    %add3A_1681 = arith.constant 112 : i32
    %add3A_1682 = vector.broadcast %add3A_1681 : i32 to vector<16xi32>
    %add3A_1683 = arith.addi %add3A_1682, %iota3A : vector<16xi32>
    %mul3A_1684 = arith.constant 21 : i32
    %mul3A_1685 = vector.broadcast %mul3A_1684 : i32 to vector<16xi32>
    %mul3A_1686 = arith.muli %add3A_1683, %mul3A_1685 : vector<16xi32>
    %add3A_1687 = arith.constant 13 : i32
    %add3A_1688 = vector.broadcast %add3A_1687 : i32 to vector<16xi32>
    %add3A_1689 = arith.addi %mul3A_1686, %add3A_1688 : vector<16xi32>
    %gather3A_1690 = tpu.vector_load_idx %arg7[%add3A_1689] : memref<2688xf32, #tpu.memory_space<vmem>>[vector<16xi32>], vector<16xf32>,
    %add3A_1691 = arith.addf %gather3A_1690, %get3A_17 : vector<16xf32>
    %swap3A_1692 = arith.constant 13 : i32
    %swap3A_1693 = arith.index_cast %swap3A_1692 : i32 to index
    %swap3A_1694 = arith.constant 112 : index
    %swap3A_1695 = tpu.vector_load %arg9[%swap3A_1693, %swap3A_1694] {strides = array<i32>} : memref<21x128xf32, #tpu.memory_space<vmem>>, vector<16xf32>,
    tpu.vector_store %arg9[%swap3A_1693, %swap3A_1694], %add3A_1691 {strides = array<i32>} : memref<21x128xf32, #tpu.memory_space<vmem>>, vector<16xf32>,
    %add3A_1696 = arith.constant 0 : i32
    %add3A_1697 = vector.broadcast %add3A_1696 : i32 to vector<16xi32>
    %add3A_1698 = arith.addi %add3A_1697, %iota3A : vector<16xi32>
    %mul3A_1699 = arith.constant 21 : i32
    %mul3A_1700 = vector.broadcast %mul3A_1699 : i32 to vector<16xi32>
    %mul3A_1701 = arith.muli %add3A_1698, %mul3A_1700 : vector<16xi32>
    %add3A_1702 = arith.constant 14 : i32
    %add3A_1703 = vector.broadcast %add3A_1702 : i32 to vector<16xi32>
    %add3A_1704 = arith.addi %mul3A_1701, %add3A_1703 : vector<16xi32>
    %gather3A_1705 = tpu.vector_load_idx %arg7[%add3A_1704] : memref<2688xf32, #tpu.memory_space<vmem>>[vector<16xi32>], vector<16xf32>,
    %add3A_1706 = arith.addf %gather3A_1705, %get3A_3 : vector<16xf32>
    %swap3A_1707 = arith.constant 14 : i32
    %swap3A_1708 = arith.index_cast %swap3A_1707 : i32 to index
    %swap3A_1709 = arith.constant 0 : index
    %swap3A_1710 = tpu.vector_load %arg9[%swap3A_1708, %swap3A_1709] {strides = array<i32>} : memref<21x128xf32, #tpu.memory_space<vmem>>, vector<16xf32>,
    tpu.vector_store %arg9[%swap3A_1708, %swap3A_1709], %add3A_1706 {strides = array<i32>} : memref<21x128xf32, #tpu.memory_space<vmem>>, vector<16xf32>,
    %add3A_1711 = arith.constant 16 : i32
    %add3A_1712 = vector.broadcast %add3A_1711 : i32 to vector<16xi32>
    %add3A_1713 = arith.addi %add3A_1712, %iota3A : vector<16xi32>
    %mul3A_1714 = arith.constant 21 : i32
    %mul3A_1715 = vector.broadcast %mul3A_1714 : i32 to vector<16xi32>
    %mul3A_1716 = arith.muli %add3A_1713, %mul3A_1715 : vector<16xi32>
    %add3A_1717 = arith.constant 14 : i32
    %add3A_1718 = vector.broadcast %add3A_1717 : i32 to vector<16xi32>
    %add3A_1719 = arith.addi %mul3A_1716, %add3A_1718 : vector<16xi32>
    %gather3A_1720 = tpu.vector_load_idx %arg7[%add3A_1719] : memref<2688xf32, #tpu.memory_space<vmem>>[vector<16xi32>], vector<16xf32>,
    %add3A_1721 = arith.addf %gather3A_1720, %get3A_5 : vector<16xf32>
    %swap3A_1722 = arith.constant 14 : i32
    %swap3A_1723 = arith.index_cast %swap3A_1722 : i32 to index
    %swap3A_1724 = arith.constant 16 : index
    %swap3A_1725 = tpu.vector_load %arg9[%swap3A_1723, %swap3A_1724] {strides = array<i32>} : memref<21x128xf32, #tpu.memory_space<vmem>>, vector<16xf32>,
    tpu.vector_store %arg9[%swap3A_1723, %swap3A_1724], %add3A_1721 {strides = array<i32>} : memref<21x128xf32, #tpu.memory_space<vmem>>, vector<16xf32>,
    %add3A_1726 = arith.constant 32 : i32
    %add3A_1727 = vector.broadcast %add3A_1726 : i32 to vector<16xi32>
    %add3A_1728 = arith.addi %add3A_1727, %iota3A : vector<16xi32>
    %mul3A_1729 = arith.constant 21 : i32
    %mul3A_1730 = vector.broadcast %mul3A_1729 : i32 to vector<16xi32>
    %mul3A_1731 = arith.muli %add3A_1728, %mul3A_1730 : vector<16xi32>
    %add3A_1732 = arith.constant 14 : i32
    %add3A_1733 = vector.broadcast %add3A_1732 : i32 to vector<16xi32>
    %add3A_1734 = arith.addi %mul3A_1731, %add3A_1733 : vector<16xi32>
    %gather3A_1735 = tpu.vector_load_idx %arg7[%add3A_1734] : memref<2688xf32, #tpu.memory_space<vmem>>[vector<16xi32>], vector<16xf32>,
    %add3A_1736 = arith.addf %gather3A_1735, %get3A_7 : vector<16xf32>
    %swap3A_1737 = arith.constant 14 : i32
    %swap3A_1738 = arith.index_cast %swap3A_1737 : i32 to index
    %swap3A_1739 = arith.constant 32 : index
    %swap3A_1740 = tpu.vector_load %arg9[%swap3A_1738, %swap3A_1739] {strides = array<i32>} : memref<21x128xf32, #tpu.memory_space<vmem>>, vector<16xf32>,
    tpu.vector_store %arg9[%swap3A_1738, %swap3A_1739], %add3A_1736 {strides = array<i32>} : memref<21x128xf32, #tpu.memory_space<vmem>>, vector<16xf32>,
    %add3A_1741 = arith.constant 48 : i32
    %add3A_1742 = vector.broadcast %add3A_1741 : i32 to vector<16xi32>
    %add3A_1743 = arith.addi %add3A_1742, %iota3A : vector<16xi32>
    %mul3A_1744 = arith.constant 21 : i32
    %mul3A_1745 = vector.broadcast %mul3A_1744 : i32 to vector<16xi32>
    %mul3A_1746 = arith.muli %add3A_1743, %mul3A_1745 : vector<16xi32>
    %add3A_1747 = arith.constant 14 : i32
    %add3A_1748 = vector.broadcast %add3A_1747 : i32 to vector<16xi32>
    %add3A_1749 = arith.addi %mul3A_1746, %add3A_1748 : vector<16xi32>
    %gather3A_1750 = tpu.vector_load_idx %arg7[%add3A_1749] : memref<2688xf32, #tpu.memory_space<vmem>>[vector<16xi32>], vector<16xf32>,
    %add3A_1751 = arith.addf %gather3A_1750, %get3A_9 : vector<16xf32>
    %swap3A_1752 = arith.constant 14 : i32
    %swap3A_1753 = arith.index_cast %swap3A_1752 : i32 to index
    %swap3A_1754 = arith.constant 48 : index
    %swap3A_1755 = tpu.vector_load %arg9[%swap3A_1753, %swap3A_1754] {strides = array<i32>} : memref<21x128xf32, #tpu.memory_space<vmem>>, vector<16xf32>,
    tpu.vector_store %arg9[%swap3A_1753, %swap3A_1754], %add3A_1751 {strides = array<i32>} : memref<21x128xf32, #tpu.memory_space<vmem>>, vector<16xf32>,
    %add3A_1756 = arith.constant 64 : i32
    %add3A_1757 = vector.broadcast %add3A_1756 : i32 to vector<16xi32>
    %add3A_1758 = arith.addi %add3A_1757, %iota3A : vector<16xi32>
    %mul3A_1759 = arith.constant 21 : i32
    %mul3A_1760 = vector.broadcast %mul3A_1759 : i32 to vector<16xi32>
    %mul3A_1761 = arith.muli %add3A_1758, %mul3A_1760 : vector<16xi32>
    %add3A_1762 = arith.constant 14 : i32
    %add3A_1763 = vector.broadcast %add3A_1762 : i32 to vector<16xi32>
    %add3A_1764 = arith.addi %mul3A_1761, %add3A_1763 : vector<16xi32>
    %gather3A_1765 = tpu.vector_load_idx %arg7[%add3A_1764] : memref<2688xf32, #tpu.memory_space<vmem>>[vector<16xi32>], vector<16xf32>,
    %add3A_1766 = arith.addf %gather3A_1765, %get3A_11 : vector<16xf32>
    %swap3A_1767 = arith.constant 14 : i32
    %swap3A_1768 = arith.index_cast %swap3A_1767 : i32 to index
    %swap3A_1769 = arith.constant 64 : index
    %swap3A_1770 = tpu.vector_load %arg9[%swap3A_1768, %swap3A_1769] {strides = array<i32>} : memref<21x128xf32, #tpu.memory_space<vmem>>, vector<16xf32>,
    tpu.vector_store %arg9[%swap3A_1768, %swap3A_1769], %add3A_1766 {strides = array<i32>} : memref<21x128xf32, #tpu.memory_space<vmem>>, vector<16xf32>,
    %add3A_1771 = arith.constant 80 : i32
    %add3A_1772 = vector.broadcast %add3A_1771 : i32 to vector<16xi32>
    %add3A_1773 = arith.addi %add3A_1772, %iota3A : vector<16xi32>
    %mul3A_1774 = arith.constant 21 : i32
    %mul3A_1775 = vector.broadcast %mul3A_1774 : i32 to vector<16xi32>
    %mul3A_1776 = arith.muli %add3A_1773, %mul3A_1775 : vector<16xi32>
    %add3A_1777 = arith.constant 14 : i32
    %add3A_1778 = vector.broadcast %add3A_1777 : i32 to vector<16xi32>
    %add3A_1779 = arith.addi %mul3A_1776, %add3A_1778 : vector<16xi32>
    %gather3A_1780 = tpu.vector_load_idx %arg7[%add3A_1779] : memref<2688xf32, #tpu.memory_space<vmem>>[vector<16xi32>], vector<16xf32>,
    %add3A_1781 = arith.addf %gather3A_1780, %get3A_13 : vector<16xf32>
    %swap3A_1782 = arith.constant 14 : i32
    %swap3A_1783 = arith.index_cast %swap3A_1782 : i32 to index
    %swap3A_1784 = arith.constant 80 : index
    %swap3A_1785 = tpu.vector_load %arg9[%swap3A_1783, %swap3A_1784] {strides = array<i32>} : memref<21x128xf32, #tpu.memory_space<vmem>>, vector<16xf32>,
    tpu.vector_store %arg9[%swap3A_1783, %swap3A_1784], %add3A_1781 {strides = array<i32>} : memref<21x128xf32, #tpu.memory_space<vmem>>, vector<16xf32>,
    %add3A_1786 = arith.constant 96 : i32
    %add3A_1787 = vector.broadcast %add3A_1786 : i32 to vector<16xi32>
    %add3A_1788 = arith.addi %add3A_1787, %iota3A : vector<16xi32>
    %mul3A_1789 = arith.constant 21 : i32
    %mul3A_1790 = vector.broadcast %mul3A_1789 : i32 to vector<16xi32>
    %mul3A_1791 = arith.muli %add3A_1788, %mul3A_1790 : vector<16xi32>
    %add3A_1792 = arith.constant 14 : i32
    %add3A_1793 = vector.broadcast %add3A_1792 : i32 to vector<16xi32>
    %add3A_1794 = arith.addi %mul3A_1791, %add3A_1793 : vector<16xi32>
    %gather3A_1795 = tpu.vector_load_idx %arg7[%add3A_1794] : memref<2688xf32, #tpu.memory_space<vmem>>[vector<16xi32>], vector<16xf32>,
    %add3A_1796 = arith.addf %gather3A_1795, %get3A_15 : vector<16xf32>
    %swap3A_1797 = arith.constant 14 : i32
    %swap3A_1798 = arith.index_cast %swap3A_1797 : i32 to index
    %swap3A_1799 = arith.constant 96 : index
    %swap3A_1800 = tpu.vector_load %arg9[%swap3A_1798, %swap3A_1799] {strides = array<i32>} : memref<21x128xf32, #tpu.memory_space<vmem>>, vector<16xf32>,
    tpu.vector_store %arg9[%swap3A_1798, %swap3A_1799], %add3A_1796 {strides = array<i32>} : memref<21x128xf32, #tpu.memory_space<vmem>>, vector<16xf32>,
    %add3A_1801 = arith.constant 112 : i32
    %add3A_1802 = vector.broadcast %add3A_1801 : i32 to vector<16xi32>
    %add3A_1803 = arith.addi %add3A_1802, %iota3A : vector<16xi32>
    %mul3A_1804 = arith.constant 21 : i32
    %mul3A_1805 = vector.broadcast %mul3A_1804 : i32 to vector<16xi32>
    %mul3A_1806 = arith.muli %add3A_1803, %mul3A_1805 : vector<16xi32>
    %add3A_1807 = arith.constant 14 : i32
    %add3A_1808 = vector.broadcast %add3A_1807 : i32 to vector<16xi32>
    %add3A_1809 = arith.addi %mul3A_1806, %add3A_1808 : vector<16xi32>
    %gather3A_1810 = tpu.vector_load_idx %arg7[%add3A_1809] : memref<2688xf32, #tpu.memory_space<vmem>>[vector<16xi32>], vector<16xf32>,
    %add3A_1811 = arith.addf %gather3A_1810, %get3A_17 : vector<16xf32>
    %swap3A_1812 = arith.constant 14 : i32
    %swap3A_1813 = arith.index_cast %swap3A_1812 : i32 to index
    %swap3A_1814 = arith.constant 112 : index
    %swap3A_1815 = tpu.vector_load %arg9[%swap3A_1813, %swap3A_1814] {strides = array<i32>} : memref<21x128xf32, #tpu.memory_space<vmem>>, vector<16xf32>,
    tpu.vector_store %arg9[%swap3A_1813, %swap3A_1814], %add3A_1811 {strides = array<i32>} : memref<21x128xf32, #tpu.memory_space<vmem>>, vector<16xf32>,
    %add3A_1816 = arith.constant 0 : i32
    %add3A_1817 = vector.broadcast %add3A_1816 : i32 to vector<16xi32>
    %add3A_1818 = arith.addi %add3A_1817, %iota3A : vector<16xi32>
    %mul3A_1819 = arith.constant 21 : i32
    %mul3A_1820 = vector.broadcast %mul3A_1819 : i32 to vector<16xi32>
    %mul3A_1821 = arith.muli %add3A_1818, %mul3A_1820 : vector<16xi32>
    %add3A_1822 = arith.constant 15 : i32
    %add3A_1823 = vector.broadcast %add3A_1822 : i32 to vector<16xi32>
    %add3A_1824 = arith.addi %mul3A_1821, %add3A_1823 : vector<16xi32>
    %gather3A_1825 = tpu.vector_load_idx %arg7[%add3A_1824] : memref<2688xf32, #tpu.memory_space<vmem>>[vector<16xi32>], vector<16xf32>,
    %add3A_1826 = arith.addf %gather3A_1825, %get3A_3 : vector<16xf32>
    %swap3A_1827 = arith.constant 15 : i32
    %swap3A_1828 = arith.index_cast %swap3A_1827 : i32 to index
    %swap3A_1829 = arith.constant 0 : index
    %swap3A_1830 = tpu.vector_load %arg9[%swap3A_1828, %swap3A_1829] {strides = array<i32>} : memref<21x128xf32, #tpu.memory_space<vmem>>, vector<16xf32>,
    tpu.vector_store %arg9[%swap3A_1828, %swap3A_1829], %add3A_1826 {strides = array<i32>} : memref<21x128xf32, #tpu.memory_space<vmem>>, vector<16xf32>,
    %add3A_1831 = arith.constant 16 : i32
    %add3A_1832 = vector.broadcast %add3A_1831 : i32 to vector<16xi32>
    %add3A_1833 = arith.addi %add3A_1832, %iota3A : vector<16xi32>
    %mul3A_1834 = arith.constant 21 : i32
    %mul3A_1835 = vector.broadcast %mul3A_1834 : i32 to vector<16xi32>
    %mul3A_1836 = arith.muli %add3A_1833, %mul3A_1835 : vector<16xi32>
    %add3A_1837 = arith.constant 15 : i32
    %add3A_1838 = vector.broadcast %add3A_1837 : i32 to vector<16xi32>
    %add3A_1839 = arith.addi %mul3A_1836, %add3A_1838 : vector<16xi32>
    %gather3A_1840 = tpu.vector_load_idx %arg7[%add3A_1839] : memref<2688xf32, #tpu.memory_space<vmem>>[vector<16xi32>], vector<16xf32>,
    %add3A_1841 = arith.addf %gather3A_1840, %get3A_5 : vector<16xf32>
    %swap3A_1842 = arith.constant 15 : i32
    %swap3A_1843 = arith.index_cast %swap3A_1842 : i32 to index
    %swap3A_1844 = arith.constant 16 : index
    %swap3A_1845 = tpu.vector_load %arg9[%swap3A_1843, %swap3A_1844] {strides = array<i32>} : memref<21x128xf32, #tpu.memory_space<vmem>>, vector<16xf32>,
    tpu.vector_store %arg9[%swap3A_1843, %swap3A_1844], %add3A_1841 {strides = array<i32>} : memref<21x128xf32, #tpu.memory_space<vmem>>, vector<16xf32>,
    %add3A_1846 = arith.constant 32 : i32
    %add3A_1847 = vector.broadcast %add3A_1846 : i32 to vector<16xi32>
    %add3A_1848 = arith.addi %add3A_1847, %iota3A : vector<16xi32>
    %mul3A_1849 = arith.constant 21 : i32
    %mul3A_1850 = vector.broadcast %mul3A_1849 : i32 to vector<16xi32>
    %mul3A_1851 = arith.muli %add3A_1848, %mul3A_1850 : vector<16xi32>
    %add3A_1852 = arith.constant 15 : i32
    %add3A_1853 = vector.broadcast %add3A_1852 : i32 to vector<16xi32>
    %add3A_1854 = arith.addi %mul3A_1851, %add3A_1853 : vector<16xi32>
    %gather3A_1855 = tpu.vector_load_idx %arg7[%add3A_1854] : memref<2688xf32, #tpu.memory_space<vmem>>[vector<16xi32>], vector<16xf32>,
    %add3A_1856 = arith.addf %gather3A_1855, %get3A_7 : vector<16xf32>
    %swap3A_1857 = arith.constant 15 : i32
    %swap3A_1858 = arith.index_cast %swap3A_1857 : i32 to index
    %swap3A_1859 = arith.constant 32 : index
    %swap3A_1860 = tpu.vector_load %arg9[%swap3A_1858, %swap3A_1859] {strides = array<i32>} : memref<21x128xf32, #tpu.memory_space<vmem>>, vector<16xf32>,
    tpu.vector_store %arg9[%swap3A_1858, %swap3A_1859], %add3A_1856 {strides = array<i32>} : memref<21x128xf32, #tpu.memory_space<vmem>>, vector<16xf32>,
    %add3A_1861 = arith.constant 48 : i32
    %add3A_1862 = vector.broadcast %add3A_1861 : i32 to vector<16xi32>
    %add3A_1863 = arith.addi %add3A_1862, %iota3A : vector<16xi32>
    %mul3A_1864 = arith.constant 21 : i32
    %mul3A_1865 = vector.broadcast %mul3A_1864 : i32 to vector<16xi32>
    %mul3A_1866 = arith.muli %add3A_1863, %mul3A_1865 : vector<16xi32>
    %add3A_1867 = arith.constant 15 : i32
    %add3A_1868 = vector.broadcast %add3A_1867 : i32 to vector<16xi32>
    %add3A_1869 = arith.addi %mul3A_1866, %add3A_1868 : vector<16xi32>
    %gather3A_1870 = tpu.vector_load_idx %arg7[%add3A_1869] : memref<2688xf32, #tpu.memory_space<vmem>>[vector<16xi32>], vector<16xf32>,
    %add3A_1871 = arith.addf %gather3A_1870, %get3A_9 : vector<16xf32>
    %swap3A_1872 = arith.constant 15 : i32
    %swap3A_1873 = arith.index_cast %swap3A_1872 : i32 to index
    %swap3A_1874 = arith.constant 48 : index
    %swap3A_1875 = tpu.vector_load %arg9[%swap3A_1873, %swap3A_1874] {strides = array<i32>} : memref<21x128xf32, #tpu.memory_space<vmem>>, vector<16xf32>,
    tpu.vector_store %arg9[%swap3A_1873, %swap3A_1874], %add3A_1871 {strides = array<i32>} : memref<21x128xf32, #tpu.memory_space<vmem>>, vector<16xf32>,
    %add3A_1876 = arith.constant 64 : i32
    %add3A_1877 = vector.broadcast %add3A_1876 : i32 to vector<16xi32>
    %add3A_1878 = arith.addi %add3A_1877, %iota3A : vector<16xi32>
    %mul3A_1879 = arith.constant 21 : i32
    %mul3A_1880 = vector.broadcast %mul3A_1879 : i32 to vector<16xi32>
    %mul3A_1881 = arith.muli %add3A_1878, %mul3A_1880 : vector<16xi32>
    %add3A_1882 = arith.constant 15 : i32
    %add3A_1883 = vector.broadcast %add3A_1882 : i32 to vector<16xi32>
    %add3A_1884 = arith.addi %mul3A_1881, %add3A_1883 : vector<16xi32>
    %gather3A_1885 = tpu.vector_load_idx %arg7[%add3A_1884] : memref<2688xf32, #tpu.memory_space<vmem>>[vector<16xi32>], vector<16xf32>,
    %add3A_1886 = arith.addf %gather3A_1885, %get3A_11 : vector<16xf32>
    %swap3A_1887 = arith.constant 15 : i32
    %swap3A_1888 = arith.index_cast %swap3A_1887 : i32 to index
    %swap3A_1889 = arith.constant 64 : index
    %swap3A_1890 = tpu.vector_load %arg9[%swap3A_1888, %swap3A_1889] {strides = array<i32>} : memref<21x128xf32, #tpu.memory_space<vmem>>, vector<16xf32>,
    tpu.vector_store %arg9[%swap3A_1888, %swap3A_1889], %add3A_1886 {strides = array<i32>} : memref<21x128xf32, #tpu.memory_space<vmem>>, vector<16xf32>,
    %add3A_1891 = arith.constant 80 : i32
    %add3A_1892 = vector.broadcast %add3A_1891 : i32 to vector<16xi32>
    %add3A_1893 = arith.addi %add3A_1892, %iota3A : vector<16xi32>
    %mul3A_1894 = arith.constant 21 : i32
    %mul3A_1895 = vector.broadcast %mul3A_1894 : i32 to vector<16xi32>
    %mul3A_1896 = arith.muli %add3A_1893, %mul3A_1895 : vector<16xi32>
    %add3A_1897 = arith.constant 15 : i32
    %add3A_1898 = vector.broadcast %add3A_1897 : i32 to vector<16xi32>
    %add3A_1899 = arith.addi %mul3A_1896, %add3A_1898 : vector<16xi32>
    %gather3A_1900 = tpu.vector_load_idx %arg7[%add3A_1899] : memref<2688xf32, #tpu.memory_space<vmem>>[vector<16xi32>], vector<16xf32>,
    %add3A_1901 = arith.addf %gather3A_1900, %get3A_13 : vector<16xf32>
    %swap3A_1902 = arith.constant 15 : i32
    %swap3A_1903 = arith.index_cast %swap3A_1902 : i32 to index
    %swap3A_1904 = arith.constant 80 : index
    %swap3A_1905 = tpu.vector_load %arg9[%swap3A_1903, %swap3A_1904] {strides = array<i32>} : memref<21x128xf32, #tpu.memory_space<vmem>>, vector<16xf32>,
    tpu.vector_store %arg9[%swap3A_1903, %swap3A_1904], %add3A_1901 {strides = array<i32>} : memref<21x128xf32, #tpu.memory_space<vmem>>, vector<16xf32>,
    %add3A_1906 = arith.constant 96 : i32
    %add3A_1907 = vector.broadcast %add3A_1906 : i32 to vector<16xi32>
    %add3A_1908 = arith.addi %add3A_1907, %iota3A : vector<16xi32>
    %mul3A_1909 = arith.constant 21 : i32
    %mul3A_1910 = vector.broadcast %mul3A_1909 : i32 to vector<16xi32>
    %mul3A_1911 = arith.muli %add3A_1908, %mul3A_1910 : vector<16xi32>
    %add3A_1912 = arith.constant 15 : i32
    %add3A_1913 = vector.broadcast %add3A_1912 : i32 to vector<16xi32>
    %add3A_1914 = arith.addi %mul3A_1911, %add3A_1913 : vector<16xi32>
    %gather3A_1915 = tpu.vector_load_idx %arg7[%add3A_1914] : memref<2688xf32, #tpu.memory_space<vmem>>[vector<16xi32>], vector<16xf32>,
    %add3A_1916 = arith.addf %gather3A_1915, %get3A_15 : vector<16xf32>
    %swap3A_1917 = arith.constant 15 : i32
    %swap3A_1918 = arith.index_cast %swap3A_1917 : i32 to index
    %swap3A_1919 = arith.constant 96 : index
    %swap3A_1920 = tpu.vector_load %arg9[%swap3A_1918, %swap3A_1919] {strides = array<i32>} : memref<21x128xf32, #tpu.memory_space<vmem>>, vector<16xf32>,
    tpu.vector_store %arg9[%swap3A_1918, %swap3A_1919], %add3A_1916 {strides = array<i32>} : memref<21x128xf32, #tpu.memory_space<vmem>>, vector<16xf32>,
    %add3A_1921 = arith.constant 112 : i32
    %add3A_1922 = vector.broadcast %add3A_1921 : i32 to vector<16xi32>
    %add3A_1923 = arith.addi %add3A_1922, %iota3A : vector<16xi32>
    %mul3A_1924 = arith.constant 21 : i32
    %mul3A_1925 = vector.broadcast %mul3A_1924 : i32 to vector<16xi32>
    %mul3A_1926 = arith.muli %add3A_1923, %mul3A_1925 : vector<16xi32>
    %add3A_1927 = arith.constant 15 : i32
    %add3A_1928 = vector.broadcast %add3A_1927 : i32 to vector<16xi32>
    %add3A_1929 = arith.addi %mul3A_1926, %add3A_1928 : vector<16xi32>
    %gather3A_1930 = tpu.vector_load_idx %arg7[%add3A_1929] : memref<2688xf32, #tpu.memory_space<vmem>>[vector<16xi32>], vector<16xf32>,
    %add3A_1931 = arith.addf %gather3A_1930, %get3A_17 : vector<16xf32>
    %swap3A_1932 = arith.constant 15 : i32
    %swap3A_1933 = arith.index_cast %swap3A_1932 : i32 to index
    %swap3A_1934 = arith.constant 112 : index
    %swap3A_1935 = tpu.vector_load %arg9[%swap3A_1933, %swap3A_1934] {strides = array<i32>} : memref<21x128xf32, #tpu.memory_space<vmem>>, vector<16xf32>,
    tpu.vector_store %arg9[%swap3A_1933, %swap3A_1934], %add3A_1931 {strides = array<i32>} : memref<21x128xf32, #tpu.memory_space<vmem>>, vector<16xf32>,
    %add3A_1936 = arith.constant 0 : i32
    %add3A_1937 = vector.broadcast %add3A_1936 : i32 to vector<16xi32>
    %add3A_1938 = arith.addi %add3A_1937, %iota3A : vector<16xi32>
    %mul3A_1939 = arith.constant 21 : i32
    %mul3A_1940 = vector.broadcast %mul3A_1939 : i32 to vector<16xi32>
    %mul3A_1941 = arith.muli %add3A_1938, %mul3A_1940 : vector<16xi32>
    %add3A_1942 = arith.constant 16 : i32
    %add3A_1943 = vector.broadcast %add3A_1942 : i32 to vector<16xi32>
    %add3A_1944 = arith.addi %mul3A_1941, %add3A_1943 : vector<16xi32>
    %gather3A_1945 = tpu.vector_load_idx %arg7[%add3A_1944] : memref<2688xf32, #tpu.memory_space<vmem>>[vector<16xi32>], vector<16xf32>,
    %add3A_1946 = arith.addf %gather3A_1945, %get3A_3 : vector<16xf32>
    %swap3A_1947 = arith.constant 16 : i32
    %swap3A_1948 = arith.index_cast %swap3A_1947 : i32 to index
    %swap3A_1949 = arith.constant 0 : index
    %swap3A_1950 = tpu.vector_load %arg9[%swap3A_1948, %swap3A_1949] {strides = array<i32>} : memref<21x128xf32, #tpu.memory_space<vmem>>, vector<16xf32>,
    tpu.vector_store %arg9[%swap3A_1948, %swap3A_1949], %add3A_1946 {strides = array<i32>} : memref<21x128xf32, #tpu.memory_space<vmem>>, vector<16xf32>,
    %add3A_1951 = arith.constant 16 : i32
    %add3A_1952 = vector.broadcast %add3A_1951 : i32 to vector<16xi32>
    %add3A_1953 = arith.addi %add3A_1952, %iota3A : vector<16xi32>
    %mul3A_1954 = arith.constant 21 : i32
    %mul3A_1955 = vector.broadcast %mul3A_1954 : i32 to vector<16xi32>
    %mul3A_1956 = arith.muli %add3A_1953, %mul3A_1955 : vector<16xi32>
    %add3A_1957 = arith.constant 16 : i32
    %add3A_1958 = vector.broadcast %add3A_1957 : i32 to vector<16xi32>
    %add3A_1959 = arith.addi %mul3A_1956, %add3A_1958 : vector<16xi32>
    %gather3A_1960 = tpu.vector_load_idx %arg7[%add3A_1959] : memref<2688xf32, #tpu.memory_space<vmem>>[vector<16xi32>], vector<16xf32>,
    %add3A_1961 = arith.addf %gather3A_1960, %get3A_5 : vector<16xf32>
    %swap3A_1962 = arith.constant 16 : i32
    %swap3A_1963 = arith.index_cast %swap3A_1962 : i32 to index
    %swap3A_1964 = arith.constant 16 : index
    %swap3A_1965 = tpu.vector_load %arg9[%swap3A_1963, %swap3A_1964] {strides = array<i32>} : memref<21x128xf32, #tpu.memory_space<vmem>>, vector<16xf32>,
    tpu.vector_store %arg9[%swap3A_1963, %swap3A_1964], %add3A_1961 {strides = array<i32>} : memref<21x128xf32, #tpu.memory_space<vmem>>, vector<16xf32>,
    %add3A_1966 = arith.constant 32 : i32
    %add3A_1967 = vector.broadcast %add3A_1966 : i32 to vector<16xi32>
    %add3A_1968 = arith.addi %add3A_1967, %iota3A : vector<16xi32>
    %mul3A_1969 = arith.constant 21 : i32
    %mul3A_1970 = vector.broadcast %mul3A_1969 : i32 to vector<16xi32>
    %mul3A_1971 = arith.muli %add3A_1968, %mul3A_1970 : vector<16xi32>
    %add3A_1972 = arith.constant 16 : i32
    %add3A_1973 = vector.broadcast %add3A_1972 : i32 to vector<16xi32>
    %add3A_1974 = arith.addi %mul3A_1971, %add3A_1973 : vector<16xi32>
    %gather3A_1975 = tpu.vector_load_idx %arg7[%add3A_1974] : memref<2688xf32, #tpu.memory_space<vmem>>[vector<16xi32>], vector<16xf32>,
    %add3A_1976 = arith.addf %gather3A_1975, %get3A_7 : vector<16xf32>
    %swap3A_1977 = arith.constant 16 : i32
    %swap3A_1978 = arith.index_cast %swap3A_1977 : i32 to index
    %swap3A_1979 = arith.constant 32 : index
    %swap3A_1980 = tpu.vector_load %arg9[%swap3A_1978, %swap3A_1979] {strides = array<i32>} : memref<21x128xf32, #tpu.memory_space<vmem>>, vector<16xf32>,
    tpu.vector_store %arg9[%swap3A_1978, %swap3A_1979], %add3A_1976 {strides = array<i32>} : memref<21x128xf32, #tpu.memory_space<vmem>>, vector<16xf32>,
    %add3A_1981 = arith.constant 48 : i32
    %add3A_1982 = vector.broadcast %add3A_1981 : i32 to vector<16xi32>
    %add3A_1983 = arith.addi %add3A_1982, %iota3A : vector<16xi32>
    %mul3A_1984 = arith.constant 21 : i32
    %mul3A_1985 = vector.broadcast %mul3A_1984 : i32 to vector<16xi32>
    %mul3A_1986 = arith.muli %add3A_1983, %mul3A_1985 : vector<16xi32>
    %add3A_1987 = arith.constant 16 : i32
    %add3A_1988 = vector.broadcast %add3A_1987 : i32 to vector<16xi32>
    %add3A_1989 = arith.addi %mul3A_1986, %add3A_1988 : vector<16xi32>
    %gather3A_1990 = tpu.vector_load_idx %arg7[%add3A_1989] : memref<2688xf32, #tpu.memory_space<vmem>>[vector<16xi32>], vector<16xf32>,
    %add3A_1991 = arith.addf %gather3A_1990, %get3A_9 : vector<16xf32>
    %swap3A_1992 = arith.constant 16 : i32
    %swap3A_1993 = arith.index_cast %swap3A_1992 : i32 to index
    %swap3A_1994 = arith.constant 48 : index
    %swap3A_1995 = tpu.vector_load %arg9[%swap3A_1993, %swap3A_1994] {strides = array<i32>} : memref<21x128xf32, #tpu.memory_space<vmem>>, vector<16xf32>,
    tpu.vector_store %arg9[%swap3A_1993, %swap3A_1994], %add3A_1991 {strides = array<i32>} : memref<21x128xf32, #tpu.memory_space<vmem>>, vector<16xf32>,
    %add3A_1996 = arith.constant 64 : i32
    %add3A_1997 = vector.broadcast %add3A_1996 : i32 to vector<16xi32>
    %add3A_1998 = arith.addi %add3A_1997, %iota3A : vector<16xi32>
    %mul3A_1999 = arith.constant 21 : i32
    %mul3A_2000 = vector.broadcast %mul3A_1999 : i32 to vector<16xi32>
    %mul3A_2001 = arith.muli %add3A_1998, %mul3A_2000 : vector<16xi32>
    %add3A_2002 = arith.constant 16 : i32
    %add3A_2003 = vector.broadcast %add3A_2002 : i32 to vector<16xi32>
    %add3A_2004 = arith.addi %mul3A_2001, %add3A_2003 : vector<16xi32>
    %gather3A_2005 = tpu.vector_load_idx %arg7[%add3A_2004] : memref<2688xf32, #tpu.memory_space<vmem>>[vector<16xi32>], vector<16xf32>,
    %add3A_2006 = arith.addf %gather3A_2005, %get3A_11 : vector<16xf32>
    %swap3A_2007 = arith.constant 16 : i32
    %swap3A_2008 = arith.index_cast %swap3A_2007 : i32 to index
    %swap3A_2009 = arith.constant 64 : index
    %swap3A_2010 = tpu.vector_load %arg9[%swap3A_2008, %swap3A_2009] {strides = array<i32>} : memref<21x128xf32, #tpu.memory_space<vmem>>, vector<16xf32>,
    tpu.vector_store %arg9[%swap3A_2008, %swap3A_2009], %add3A_2006 {strides = array<i32>} : memref<21x128xf32, #tpu.memory_space<vmem>>, vector<16xf32>,
    %add3A_2011 = arith.constant 80 : i32
    %add3A_2012 = vector.broadcast %add3A_2011 : i32 to vector<16xi32>
    %add3A_2013 = arith.addi %add3A_2012, %iota3A : vector<16xi32>
    %mul3A_2014 = arith.constant 21 : i32
    %mul3A_2015 = vector.broadcast %mul3A_2014 : i32 to vector<16xi32>
    %mul3A_2016 = arith.muli %add3A_2013, %mul3A_2015 : vector<16xi32>
    %add3A_2017 = arith.constant 16 : i32
    %add3A_2018 = vector.broadcast %add3A_2017 : i32 to vector<16xi32>
    %add3A_2019 = arith.addi %mul3A_2016, %add3A_2018 : vector<16xi32>
    %gather3A_2020 = tpu.vector_load_idx %arg7[%add3A_2019] : memref<2688xf32, #tpu.memory_space<vmem>>[vector<16xi32>], vector<16xf32>,
    %add3A_2021 = arith.addf %gather3A_2020, %get3A_13 : vector<16xf32>
    %swap3A_2022 = arith.constant 16 : i32
    %swap3A_2023 = arith.index_cast %swap3A_2022 : i32 to index
    %swap3A_2024 = arith.constant 80 : index
    %swap3A_2025 = tpu.vector_load %arg9[%swap3A_2023, %swap3A_2024] {strides = array<i32>} : memref<21x128xf32, #tpu.memory_space<vmem>>, vector<16xf32>,
    tpu.vector_store %arg9[%swap3A_2023, %swap3A_2024], %add3A_2021 {strides = array<i32>} : memref<21x128xf32, #tpu.memory_space<vmem>>, vector<16xf32>,
    %add3A_2026 = arith.constant 96 : i32
    %add3A_2027 = vector.broadcast %add3A_2026 : i32 to vector<16xi32>
    %add3A_2028 = arith.addi %add3A_2027, %iota3A : vector<16xi32>
    %mul3A_2029 = arith.constant 21 : i32
    %mul3A_2030 = vector.broadcast %mul3A_2029 : i32 to vector<16xi32>
    %mul3A_2031 = arith.muli %add3A_2028, %mul3A_2030 : vector<16xi32>
    %add3A_2032 = arith.constant 16 : i32
    %add3A_2033 = vector.broadcast %add3A_2032 : i32 to vector<16xi32>
    %add3A_2034 = arith.addi %mul3A_2031, %add3A_2033 : vector<16xi32>
    %gather3A_2035 = tpu.vector_load_idx %arg7[%add3A_2034] : memref<2688xf32, #tpu.memory_space<vmem>>[vector<16xi32>], vector<16xf32>,
    %add3A_2036 = arith.addf %gather3A_2035, %get3A_15 : vector<16xf32>
    %swap3A_2037 = arith.constant 16 : i32
    %swap3A_2038 = arith.index_cast %swap3A_2037 : i32 to index
    %swap3A_2039 = arith.constant 96 : index
    %swap3A_2040 = tpu.vector_load %arg9[%swap3A_2038, %swap3A_2039] {strides = array<i32>} : memref<21x128xf32, #tpu.memory_space<vmem>>, vector<16xf32>,
    tpu.vector_store %arg9[%swap3A_2038, %swap3A_2039], %add3A_2036 {strides = array<i32>} : memref<21x128xf32, #tpu.memory_space<vmem>>, vector<16xf32>,
    %add3A_2041 = arith.constant 112 : i32
    %add3A_2042 = vector.broadcast %add3A_2041 : i32 to vector<16xi32>
    %add3A_2043 = arith.addi %add3A_2042, %iota3A : vector<16xi32>
    %mul3A_2044 = arith.constant 21 : i32
    %mul3A_2045 = vector.broadcast %mul3A_2044 : i32 to vector<16xi32>
    %mul3A_2046 = arith.muli %add3A_2043, %mul3A_2045 : vector<16xi32>
    %add3A_2047 = arith.constant 16 : i32
    %add3A_2048 = vector.broadcast %add3A_2047 : i32 to vector<16xi32>
    %add3A_2049 = arith.addi %mul3A_2046, %add3A_2048 : vector<16xi32>
    %gather3A_2050 = tpu.vector_load_idx %arg7[%add3A_2049] : memref<2688xf32, #tpu.memory_space<vmem>>[vector<16xi32>], vector<16xf32>,
    %add3A_2051 = arith.addf %gather3A_2050, %get3A_17 : vector<16xf32>
    %swap3A_2052 = arith.constant 16 : i32
    %swap3A_2053 = arith.index_cast %swap3A_2052 : i32 to index
    %swap3A_2054 = arith.constant 112 : index
    %swap3A_2055 = tpu.vector_load %arg9[%swap3A_2053, %swap3A_2054] {strides = array<i32>} : memref<21x128xf32, #tpu.memory_space<vmem>>, vector<16xf32>,
    tpu.vector_store %arg9[%swap3A_2053, %swap3A_2054], %add3A_2051 {strides = array<i32>} : memref<21x128xf32, #tpu.memory_space<vmem>>, vector<16xf32>,
    %add3A_2056 = arith.constant 0 : i32
    %add3A_2057 = vector.broadcast %add3A_2056 : i32 to vector<16xi32>
    %add3A_2058 = arith.addi %add3A_2057, %iota3A : vector<16xi32>
    %mul3A_2059 = arith.constant 21 : i32
    %mul3A_2060 = vector.broadcast %mul3A_2059 : i32 to vector<16xi32>
    %mul3A_2061 = arith.muli %add3A_2058, %mul3A_2060 : vector<16xi32>
    %add3A_2062 = arith.constant 17 : i32
    %add3A_2063 = vector.broadcast %add3A_2062 : i32 to vector<16xi32>
    %add3A_2064 = arith.addi %mul3A_2061, %add3A_2063 : vector<16xi32>
    %gather3A_2065 = tpu.vector_load_idx %arg7[%add3A_2064] : memref<2688xf32, #tpu.memory_space<vmem>>[vector<16xi32>], vector<16xf32>,
    %add3A_2066 = arith.addf %gather3A_2065, %get3A_3 : vector<16xf32>
    %swap3A_2067 = arith.constant 17 : i32
    %swap3A_2068 = arith.index_cast %swap3A_2067 : i32 to index
    %swap3A_2069 = arith.constant 0 : index
    %swap3A_2070 = tpu.vector_load %arg9[%swap3A_2068, %swap3A_2069] {strides = array<i32>} : memref<21x128xf32, #tpu.memory_space<vmem>>, vector<16xf32>,
    tpu.vector_store %arg9[%swap3A_2068, %swap3A_2069], %add3A_2066 {strides = array<i32>} : memref<21x128xf32, #tpu.memory_space<vmem>>, vector<16xf32>,
    %add3A_2071 = arith.constant 16 : i32
    %add3A_2072 = vector.broadcast %add3A_2071 : i32 to vector<16xi32>
    %add3A_2073 = arith.addi %add3A_2072, %iota3A : vector<16xi32>
    %mul3A_2074 = arith.constant 21 : i32
    %mul3A_2075 = vector.broadcast %mul3A_2074 : i32 to vector<16xi32>
    %mul3A_2076 = arith.muli %add3A_2073, %mul3A_2075 : vector<16xi32>
    %add3A_2077 = arith.constant 17 : i32
    %add3A_2078 = vector.broadcast %add3A_2077 : i32 to vector<16xi32>
    %add3A_2079 = arith.addi %mul3A_2076, %add3A_2078 : vector<16xi32>
    %gather3A_2080 = tpu.vector_load_idx %arg7[%add3A_2079] : memref<2688xf32, #tpu.memory_space<vmem>>[vector<16xi32>], vector<16xf32>,
    %add3A_2081 = arith.addf %gather3A_2080, %get3A_5 : vector<16xf32>
    %swap3A_2082 = arith.constant 17 : i32
    %swap3A_2083 = arith.index_cast %swap3A_2082 : i32 to index
    %swap3A_2084 = arith.constant 16 : index
    %swap3A_2085 = tpu.vector_load %arg9[%swap3A_2083, %swap3A_2084] {strides = array<i32>} : memref<21x128xf32, #tpu.memory_space<vmem>>, vector<16xf32>,
    tpu.vector_store %arg9[%swap3A_2083, %swap3A_2084], %add3A_2081 {strides = array<i32>} : memref<21x128xf32, #tpu.memory_space<vmem>>, vector<16xf32>,
    %add3A_2086 = arith.constant 32 : i32
    %add3A_2087 = vector.broadcast %add3A_2086 : i32 to vector<16xi32>
    %add3A_2088 = arith.addi %add3A_2087, %iota3A : vector<16xi32>
    %mul3A_2089 = arith.constant 21 : i32
    %mul3A_2090 = vector.broadcast %mul3A_2089 : i32 to vector<16xi32>
    %mul3A_2091 = arith.muli %add3A_2088, %mul3A_2090 : vector<16xi32>
    %add3A_2092 = arith.constant 17 : i32
    %add3A_2093 = vector.broadcast %add3A_2092 : i32 to vector<16xi32>
    %add3A_2094 = arith.addi %mul3A_2091, %add3A_2093 : vector<16xi32>
    %gather3A_2095 = tpu.vector_load_idx %arg7[%add3A_2094] : memref<2688xf32, #tpu.memory_space<vmem>>[vector<16xi32>], vector<16xf32>,
    %add3A_2096 = arith.addf %gather3A_2095, %get3A_7 : vector<16xf32>
    %swap3A_2097 = arith.constant 17 : i32
    %swap3A_2098 = arith.index_cast %swap3A_2097 : i32 to index
    %swap3A_2099 = arith.constant 32 : index
    %swap3A_2100 = tpu.vector_load %arg9[%swap3A_2098, %swap3A_2099] {strides = array<i32>} : memref<21x128xf32, #tpu.memory_space<vmem>>, vector<16xf32>,
    tpu.vector_store %arg9[%swap3A_2098, %swap3A_2099], %add3A_2096 {strides = array<i32>} : memref<21x128xf32, #tpu.memory_space<vmem>>, vector<16xf32>,
    %add3A_2101 = arith.constant 48 : i32
    %add3A_2102 = vector.broadcast %add3A_2101 : i32 to vector<16xi32>
    %add3A_2103 = arith.addi %add3A_2102, %iota3A : vector<16xi32>
    %mul3A_2104 = arith.constant 21 : i32
    %mul3A_2105 = vector.broadcast %mul3A_2104 : i32 to vector<16xi32>
    %mul3A_2106 = arith.muli %add3A_2103, %mul3A_2105 : vector<16xi32>
    %add3A_2107 = arith.constant 17 : i32
    %add3A_2108 = vector.broadcast %add3A_2107 : i32 to vector<16xi32>
    %add3A_2109 = arith.addi %mul3A_2106, %add3A_2108 : vector<16xi32>
    %gather3A_2110 = tpu.vector_load_idx %arg7[%add3A_2109] : memref<2688xf32, #tpu.memory_space<vmem>>[vector<16xi32>], vector<16xf32>,
    %add3A_2111 = arith.addf %gather3A_2110, %get3A_9 : vector<16xf32>
    %swap3A_2112 = arith.constant 17 : i32
    %swap3A_2113 = arith.index_cast %swap3A_2112 : i32 to index
    %swap3A_2114 = arith.constant 48 : index
    %swap3A_2115 = tpu.vector_load %arg9[%swap3A_2113, %swap3A_2114] {strides = array<i32>} : memref<21x128xf32, #tpu.memory_space<vmem>>, vector<16xf32>,
    tpu.vector_store %arg9[%swap3A_2113, %swap3A_2114], %add3A_2111 {strides = array<i32>} : memref<21x128xf32, #tpu.memory_space<vmem>>, vector<16xf32>,
    %add3A_2116 = arith.constant 64 : i32
    %add3A_2117 = vector.broadcast %add3A_2116 : i32 to vector<16xi32>
    %add3A_2118 = arith.addi %add3A_2117, %iota3A : vector<16xi32>
    %mul3A_2119 = arith.constant 21 : i32
    %mul3A_2120 = vector.broadcast %mul3A_2119 : i32 to vector<16xi32>
    %mul3A_2121 = arith.muli %add3A_2118, %mul3A_2120 : vector<16xi32>
    %add3A_2122 = arith.constant 17 : i32
    %add3A_2123 = vector.broadcast %add3A_2122 : i32 to vector<16xi32>
    %add3A_2124 = arith.addi %mul3A_2121, %add3A_2123 : vector<16xi32>
    %gather3A_2125 = tpu.vector_load_idx %arg7[%add3A_2124] : memref<2688xf32, #tpu.memory_space<vmem>>[vector<16xi32>], vector<16xf32>,
    %add3A_2126 = arith.addf %gather3A_2125, %get3A_11 : vector<16xf32>
    %swap3A_2127 = arith.constant 17 : i32
    %swap3A_2128 = arith.index_cast %swap3A_2127 : i32 to index
    %swap3A_2129 = arith.constant 64 : index
    %swap3A_2130 = tpu.vector_load %arg9[%swap3A_2128, %swap3A_2129] {strides = array<i32>} : memref<21x128xf32, #tpu.memory_space<vmem>>, vector<16xf32>,
    tpu.vector_store %arg9[%swap3A_2128, %swap3A_2129], %add3A_2126 {strides = array<i32>} : memref<21x128xf32, #tpu.memory_space<vmem>>, vector<16xf32>,
    %add3A_2131 = arith.constant 80 : i32
    %add3A_2132 = vector.broadcast %add3A_2131 : i32 to vector<16xi32>
    %add3A_2133 = arith.addi %add3A_2132, %iota3A : vector<16xi32>
    %mul3A_2134 = arith.constant 21 : i32
    %mul3A_2135 = vector.broadcast %mul3A_2134 : i32 to vector<16xi32>
    %mul3A_2136 = arith.muli %add3A_2133, %mul3A_2135 : vector<16xi32>
    %add3A_2137 = arith.constant 17 : i32
    %add3A_2138 = vector.broadcast %add3A_2137 : i32 to vector<16xi32>
    %add3A_2139 = arith.addi %mul3A_2136, %add3A_2138 : vector<16xi32>
    %gather3A_2140 = tpu.vector_load_idx %arg7[%add3A_2139] : memref<2688xf32, #tpu.memory_space<vmem>>[vector<16xi32>], vector<16xf32>,
    %add3A_2141 = arith.addf %gather3A_2140, %get3A_13 : vector<16xf32>
    %swap3A_2142 = arith.constant 17 : i32
    %swap3A_2143 = arith.index_cast %swap3A_2142 : i32 to index
    %swap3A_2144 = arith.constant 80 : index
    %swap3A_2145 = tpu.vector_load %arg9[%swap3A_2143, %swap3A_2144] {strides = array<i32>} : memref<21x128xf32, #tpu.memory_space<vmem>>, vector<16xf32>,
    tpu.vector_store %arg9[%swap3A_2143, %swap3A_2144], %add3A_2141 {strides = array<i32>} : memref<21x128xf32, #tpu.memory_space<vmem>>, vector<16xf32>,
    %add3A_2146 = arith.constant 96 : i32
    %add3A_2147 = vector.broadcast %add3A_2146 : i32 to vector<16xi32>
    %add3A_2148 = arith.addi %add3A_2147, %iota3A : vector<16xi32>
    %mul3A_2149 = arith.constant 21 : i32
    %mul3A_2150 = vector.broadcast %mul3A_2149 : i32 to vector<16xi32>
    %mul3A_2151 = arith.muli %add3A_2148, %mul3A_2150 : vector<16xi32>
    %add3A_2152 = arith.constant 17 : i32
    %add3A_2153 = vector.broadcast %add3A_2152 : i32 to vector<16xi32>
    %add3A_2154 = arith.addi %mul3A_2151, %add3A_2153 : vector<16xi32>
    %gather3A_2155 = tpu.vector_load_idx %arg7[%add3A_2154] : memref<2688xf32, #tpu.memory_space<vmem>>[vector<16xi32>], vector<16xf32>,
    %add3A_2156 = arith.addf %gather3A_2155, %get3A_15 : vector<16xf32>
    %swap3A_2157 = arith.constant 17 : i32
    %swap3A_2158 = arith.index_cast %swap3A_2157 : i32 to index
    %swap3A_2159 = arith.constant 96 : index
    %swap3A_2160 = tpu.vector_load %arg9[%swap3A_2158, %swap3A_2159] {strides = array<i32>} : memref<21x128xf32, #tpu.memory_space<vmem>>, vector<16xf32>,
    tpu.vector_store %arg9[%swap3A_2158, %swap3A_2159], %add3A_2156 {strides = array<i32>} : memref<21x128xf32, #tpu.memory_space<vmem>>, vector<16xf32>,
    %add3A_2161 = arith.constant 112 : i32
    %add3A_2162 = vector.broadcast %add3A_2161 : i32 to vector<16xi32>
    %add3A_2163 = arith.addi %add3A_2162, %iota3A : vector<16xi32>
    %mul3A_2164 = arith.constant 21 : i32
    %mul3A_2165 = vector.broadcast %mul3A_2164 : i32 to vector<16xi32>
    %mul3A_2166 = arith.muli %add3A_2163, %mul3A_2165 : vector<16xi32>
    %add3A_2167 = arith.constant 17 : i32
    %add3A_2168 = vector.broadcast %add3A_2167 : i32 to vector<16xi32>
    %add3A_2169 = arith.addi %mul3A_2166, %add3A_2168 : vector<16xi32>
    %gather3A_2170 = tpu.vector_load_idx %arg7[%add3A_2169] : memref<2688xf32, #tpu.memory_space<vmem>>[vector<16xi32>], vector<16xf32>,
    %add3A_2171 = arith.addf %gather3A_2170, %get3A_17 : vector<16xf32>
    %swap3A_2172 = arith.constant 17 : i32
    %swap3A_2173 = arith.index_cast %swap3A_2172 : i32 to index
    %swap3A_2174 = arith.constant 112 : index
    %swap3A_2175 = tpu.vector_load %arg9[%swap3A_2173, %swap3A_2174] {strides = array<i32>} : memref<21x128xf32, #tpu.memory_space<vmem>>, vector<16xf32>,
    tpu.vector_store %arg9[%swap3A_2173, %swap3A_2174], %add3A_2171 {strides = array<i32>} : memref<21x128xf32, #tpu.memory_space<vmem>>, vector<16xf32>,
    %add3A_2176 = arith.constant 0 : i32
    %add3A_2177 = vector.broadcast %add3A_2176 : i32 to vector<16xi32>
    %add3A_2178 = arith.addi %add3A_2177, %iota3A : vector<16xi32>
    %mul3A_2179 = arith.constant 21 : i32
    %mul3A_2180 = vector.broadcast %mul3A_2179 : i32 to vector<16xi32>
    %mul3A_2181 = arith.muli %add3A_2178, %mul3A_2180 : vector<16xi32>
    %add3A_2182 = arith.constant 18 : i32
    %add3A_2183 = vector.broadcast %add3A_2182 : i32 to vector<16xi32>
    %add3A_2184 = arith.addi %mul3A_2181, %add3A_2183 : vector<16xi32>
    %gather3A_2185 = tpu.vector_load_idx %arg7[%add3A_2184] : memref<2688xf32, #tpu.memory_space<vmem>>[vector<16xi32>], vector<16xf32>,
    %add3A_2186 = arith.addf %gather3A_2185, %get3A_3 : vector<16xf32>
    %swap3A_2187 = arith.constant 18 : i32
    %swap3A_2188 = arith.index_cast %swap3A_2187 : i32 to index
    %swap3A_2189 = arith.constant 0 : index
    %swap3A_2190 = tpu.vector_load %arg9[%swap3A_2188, %swap3A_2189] {strides = array<i32>} : memref<21x128xf32, #tpu.memory_space<vmem>>, vector<16xf32>,
    tpu.vector_store %arg9[%swap3A_2188, %swap3A_2189], %add3A_2186 {strides = array<i32>} : memref<21x128xf32, #tpu.memory_space<vmem>>, vector<16xf32>,
    %add3A_2191 = arith.constant 16 : i32
    %add3A_2192 = vector.broadcast %add3A_2191 : i32 to vector<16xi32>
    %add3A_2193 = arith.addi %add3A_2192, %iota3A : vector<16xi32>
    %mul3A_2194 = arith.constant 21 : i32
    %mul3A_2195 = vector.broadcast %mul3A_2194 : i32 to vector<16xi32>
    %mul3A_2196 = arith.muli %add3A_2193, %mul3A_2195 : vector<16xi32>
    %add3A_2197 = arith.constant 18 : i32
    %add3A_2198 = vector.broadcast %add3A_2197 : i32 to vector<16xi32>
    %add3A_2199 = arith.addi %mul3A_2196, %add3A_2198 : vector<16xi32>
    %gather3A_2200 = tpu.vector_load_idx %arg7[%add3A_2199] : memref<2688xf32, #tpu.memory_space<vmem>>[vector<16xi32>], vector<16xf32>,
    %add3A_2201 = arith.addf %gather3A_2200, %get3A_5 : vector<16xf32>
    %swap3A_2202 = arith.constant 18 : i32
    %swap3A_2203 = arith.index_cast %swap3A_2202 : i32 to index
    %swap3A_2204 = arith.constant 16 : index
    %swap3A_2205 = tpu.vector_load %arg9[%swap3A_2203, %swap3A_2204] {strides = array<i32>} : memref<21x128xf32, #tpu.memory_space<vmem>>, vector<16xf32>,
    tpu.vector_store %arg9[%swap3A_2203, %swap3A_2204], %add3A_2201 {strides = array<i32>} : memref<21x128xf32, #tpu.memory_space<vmem>>, vector<16xf32>,
    %add3A_2206 = arith.constant 32 : i32
    %add3A_2207 = vector.broadcast %add3A_2206 : i32 to vector<16xi32>
    %add3A_2208 = arith.addi %add3A_2207, %iota3A : vector<16xi32>
    %mul3A_2209 = arith.constant 21 : i32
    %mul3A_2210 = vector.broadcast %mul3A_2209 : i32 to vector<16xi32>
    %mul3A_2211 = arith.muli %add3A_2208, %mul3A_2210 : vector<16xi32>
    %add3A_2212 = arith.constant 18 : i32
    %add3A_2213 = vector.broadcast %add3A_2212 : i32 to vector<16xi32>
    %add3A_2214 = arith.addi %mul3A_2211, %add3A_2213 : vector<16xi32>
    %gather3A_2215 = tpu.vector_load_idx %arg7[%add3A_2214] : memref<2688xf32, #tpu.memory_space<vmem>>[vector<16xi32>], vector<16xf32>,
    %add3A_2216 = arith.addf %gather3A_2215, %get3A_7 : vector<16xf32>
    %swap3A_2217 = arith.constant 18 : i32
    %swap3A_2218 = arith.index_cast %swap3A_2217 : i32 to index
    %swap3A_2219 = arith.constant 32 : index
    %swap3A_2220 = tpu.vector_load %arg9[%swap3A_2218, %swap3A_2219] {strides = array<i32>} : memref<21x128xf32, #tpu.memory_space<vmem>>, vector<16xf32>,
    tpu.vector_store %arg9[%swap3A_2218, %swap3A_2219], %add3A_2216 {strides = array<i32>} : memref<21x128xf32, #tpu.memory_space<vmem>>, vector<16xf32>,
    %add3A_2221 = arith.constant 48 : i32
    %add3A_2222 = vector.broadcast %add3A_2221 : i32 to vector<16xi32>
    %add3A_2223 = arith.addi %add3A_2222, %iota3A : vector<16xi32>
    %mul3A_2224 = arith.constant 21 : i32
    %mul3A_2225 = vector.broadcast %mul3A_2224 : i32 to vector<16xi32>
    %mul3A_2226 = arith.muli %add3A_2223, %mul3A_2225 : vector<16xi32>
    %add3A_2227 = arith.constant 18 : i32
    %add3A_2228 = vector.broadcast %add3A_2227 : i32 to vector<16xi32>
    %add3A_2229 = arith.addi %mul3A_2226, %add3A_2228 : vector<16xi32>
    %gather3A_2230 = tpu.vector_load_idx %arg7[%add3A_2229] : memref<2688xf32, #tpu.memory_space<vmem>>[vector<16xi32>], vector<16xf32>,
    %add3A_2231 = arith.addf %gather3A_2230, %get3A_9 : vector<16xf32>
    %swap3A_2232 = arith.constant 18 : i32
    %swap3A_2233 = arith.index_cast %swap3A_2232 : i32 to index
    %swap3A_2234 = arith.constant 48 : index
    %swap3A_2235 = tpu.vector_load %arg9[%swap3A_2233, %swap3A_2234] {strides = array<i32>} : memref<21x128xf32, #tpu.memory_space<vmem>>, vector<16xf32>,
    tpu.vector_store %arg9[%swap3A_2233, %swap3A_2234], %add3A_2231 {strides = array<i32>} : memref<21x128xf32, #tpu.memory_space<vmem>>, vector<16xf32>,
    %add3A_2236 = arith.constant 64 : i32
    %add3A_2237 = vector.broadcast %add3A_2236 : i32 to vector<16xi32>
    %add3A_2238 = arith.addi %add3A_2237, %iota3A : vector<16xi32>
    %mul3A_2239 = arith.constant 21 : i32
    %mul3A_2240 = vector.broadcast %mul3A_2239 : i32 to vector<16xi32>
    %mul3A_2241 = arith.muli %add3A_2238, %mul3A_2240 : vector<16xi32>
    %add3A_2242 = arith.constant 18 : i32
    %add3A_2243 = vector.broadcast %add3A_2242 : i32 to vector<16xi32>
    %add3A_2244 = arith.addi %mul3A_2241, %add3A_2243 : vector<16xi32>
    %gather3A_2245 = tpu.vector_load_idx %arg7[%add3A_2244] : memref<2688xf32, #tpu.memory_space<vmem>>[vector<16xi32>], vector<16xf32>,
    %add3A_2246 = arith.addf %gather3A_2245, %get3A_11 : vector<16xf32>
    %swap3A_2247 = arith.constant 18 : i32
    %swap3A_2248 = arith.index_cast %swap3A_2247 : i32 to index
    %swap3A_2249 = arith.constant 64 : index
    %swap3A_2250 = tpu.vector_load %arg9[%swap3A_2248, %swap3A_2249] {strides = array<i32>} : memref<21x128xf32, #tpu.memory_space<vmem>>, vector<16xf32>,
    tpu.vector_store %arg9[%swap3A_2248, %swap3A_2249], %add3A_2246 {strides = array<i32>} : memref<21x128xf32, #tpu.memory_space<vmem>>, vector<16xf32>,
    %add3A_2251 = arith.constant 80 : i32
    %add3A_2252 = vector.broadcast %add3A_2251 : i32 to vector<16xi32>
    %add3A_2253 = arith.addi %add3A_2252, %iota3A : vector<16xi32>
    %mul3A_2254 = arith.constant 21 : i32
    %mul3A_2255 = vector.broadcast %mul3A_2254 : i32 to vector<16xi32>
    %mul3A_2256 = arith.muli %add3A_2253, %mul3A_2255 : vector<16xi32>
    %add3A_2257 = arith.constant 18 : i32
    %add3A_2258 = vector.broadcast %add3A_2257 : i32 to vector<16xi32>
    %add3A_2259 = arith.addi %mul3A_2256, %add3A_2258 : vector<16xi32>
    %gather3A_2260 = tpu.vector_load_idx %arg7[%add3A_2259] : memref<2688xf32, #tpu.memory_space<vmem>>[vector<16xi32>], vector<16xf32>,
    %add3A_2261 = arith.addf %gather3A_2260, %get3A_13 : vector<16xf32>
    %swap3A_2262 = arith.constant 18 : i32
    %swap3A_2263 = arith.index_cast %swap3A_2262 : i32 to index
    %swap3A_2264 = arith.constant 80 : index
    %swap3A_2265 = tpu.vector_load %arg9[%swap3A_2263, %swap3A_2264] {strides = array<i32>} : memref<21x128xf32, #tpu.memory_space<vmem>>, vector<16xf32>,
    tpu.vector_store %arg9[%swap3A_2263, %swap3A_2264], %add3A_2261 {strides = array<i32>} : memref<21x128xf32, #tpu.memory_space<vmem>>, vector<16xf32>,
    %add3A_2266 = arith.constant 96 : i32
    %add3A_2267 = vector.broadcast %add3A_2266 : i32 to vector<16xi32>
    %add3A_2268 = arith.addi %add3A_2267, %iota3A : vector<16xi32>
    %mul3A_2269 = arith.constant 21 : i32
    %mul3A_2270 = vector.broadcast %mul3A_2269 : i32 to vector<16xi32>
    %mul3A_2271 = arith.muli %add3A_2268, %mul3A_2270 : vector<16xi32>
    %add3A_2272 = arith.constant 18 : i32
    %add3A_2273 = vector.broadcast %add3A_2272 : i32 to vector<16xi32>
    %add3A_2274 = arith.addi %mul3A_2271, %add3A_2273 : vector<16xi32>
    %gather3A_2275 = tpu.vector_load_idx %arg7[%add3A_2274] : memref<2688xf32, #tpu.memory_space<vmem>>[vector<16xi32>], vector<16xf32>,
    %add3A_2276 = arith.addf %gather3A_2275, %get3A_15 : vector<16xf32>
    %swap3A_2277 = arith.constant 18 : i32
    %swap3A_2278 = arith.index_cast %swap3A_2277 : i32 to index
    %swap3A_2279 = arith.constant 96 : index
    %swap3A_2280 = tpu.vector_load %arg9[%swap3A_2278, %swap3A_2279] {strides = array<i32>} : memref<21x128xf32, #tpu.memory_space<vmem>>, vector<16xf32>,
    tpu.vector_store %arg9[%swap3A_2278, %swap3A_2279], %add3A_2276 {strides = array<i32>} : memref<21x128xf32, #tpu.memory_space<vmem>>, vector<16xf32>,
    %add3A_2281 = arith.constant 112 : i32
    %add3A_2282 = vector.broadcast %add3A_2281 : i32 to vector<16xi32>
    %add3A_2283 = arith.addi %add3A_2282, %iota3A : vector<16xi32>
    %mul3A_2284 = arith.constant 21 : i32
    %mul3A_2285 = vector.broadcast %mul3A_2284 : i32 to vector<16xi32>
    %mul3A_2286 = arith.muli %add3A_2283, %mul3A_2285 : vector<16xi32>
    %add3A_2287 = arith.constant 18 : i32
    %add3A_2288 = vector.broadcast %add3A_2287 : i32 to vector<16xi32>
    %add3A_2289 = arith.addi %mul3A_2286, %add3A_2288 : vector<16xi32>
    %gather3A_2290 = tpu.vector_load_idx %arg7[%add3A_2289] : memref<2688xf32, #tpu.memory_space<vmem>>[vector<16xi32>], vector<16xf32>,
    %add3A_2291 = arith.addf %gather3A_2290, %get3A_17 : vector<16xf32>
    %swap3A_2292 = arith.constant 18 : i32
    %swap3A_2293 = arith.index_cast %swap3A_2292 : i32 to index
    %swap3A_2294 = arith.constant 112 : index
    %swap3A_2295 = tpu.vector_load %arg9[%swap3A_2293, %swap3A_2294] {strides = array<i32>} : memref<21x128xf32, #tpu.memory_space<vmem>>, vector<16xf32>,
    tpu.vector_store %arg9[%swap3A_2293, %swap3A_2294], %add3A_2291 {strides = array<i32>} : memref<21x128xf32, #tpu.memory_space<vmem>>, vector<16xf32>,
    %add3A_2296 = arith.constant 0 : i32
    %add3A_2297 = vector.broadcast %add3A_2296 : i32 to vector<16xi32>
    %add3A_2298 = arith.addi %add3A_2297, %iota3A : vector<16xi32>
    %mul3A_2299 = arith.constant 21 : i32
    %mul3A_2300 = vector.broadcast %mul3A_2299 : i32 to vector<16xi32>
    %mul3A_2301 = arith.muli %add3A_2298, %mul3A_2300 : vector<16xi32>
    %add3A_2302 = arith.constant 19 : i32
    %add3A_2303 = vector.broadcast %add3A_2302 : i32 to vector<16xi32>
    %add3A_2304 = arith.addi %mul3A_2301, %add3A_2303 : vector<16xi32>
    %gather3A_2305 = tpu.vector_load_idx %arg7[%add3A_2304] : memref<2688xf32, #tpu.memory_space<vmem>>[vector<16xi32>], vector<16xf32>,
    %add3A_2306 = arith.addf %gather3A_2305, %get3A_3 : vector<16xf32>
    %swap3A_2307 = arith.constant 19 : i32
    %swap3A_2308 = arith.index_cast %swap3A_2307 : i32 to index
    %swap3A_2309 = arith.constant 0 : index
    %swap3A_2310 = tpu.vector_load %arg9[%swap3A_2308, %swap3A_2309] {strides = array<i32>} : memref<21x128xf32, #tpu.memory_space<vmem>>, vector<16xf32>,
    tpu.vector_store %arg9[%swap3A_2308, %swap3A_2309], %add3A_2306 {strides = array<i32>} : memref<21x128xf32, #tpu.memory_space<vmem>>, vector<16xf32>,
    %add3A_2311 = arith.constant 16 : i32
    %add3A_2312 = vector.broadcast %add3A_2311 : i32 to vector<16xi32>
    %add3A_2313 = arith.addi %add3A_2312, %iota3A : vector<16xi32>
    %mul3A_2314 = arith.constant 21 : i32
    %mul3A_2315 = vector.broadcast %mul3A_2314 : i32 to vector<16xi32>
    %mul3A_2316 = arith.muli %add3A_2313, %mul3A_2315 : vector<16xi32>
    %add3A_2317 = arith.constant 19 : i32
    %add3A_2318 = vector.broadcast %add3A_2317 : i32 to vector<16xi32>
    %add3A_2319 = arith.addi %mul3A_2316, %add3A_2318 : vector<16xi32>
    %gather3A_2320 = tpu.vector_load_idx %arg7[%add3A_2319] : memref<2688xf32, #tpu.memory_space<vmem>>[vector<16xi32>], vector<16xf32>,
    %add3A_2321 = arith.addf %gather3A_2320, %get3A_5 : vector<16xf32>
    %swap3A_2322 = arith.constant 19 : i32
    %swap3A_2323 = arith.index_cast %swap3A_2322 : i32 to index
    %swap3A_2324 = arith.constant 16 : index
    %swap3A_2325 = tpu.vector_load %arg9[%swap3A_2323, %swap3A_2324] {strides = array<i32>} : memref<21x128xf32, #tpu.memory_space<vmem>>, vector<16xf32>,
    tpu.vector_store %arg9[%swap3A_2323, %swap3A_2324], %add3A_2321 {strides = array<i32>} : memref<21x128xf32, #tpu.memory_space<vmem>>, vector<16xf32>,
    %add3A_2326 = arith.constant 32 : i32
    %add3A_2327 = vector.broadcast %add3A_2326 : i32 to vector<16xi32>
    %add3A_2328 = arith.addi %add3A_2327, %iota3A : vector<16xi32>
    %mul3A_2329 = arith.constant 21 : i32
    %mul3A_2330 = vector.broadcast %mul3A_2329 : i32 to vector<16xi32>
    %mul3A_2331 = arith.muli %add3A_2328, %mul3A_2330 : vector<16xi32>
    %add3A_2332 = arith.constant 19 : i32
    %add3A_2333 = vector.broadcast %add3A_2332 : i32 to vector<16xi32>
    %add3A_2334 = arith.addi %mul3A_2331, %add3A_2333 : vector<16xi32>
    %gather3A_2335 = tpu.vector_load_idx %arg7[%add3A_2334] : memref<2688xf32, #tpu.memory_space<vmem>>[vector<16xi32>], vector<16xf32>,
    %add3A_2336 = arith.addf %gather3A_2335, %get3A_7 : vector<16xf32>
    %swap3A_2337 = arith.constant 19 : i32
    %swap3A_2338 = arith.index_cast %swap3A_2337 : i32 to index
    %swap3A_2339 = arith.constant 32 : index
    %swap3A_2340 = tpu.vector_load %arg9[%swap3A_2338, %swap3A_2339] {strides = array<i32>} : memref<21x128xf32, #tpu.memory_space<vmem>>, vector<16xf32>,
    tpu.vector_store %arg9[%swap3A_2338, %swap3A_2339], %add3A_2336 {strides = array<i32>} : memref<21x128xf32, #tpu.memory_space<vmem>>, vector<16xf32>,
    %add3A_2341 = arith.constant 48 : i32
    %add3A_2342 = vector.broadcast %add3A_2341 : i32 to vector<16xi32>
    %add3A_2343 = arith.addi %add3A_2342, %iota3A : vector<16xi32>
    %mul3A_2344 = arith.constant 21 : i32
    %mul3A_2345 = vector.broadcast %mul3A_2344 : i32 to vector<16xi32>
    %mul3A_2346 = arith.muli %add3A_2343, %mul3A_2345 : vector<16xi32>
    %add3A_2347 = arith.constant 19 : i32
    %add3A_2348 = vector.broadcast %add3A_2347 : i32 to vector<16xi32>
    %add3A_2349 = arith.addi %mul3A_2346, %add3A_2348 : vector<16xi32>
    %gather3A_2350 = tpu.vector_load_idx %arg7[%add3A_2349] : memref<2688xf32, #tpu.memory_space<vmem>>[vector<16xi32>], vector<16xf32>,
    %add3A_2351 = arith.addf %gather3A_2350, %get3A_9 : vector<16xf32>
    %swap3A_2352 = arith.constant 19 : i32
    %swap3A_2353 = arith.index_cast %swap3A_2352 : i32 to index
    %swap3A_2354 = arith.constant 48 : index
    %swap3A_2355 = tpu.vector_load %arg9[%swap3A_2353, %swap3A_2354] {strides = array<i32>} : memref<21x128xf32, #tpu.memory_space<vmem>>, vector<16xf32>,
    tpu.vector_store %arg9[%swap3A_2353, %swap3A_2354], %add3A_2351 {strides = array<i32>} : memref<21x128xf32, #tpu.memory_space<vmem>>, vector<16xf32>,
    %add3A_2356 = arith.constant 64 : i32
    %add3A_2357 = vector.broadcast %add3A_2356 : i32 to vector<16xi32>
    %add3A_2358 = arith.addi %add3A_2357, %iota3A : vector<16xi32>
    %mul3A_2359 = arith.constant 21 : i32
    %mul3A_2360 = vector.broadcast %mul3A_2359 : i32 to vector<16xi32>
    %mul3A_2361 = arith.muli %add3A_2358, %mul3A_2360 : vector<16xi32>
    %add3A_2362 = arith.constant 19 : i32
    %add3A_2363 = vector.broadcast %add3A_2362 : i32 to vector<16xi32>
    %add3A_2364 = arith.addi %mul3A_2361, %add3A_2363 : vector<16xi32>
    %gather3A_2365 = tpu.vector_load_idx %arg7[%add3A_2364] : memref<2688xf32, #tpu.memory_space<vmem>>[vector<16xi32>], vector<16xf32>,
    %add3A_2366 = arith.addf %gather3A_2365, %get3A_11 : vector<16xf32>
    %swap3A_2367 = arith.constant 19 : i32
    %swap3A_2368 = arith.index_cast %swap3A_2367 : i32 to index
    %swap3A_2369 = arith.constant 64 : index
    %swap3A_2370 = tpu.vector_load %arg9[%swap3A_2368, %swap3A_2369] {strides = array<i32>} : memref<21x128xf32, #tpu.memory_space<vmem>>, vector<16xf32>,
    tpu.vector_store %arg9[%swap3A_2368, %swap3A_2369], %add3A_2366 {strides = array<i32>} : memref<21x128xf32, #tpu.memory_space<vmem>>, vector<16xf32>,
    %add3A_2371 = arith.constant 80 : i32
    %add3A_2372 = vector.broadcast %add3A_2371 : i32 to vector<16xi32>
    %add3A_2373 = arith.addi %add3A_2372, %iota3A : vector<16xi32>
    %mul3A_2374 = arith.constant 21 : i32
    %mul3A_2375 = vector.broadcast %mul3A_2374 : i32 to vector<16xi32>
    %mul3A_2376 = arith.muli %add3A_2373, %mul3A_2375 : vector<16xi32>
    %add3A_2377 = arith.constant 19 : i32
    %add3A_2378 = vector.broadcast %add3A_2377 : i32 to vector<16xi32>
    %add3A_2379 = arith.addi %mul3A_2376, %add3A_2378 : vector<16xi32>
    %gather3A_2380 = tpu.vector_load_idx %arg7[%add3A_2379] : memref<2688xf32, #tpu.memory_space<vmem>>[vector<16xi32>], vector<16xf32>,
    %add3A_2381 = arith.addf %gather3A_2380, %get3A_13 : vector<16xf32>
    %swap3A_2382 = arith.constant 19 : i32
    %swap3A_2383 = arith.index_cast %swap3A_2382 : i32 to index
    %swap3A_2384 = arith.constant 80 : index
    %swap3A_2385 = tpu.vector_load %arg9[%swap3A_2383, %swap3A_2384] {strides = array<i32>} : memref<21x128xf32, #tpu.memory_space<vmem>>, vector<16xf32>,
    tpu.vector_store %arg9[%swap3A_2383, %swap3A_2384], %add3A_2381 {strides = array<i32>} : memref<21x128xf32, #tpu.memory_space<vmem>>, vector<16xf32>,
    %add3A_2386 = arith.constant 96 : i32
    %add3A_2387 = vector.broadcast %add3A_2386 : i32 to vector<16xi32>
    %add3A_2388 = arith.addi %add3A_2387, %iota3A : vector<16xi32>
    %mul3A_2389 = arith.constant 21 : i32
    %mul3A_2390 = vector.broadcast %mul3A_2389 : i32 to vector<16xi32>
    %mul3A_2391 = arith.muli %add3A_2388, %mul3A_2390 : vector<16xi32>
    %add3A_2392 = arith.constant 19 : i32
    %add3A_2393 = vector.broadcast %add3A_2392 : i32 to vector<16xi32>
    %add3A_2394 = arith.addi %mul3A_2391, %add3A_2393 : vector<16xi32>
    %gather3A_2395 = tpu.vector_load_idx %arg7[%add3A_2394] : memref<2688xf32, #tpu.memory_space<vmem>>[vector<16xi32>], vector<16xf32>,
    %add3A_2396 = arith.addf %gather3A_2395, %get3A_15 : vector<16xf32>
    %swap3A_2397 = arith.constant 19 : i32
    %swap3A_2398 = arith.index_cast %swap3A_2397 : i32 to index
    %swap3A_2399 = arith.constant 96 : index
    %swap3A_2400 = tpu.vector_load %arg9[%swap3A_2398, %swap3A_2399] {strides = array<i32>} : memref<21x128xf32, #tpu.memory_space<vmem>>, vector<16xf32>,
    tpu.vector_store %arg9[%swap3A_2398, %swap3A_2399], %add3A_2396 {strides = array<i32>} : memref<21x128xf32, #tpu.memory_space<vmem>>, vector<16xf32>,
    %add3A_2401 = arith.constant 112 : i32
    %add3A_2402 = vector.broadcast %add3A_2401 : i32 to vector<16xi32>
    %add3A_2403 = arith.addi %add3A_2402, %iota3A : vector<16xi32>
    %mul3A_2404 = arith.constant 21 : i32
    %mul3A_2405 = vector.broadcast %mul3A_2404 : i32 to vector<16xi32>
    %mul3A_2406 = arith.muli %add3A_2403, %mul3A_2405 : vector<16xi32>
    %add3A_2407 = arith.constant 19 : i32
    %add3A_2408 = vector.broadcast %add3A_2407 : i32 to vector<16xi32>
    %add3A_2409 = arith.addi %mul3A_2406, %add3A_2408 : vector<16xi32>
    %gather3A_2410 = tpu.vector_load_idx %arg7[%add3A_2409] : memref<2688xf32, #tpu.memory_space<vmem>>[vector<16xi32>], vector<16xf32>,
    %add3A_2411 = arith.addf %gather3A_2410, %get3A_17 : vector<16xf32>
    %swap3A_2412 = arith.constant 19 : i32
    %swap3A_2413 = arith.index_cast %swap3A_2412 : i32 to index
    %swap3A_2414 = arith.constant 112 : index
    %swap3A_2415 = tpu.vector_load %arg9[%swap3A_2413, %swap3A_2414] {strides = array<i32>} : memref<21x128xf32, #tpu.memory_space<vmem>>, vector<16xf32>,
    tpu.vector_store %arg9[%swap3A_2413, %swap3A_2414], %add3A_2411 {strides = array<i32>} : memref<21x128xf32, #tpu.memory_space<vmem>>, vector<16xf32>,
    %add3A_2416 = arith.constant 0 : i32
    %add3A_2417 = vector.broadcast %add3A_2416 : i32 to vector<16xi32>
    %add3A_2418 = arith.addi %add3A_2417, %iota3A : vector<16xi32>
    %mul3A_2419 = arith.constant 21 : i32
    %mul3A_2420 = vector.broadcast %mul3A_2419 : i32 to vector<16xi32>
    %mul3A_2421 = arith.muli %add3A_2418, %mul3A_2420 : vector<16xi32>
    %add3A_2422 = arith.constant 20 : i32
    %add3A_2423 = vector.broadcast %add3A_2422 : i32 to vector<16xi32>
    %add3A_2424 = arith.addi %mul3A_2421, %add3A_2423 : vector<16xi32>
    %gather3A_2425 = tpu.vector_load_idx %arg7[%add3A_2424] : memref<2688xf32, #tpu.memory_space<vmem>>[vector<16xi32>], vector<16xf32>,
    %add3A_2426 = arith.addf %gather3A_2425, %get3A_3 : vector<16xf32>
    %swap3A_2427 = arith.constant 20 : i32
    %swap3A_2428 = arith.index_cast %swap3A_2427 : i32 to index
    %swap3A_2429 = arith.constant 0 : index
    %swap3A_2430 = tpu.vector_load %arg9[%swap3A_2428, %swap3A_2429] {strides = array<i32>} : memref<21x128xf32, #tpu.memory_space<vmem>>, vector<16xf32>,
    tpu.vector_store %arg9[%swap3A_2428, %swap3A_2429], %add3A_2426 {strides = array<i32>} : memref<21x128xf32, #tpu.memory_space<vmem>>, vector<16xf32>,
    %add3A_2431 = arith.constant 16 : i32
    %add3A_2432 = vector.broadcast %add3A_2431 : i32 to vector<16xi32>
    %add3A_2433 = arith.addi %add3A_2432, %iota3A : vector<16xi32>
    %mul3A_2434 = arith.constant 21 : i32
    %mul3A_2435 = vector.broadcast %mul3A_2434 : i32 to vector<16xi32>
    %mul3A_2436 = arith.muli %add3A_2433, %mul3A_2435 : vector<16xi32>
    %add3A_2437 = arith.constant 20 : i32
    %add3A_2438 = vector.broadcast %add3A_2437 : i32 to vector<16xi32>
    %add3A_2439 = arith.addi %mul3A_2436, %add3A_2438 : vector<16xi32>
    %gather3A_2440 = tpu.vector_load_idx %arg7[%add3A_2439] : memref<2688xf32, #tpu.memory_space<vmem>>[vector<16xi32>], vector<16xf32>,
    %add3A_2441 = arith.addf %gather3A_2440, %get3A_5 : vector<16xf32>
    %swap3A_2442 = arith.constant 20 : i32
    %swap3A_2443 = arith.index_cast %swap3A_2442 : i32 to index
    %swap3A_2444 = arith.constant 16 : index
    %swap3A_2445 = tpu.vector_load %arg9[%swap3A_2443, %swap3A_2444] {strides = array<i32>} : memref<21x128xf32, #tpu.memory_space<vmem>>, vector<16xf32>,
    tpu.vector_store %arg9[%swap3A_2443, %swap3A_2444], %add3A_2441 {strides = array<i32>} : memref<21x128xf32, #tpu.memory_space<vmem>>, vector<16xf32>,
    %add3A_2446 = arith.constant 32 : i32
    %add3A_2447 = vector.broadcast %add3A_2446 : i32 to vector<16xi32>
    %add3A_2448 = arith.addi %add3A_2447, %iota3A : vector<16xi32>
    %mul3A_2449 = arith.constant 21 : i32
    %mul3A_2450 = vector.broadcast %mul3A_2449 : i32 to vector<16xi32>
    %mul3A_2451 = arith.muli %add3A_2448, %mul3A_2450 : vector<16xi32>
    %add3A_2452 = arith.constant 20 : i32
    %add3A_2453 = vector.broadcast %add3A_2452 : i32 to vector<16xi32>
    %add3A_2454 = arith.addi %mul3A_2451, %add3A_2453 : vector<16xi32>
    %gather3A_2455 = tpu.vector_load_idx %arg7[%add3A_2454] : memref<2688xf32, #tpu.memory_space<vmem>>[vector<16xi32>], vector<16xf32>,
    %add3A_2456 = arith.addf %gather3A_2455, %get3A_7 : vector<16xf32>
    %swap3A_2457 = arith.constant 20 : i32
    %swap3A_2458 = arith.index_cast %swap3A_2457 : i32 to index
    %swap3A_2459 = arith.constant 32 : index
    %swap3A_2460 = tpu.vector_load %arg9[%swap3A_2458, %swap3A_2459] {strides = array<i32>} : memref<21x128xf32, #tpu.memory_space<vmem>>, vector<16xf32>,
    tpu.vector_store %arg9[%swap3A_2458, %swap3A_2459], %add3A_2456 {strides = array<i32>} : memref<21x128xf32, #tpu.memory_space<vmem>>, vector<16xf32>,
    %add3A_2461 = arith.constant 48 : i32
    %add3A_2462 = vector.broadcast %add3A_2461 : i32 to vector<16xi32>
    %add3A_2463 = arith.addi %add3A_2462, %iota3A : vector<16xi32>
    %mul3A_2464 = arith.constant 21 : i32
    %mul3A_2465 = vector.broadcast %mul3A_2464 : i32 to vector<16xi32>
    %mul3A_2466 = arith.muli %add3A_2463, %mul3A_2465 : vector<16xi32>
    %add3A_2467 = arith.constant 20 : i32
    %add3A_2468 = vector.broadcast %add3A_2467 : i32 to vector<16xi32>
    %add3A_2469 = arith.addi %mul3A_2466, %add3A_2468 : vector<16xi32>
    %gather3A_2470 = tpu.vector_load_idx %arg7[%add3A_2469] : memref<2688xf32, #tpu.memory_space<vmem>>[vector<16xi32>], vector<16xf32>,
    %add3A_2471 = arith.addf %gather3A_2470, %get3A_9 : vector<16xf32>
    %swap3A_2472 = arith.constant 20 : i32
    %swap3A_2473 = arith.index_cast %swap3A_2472 : i32 to index
    %swap3A_2474 = arith.constant 48 : index
    %swap3A_2475 = tpu.vector_load %arg9[%swap3A_2473, %swap3A_2474] {strides = array<i32>} : memref<21x128xf32, #tpu.memory_space<vmem>>, vector<16xf32>,
    tpu.vector_store %arg9[%swap3A_2473, %swap3A_2474], %add3A_2471 {strides = array<i32>} : memref<21x128xf32, #tpu.memory_space<vmem>>, vector<16xf32>,
    %add3A_2476 = arith.constant 64 : i32
    %add3A_2477 = vector.broadcast %add3A_2476 : i32 to vector<16xi32>
    %add3A_2478 = arith.addi %add3A_2477, %iota3A : vector<16xi32>
    %mul3A_2479 = arith.constant 21 : i32
    %mul3A_2480 = vector.broadcast %mul3A_2479 : i32 to vector<16xi32>
    %mul3A_2481 = arith.muli %add3A_2478, %mul3A_2480 : vector<16xi32>
    %add3A_2482 = arith.constant 20 : i32
    %add3A_2483 = vector.broadcast %add3A_2482 : i32 to vector<16xi32>
    %add3A_2484 = arith.addi %mul3A_2481, %add3A_2483 : vector<16xi32>
    %gather3A_2485 = tpu.vector_load_idx %arg7[%add3A_2484] : memref<2688xf32, #tpu.memory_space<vmem>>[vector<16xi32>], vector<16xf32>,
    %add3A_2486 = arith.addf %gather3A_2485, %get3A_11 : vector<16xf32>
    %swap3A_2487 = arith.constant 20 : i32
    %swap3A_2488 = arith.index_cast %swap3A_2487 : i32 to index
    %swap3A_2489 = arith.constant 64 : index
    %swap3A_2490 = tpu.vector_load %arg9[%swap3A_2488, %swap3A_2489] {strides = array<i32>} : memref<21x128xf32, #tpu.memory_space<vmem>>, vector<16xf32>,
    tpu.vector_store %arg9[%swap3A_2488, %swap3A_2489], %add3A_2486 {strides = array<i32>} : memref<21x128xf32, #tpu.memory_space<vmem>>, vector<16xf32>,
    %add3A_2491 = arith.constant 80 : i32
    %add3A_2492 = vector.broadcast %add3A_2491 : i32 to vector<16xi32>
    %add3A_2493 = arith.addi %add3A_2492, %iota3A : vector<16xi32>
    %mul3A_2494 = arith.constant 21 : i32
    %mul3A_2495 = vector.broadcast %mul3A_2494 : i32 to vector<16xi32>
    %mul3A_2496 = arith.muli %add3A_2493, %mul3A_2495 : vector<16xi32>
    %add3A_2497 = arith.constant 20 : i32
    %add3A_2498 = vector.broadcast %add3A_2497 : i32 to vector<16xi32>
    %add3A_2499 = arith.addi %mul3A_2496, %add3A_2498 : vector<16xi32>
    %gather3A_2500 = tpu.vector_load_idx %arg7[%add3A_2499] : memref<2688xf32, #tpu.memory_space<vmem>>[vector<16xi32>], vector<16xf32>,
    %add3A_2501 = arith.addf %gather3A_2500, %get3A_13 : vector<16xf32>
    %swap3A_2502 = arith.constant 20 : i32
    %swap3A_2503 = arith.index_cast %swap3A_2502 : i32 to index
    %swap3A_2504 = arith.constant 80 : index
    %swap3A_2505 = tpu.vector_load %arg9[%swap3A_2503, %swap3A_2504] {strides = array<i32>} : memref<21x128xf32, #tpu.memory_space<vmem>>, vector<16xf32>,
    tpu.vector_store %arg9[%swap3A_2503, %swap3A_2504], %add3A_2501 {strides = array<i32>} : memref<21x128xf32, #tpu.memory_space<vmem>>, vector<16xf32>,
    %add3A_2506 = arith.constant 96 : i32
    %add3A_2507 = vector.broadcast %add3A_2506 : i32 to vector<16xi32>
    %add3A_2508 = arith.addi %add3A_2507, %iota3A : vector<16xi32>
    %mul3A_2509 = arith.constant 21 : i32
    %mul3A_2510 = vector.broadcast %mul3A_2509 : i32 to vector<16xi32>
    %mul3A_2511 = arith.muli %add3A_2508, %mul3A_2510 : vector<16xi32>
    %add3A_2512 = arith.constant 20 : i32
    %add3A_2513 = vector.broadcast %add3A_2512 : i32 to vector<16xi32>
    %add3A_2514 = arith.addi %mul3A_2511, %add3A_2513 : vector<16xi32>
    %gather3A_2515 = tpu.vector_load_idx %arg7[%add3A_2514] : memref<2688xf32, #tpu.memory_space<vmem>>[vector<16xi32>], vector<16xf32>,
    %add3A_2516 = arith.addf %gather3A_2515, %get3A_15 : vector<16xf32>
    %swap3A_2517 = arith.constant 20 : i32
    %swap3A_2518 = arith.index_cast %swap3A_2517 : i32 to index
    %swap3A_2519 = arith.constant 96 : index
    %swap3A_2520 = tpu.vector_load %arg9[%swap3A_2518, %swap3A_2519] {strides = array<i32>} : memref<21x128xf32, #tpu.memory_space<vmem>>, vector<16xf32>,
    tpu.vector_store %arg9[%swap3A_2518, %swap3A_2519], %add3A_2516 {strides = array<i32>} : memref<21x128xf32, #tpu.memory_space<vmem>>, vector<16xf32>,
    %add3A_2521 = arith.constant 112 : i32
    %add3A_2522 = vector.broadcast %add3A_2521 : i32 to vector<16xi32>
    %add3A_2523 = arith.addi %add3A_2522, %iota3A : vector<16xi32>
    %mul3A_2524 = arith.constant 21 : i32
    %mul3A_2525 = vector.broadcast %mul3A_2524 : i32 to vector<16xi32>
    %mul3A_2526 = arith.muli %add3A_2523, %mul3A_2525 : vector<16xi32>
    %add3A_2527 = arith.constant 20 : i32
    %add3A_2528 = vector.broadcast %add3A_2527 : i32 to vector<16xi32>
    %add3A_2529 = arith.addi %mul3A_2526, %add3A_2528 : vector<16xi32>
    %gather3A_2530 = tpu.vector_load_idx %arg7[%add3A_2529] : memref<2688xf32, #tpu.memory_space<vmem>>[vector<16xi32>], vector<16xf32>,
    %add3A_2531 = arith.addf %gather3A_2530, %get3A_17 : vector<16xf32>
    %swap3A_2532 = arith.constant 20 : i32
    %swap3A_2533 = arith.index_cast %swap3A_2532 : i32 to index
    %swap3A_2534 = arith.constant 112 : index
    %swap3A_2535 = tpu.vector_load %arg9[%swap3A_2533, %swap3A_2534] {strides = array<i32>} : memref<21x128xf32, #tpu.memory_space<vmem>>, vector<16xf32>,
    tpu.vector_store %arg9[%swap3A_2533, %swap3A_2534], %add3A_2531 {strides = array<i32>} : memref<21x128xf32, #tpu.memory_space<vmem>>, vector<16xf32>,
    %eq3A = arith.constant 0 : i32
    %eq3A_2536 = arith.cmpi eq, %arg1, %eq3A : i32
    %convert_element_type3A = arith.extui %eq3A_2536 : i1 to i32
    %cond3A = arith.constant 0 : i32
    %cond3A_2537 = arith.cmpi ne, %convert_element_type3A, %cond3A : i32
    scf.if %cond3A_2537 {
      "tpu.region"() ({
        %run_scoped3A = tpu.sem_alloc : memref<!tpu.dma_semaphore, #tpu.memory_space<semaphore_mem>>
        tpu.enqueue_dma source(%arg9 : memref<21x128xf32, #tpu.memory_space<vmem>>) target(%arg15 : memref<21x128xf32, #tpu.memory_space<vmem_shared>>) target_semaphore(%run_scoped3A : memref<!tpu.dma_semaphore, #tpu.memory_space<semaphore_mem>>)
        tpu.wait_dma2 semaphore(%run_scoped3A : memref<!tpu.dma_semaphore, #tpu.memory_space<semaphore_mem>>) src(%arg9 : memref<21x128xf32, #tpu.memory_space<vmem>>) dst(%arg15 : memref<21x128xf32, #tpu.memory_space<vmem_shared>>)
        tpu.yield
      }) : () -> ()
    } else {
    }
    %barrier3A = arith.constant 0 : index
    tpu.barrier barrier_id(%barrier3A)
    %scan3A = arith.constant 0 : i32
    %scan3A_2538 = arith.constant 0 : i32
    %scan3A_2539 = arith.constant 40 : i32
    %scan3A_2540 = arith.addi %scan3A_2538, %scan3A_2539 : i32
    %scan3A_2541 = arith.constant 1 : i32
    scf.for %scan3A_2592 = %scan3A_2538 to %scan3A_2540 step %scan3A_2541  : i32 {
      %mul3A_2593 = arith.constant 5 : i32
      %mul3A_2594 = arith.muli %mul3A_2593, %scan3A_2592 : i32
      %ge3A = arith.constant 1 : i32
      %ge3A_2595 = arith.cmpi sge, %scan3A_2592, %ge3A : i32
      %convert_element_type3A_2596 = arith.extui %ge3A_2595 : i1 to i32
      %cond3A_2597 = arith.constant 0 : i32
      %cond3A_2598 = arith.cmpi ne, %convert_element_type3A_2596, %cond3A_2597 : i32
      scf.if %cond3A_2598 {
        %add3A_2753 = arith.constant 0 : i32
        %add3A_2754 = arith.addi %mul3A_2594, %add3A_2753 : i32
        %sub3A = arith.constant 5 : i32
        %sub3A_2755 = arith.subi %add3A_2754, %sub3A : i32
        %add3A_2756 = arith.addi %mul3A_2, %sub3A_2755 : i32
        %dma_wait3A_2757 = arith.constant 0 : i32
        %dma_wait3A_2758 = arith.constant 0 : i32
        %dma_wait3A_2759 = tpu.memref_slice %arg5[%add3A_2756, %dma_wait3A_2757, %dma_wait3A_2758] : memref<6400x128x128xf32, #tpu.memory_space<hbm>> -> memref<1x128x128xf32, #tpu.memory_space<hbm>>
        %dma_wait3A_2760 = tpu.memref_squeeze %dma_wait3A_2759 : memref<1x128x128xf32, #tpu.memory_space<hbm>> -> memref<128x128xf32, #tpu.memory_space<hbm>>
        %dma_wait3A_2761 = arith.constant 0 : i32
        %dma_wait3A_2762 = arith.constant 0 : i32
        %dma_wait3A_2763 = tpu.memref_slice %arg5[%add3A_2756, %dma_wait3A_2761, %dma_wait3A_2762] : memref<6400x128x128xf32, #tpu.memory_space<hbm>> -> memref<1x128x128xf32, #tpu.memory_space<hbm>>
        %dma_wait3A_2764 = tpu.memref_squeeze %dma_wait3A_2763 : memref<1x128x128xf32, #tpu.memory_space<hbm>> -> memref<128x128xf32, #tpu.memory_space<hbm>>
        tpu.wait_dma2 semaphore(%arg21 : memref<!tpu.dma_semaphore, #tpu.memory_space<semaphore_mem>>) src(%arg10 : memref<128x128xf32, #tpu.memory_space<vmem>>) dst(%dma_wait3A_2764 : memref<128x128xf32, #tpu.memory_space<hbm>>)
      } else {
      }
      %add3A_2599 = arith.constant 0 : i32
      %add3A_2600 = arith.addi %mul3A_2594, %add3A_2599 : i32
      %dma_start3A = arith.constant 0 : i32
      %dma_start3A_2601 = tpu.memref_slice %arg6[%add3A_2600, %dma_start3A] : memref<200x128xi32, #tpu.memory_space<vmem>> -> memref<1x128xi32, #tpu.memory_space<vmem>>
      %dma_start3A_2602 = tpu.memref_squeeze %dma_start3A_2601 : memref<1x128xi32, #tpu.memory_space<vmem>> -> memref<128xi32, #tpu.memory_space<vmem>>
      %dma_start3A_2603 = arith.constant 0 : i32
      %dma_start3A_2604 = arith.constant 0 : i32
      %dma_start3A_2605 = tpu.memref_slice %arg15[%dma_start3A_2603, %dma_start3A_2604] : memref<21x128xf32, #tpu.memory_space<vmem_shared>> -> memref<21x128xf32, #tpu.memory_space<vmem_shared>>
      tpu.enqueue_indirect_dma source(%dma_start3A_2605 : memref<21x128xf32, #tpu.memory_space<vmem_shared>>) target(%arg10 : memref<128x128xf32, #tpu.memory_space<vmem>>) offsets(%dma_start3A_2602 : memref<128xi32, #tpu.memory_space<vmem>>) semaphore(%arg16 : memref<!tpu.dma_semaphore, #tpu.memory_space<semaphore_mem>>)
      %ge3A_2606 = arith.constant 1 : i32
      %ge3A_2607 = arith.cmpi sge, %scan3A_2592, %ge3A_2606 : i32
      %convert_element_type3A_2608 = arith.extui %ge3A_2607 : i1 to i32
      %cond3A_2609 = arith.constant 0 : i32
      %cond3A_2610 = arith.cmpi ne, %convert_element_type3A_2608, %cond3A_2609 : i32
      scf.if %cond3A_2610 {
        %add3A_2753 = arith.constant 1 : i32
        %add3A_2754 = arith.addi %mul3A_2594, %add3A_2753 : i32
        %sub3A = arith.constant 5 : i32
        %sub3A_2755 = arith.subi %add3A_2754, %sub3A : i32
        %add3A_2756 = arith.addi %mul3A_2, %sub3A_2755 : i32
        %dma_wait3A_2757 = arith.constant 0 : i32
        %dma_wait3A_2758 = arith.constant 0 : i32
        %dma_wait3A_2759 = tpu.memref_slice %arg5[%add3A_2756, %dma_wait3A_2757, %dma_wait3A_2758] : memref<6400x128x128xf32, #tpu.memory_space<hbm>> -> memref<1x128x128xf32, #tpu.memory_space<hbm>>
        %dma_wait3A_2760 = tpu.memref_squeeze %dma_wait3A_2759 : memref<1x128x128xf32, #tpu.memory_space<hbm>> -> memref<128x128xf32, #tpu.memory_space<hbm>>
        %dma_wait3A_2761 = arith.constant 0 : i32
        %dma_wait3A_2762 = arith.constant 0 : i32
        %dma_wait3A_2763 = tpu.memref_slice %arg5[%add3A_2756, %dma_wait3A_2761, %dma_wait3A_2762] : memref<6400x128x128xf32, #tpu.memory_space<hbm>> -> memref<1x128x128xf32, #tpu.memory_space<hbm>>
        %dma_wait3A_2764 = tpu.memref_squeeze %dma_wait3A_2763 : memref<1x128x128xf32, #tpu.memory_space<hbm>> -> memref<128x128xf32, #tpu.memory_space<hbm>>
        tpu.wait_dma2 semaphore(%arg22 : memref<!tpu.dma_semaphore, #tpu.memory_space<semaphore_mem>>) src(%arg11 : memref<128x128xf32, #tpu.memory_space<vmem>>) dst(%dma_wait3A_2764 : memref<128x128xf32, #tpu.memory_space<hbm>>)
      } else {
      }
      %add3A_2611 = arith.constant 1 : i32
      %add3A_2612 = arith.addi %mul3A_2594, %add3A_2611 : i32
      %dma_start3A_2613 = arith.constant 0 : i32
      %dma_start3A_2614 = tpu.memref_slice %arg6[%add3A_2612, %dma_start3A_2613] : memref<200x128xi32, #tpu.memory_space<vmem>> -> memref<1x128xi32, #tpu.memory_space<vmem>>
      %dma_start3A_2615 = tpu.memref_squeeze %dma_start3A_2614 : memref<1x128xi32, #tpu.memory_space<vmem>> -> memref<128xi32, #tpu.memory_space<vmem>>
      %dma_start3A_2616 = arith.constant 0 : i32
      %dma_start3A_2617 = arith.constant 0 : i32
      %dma_start3A_2618 = tpu.memref_slice %arg15[%dma_start3A_2616, %dma_start3A_2617] : memref<21x128xf32, #tpu.memory_space<vmem_shared>> -> memref<21x128xf32, #tpu.memory_space<vmem_shared>>
      tpu.enqueue_indirect_dma source(%dma_start3A_2618 : memref<21x128xf32, #tpu.memory_space<vmem_shared>>) target(%arg11 : memref<128x128xf32, #tpu.memory_space<vmem>>) offsets(%dma_start3A_2615 : memref<128xi32, #tpu.memory_space<vmem>>) semaphore(%arg17 : memref<!tpu.dma_semaphore, #tpu.memory_space<semaphore_mem>>)
      %ge3A_2619 = arith.constant 1 : i32
      %ge3A_2620 = arith.cmpi sge, %scan3A_2592, %ge3A_2619 : i32
      %convert_element_type3A_2621 = arith.extui %ge3A_2620 : i1 to i32
      %cond3A_2622 = arith.constant 0 : i32
      %cond3A_2623 = arith.cmpi ne, %convert_element_type3A_2621, %cond3A_2622 : i32
      scf.if %cond3A_2623 {
        %add3A_2753 = arith.constant 2 : i32
        %add3A_2754 = arith.addi %mul3A_2594, %add3A_2753 : i32
        %sub3A = arith.constant 5 : i32
        %sub3A_2755 = arith.subi %add3A_2754, %sub3A : i32
        %add3A_2756 = arith.addi %mul3A_2, %sub3A_2755 : i32
        %dma_wait3A_2757 = arith.constant 0 : i32
        %dma_wait3A_2758 = arith.constant 0 : i32
        %dma_wait3A_2759 = tpu.memref_slice %arg5[%add3A_2756, %dma_wait3A_2757, %dma_wait3A_2758] : memref<6400x128x128xf32, #tpu.memory_space<hbm>> -> memref<1x128x128xf32, #tpu.memory_space<hbm>>
        %dma_wait3A_2760 = tpu.memref_squeeze %dma_wait3A_2759 : memref<1x128x128xf32, #tpu.memory_space<hbm>> -> memref<128x128xf32, #tpu.memory_space<hbm>>
        %dma_wait3A_2761 = arith.constant 0 : i32
        %dma_wait3A_2762 = arith.constant 0 : i32
        %dma_wait3A_2763 = tpu.memref_slice %arg5[%add3A_2756, %dma_wait3A_2761, %dma_wait3A_2762] : memref<6400x128x128xf32, #tpu.memory_space<hbm>> -> memref<1x128x128xf32, #tpu.memory_space<hbm>>
        %dma_wait3A_2764 = tpu.memref_squeeze %dma_wait3A_2763 : memref<1x128x128xf32, #tpu.memory_space<hbm>> -> memref<128x128xf32, #tpu.memory_space<hbm>>
        tpu.wait_dma2 semaphore(%arg23 : memref<!tpu.dma_semaphore, #tpu.memory_space<semaphore_mem>>) src(%arg12 : memref<128x128xf32, #tpu.memory_space<vmem>>) dst(%dma_wait3A_2764 : memref<128x128xf32, #tpu.memory_space<hbm>>)
      } else {
      }
      %add3A_2624 = arith.constant 2 : i32
      %add3A_2625 = arith.addi %mul3A_2594, %add3A_2624 : i32
      %dma_start3A_2626 = arith.constant 0 : i32
      %dma_start3A_2627 = tpu.memref_slice %arg6[%add3A_2625, %dma_start3A_2626] : memref<200x128xi32, #tpu.memory_space<vmem>> -> memref<1x128xi32, #tpu.memory_space<vmem>>
      %dma_start3A_2628 = tpu.memref_squeeze %dma_start3A_2627 : memref<1x128xi32, #tpu.memory_space<vmem>> -> memref<128xi32, #tpu.memory_space<vmem>>
      %dma_start3A_2629 = arith.constant 0 : i32
      %dma_start3A_2630 = arith.constant 0 : i32
      %dma_start3A_2631 = tpu.memref_slice %arg15[%dma_start3A_2629, %dma_start3A_2630] : memref<21x128xf32, #tpu.memory_space<vmem_shared>> -> memref<21x128xf32, #tpu.memory_space<vmem_shared>>
      tpu.enqueue_indirect_dma source(%dma_start3A_2631 : memref<21x128xf32, #tpu.memory_space<vmem_shared>>) target(%arg12 : memref<128x128xf32, #tpu.memory_space<vmem>>) offsets(%dma_start3A_2628 : memref<128xi32, #tpu.memory_space<vmem>>) semaphore(%arg18 : memref<!tpu.dma_semaphore, #tpu.memory_space<semaphore_mem>>)
      %ge3A_2632 = arith.constant 1 : i32
      %ge3A_2633 = arith.cmpi sge, %scan3A_2592, %ge3A_2632 : i32
      %convert_element_type3A_2634 = arith.extui %ge3A_2633 : i1 to i32
      %cond3A_2635 = arith.constant 0 : i32
      %cond3A_2636 = arith.cmpi ne, %convert_element_type3A_2634, %cond3A_2635 : i32
      scf.if %cond3A_2636 {
        %add3A_2753 = arith.constant 3 : i32
        %add3A_2754 = arith.addi %mul3A_2594, %add3A_2753 : i32
        %sub3A = arith.constant 5 : i32
        %sub3A_2755 = arith.subi %add3A_2754, %sub3A : i32
        %add3A_2756 = arith.addi %mul3A_2, %sub3A_2755 : i32
        %dma_wait3A_2757 = arith.constant 0 : i32
        %dma_wait3A_2758 = arith.constant 0 : i32
        %dma_wait3A_2759 = tpu.memref_slice %arg5[%add3A_2756, %dma_wait3A_2757, %dma_wait3A_2758] : memref<6400x128x128xf32, #tpu.memory_space<hbm>> -> memref<1x128x128xf32, #tpu.memory_space<hbm>>
        %dma_wait3A_2760 = tpu.memref_squeeze %dma_wait3A_2759 : memref<1x128x128xf32, #tpu.memory_space<hbm>> -> memref<128x128xf32, #tpu.memory_space<hbm>>
        %dma_wait3A_2761 = arith.constant 0 : i32
        %dma_wait3A_2762 = arith.constant 0 : i32
        %dma_wait3A_2763 = tpu.memref_slice %arg5[%add3A_2756, %dma_wait3A_2761, %dma_wait3A_2762] : memref<6400x128x128xf32, #tpu.memory_space<hbm>> -> memref<1x128x128xf32, #tpu.memory_space<hbm>>
        %dma_wait3A_2764 = tpu.memref_squeeze %dma_wait3A_2763 : memref<1x128x128xf32, #tpu.memory_space<hbm>> -> memref<128x128xf32, #tpu.memory_space<hbm>>
        tpu.wait_dma2 semaphore(%arg24 : memref<!tpu.dma_semaphore, #tpu.memory_space<semaphore_mem>>) src(%arg13 : memref<128x128xf32, #tpu.memory_space<vmem>>) dst(%dma_wait3A_2764 : memref<128x128xf32, #tpu.memory_space<hbm>>)
      } else {
      }
      %add3A_2637 = arith.constant 3 : i32
      %add3A_2638 = arith.addi %mul3A_2594, %add3A_2637 : i32
      %dma_start3A_2639 = arith.constant 0 : i32
      %dma_start3A_2640 = tpu.memref_slice %arg6[%add3A_2638, %dma_start3A_2639] : memref<200x128xi32, #tpu.memory_space<vmem>> -> memref<1x128xi32, #tpu.memory_space<vmem>>
      %dma_start3A_2641 = tpu.memref_squeeze %dma_start3A_2640 : memref<1x128xi32, #tpu.memory_space<vmem>> -> memref<128xi32, #tpu.memory_space<vmem>>
      %dma_start3A_2642 = arith.constant 0 : i32
      %dma_start3A_2643 = arith.constant 0 : i32
      %dma_start3A_2644 = tpu.memref_slice %arg15[%dma_start3A_2642, %dma_start3A_2643] : memref<21x128xf32, #tpu.memory_space<vmem_shared>> -> memref<21x128xf32, #tpu.memory_space<vmem_shared>>
      tpu.enqueue_indirect_dma source(%dma_start3A_2644 : memref<21x128xf32, #tpu.memory_space<vmem_shared>>) target(%arg13 : memref<128x128xf32, #tpu.memory_space<vmem>>) offsets(%dma_start3A_2641 : memref<128xi32, #tpu.memory_space<vmem>>) semaphore(%arg19 : memref<!tpu.dma_semaphore, #tpu.memory_space<semaphore_mem>>)
      %ge3A_2645 = arith.constant 1 : i32
      %ge3A_2646 = arith.cmpi sge, %scan3A_2592, %ge3A_2645 : i32
      %convert_element_type3A_2647 = arith.extui %ge3A_2646 : i1 to i32
      %cond3A_2648 = arith.constant 0 : i32
      %cond3A_2649 = arith.cmpi ne, %convert_element_type3A_2647, %cond3A_2648 : i32
      scf.if %cond3A_2649 {
        %add3A_2753 = arith.constant 4 : i32
        %add3A_2754 = arith.addi %mul3A_2594, %add3A_2753 : i32
        %sub3A = arith.constant 5 : i32
        %sub3A_2755 = arith.subi %add3A_2754, %sub3A : i32
        %add3A_2756 = arith.addi %mul3A_2, %sub3A_2755 : i32
        %dma_wait3A_2757 = arith.constant 0 : i32
        %dma_wait3A_2758 = arith.constant 0 : i32
        %dma_wait3A_2759 = tpu.memref_slice %arg5[%add3A_2756, %dma_wait3A_2757, %dma_wait3A_2758] : memref<6400x128x128xf32, #tpu.memory_space<hbm>> -> memref<1x128x128xf32, #tpu.memory_space<hbm>>
        %dma_wait3A_2760 = tpu.memref_squeeze %dma_wait3A_2759 : memref<1x128x128xf32, #tpu.memory_space<hbm>> -> memref<128x128xf32, #tpu.memory_space<hbm>>
        %dma_wait3A_2761 = arith.constant 0 : i32
        %dma_wait3A_2762 = arith.constant 0 : i32
        %dma_wait3A_2763 = tpu.memref_slice %arg5[%add3A_2756, %dma_wait3A_2761, %dma_wait3A_2762] : memref<6400x128x128xf32, #tpu.memory_space<hbm>> -> memref<1x128x128xf32, #tpu.memory_space<hbm>>
        %dma_wait3A_2764 = tpu.memref_squeeze %dma_wait3A_2763 : memref<1x128x128xf32, #tpu.memory_space<hbm>> -> memref<128x128xf32, #tpu.memory_space<hbm>>
        tpu.wait_dma2 semaphore(%arg25 : memref<!tpu.dma_semaphore, #tpu.memory_space<semaphore_mem>>) src(%arg14 : memref<128x128xf32, #tpu.memory_space<vmem>>) dst(%dma_wait3A_2764 : memref<128x128xf32, #tpu.memory_space<hbm>>)
      } else {
      }
      %add3A_2650 = arith.constant 4 : i32
      %add3A_2651 = arith.addi %mul3A_2594, %add3A_2650 : i32
      %dma_start3A_2652 = arith.constant 0 : i32
      %dma_start3A_2653 = tpu.memref_slice %arg6[%add3A_2651, %dma_start3A_2652] : memref<200x128xi32, #tpu.memory_space<vmem>> -> memref<1x128xi32, #tpu.memory_space<vmem>>
      %dma_start3A_2654 = tpu.memref_squeeze %dma_start3A_2653 : memref<1x128xi32, #tpu.memory_space<vmem>> -> memref<128xi32, #tpu.memory_space<vmem>>
      %dma_start3A_2655 = arith.constant 0 : i32
      %dma_start3A_2656 = arith.constant 0 : i32
      %dma_start3A_2657 = tpu.memref_slice %arg15[%dma_start3A_2655, %dma_start3A_2656] : memref<21x128xf32, #tpu.memory_space<vmem_shared>> -> memref<21x128xf32, #tpu.memory_space<vmem_shared>>
      tpu.enqueue_indirect_dma source(%dma_start3A_2657 : memref<21x128xf32, #tpu.memory_space<vmem_shared>>) target(%arg14 : memref<128x128xf32, #tpu.memory_space<vmem>>) offsets(%dma_start3A_2654 : memref<128xi32, #tpu.memory_space<vmem>>) semaphore(%arg20 : memref<!tpu.dma_semaphore, #tpu.memory_space<semaphore_mem>>)
      %add3A_2658 = arith.constant 0 : i32
      %add3A_2659 = arith.addi %mul3A_2594, %add3A_2658 : i32
      %dma_wait3A_2660 = arith.constant 0 : i32
      %dma_wait3A_2661 = tpu.memref_slice %arg6[%add3A_2659, %dma_wait3A_2660] : memref<200x128xi32, #tpu.memory_space<vmem>> -> memref<1x128xi32, #tpu.memory_space<vmem>>
      %dma_wait3A_2662 = tpu.memref_squeeze %dma_wait3A_2661 : memref<1x128xi32, #tpu.memory_space<vmem>> -> memref<128xi32, #tpu.memory_space<vmem>>
      %dma_wait3A_2663 = arith.constant 0 : i32
      %dma_wait3A_2664 = arith.constant 0 : i32
      %dma_wait3A_2665 = tpu.memref_slice %arg15[%dma_wait3A_2663, %dma_wait3A_2664] : memref<21x128xf32, #tpu.memory_space<vmem_shared>> -> memref<21x128xf32, #tpu.memory_space<vmem_shared>>
      tpu.wait_indirect_dma semaphore(%arg16 : memref<!tpu.dma_semaphore, #tpu.memory_space<semaphore_mem>>) src(%dma_wait3A_2665 : memref<21x128xf32, #tpu.memory_space<vmem_shared>>) dst(%arg10 : memref<128x128xf32, #tpu.memory_space<vmem>>)
      %add3A_2666 = arith.constant 0 : i32
      %add3A_2667 = arith.addi %mul3A_2594, %add3A_2666 : i32
      %add3A_2668 = arith.addi %mul3A_2, %add3A_2667 : i32
      %dma_start3A_2669 = arith.constant 0 : i32
      %dma_start3A_2670 = arith.constant 0 : i32
      %dma_start3A_2671 = tpu.memref_slice %arg5[%add3A_2668, %dma_start3A_2669, %dma_start3A_2670] : memref<6400x128x128xf32, #tpu.memory_space<hbm>> -> memref<1x128x128xf32, #tpu.memory_space<hbm>>
      %dma_start3A_2672 = tpu.memref_squeeze %dma_start3A_2671 : memref<1x128x128xf32, #tpu.memory_space<hbm>> -> memref<128x128xf32, #tpu.memory_space<hbm>>
      %dma_start3A_2673 = arith.constant 0 : i32
      %dma_start3A_2674 = arith.constant 0 : i32
      %dma_start3A_2675 = tpu.memref_slice %arg5[%add3A_2668, %dma_start3A_2673, %dma_start3A_2674] : memref<6400x128x128xf32, #tpu.memory_space<hbm>> -> memref<1x128x128xf32, #tpu.memory_space<hbm>>
      %dma_start3A_2676 = tpu.memref_squeeze %dma_start3A_2675 : memref<1x128x128xf32, #tpu.memory_space<hbm>> -> memref<128x128xf32, #tpu.memory_space<hbm>>
      tpu.enqueue_dma source(%arg10 : memref<128x128xf32, #tpu.memory_space<vmem>>) target(%dma_start3A_2676 : memref<128x128xf32, #tpu.memory_space<hbm>>) target_semaphore(%arg21 : memref<!tpu.dma_semaphore, #tpu.memory_space<semaphore_mem>>)
      %add3A_2677 = arith.constant 1 : i32
      %add3A_2678 = arith.addi %mul3A_2594, %add3A_2677 : i32
      %dma_wait3A_2679 = arith.constant 0 : i32
      %dma_wait3A_2680 = tpu.memref_slice %arg6[%add3A_2678, %dma_wait3A_2679] : memref<200x128xi32, #tpu.memory_space<vmem>> -> memref<1x128xi32, #tpu.memory_space<vmem>>
      %dma_wait3A_2681 = tpu.memref_squeeze %dma_wait3A_2680 : memref<1x128xi32, #tpu.memory_space<vmem>> -> memref<128xi32, #tpu.memory_space<vmem>>
      %dma_wait3A_2682 = arith.constant 0 : i32
      %dma_wait3A_2683 = arith.constant 0 : i32
      %dma_wait3A_2684 = tpu.memref_slice %arg15[%dma_wait3A_2682, %dma_wait3A_2683] : memref<21x128xf32, #tpu.memory_space<vmem_shared>> -> memref<21x128xf32, #tpu.memory_space<vmem_shared>>
      tpu.wait_indirect_dma semaphore(%arg17 : memref<!tpu.dma_semaphore, #tpu.memory_space<semaphore_mem>>) src(%dma_wait3A_2684 : memref<21x128xf32, #tpu.memory_space<vmem_shared>>) dst(%arg11 : memref<128x128xf32, #tpu.memory_space<vmem>>)
      %add3A_2685 = arith.constant 1 : i32
      %add3A_2686 = arith.addi %mul3A_2594, %add3A_2685 : i32
      %add3A_2687 = arith.addi %mul3A_2, %add3A_2686 : i32
      %dma_start3A_2688 = arith.constant 0 : i32
      %dma_start3A_2689 = arith.constant 0 : i32
      %dma_start3A_2690 = tpu.memref_slice %arg5[%add3A_2687, %dma_start3A_2688, %dma_start3A_2689] : memref<6400x128x128xf32, #tpu.memory_space<hbm>> -> memref<1x128x128xf32, #tpu.memory_space<hbm>>
      %dma_start3A_2691 = tpu.memref_squeeze %dma_start3A_2690 : memref<1x128x128xf32, #tpu.memory_space<hbm>> -> memref<128x128xf32, #tpu.memory_space<hbm>>
      %dma_start3A_2692 = arith.constant 0 : i32
      %dma_start3A_2693 = arith.constant 0 : i32
      %dma_start3A_2694 = tpu.memref_slice %arg5[%add3A_2687, %dma_start3A_2692, %dma_start3A_2693] : memref<6400x128x128xf32, #tpu.memory_space<hbm>> -> memref<1x128x128xf32, #tpu.memory_space<hbm>>
      %dma_start3A_2695 = tpu.memref_squeeze %dma_start3A_2694 : memref<1x128x128xf32, #tpu.memory_space<hbm>> -> memref<128x128xf32, #tpu.memory_space<hbm>>
      tpu.enqueue_dma source(%arg11 : memref<128x128xf32, #tpu.memory_space<vmem>>) target(%dma_start3A_2695 : memref<128x128xf32, #tpu.memory_space<hbm>>) target_semaphore(%arg22 : memref<!tpu.dma_semaphore, #tpu.memory_space<semaphore_mem>>)
      %add3A_2696 = arith.constant 2 : i32
      %add3A_2697 = arith.addi %mul3A_2594, %add3A_2696 : i32
      %dma_wait3A_2698 = arith.constant 0 : i32
      %dma_wait3A_2699 = tpu.memref_slice %arg6[%add3A_2697, %dma_wait3A_2698] : memref<200x128xi32, #tpu.memory_space<vmem>> -> memref<1x128xi32, #tpu.memory_space<vmem>>
      %dma_wait3A_2700 = tpu.memref_squeeze %dma_wait3A_2699 : memref<1x128xi32, #tpu.memory_space<vmem>> -> memref<128xi32, #tpu.memory_space<vmem>>
      %dma_wait3A_2701 = arith.constant 0 : i32
      %dma_wait3A_2702 = arith.constant 0 : i32
      %dma_wait3A_2703 = tpu.memref_slice %arg15[%dma_wait3A_2701, %dma_wait3A_2702] : memref<21x128xf32, #tpu.memory_space<vmem_shared>> -> memref<21x128xf32, #tpu.memory_space<vmem_shared>>
      tpu.wait_indirect_dma semaphore(%arg18 : memref<!tpu.dma_semaphore, #tpu.memory_space<semaphore_mem>>) src(%dma_wait3A_2703 : memref<21x128xf32, #tpu.memory_space<vmem_shared>>) dst(%arg12 : memref<128x128xf32, #tpu.memory_space<vmem>>)
      %add3A_2704 = arith.constant 2 : i32
      %add3A_2705 = arith.addi %mul3A_2594, %add3A_2704 : i32
      %add3A_2706 = arith.addi %mul3A_2, %add3A_2705 : i32
      %dma_start3A_2707 = arith.constant 0 : i32
      %dma_start3A_2708 = arith.constant 0 : i32
      %dma_start3A_2709 = tpu.memref_slice %arg5[%add3A_2706, %dma_start3A_2707, %dma_start3A_2708] : memref<6400x128x128xf32, #tpu.memory_space<hbm>> -> memref<1x128x128xf32, #tpu.memory_space<hbm>>
      %dma_start3A_2710 = tpu.memref_squeeze %dma_start3A_2709 : memref<1x128x128xf32, #tpu.memory_space<hbm>> -> memref<128x128xf32, #tpu.memory_space<hbm>>
      %dma_start3A_2711 = arith.constant 0 : i32
      %dma_start3A_2712 = arith.constant 0 : i32
      %dma_start3A_2713 = tpu.memref_slice %arg5[%add3A_2706, %dma_start3A_2711, %dma_start3A_2712] : memref<6400x128x128xf32, #tpu.memory_space<hbm>> -> memref<1x128x128xf32, #tpu.memory_space<hbm>>
      %dma_start3A_2714 = tpu.memref_squeeze %dma_start3A_2713 : memref<1x128x128xf32, #tpu.memory_space<hbm>> -> memref<128x128xf32, #tpu.memory_space<hbm>>
      tpu.enqueue_dma source(%arg12 : memref<128x128xf32, #tpu.memory_space<vmem>>) target(%dma_start3A_2714 : memref<128x128xf32, #tpu.memory_space<hbm>>) target_semaphore(%arg23 : memref<!tpu.dma_semaphore, #tpu.memory_space<semaphore_mem>>)
      %add3A_2715 = arith.constant 3 : i32
      %add3A_2716 = arith.addi %mul3A_2594, %add3A_2715 : i32
      %dma_wait3A_2717 = arith.constant 0 : i32
      %dma_wait3A_2718 = tpu.memref_slice %arg6[%add3A_2716, %dma_wait3A_2717] : memref<200x128xi32, #tpu.memory_space<vmem>> -> memref<1x128xi32, #tpu.memory_space<vmem>>
      %dma_wait3A_2719 = tpu.memref_squeeze %dma_wait3A_2718 : memref<1x128xi32, #tpu.memory_space<vmem>> -> memref<128xi32, #tpu.memory_space<vmem>>
      %dma_wait3A_2720 = arith.constant 0 : i32
      %dma_wait3A_2721 = arith.constant 0 : i32
      %dma_wait3A_2722 = tpu.memref_slice %arg15[%dma_wait3A_2720, %dma_wait3A_2721] : memref<21x128xf32, #tpu.memory_space<vmem_shared>> -> memref<21x128xf32, #tpu.memory_space<vmem_shared>>
      tpu.wait_indirect_dma semaphore(%arg19 : memref<!tpu.dma_semaphore, #tpu.memory_space<semaphore_mem>>) src(%dma_wait3A_2722 : memref<21x128xf32, #tpu.memory_space<vmem_shared>>) dst(%arg13 : memref<128x128xf32, #tpu.memory_space<vmem>>)
      %add3A_2723 = arith.constant 3 : i32
      %add3A_2724 = arith.addi %mul3A_2594, %add3A_2723 : i32
      %add3A_2725 = arith.addi %mul3A_2, %add3A_2724 : i32
      %dma_start3A_2726 = arith.constant 0 : i32
      %dma_start3A_2727 = arith.constant 0 : i32
      %dma_start3A_2728 = tpu.memref_slice %arg5[%add3A_2725, %dma_start3A_2726, %dma_start3A_2727] : memref<6400x128x128xf32, #tpu.memory_space<hbm>> -> memref<1x128x128xf32, #tpu.memory_space<hbm>>
      %dma_start3A_2729 = tpu.memref_squeeze %dma_start3A_2728 : memref<1x128x128xf32, #tpu.memory_space<hbm>> -> memref<128x128xf32, #tpu.memory_space<hbm>>
      %dma_start3A_2730 = arith.constant 0 : i32
      %dma_start3A_2731 = arith.constant 0 : i32
      %dma_start3A_2732 = tpu.memref_slice %arg5[%add3A_2725, %dma_start3A_2730, %dma_start3A_2731] : memref<6400x128x128xf32, #tpu.memory_space<hbm>> -> memref<1x128x128xf32, #tpu.memory_space<hbm>>
      %dma_start3A_2733 = tpu.memref_squeeze %dma_start3A_2732 : memref<1x128x128xf32, #tpu.memory_space<hbm>> -> memref<128x128xf32, #tpu.memory_space<hbm>>
      tpu.enqueue_dma source(%arg13 : memref<128x128xf32, #tpu.memory_space<vmem>>) target(%dma_start3A_2733 : memref<128x128xf32, #tpu.memory_space<hbm>>) target_semaphore(%arg24 : memref<!tpu.dma_semaphore, #tpu.memory_space<semaphore_mem>>)
      %add3A_2734 = arith.constant 4 : i32
      %add3A_2735 = arith.addi %mul3A_2594, %add3A_2734 : i32
      %dma_wait3A_2736 = arith.constant 0 : i32
      %dma_wait3A_2737 = tpu.memref_slice %arg6[%add3A_2735, %dma_wait3A_2736] : memref<200x128xi32, #tpu.memory_space<vmem>> -> memref<1x128xi32, #tpu.memory_space<vmem>>
      %dma_wait3A_2738 = tpu.memref_squeeze %dma_wait3A_2737 : memref<1x128xi32, #tpu.memory_space<vmem>> -> memref<128xi32, #tpu.memory_space<vmem>>
      %dma_wait3A_2739 = arith.constant 0 : i32
      %dma_wait3A_2740 = arith.constant 0 : i32
      %dma_wait3A_2741 = tpu.memref_slice %arg15[%dma_wait3A_2739, %dma_wait3A_2740] : memref<21x128xf32, #tpu.memory_space<vmem_shared>> -> memref<21x128xf32, #tpu.memory_space<vmem_shared>>
      tpu.wait_indirect_dma semaphore(%arg20 : memref<!tpu.dma_semaphore, #tpu.memory_space<semaphore_mem>>) src(%dma_wait3A_2741 : memref<21x128xf32, #tpu.memory_space<vmem_shared>>) dst(%arg14 : memref<128x128xf32, #tpu.memory_space<vmem>>)
      %add3A_2742 = arith.constant 4 : i32
      %add3A_2743 = arith.addi %mul3A_2594, %add3A_2742 : i32
      %add3A_2744 = arith.addi %mul3A_2, %add3A_2743 : i32
      %dma_start3A_2745 = arith.constant 0 : i32
      %dma_start3A_2746 = arith.constant 0 : i32
      %dma_start3A_2747 = tpu.memref_slice %arg5[%add3A_2744, %dma_start3A_2745, %dma_start3A_2746] : memref<6400x128x128xf32, #tpu.memory_space<hbm>> -> memref<1x128x128xf32, #tpu.memory_space<hbm>>
      %dma_start3A_2748 = tpu.memref_squeeze %dma_start3A_2747 : memref<1x128x128xf32, #tpu.memory_space<hbm>> -> memref<128x128xf32, #tpu.memory_space<hbm>>
      %dma_start3A_2749 = arith.constant 0 : i32
      %dma_start3A_2750 = arith.constant 0 : i32
      %dma_start3A_2751 = tpu.memref_slice %arg5[%add3A_2744, %dma_start3A_2749, %dma_start3A_2750] : memref<6400x128x128xf32, #tpu.memory_space<hbm>> -> memref<1x128x128xf32, #tpu.memory_space<hbm>>
      %dma_start3A_2752 = tpu.memref_squeeze %dma_start3A_2751 : memref<1x128x128xf32, #tpu.memory_space<hbm>> -> memref<128x128xf32, #tpu.memory_space<hbm>>
      tpu.enqueue_dma source(%arg14 : memref<128x128xf32, #tpu.memory_space<vmem>>) target(%dma_start3A_2752 : memref<128x128xf32, #tpu.memory_space<hbm>>) target_semaphore(%arg25 : memref<!tpu.dma_semaphore, #tpu.memory_space<semaphore_mem>>)
    }
    %scan3A_2542 = arith.constant 40 : i32
    %add3A_2543 = arith.constant 195 : i32
    %add3A_2544 = arith.addi %mul3A_2, %add3A_2543 : i32
    %dma_wait3A = arith.constant 0 : i32
    %dma_wait3A_2545 = arith.constant 0 : i32
    %dma_wait3A_2546 = tpu.memref_slice %arg5[%add3A_2544, %dma_wait3A, %dma_wait3A_2545] : memref<6400x128x128xf32, #tpu.memory_space<hbm>> -> memref<1x128x128xf32, #tpu.memory_space<hbm>>
    %dma_wait3A_2547 = tpu.memref_squeeze %dma_wait3A_2546 : memref<1x128x128xf32, #tpu.memory_space<hbm>> -> memref<128x128xf32, #tpu.memory_space<hbm>>
    %dma_wait3A_2548 = arith.constant 0 : i32
    %dma_wait3A_2549 = arith.constant 0 : i32
    %dma_wait3A_2550 = tpu.memref_slice %arg5[%add3A_2544, %dma_wait3A_2548, %dma_wait3A_2549] : memref<6400x128x128xf32, #tpu.memory_space<hbm>> -> memref<1x128x128xf32, #tpu.memory_space<hbm>>
    %dma_wait3A_2551 = tpu.memref_squeeze %dma_wait3A_2550 : memref<1x128x128xf32, #tpu.memory_space<hbm>> -> memref<128x128xf32, #tpu.memory_space<hbm>>
    tpu.wait_dma2 semaphore(%arg21 : memref<!tpu.dma_semaphore, #tpu.memory_space<semaphore_mem>>) src(%arg10 : memref<128x128xf32, #tpu.memory_space<vmem>>) dst(%dma_wait3A_2551 : memref<128x128xf32, #tpu.memory_space<hbm>>)
    %add3A_2552 = arith.constant 196 : i32
    %add3A_2553 = arith.addi %mul3A_2, %add3A_2552 : i32
    %dma_wait3A_2554 = arith.constant 0 : i32
    %dma_wait3A_2555 = arith.constant 0 : i32
    %dma_wait3A_2556 = tpu.memref_slice %arg5[%add3A_2553, %dma_wait3A_2554, %dma_wait3A_2555] : memref<6400x128x128xf32, #tpu.memory_space<hbm>> -> memref<1x128x128xf32, #tpu.memory_space<hbm>>
    %dma_wait3A_2557 = tpu.memref_squeeze %dma_wait3A_2556 : memref<1x128x128xf32, #tpu.memory_space<hbm>> -> memref<128x128xf32, #tpu.memory_space<hbm>>
    %dma_wait3A_2558 = arith.constant 0 : i32
    %dma_wait3A_2559 = arith.constant 0 : i32
    %dma_wait3A_2560 = tpu.memref_slice %arg5[%add3A_2553, %dma_wait3A_2558, %dma_wait3A_2559] : memref<6400x128x128xf32, #tpu.memory_space<hbm>> -> memref<1x128x128xf32, #tpu.memory_space<hbm>>
    %dma_wait3A_2561 = tpu.memref_squeeze %dma_wait3A_2560 : memref<1x128x128xf32, #tpu.memory_space<hbm>> -> memref<128x128xf32, #tpu.memory_space<hbm>>
    tpu.wait_dma2 semaphore(%arg22 : memref<!tpu.dma_semaphore, #tpu.memory_space<semaphore_mem>>) src(%arg11 : memref<128x128xf32, #tpu.memory_space<vmem>>) dst(%dma_wait3A_2561 : memref<128x128xf32, #tpu.memory_space<hbm>>)
    %add3A_2562 = arith.constant 197 : i32
    %add3A_2563 = arith.addi %mul3A_2, %add3A_2562 : i32
    %dma_wait3A_2564 = arith.constant 0 : i32
    %dma_wait3A_2565 = arith.constant 0 : i32
    %dma_wait3A_2566 = tpu.memref_slice %arg5[%add3A_2563, %dma_wait3A_2564, %dma_wait3A_2565] : memref<6400x128x128xf32, #tpu.memory_space<hbm>> -> memref<1x128x128xf32, #tpu.memory_space<hbm>>
    %dma_wait3A_2567 = tpu.memref_squeeze %dma_wait3A_2566 : memref<1x128x128xf32, #tpu.memory_space<hbm>> -> memref<128x128xf32, #tpu.memory_space<hbm>>
    %dma_wait3A_2568 = arith.constant 0 : i32
    %dma_wait3A_2569 = arith.constant 0 : i32
    %dma_wait3A_2570 = tpu.memref_slice %arg5[%add3A_2563, %dma_wait3A_2568, %dma_wait3A_2569] : memref<6400x128x128xf32, #tpu.memory_space<hbm>> -> memref<1x128x128xf32, #tpu.memory_space<hbm>>
    %dma_wait3A_2571 = tpu.memref_squeeze %dma_wait3A_2570 : memref<1x128x128xf32, #tpu.memory_space<hbm>> -> memref<128x128xf32, #tpu.memory_space<hbm>>
    tpu.wait_dma2 semaphore(%arg23 : memref<!tpu.dma_semaphore, #tpu.memory_space<semaphore_mem>>) src(%arg12 : memref<128x128xf32, #tpu.memory_space<vmem>>) dst(%dma_wait3A_2571 : memref<128x128xf32, #tpu.memory_space<hbm>>)
    %add3A_2572 = arith.constant 198 : i32
    %add3A_2573 = arith.addi %mul3A_2, %add3A_2572 : i32
    %dma_wait3A_2574 = arith.constant 0 : i32
    %dma_wait3A_2575 = arith.constant 0 : i32
    %dma_wait3A_2576 = tpu.memref_slice %arg5[%add3A_2573, %dma_wait3A_2574, %dma_wait3A_2575] : memref<6400x128x128xf32, #tpu.memory_space<hbm>> -> memref<1x128x128xf32, #tpu.memory_space<hbm>>
    %dma_wait3A_2577 = tpu.memref_squeeze %dma_wait3A_2576 : memref<1x128x128xf32, #tpu.memory_space<hbm>> -> memref<128x128xf32, #tpu.memory_space<hbm>>
    %dma_wait3A_2578 = arith.constant 0 : i32
    %dma_wait3A_2579 = arith.constant 0 : i32
    %dma_wait3A_2580 = tpu.memref_slice %arg5[%add3A_2573, %dma_wait3A_2578, %dma_wait3A_2579] : memref<6400x128x128xf32, #tpu.memory_space<hbm>> -> memref<1x128x128xf32, #tpu.memory_space<hbm>>
    %dma_wait3A_2581 = tpu.memref_squeeze %dma_wait3A_2580 : memref<1x128x128xf32, #tpu.memory_space<hbm>> -> memref<128x128xf32, #tpu.memory_space<hbm>>
    tpu.wait_dma2 semaphore(%arg24 : memref<!tpu.dma_semaphore, #tpu.memory_space<semaphore_mem>>) src(%arg13 : memref<128x128xf32, #tpu.memory_space<vmem>>) dst(%dma_wait3A_2581 : memref<128x128xf32, #tpu.memory_space<hbm>>)
    %add3A_2582 = arith.constant 199 : i32
    %add3A_2583 = arith.addi %mul3A_2, %add3A_2582 : i32
    %dma_wait3A_2584 = arith.constant 0 : i32
    %dma_wait3A_2585 = arith.constant 0 : i32
    %dma_wait3A_2586 = tpu.memref_slice %arg5[%add3A_2583, %dma_wait3A_2584, %dma_wait3A_2585] : memref<6400x128x128xf32, #tpu.memory_space<hbm>> -> memref<1x128x128xf32, #tpu.memory_space<hbm>>
    %dma_wait3A_2587 = tpu.memref_squeeze %dma_wait3A_2586 : memref<1x128x128xf32, #tpu.memory_space<hbm>> -> memref<128x128xf32, #tpu.memory_space<hbm>>
    %dma_wait3A_2588 = arith.constant 0 : i32
    %dma_wait3A_2589 = arith.constant 0 : i32
    %dma_wait3A_2590 = tpu.memref_slice %arg5[%add3A_2583, %dma_wait3A_2588, %dma_wait3A_2589] : memref<6400x128x128xf32, #tpu.memory_space<hbm>> -> memref<1x128x128xf32, #tpu.memory_space<hbm>>
    %dma_wait3A_2591 = tpu.memref_squeeze %dma_wait3A_2590 : memref<1x128x128xf32, #tpu.memory_space<hbm>> -> memref<128x128xf32, #tpu.memory_space<hbm>>
    tpu.wait_dma2 semaphore(%arg25 : memref<!tpu.dma_semaphore, #tpu.memory_space<semaphore_mem>>) src(%arg14 : memref<128x128xf32, #tpu.memory_space<vmem>>) dst(%dma_wait3A_2591 : memref<128x128xf32, #tpu.memory_space<hbm>>)
    return
  }
}

</mosaic_0001>

<sc_bundles>
// kernel: kernel.3.cloned.1.call-start
scs
__scs_entry_jumppad:
0x0: {  	(pc) =	sbr.rel $0x88, $3  }
0x1: {  	(tag) =	ssettag $0x0;
	lr =	simm.s32 $0x1  }
0x2: {  	[smem:$0x3F9E] =	sst lr;
	_ =	strace $0xD0000000  }
0x3: {  	_ = 	snop  }
0x4: {  	_ = 	snop  }
0x5: {  	_ = 	snop  }
0x6: {  	_ = 	snop  }
0x7: {  	_ = 	snop  }
__scs_overlays_trampoline_lowered:
0x8: {  	[smem:$0x3FAD] =	sst s0  }
0x9: {  	[smem:$0x3FAE] =	sst s1  }
0xa: {  	[smem:$0x3FAF] =	sst s2  }
0xb: {  	[smem:$0x3FB0] =	sst s3  }
0xc: {  	[smem:$0x3FB1] =	sst s4  }
0xd: {  	[smem:$0x3FB2] =	sst s5  }
0xe: {  	[smem:$0x3FB3] =	sst s6  }
0xf: {  	[smem:$0x3FB4] =	sst s7  }
0x10: {  	[smem:$0x3FB5] =	sst s8  }
0x11: {  	[smem:$0x3FB6] =	sst s9;
	s0 =	simm.s32 @!p0 $0x0  }
0x12: {  	s1 =	sld [smem:$0x3F9C];
	s0 =	simm.s32 @p0 $0x1  }
0x13: {  	[smem:$0x3FB7] =	sst s0;
	s0 =	simm.s32 @!p1 $0x0  }
0x14: {  	s2 =	sld [smem:$0x3F9B];
	s0 =	simm.s32 @p1 $0x1  }
0x15: {  	[smem:$0x3FB8] =	sst s0;
	s0 =	simm.s32 @!p2 $0x0  }
0x16: {  	s3 =	sld [smem:$0x3FDB];
	s0 =	simm.s32 @p2 $0x1  }
0x17: {  	s4 =	simm.s32 $0x1BF5;
	[smem:$0x3FBA] =	sst s0  }
0x18: {  	s0 =	sld [smem:$0x3F9D];
	_ =	swait.ge [sflag:s4], $0x0  }
0x19: {  	s7 =	sld [smem:$0x3F9E]  }
0x1a: {  	s8 =	sadd.s32 $0xFFFFE003, lr  }
0x1b: {  	s9 =	sadd.s32 $0xFFFFFEF7, lr;
	s5 =	simm.s32 $0xFFFFFFFF;
	p2 =	slt.u32 s8, $0xFFFFF086  }
0x1c: {  	p1 =	slt.u32 s9, $0xF7A;
	s5 =	simm.s32 @!p2 $0x0  }
0x1d: {  	s5 =	simm.s32 @p1 $0x1;
	p0 =	seq.s32 s7, s2  }
0x1e: {  	s7 =	smul.u32 @!p0 $0xF7A, s2;
	p2 =	seq.s32 @!p0 s5, $0x0  }
0x1f: {  	s9 =	smul.u32 $0xF7A, s1;
	s8 =	simm.s32 @!p0 $0x1BF5;
	p2 =	por !p2, p0  }
0x20: {  	[sflag:s8] =	ssyncset.s32 @!p0 $0xFFFFF086;
	s6 =	sadd.s32 @!p0 s3, s7;
	s7 =	simm.s32 @!p0 $0x108  }
0x21: {  	s3 =	sadd.s32 s3, s9;
	s6 =	sadd.s32 @!p0 $0x88, s6;
	s7 =	simm.s32 @p2 $0x1082  }
0x22: {  	[simem:s7], [sflag:s8] =	dma.local @!p0 [hbm:s6], $0xF7A  }
0x23: {  	s9 =	sor.u32 $0xD0000000, s2;
	s6 =	simm.s32 $0x108;
	_ =	swait.ge @!p0 [sflag:s8], $0x0  }
0x24: {  	s3 =	sadd.s32 $0x88, s3;
	s6 =	simm.s32 @!p1 $0x1082;
	[sflag:s4] =	ssyncset.s32 $0xFFFFF086  }
0x25: {  	[simem:s6], [sflag:s4] =	dma.local [hbm:s3], $0xF7A  }
0x26: {  	[smem:$0x3F9E] =	sst s1;
	(tag) =	ssettag s2;
	_ =	strace s9  }
0x27: {  	s1 =	sld [smem:$0x3FAE]  }
0x28: {  	s2 =	sld [smem:$0x3FAF]  }
0x29: {  	s4 =	sld [smem:$0x3FB1]  }
0x2a: {  	p0 =	seq.s32 s5, $0x0;
	s5 =	sld [smem:$0x3FB2]  }
0x2b: {  	s6 =	sld [smem:$0x3FB3]  }
0x2c: {  	s7 =	sld [smem:$0x3FB4]  }
0x2d: {  	s3 =	simm.s32 $0x108;
	s8 =	sld [smem:$0x3FB5]  }
0x2e: {  	s3 =	simm.s32 @!p0 $0x1082;
	s9 =	sld [smem:$0x3FB6]  }
0x2f: {  	lr =	sadd.s32 s0, s3;
	s0 =	sld [smem:$0x3FAD]  }
0x30: {  	s3 =	sld [smem:$0x3FB0]  }
0x31: {  	[smem:$0x3FB9] =	sst s10  }
0x32: {  	s10 =	sld [smem:$0x3FB7];
	_ =	sdelay $0x3  }
0x33: {  	p0 =	seq.s32 s10, $0x1;
	s10 =	sld [smem:$0x3FB9];
	_ =	sdelay $0x3  }
0x34: {  	[smem:$0x3FB9] =	sst s10  }
0x35: {  	s10 =	sld [smem:$0x3FB8];
	_ =	sdelay $0x3  }
0x36: {  	p1 =	seq.s32 s10, $0x1;
	s10 =	sld [smem:$0x3FB9];
	_ =	sdelay $0x3  }
0x37: {  	[smem:$0x3FB9] =	sst s10  }
0x38: {  	s10 =	sld [smem:$0x3FBA]  }
0x39: {  	_ = 	snop;
	(pc) =	sbr.ind lr, $3  }
0x3a: {  	_ = 	snop  }
0x3b: {  	_ = 	snop  }
0x3c: {  	p2 =	seq.s32 s10, $0x1;
	s10 =	sld [smem:$0x3FB9]  }
0x3d: {  	_ =	shalt  }
0x3e: {  	_ =	shalt  }
0x3f: {  	_ =	shalt  }
0x40: {  	_ =	shalt  }
0x41: {  	_ =	shalt  }
0x42: {  	_ =	shalt  }
0x43: {  	_ =	shalt  }
0x44: {  	_ =	shalt  }
0x45: {  	_ =	shalt  }
0x46: {  	_ =	shalt  }
0x47: {  	_ =	shalt  }
0x48: {  	_ =	shalt  }
0x49: {  	_ =	shalt  }
0x4a: {  	_ =	shalt  }
0x4b: {  	_ =	shalt  }
0x4c: {  	_ =	shalt  }
0x4d: {  	_ =	shalt  }
0x4e: {  	_ =	shalt  }
0x4f: {  	_ =	shalt  }
0x50: {  	_ =	shalt  }
0x51: {  	_ =	shalt  }
0x52: {  	_ =	shalt  }
0x53: {  	_ =	shalt  }
0x54: {  	_ =	shalt  }
0x55: {  	_ =	shalt  }
0x56: {  	_ =	shalt  }
0x57: {  	_ =	shalt  }
0x58: {  	_ =	shalt  }
0x59: {  	_ =	shalt  }
0x5a: {  	_ =	shalt  }
0x5b: {  	_ =	shalt  }
0x5c: {  	_ =	shalt  }
0x5d: {  	_ =	shalt  }
0x5e: {  	_ =	shalt  }
0x5f: {  	_ =	shalt  }
0x60: {  	_ =	shalt  }
0x61: {  	_ =	shalt  }
0x62: {  	_ =	shalt  }
0x63: {  	_ =	shalt  }
0x64: {  	_ =	shalt  }
0x65: {  	_ =	shalt  }
0x66: {  	_ =	shalt  }
0x67: {  	_ =	shalt  }
0x68: {  	_ =	shalt  }
0x69: {  	_ =	shalt  }
0x6a: {  	_ =	shalt  }
0x6b: {  	_ =	shalt  }
0x6c: {  	_ =	shalt  }
0x6d: {  	_ =	shalt  }
0x6e: {  	_ =	shalt  }
0x6f: {  	_ =	shalt  }
0x70: {  	_ =	shalt  }
0x71: {  	_ =	shalt  }
0x72: {  	_ =	shalt  }
0x73: {  	_ =	shalt  }
0x74: {  	_ =	shalt  }
0x75: {  	_ =	shalt  }
0x76: {  	_ =	shalt  }
0x77: {  	_ =	shalt  }
0x78: {  	_ =	shalt  }
0x79: {  	_ =	shalt  }
0x7a: {  	_ =	shalt  }
0x7b: {  	_ =	shalt  }
0x7c: {  	_ =	shalt  }
0x7d: {  	_ =	shalt  }
0x7e: {  	_ =	shalt  }
0x7f: {  	_ =	shalt  }
0x80: {  	_ =	shalt  }
0x81: {  	_ =	shalt  }
0x82: {  	_ =	shalt  }
0x83: {  	_ =	shalt  }
0x84: {  	_ =	shalt  }
0x85: {  	_ =	shalt  }
0x86: {  	_ =	shalt  }
0x87: {  	_ =	shalt  }
.Lfunc_end0:
.L_simem_size_0:
called_computation_lowered:
.L_overlay_start_0:
0x88: {  	s2 =	sld [smem:$0x3FD9]  }
0x89: {  	s3 =	sld [smem:$0x3FFE];
	_ =	sdelay $0x1  }
0x8a: {  	s1 =	srdreg.scid  }
0x8b: {  	s0 =	sand.u32 $0x1, s1  }
0x8c: {  	s17 =	sshll.u32 s0, $0xA;
	s2 =	sadd.s32 s3, s2  }
0x8d: {  	s2 =	sadd.s32 s2, s17  }
0x8e: {  	[smem:$0x3FC5] =	sst s2  }
0x8f: {  	_ = 	snop  }
0x90: {  	s2 =	sld [smem:$0x3FC7]  }
0x91: {  	s18 =	sld [smem:$0x3FD0];
	(tm) =	ssettm $0x1  }
0x92: {  	s4 =	sld [smem:$0x3FFB];
	_ =	sdelay $0x3  }
0x93: {  	_ =	strace s4  }
0x94: {  	s4 =	sld [smem:$0x3FFC];
	_ =	sdelay $0x3  }
0x95: {  	_ =	strace s4  }
0x96: {  	s4 =	sld [smem:$0x3FFD];
	_ =	sdelay $0x3  }
0x97: {  	_ =	strace s4  }
0x98: {  	_ =	strace $0x8FFFFFFF  }
0x99: {  	s19 =	sld [smem:$0x3FDB];
	_ =	sdelay $0x1  }
0x9a: {  	s5 =	simm.s32 $_scs_section_size  }
0x9b: {  	s6 =	simm.s32 $_size__tile_overlayer_lowered;
	s7 =	simm.s32 $_tile_overlayer_lowered  }
0x9c: {  	s22 =	simm.s32 $0x1BFF;
	s21 =	sshll.u32 s7, $0x1;
	s4 =	sadd.s32 s5, s19  }
0x9d: {  	s8 =	simm.s32 $0x0;
	s20 =	sshll.u32 s6, $0x1;
	s6 =	sadd.s32 s21, s4  }
0x9e: {  	[timem:s8], [sflag:s22] =	dma.local [hbm:s6], s20  }
0x9f: {  	_ =	swait.ge [sflag:s22], s20  }
0xa0: {  	s5 =	ssub.s32 $0x0, s20;
	[sflag:s22] =	ssyncset.done $0x0  }
0xa1: {  	[sflag:s22] =	ssyncadd.s32 s5;
	_ =	sdelay $0x1  }
0xa2: {  	s23 =	simm.s32 $0x1B8B  }
0xa3: {  	_ =	swait.ge [sflag:s23], $0x1  }
0xa4: {  	[sflag:s23] =	ssyncset.done $0x0  }
0xa5: {  	s25 =	simm.s32 $0x1B8E;
	s24 =	sld [smem:$0x3FFE];
	[sflag:s23] =	ssyncadd.s32 $0xFFFFFFFF  }
0xa6: {  	s26 =	simm.s32 $execute0_lowered;
	[smem:$0x3FD2] =	sst s25  }
0xa7: {  	s6 =	sshll.u32 s26, $0x1;
	_ =	strace $0x80000046;
	[dreg:$0x1] =	wrdreg $0xFFFFFFFF  }
0xa8: {  	s28 =	simm.s32 $_size_execute0_lowered;
	s4 =	sadd.s32 s4, s6;
	[dreg:$0x0] =	wrdreg $0x0  }
0xa9: {  	s6 =	sshll.u32 s28, $0x1;
	[dreg:$0x2] =	wrdreg s4  }
0xaa: {  	[dreg:$0x3] =	wrdreg s6  }
0xab: {  	[dreg:$0x4] =	wrdreg $0xC0  }
0xac: {  	_ =	task [dreg:s8], $0x5FFFF  }
0xad: {  	[dreg:$0x1] =	wrdreg $0xFFFFFFFF  }
0xae: {  	[dreg:$0x0] =	wrdreg $0x60  }
0xaf: {  	[dreg:$0x2] =	wrdreg s24  }
0xb0: {  	[dreg:$0x3] =	wrdreg s2  }
0xb1: {  	[dreg:$0x4] =	wrdreg s18  }
0xb2: {  	[dreg:$0x5] =	wrdreg $0x1BB000  }
0xb3: {  	[dreg:$0x6] =	wrdreg $0x9  }
0xb4: {  	_ =	task.clear_ibuf [dreg:s8], $0x7FFFF;
	_ =	strace $0x90000046  }
0xb5: {  	s29 =	simm.s32 $0x9;
	_ =	strace $0x80000048  }
0xb6: {  	_ =	swait.ge [sflag:s29], $0x1  }
0xb7: {  	[sflag:s29] =	ssyncadd.s32 $0xFFFFFFFF  }
0xb8: {  	_ =	strace $0x90000048  }
0xb9: {  	_ =	sfence  }
0xba: {  	s30 =	sld [smem:$0x0];
	_ =	sdelay $0x2  }
0xbb: {  	s31 =	sshll.u32 s1, $0xD;
	s1 =	sshrl.u32 s1, $0x2  }
0xbc: {  	s3 =	sand.u32 $0x4000, s31;
	s1 =	sadd.s32 s1, s30  }
0xbd: {  	s0 =	sor.u32 s3, s0;
	s1 =	sshll.u32 s1, $0x11  }
0xbe: {  	s0 =	sor.u32 s1, s0  }
0xbf: {  	s0 =	sadd.s32 $0x8F2B, s0  }
0xc0: {  	[sflag:s0] =	ssyncadd.remote.s32 $0x1  }
0xc1: {  	_ =	sfence.sel $0xFFFF  }
0xc2: {  	[dreg:$0x0] =	wrdreg $0xFFFFFFFF;
	(pc) =	sbr.abs _section_cstart, $3  }
0xc3: {  	[dreg:$0x1] =	wrdreg $0xFFFFFFFF  }
0xc4: {  	_ =	task.clear_ibuf [dreg:s8], $0x2FFFF;
	_ =	strace $0x9FFFFFFF  }
0xc5: {  	(tm) =	ssettm $0x7FFFFFFF  }
tec
execute0_lowered:
.L_overlay_start_1:
0x0: {  	(tag) =	ssettag $0x1  }
0x1: {  	v0 =	vlaneseq.u32  }
0x2: {  	v0 =	vmul.u32 $0x15, v0;
	_ =	sdelay $0x1  }
0x3: {  	v1 =	vadd.s32 $0x150, v0;
	v11 =	vadd.s32 $0x3F1, v0;
	v12 =	vadd.s32 $0x541, v0  }
0x4: {  	v13 =	vadd.s32 $0x691, v0;
	v14 =	vadd.s32 $0x7E1, v0;
	v15 =	vadd.s32 $0x931, v0  }
0x5: {  	s0 =	rddreg [dreg:$0x0];
	s2 =	srdreg.scid;
	v16 =	vadd.s32 $0x2, v0;
	v17 =	vadd.s32 $0x152, v0;
	v18 =	vadd.s32 $0x2A2, v0  }
0x6: {  	s10 =	stileid.u32;
	s1 =	rddreg [dreg:$0x2];
	v19 =	vadd.s32 $0x3F2, v0;
	v20 =	vadd.s32 $0x542, v0;
	[tilespmem:$0x1FF60] =	vst v1;
	v1 =	vadd.s32 $0x2A0, v0  }
0x7: {  	s3 =	rddreg [dreg:$0x3];
	s26 =	simm.s32 $0x80;
	s14 =	simm.s32 $0x17B00;
	v21 =	vadd.s32 $0x692, v0;
	v22 =	vadd.s32 $0x7E2, v0;
	[tilespmem:$0x1FF70] =	vst v1;
	v1 =	vadd.s32 $0x3F0, v0  }
0x8: {  	s28 =	simm.s32 $0x7B00;
	s15 =	simm.s32 $0x1;
	s29 =	simm.s32 $0xBB00;
	v23 =	vadd.s32 $0x932, v0;
	v24 =	vadd.s32 $0x3, v0;
	[tilespmem:$0x1FF80] =	vst v1;
	v1 =	vadd.s32 $0x540, v0  }
0x9: {  	s16 =	simm.s32 $0x2;
	s30 =	simm.s32 $0xFB00;
	s17 =	simm.s32 $0x3;
	v25 =	vadd.s32 $0x153, v0;
	v26 =	vadd.s32 $0x2A3, v0;
	[tilespmem:$0x1FF90] =	vst v1;
	v1 =	vadd.s32 $0x690, v0  }
0xa: {  	s31 =	simm.s32 $0x13B00;
	s18 =	simm.s32 $0x4;
	s19 =	simm.s32 $0x5;
	v27 =	vadd.s32 $0x3F3, v0;
	v28 =	vadd.s32 $0x543, v0;
	[tilespmem:$0x1FFA0] =	vst v1;
	v1 =	vadd.s32 $0x7E0, v0  }
0xb: {  	s2 =	sand.u32 $0x1, s2;
	s4 =	sshll.u32 s10, $0x1;
	s8 =	smul.u32 $0x190, s10;
	v29 =	vadd.s32 $0x693, v0;
	v30 =	vadd.s32 $0x7E3, v0;
	[tilespmem:$0x1FFB0] =	vst v1;
	v1 =	vadd.s32 $0x930, v0  }
0xc: {  	s6 =	sadd.s32 $0x400, s0;
	s12 =	smul.u32 $0xC8000, s10;
	s5 =	sor.u32 s2, s4;
	v31 =	vadd.s32 $0x933, v0;
	v32 =	vadd.s32 $0x4, v0;
	[tilespmem:$0x1FFC0] =	vst v1;
	v1 =	vadd.s32 $0x1, v0  }
0xd: {  	p0 =	sne.s32 s10, $0x0;
	s9 =	ssub.s32 $0x2, s2;
	s7 =	smul.u32 $0xC80, s5;
	v33 =	vadd.s32 $0x154, v0;
	v34 =	vadd.s32 $0x2A4, v0;
	[tilespmem:$0x1FFD0] =	vst v1;
	v1 =	vadd.s32 $0x151, v0  }
0xe: {  	s4 =	simm.s32 $0x0;
	s11 =	smul.u32 $0xC8, s2;
	s22 =	sshrl.u32 s9, $0x1;
	v35 =	vadd.s32 $0x3F4, v0;
	v36 =	vadd.s32 $0x544, v0;
	[tilespmem:$0x1FFE0] =	vst v1;
	v1 =	vadd.s32 $0x2A1, v0  }
0xf: {  	[smem:$0x7FF] =	sst s4;
	v37 =	vadd.s32 $0x694, v0;
	v38 =	vadd.s32 $0x7E4, v0;
	v39 =	vadd.s32 $0x934, v0;
	s9 =	ssub.s32 s9, s22;
	s0 =	sadd.s32 s7, s0;
	[tilespmem:$0x1FFF0] =	vst v1  }
0x10: {  	v40 =	vadd.s32 $0x5, v0;
	v41 =	vadd.s32 $0x155, v0;
	v42 =	vadd.s32 $0x2A5, v0;
	s0 =	sadd.s32 $0x600, s0;
	_ =	strace $0x80000047;
	[dreg:$0xa] =	wrdreg s6  }
0x11: {  	s2 =	smul.u32 $0x64000, s2;
	v43 =	vadd.s32 $0x3F5, v0;
	v44 =	vadd.s32 $0x545, v0;
	v45 =	vadd.s32 $0x695, v0;
	s24 =	smax.u32 s9, $0x1;
	[dreg:$0xb] =	wrdreg s0  }
0x12: {  	s5 =	smul.u32 $0xC8, s5;
	s23 =	sadd.s32 s12, s1;
	v46 =	vadd.s32 $0x7E5, v0;
	v47 =	vadd.s32 $0x935, v0;
	v48 =	vadd.s32 $0x6, v0;
	[dreg:$0xc] =	wrdreg s24  }
0x13: {  	s12 =	simm.s32 $0x6400;
	v49 =	vadd.s32 $0x156, v0;
	v50 =	vadd.s32 $0x2A6, v0;
	v51 =	vadd.s32 $0x3F6, v0;
	s8 =	sadd.s32 s11, s8;
	[dreg:$0x5] =	wrdreg s26  }
0x14: {  	v52 =	vadd.s32 $0x546, v0;
	v53 =	vadd.s32 $0x696, v0;
	v54 =	vadd.s32 $0x7E6, v0;
	s11 =	sshll.u32 s8, $0xB;
	s9 =	sadd.s32 s2, s23;
	[dreg:$0x6] =	wrdreg s28  }
0x15: {  	v55 =	vadd.s32 $0x936, v0;
	v56 =	vadd.s32 $0x7, v0;
	v57 =	vadd.s32 $0x157, v0;
	s23 =	simm.s32 $0x9;
	s25 =	sadd.s32 s11, s1;
	[dreg:$0x7] =	wrdreg s29  }
0x16: {  	v58 =	vadd.s32 $0x2A7, v0;
	v59 =	vadd.s32 $0x3F7, v0;
	v60 =	vadd.s32 $0x547, v0;
	s11 =	simm.s32 $0xB;
	s2 =	sadd.s32 $0x2000, s25;
	[dreg:$0x8] =	wrdreg s30  }
0x17: {  	v61 =	vadd.s32 $0x697, v0;
	v62 =	vadd.s32 $0x7E7, v0;
	v63 =	vadd.s32 $0x937, v0;
	s25 =	simm.s32 $0x0;
	[dreg:$0x9] =	wrdreg s31;
	s24 =	simm.s32 $0xA  }
.LBB2_1:
0x18: {  	s0 =	rddreg [dreg:$0xb]  }
0x19: {  	[tilespmem:s4], [sflag:$0xB] =	stream.linear.gather [hbm4b:s0+s4], $0x6400, $0x38;
	[tilespmem:$0x1BBA8] =	vst v63  }
0x1a: {  	_ =	swait.ge [sflag:s11], $0x6400  }
0x1b: {  	[sflag:s11] =	ssyncset.done $0x0  }
0x1c: {  	s22 =	rddreg [dreg:$0xa];
	[sflag:s11] =	ssyncadd.s32 $0xFFFF9C00  }
0x1d: {  	[tilespmem:s12], [sflag:$0xB] =	stream.linear.gather [hbm4b:s22+s4], $0xA80, $0x38;
	[tilespmem:$0x1BBA8] =	vst v63  }
0x1e: {  	_ =	swait.ge [sflag:s11], $0xA80  }
0x1f: {  	[sflag:s11] =	ssyncset.done $0x0  }
0x20: {  	[sflag:s11] =	ssyncadd.s32 $0xFFFFF580  }
0x21: {  	s6 =	simm.s32 $0x6E80;
	s26 =	rddreg [dreg:$0x1]  }
0x22: {  	[tilespmem:s6], [sflag:$0xB] =	stream.linear.gather [hbm4b:s26+s4], $0x80, $0x38;
	[tilespmem:$0x1BBA8] =	vst v63  }
0x23: {  	_ =	swait.ge [sflag:s11], $0x80  }
0x24: {  	[sflag:s11] =	ssyncset.done $0x0  }
0x25: {  	[sflag:s11] =	ssyncadd.s32 $0xFFFFFF80  }
0x26: {  	v7 =	vld [tilespmem:$0x6E80]  }
0x27: {  	v1 =	vld.idx.msk [tilespmem:v0+s12+$0x0], $0xffff;
	_ =	sdelay $0x4  }
0x28: {  	v2 =	vadd.f32 v1, v7;
	_ =	sdelay $0x1  }
0x29: {  	[tilespmem:$0x6F00] =	vst v2;
	v2 =	vld [tilespmem:$0x1FF60];
	_ =	sdelay $0x6  }
0x2a: {  	v1 =	vld [tilespmem:$0x6E90]  }
0x2b: {  	v2 =	vld.idx.msk [tilespmem:v2+s12+$0x0], $0xffff;
	_ =	sdelay $0x4  }
0x2c: {  	v3 =	vadd.f32 v2, v1;
	_ =	sdelay $0x1  }
0x2d: {  	[tilespmem:$0x6F10] =	vst v3;
	v3 =	vld [tilespmem:$0x1FF70];
	_ =	sdelay $0x6  }
0x2e: {  	v2 =	vld [tilespmem:$0x6EA0]  }
0x2f: {  	v3 =	vld.idx.msk [tilespmem:v3+s12+$0x0], $0xffff;
	_ =	sdelay $0x4  }
0x30: {  	v4 =	vadd.f32 v3, v2;
	_ =	sdelay $0x1  }
0x31: {  	[tilespmem:$0x6F20] =	vst v4;
	v4 =	vld [tilespmem:$0x1FF80];
	_ =	sdelay $0x6  }
0x32: {  	v3 =	vld [tilespmem:$0x6EB0]  }
0x33: {  	v4 =	vld.idx.msk [tilespmem:v4+s12+$0x0], $0xffff;
	_ =	sdelay $0x4  }
0x34: {  	v5 =	vadd.f32 v4, v3;
	_ =	sdelay $0x1  }
0x35: {  	[tilespmem:$0x6F30] =	vst v5;
	v5 =	vld [tilespmem:$0x1FF90];
	_ =	sdelay $0x6  }
0x36: {  	v4 =	vld [tilespmem:$0x6EC0]  }
0x37: {  	v5 =	vld.idx.msk [tilespmem:v5+s12+$0x0], $0xffff;
	_ =	sdelay $0x4  }
0x38: {  	v6 =	vadd.f32 v5, v4;
	_ =	sdelay $0x1  }
0x39: {  	[tilespmem:$0x6F40] =	vst v6;
	v6 =	vld [tilespmem:$0x1FFA0];
	_ =	sdelay $0x6  }
0x3a: {  	v5 =	vld [tilespmem:$0x6ED0]  }
0x3b: {  	v6 =	vld.idx.msk [tilespmem:v6+s12+$0x0], $0xffff;
	_ =	sdelay $0x4  }
0x3c: {  	v8 =	vadd.f32 v6, v5;
	_ =	sdelay $0x1  }
0x3d: {  	[tilespmem:$0x6F50] =	vst v8;
	v8 =	vld [tilespmem:$0x1FFB0];
	_ =	sdelay $0x6  }
0x3e: {  	v6 =	vld [tilespmem:$0x6EE0]  }
0x3f: {  	v8 =	vld.idx.msk [tilespmem:v8+s12+$0x0], $0xffff;
	_ =	sdelay $0x4  }
0x40: {  	v9 =	vadd.f32 v8, v6;
	_ =	sdelay $0x1  }
0x41: {  	[tilespmem:$0x6F60] =	vst v9;
	v9 =	vld [tilespmem:$0x1FFC0];
	_ =	sdelay $0x6  }
0x42: {  	v8 =	vld [tilespmem:$0x6EF0]  }
0x43: {  	v9 =	vld.idx.msk [tilespmem:v9+s12+$0x0], $0xffff;
	_ =	sdelay $0x4  }
0x44: {  	v9 =	vadd.f32 v9, v8;
	_ =	sdelay $0x1  }
0x45: {  	[tilespmem:$0x6F70] =	vst v9;
	v9 =	vld [tilespmem:$0x1FFD0];
	_ =	sdelay $0x7  }
0x46: {  	v9 =	vld.idx.msk [tilespmem:v9+s12+$0x0], $0xffff;
	_ =	sdelay $0x4  }
0x47: {  	v9 =	vadd.f32 v9, v7;
	_ =	sdelay $0x1  }
0x48: {  	[tilespmem:$0x6F80] =	vst v9;
	v9 =	vld [tilespmem:$0x1FFE0];
	_ =	sdelay $0x7  }
0x49: {  	v9 =	vld.idx.msk [tilespmem:v9+s12+$0x0], $0xffff;
	_ =	sdelay $0x4  }
0x4a: {  	v9 =	vadd.f32 v9, v1;
	_ =	sdelay $0x1  }
0x4b: {  	[tilespmem:$0x6F90] =	vst v9;
	v9 =	vld [tilespmem:$0x1FFF0];
	_ =	sdelay $0x7  }
0x4c: {  	v9 =	vld.idx.msk [tilespmem:v9+s12+$0x0], $0xffff;
	_ =	sdelay $0x4  }
0x4d: {  	v9 =	vadd.f32 v9, v2;
	_ =	sdelay $0x1  }
0x4e: {  	[tilespmem:$0x6FA0] =	vst v9  }
0x4f: {  	v9 =	vld.idx.msk [tilespmem:v11+s12+$0x0], $0xffff;
	_ =	sdelay $0x4  }
0x50: {  	v9 =	vadd.f32 v9, v3;
	_ =	sdelay $0x1  }
0x51: {  	[tilespmem:$0x6FB0] =	vst v9  }
0x52: {  	v9 =	vld.idx.msk [tilespmem:v12+s12+$0x0], $0xffff;
	_ =	sdelay $0x4  }
0x53: {  	v9 =	vadd.f32 v9, v4;
	_ =	sdelay $0x1  }
0x54: {  	[tilespmem:$0x6FC0] =	vst v9  }
0x55: {  	v9 =	vld.idx.msk [tilespmem:v13+s12+$0x0], $0xffff;
	_ =	sdelay $0x4  }
0x56: {  	v9 =	vadd.f32 v9, v5;
	_ =	sdelay $0x1  }
0x57: {  	[tilespmem:$0x6FD0] =	vst v9  }
0x58: {  	v9 =	vld.idx.msk [tilespmem:v14+s12+$0x0], $0xffff;
	_ =	sdelay $0x4  }
0x59: {  	v9 =	vadd.f32 v9, v6;
	_ =	sdelay $0x1  }
0x5a: {  	[tilespmem:$0x6FE0] =	vst v9  }
0x5b: {  	v9 =	vld.idx.msk [tilespmem:v15+s12+$0x0], $0xffff;
	_ =	sdelay $0x4  }
0x5c: {  	v9 =	vadd.f32 v9, v8;
	_ =	sdelay $0x1  }
0x5d: {  	[tilespmem:$0x6FF0] =	vst v9  }
0x5e: {  	v9 =	vld.idx.msk [tilespmem:v16+s12+$0x0], $0xffff;
	_ =	sdelay $0x4  }
0x5f: {  	v9 =	vadd.f32 v9, v7;
	_ =	sdelay $0x1  }
0x60: {  	[tilespmem:$0x7000] =	vst v9  }
0x61: {  	v9 =	vld.idx.msk [tilespmem:v17+s12+$0x0], $0xffff;
	_ =	sdelay $0x4  }
0x62: {  	v9 =	vadd.f32 v9, v1;
	_ =	sdelay $0x1  }
0x63: {  	[tilespmem:$0x7010] =	vst v9  }
0x64: {  	v9 =	vld.idx.msk [tilespmem:v18+s12+$0x0], $0xffff;
	_ =	sdelay $0x4  }
0x65: {  	v9 =	vadd.f32 v9, v2;
	_ =	sdelay $0x1  }
0x66: {  	[tilespmem:$0x7020] =	vst v9  }
0x67: {  	v9 =	vld.idx.msk [tilespmem:v19+s12+$0x0], $0xffff;
	_ =	sdelay $0x4  }
0x68: {  	v9 =	vadd.f32 v9, v3;
	_ =	sdelay $0x1  }
0x69: {  	[tilespmem:$0x7030] =	vst v9  }
0x6a: {  	v9 =	vld.idx.msk [tilespmem:v20+s12+$0x0], $0xffff;
	_ =	sdelay $0x4  }
0x6b: {  	v9 =	vadd.f32 v9, v4;
	_ =	sdelay $0x1  }
0x6c: {  	[tilespmem:$0x7040] =	vst v9  }
0x6d: {  	v9 =	vld.idx.msk [tilespmem:v21+s12+$0x0], $0xffff;
	_ =	sdelay $0x4  }
0x6e: {  	v9 =	vadd.f32 v9, v5;
	_ =	sdelay $0x1  }
0x6f: {  	[tilespmem:$0x7050] =	vst v9  }
0x70: {  	v9 =	vld.idx.msk [tilespmem:v22+s12+$0x0], $0xffff;
	_ =	sdelay $0x4  }
0x71: {  	v9 =	vadd.f32 v9, v6;
	_ =	sdelay $0x1  }
0x72: {  	[tilespmem:$0x7060] =	vst v9  }
0x73: {  	v9 =	vld.idx.msk [tilespmem:v23+s12+$0x0], $0xffff;
	_ =	sdelay $0x4  }
0x74: {  	v9 =	vadd.f32 v9, v8;
	_ =	sdelay $0x1  }
0x75: {  	[tilespmem:$0x7070] =	vst v9  }
0x76: {  	v9 =	vld.idx.msk [tilespmem:v24+s12+$0x0], $0xffff;
	_ =	sdelay $0x4  }
0x77: {  	v9 =	vadd.f32 v9, v7;
	_ =	sdelay $0x1  }
0x78: {  	[tilespmem:$0x7080] =	vst v9  }
0x79: {  	v9 =	vld.idx.msk [tilespmem:v25+s12+$0x0], $0xffff;
	_ =	sdelay $0x4  }
0x7a: {  	v9 =	vadd.f32 v9, v1;
	_ =	sdelay $0x1  }
0x7b: {  	[tilespmem:$0x7090] =	vst v9  }
0x7c: {  	v9 =	vld.idx.msk [tilespmem:v26+s12+$0x0], $0xffff;
	_ =	sdelay $0x4  }
0x7d: {  	v9 =	vadd.f32 v9, v2;
	_ =	sdelay $0x1  }
0x7e: {  	[tilespmem:$0x70A0] =	vst v9  }
0x7f: {  	v9 =	vld.idx.msk [tilespmem:v27+s12+$0x0], $0xffff;
	_ =	sdelay $0x4  }
0x80: {  	v9 =	vadd.f32 v9, v3;
	_ =	sdelay $0x1  }
0x81: {  	[tilespmem:$0x70B0] =	vst v9  }
0x82: {  	v9 =	vld.idx.msk [tilespmem:v28+s12+$0x0], $0xffff;
	_ =	sdelay $0x4  }
0x83: {  	v9 =	vadd.f32 v9, v4;
	_ =	sdelay $0x1  }
0x84: {  	[tilespmem:$0x70C0] =	vst v9  }
0x85: {  	v9 =	vld.idx.msk [tilespmem:v29+s12+$0x0], $0xffff;
	_ =	sdelay $0x4  }
0x86: {  	v9 =	vadd.f32 v9, v5;
	_ =	sdelay $0x1  }
0x87: {  	[tilespmem:$0x70D0] =	vst v9  }
0x88: {  	v9 =	vld.idx.msk [tilespmem:v30+s12+$0x0], $0xffff;
	_ =	sdelay $0x4  }
0x89: {  	v9 =	vadd.f32 v9, v6;
	_ =	sdelay $0x1  }
0x8a: {  	[tilespmem:$0x70E0] =	vst v9  }
0x8b: {  	v9 =	vld.idx.msk [tilespmem:v31+s12+$0x0], $0xffff;
	_ =	sdelay $0x4  }
0x8c: {  	v9 =	vadd.f32 v9, v8;
	_ =	sdelay $0x1  }
0x8d: {  	[tilespmem:$0x70F0] =	vst v9  }
0x8e: {  	v9 =	vld.idx.msk [tilespmem:v32+s12+$0x0], $0xffff;
	_ =	sdelay $0x4  }
0x8f: {  	v9 =	vadd.f32 v9, v7;
	_ =	sdelay $0x1  }
0x90: {  	[tilespmem:$0x7100] =	vst v9  }
0x91: {  	v9 =	vld.idx.msk [tilespmem:v33+s12+$0x0], $0xffff;
	_ =	sdelay $0x4  }
0x92: {  	v9 =	vadd.f32 v9, v1;
	_ =	sdelay $0x1  }
0x93: {  	[tilespmem:$0x7110] =	vst v9  }
0x94: {  	v9 =	vld.idx.msk [tilespmem:v34+s12+$0x0], $0xffff;
	_ =	sdelay $0x4  }
0x95: {  	v9 =	vadd.f32 v9, v2;
	_ =	sdelay $0x1  }
0x96: {  	[tilespmem:$0x7120] =	vst v9  }
0x97: {  	v9 =	vld.idx.msk [tilespmem:v35+s12+$0x0], $0xffff;
	_ =	sdelay $0x4  }
0x98: {  	v9 =	vadd.f32 v9, v3;
	_ =	sdelay $0x1  }
0x99: {  	[tilespmem:$0x7130] =	vst v9  }
0x9a: {  	v9 =	vld.idx.msk [tilespmem:v36+s12+$0x0], $0xffff;
	_ =	sdelay $0x4  }
0x9b: {  	v9 =	vadd.f32 v9, v4;
	_ =	sdelay $0x1  }
0x9c: {  	[tilespmem:$0x7140] =	vst v9  }
0x9d: {  	v9 =	vld.idx.msk [tilespmem:v37+s12+$0x0], $0xffff;
	_ =	sdelay $0x4  }
0x9e: {  	v9 =	vadd.f32 v9, v5;
	_ =	sdelay $0x1  }
0x9f: {  	[tilespmem:$0x7150] =	vst v9  }
0xa0: {  	v9 =	vld.idx.msk [tilespmem:v38+s12+$0x0], $0xffff;
	_ =	sdelay $0x4  }
0xa1: {  	v9 =	vadd.f32 v9, v6;
	_ =	sdelay $0x1  }
0xa2: {  	[tilespmem:$0x7160] =	vst v9  }
0xa3: {  	v9 =	vld.idx.msk [tilespmem:v39+s12+$0x0], $0xffff;
	_ =	sdelay $0x4  }
0xa4: {  	v9 =	vadd.f32 v9, v8;
	_ =	sdelay $0x1  }
0xa5: {  	[tilespmem:$0x7170] =	vst v9  }
0xa6: {  	v9 =	vld.idx.msk [tilespmem:v40+s12+$0x0], $0xffff;
	_ =	sdelay $0x4  }
0xa7: {  	v9 =	vadd.f32 v9, v7;
	_ =	sdelay $0x1  }
0xa8: {  	[tilespmem:$0x7180] =	vst v9  }
0xa9: {  	v9 =	vld.idx.msk [tilespmem:v41+s12+$0x0], $0xffff;
	_ =	sdelay $0x4  }
0xaa: {  	v9 =	vadd.f32 v9, v1;
	_ =	sdelay $0x1  }
0xab: {  	[tilespmem:$0x7190] =	vst v9  }
0xac: {  	v9 =	vld.idx.msk [tilespmem:v42+s12+$0x0], $0xffff;
	_ =	sdelay $0x4  }
0xad: {  	v9 =	vadd.f32 v9, v2;
	_ =	sdelay $0x1  }
0xae: {  	[tilespmem:$0x71A0] =	vst v9  }
0xaf: {  	v9 =	vld.idx.msk [tilespmem:v43+s12+$0x0], $0xffff;
	_ =	sdelay $0x4  }
0xb0: {  	v9 =	vadd.f32 v9, v3;
	_ =	sdelay $0x1  }
0xb1: {  	[tilespmem:$0x71B0] =	vst v9  }
0xb2: {  	v9 =	vld.idx.msk [tilespmem:v44+s12+$0x0], $0xffff;
	_ =	sdelay $0x4  }
0xb3: {  	v9 =	vadd.f32 v9, v4;
	_ =	sdelay $0x1  }
0xb4: {  	[tilespmem:$0x71C0] =	vst v9  }
0xb5: {  	v9 =	vld.idx.msk [tilespmem:v45+s12+$0x0], $0xffff;
	_ =	sdelay $0x4  }
0xb6: {  	v9 =	vadd.f32 v9, v5;
	_ =	sdelay $0x1  }
0xb7: {  	[tilespmem:$0x71D0] =	vst v9  }
0xb8: {  	v9 =	vld.idx.msk [tilespmem:v46+s12+$0x0], $0xffff;
	_ =	sdelay $0x4  }
0xb9: {  	v9 =	vadd.f32 v9, v6;
	_ =	sdelay $0x1  }
0xba: {  	[tilespmem:$0x71E0] =	vst v9  }
0xbb: {  	v9 =	vld.idx.msk [tilespmem:v47+s12+$0x0], $0xffff;
	_ =	sdelay $0x4  }
0xbc: {  	v9 =	vadd.f32 v9, v8;
	_ =	sdelay $0x1  }
0xbd: {  	[tilespmem:$0x71F0] =	vst v9  }
0xbe: {  	v9 =	vld.idx.msk [tilespmem:v48+s12+$0x0], $0xffff;
	_ =	sdelay $0x4  }
0xbf: {  	v9 =	vadd.f32 v9, v7;
	_ =	sdelay $0x1  }
0xc0: {  	[tilespmem:$0x7200] =	vst v9  }
0xc1: {  	v9 =	vld.idx.msk [tilespmem:v49+s12+$0x0], $0xffff;
	_ =	sdelay $0x4  }
0xc2: {  	v9 =	vadd.f32 v9, v1;
	_ =	sdelay $0x1  }
0xc3: {  	[tilespmem:$0x7210] =	vst v9  }
0xc4: {  	v9 =	vld.idx.msk [tilespmem:v50+s12+$0x0], $0xffff;
	_ =	sdelay $0x4  }
0xc5: {  	v9 =	vadd.f32 v9, v2;
	_ =	sdelay $0x1  }
0xc6: {  	[tilespmem:$0x7220] =	vst v9  }
0xc7: {  	v9 =	vld.idx.msk [tilespmem:v51+s12+$0x0], $0xffff;
	_ =	sdelay $0x4  }
0xc8: {  	v9 =	vadd.f32 v9, v3;
	_ =	sdelay $0x1  }
0xc9: {  	[tilespmem:$0x7230] =	vst v9  }
0xca: {  	v9 =	vld.idx.msk [tilespmem:v52+s12+$0x0], $0xffff;
	_ =	sdelay $0x4  }
0xcb: {  	v9 =	vadd.f32 v9, v4;
	_ =	sdelay $0x1  }
0xcc: {  	[tilespmem:$0x7240] =	vst v9  }
0xcd: {  	v9 =	vld.idx.msk [tilespmem:v53+s12+$0x0], $0xffff;
	_ =	sdelay $0x4  }
0xce: {  	v9 =	vadd.f32 v9, v5;
	_ =	sdelay $0x1  }
0xcf: {  	[tilespmem:$0x7250] =	vst v9  }
0xd0: {  	v9 =	vld.idx.msk [tilespmem:v54+s12+$0x0], $0xffff;
	_ =	sdelay $0x4  }
0xd1: {  	v9 =	vadd.f32 v9, v6;
	_ =	sdelay $0x1  }
0xd2: {  	[tilespmem:$0x7260] =	vst v9  }
0xd3: {  	v9 =	vld.idx.msk [tilespmem:v55+s12+$0x0], $0xffff;
	_ =	sdelay $0x4  }
0xd4: {  	v9 =	vadd.f32 v9, v8;
	_ =	sdelay $0x1  }
0xd5: {  	[tilespmem:$0x7270] =	vst v9  }
0xd6: {  	v9 =	vld.idx.msk [tilespmem:v56+s12+$0x0], $0xffff;
	_ =	sdelay $0x4  }
0xd7: {  	v9 =	vadd.f32 v9, v7;
	_ =	sdelay $0x1  }
0xd8: {  	[tilespmem:$0x7280] =	vst v9  }
0xd9: {  	v9 =	vld.idx.msk [tilespmem:v57+s12+$0x0], $0xffff;
	_ =	sdelay $0x4  }
0xda: {  	v9 =	vadd.f32 v9, v1;
	_ =	sdelay $0x1  }
0xdb: {  	[tilespmem:$0x7290] =	vst v9  }
0xdc: {  	v9 =	vld.idx.msk [tilespmem:v58+s12+$0x0], $0xffff;
	_ =	sdelay $0x4  }
0xdd: {  	v9 =	vadd.f32 v9, v2;
	_ =	sdelay $0x1  }
0xde: {  	[tilespmem:$0x72A0] =	vst v9  }
0xdf: {  	v9 =	vld.idx.msk [tilespmem:v59+s12+$0x0], $0xffff;
	_ =	sdelay $0x4  }
0xe0: {  	v9 =	vadd.f32 v9, v3;
	_ =	sdelay $0x1  }
0xe1: {  	[tilespmem:$0x72B0] =	vst v9  }
0xe2: {  	v9 =	vld.idx.msk [tilespmem:v60+s12+$0x0], $0xffff;
	_ =	sdelay $0x4  }
0xe3: {  	v9 =	vadd.f32 v9, v4;
	_ =	sdelay $0x1  }
0xe4: {  	[tilespmem:$0x72C0] =	vst v9  }
0xe5: {  	v9 =	vld.idx.msk [tilespmem:v61+s12+$0x0], $0xffff;
	_ =	sdelay $0x4  }
0xe6: {  	v9 =	vadd.f32 v9, v5;
	_ =	sdelay $0x1  }
0xe7: {  	[tilespmem:$0x72D0] =	vst v9  }
0xe8: {  	v9 =	vld.idx.msk [tilespmem:v62+s12+$0x0], $0xffff;
	_ =	sdelay $0x4  }
0xe9: {  	v9 =	vadd.f32 v9, v6;
	_ =	sdelay $0x1  }
0xea: {  	[tilespmem:$0x72E0] =	vst v9  }
0xeb: {  	v9 =	vld.idx.msk [tilespmem:v63+s12+$0x0], $0xffff;
	_ =	sdelay $0x2  }
0xec: {  	v10 =	vadd.s32 $0x8, v0;
	_ =	sdelay $0x1  }
0xed: {  	v9 =	vadd.f32 v9, v8;
	_ =	sdelay $0x1  }
0xee: {  	[tilespmem:$0x72F0] =	vst v9  }
0xef: {  	v9 =	vld.idx.msk [tilespmem:v10+s12+$0x0], $0xffff;
	_ =	sdelay $0x2  }
0xf0: {  	v10 =	vadd.s32 $0x158, v0;
	_ =	sdelay $0x1  }
0xf1: {  	v9 =	vadd.f32 v9, v7;
	_ =	sdelay $0x1  }
0xf2: {  	[tilespmem:$0x7300] =	vst v9  }
0xf3: {  	v9 =	vld.idx.msk [tilespmem:v10+s12+$0x0], $0xffff;
	_ =	sdelay $0x2  }
0xf4: {  	v10 =	vadd.s32 $0x2A8, v0;
	_ =	sdelay $0x1  }
0xf5: {  	v9 =	vadd.f32 v9, v1;
	_ =	sdelay $0x1  }
0xf6: {  	[tilespmem:$0x7310] =	vst v9  }
0xf7: {  	v9 =	vld.idx.msk [tilespmem:v10+s12+$0x0], $0xffff;
	_ =	sdelay $0x2  }
0xf8: {  	v10 =	vadd.s32 $0x3F8, v0;
	_ =	sdelay $0x1  }
0xf9: {  	v9 =	vadd.f32 v9, v2;
	_ =	sdelay $0x1  }
0xfa: {  	[tilespmem:$0x7320] =	vst v9  }
0xfb: {  	v9 =	vld.idx.msk [tilespmem:v10+s12+$0x0], $0xffff;
	_ =	sdelay $0x2  }
0xfc: {  	v10 =	vadd.s32 $0x548, v0;
	_ =	sdelay $0x1  }
0xfd: {  	v9 =	vadd.f32 v9, v3;
	_ =	sdelay $0x1  }
0xfe: {  	[tilespmem:$0x7330] =	vst v9  }
0xff: {  	v9 =	vld.idx.msk [tilespmem:v10+s12+$0x0], $0xffff;
	_ =	sdelay $0x2  }
0x100: {  	v10 =	vadd.s32 $0x698, v0;
	_ =	sdelay $0x1  }
0x101: {  	v9 =	vadd.f32 v9, v4;
	_ =	sdelay $0x1  }
0x102: {  	[tilespmem:$0x7340] =	vst v9  }
0x103: {  	v9 =	vld.idx.msk [tilespmem:v10+s12+$0x0], $0xffff;
	_ =	sdelay $0x2  }
0x104: {  	v10 =	vadd.s32 $0x7E8, v0;
	_ =	sdelay $0x1  }
0x105: {  	v9 =	vadd.f32 v9, v5;
	_ =	sdelay $0x1  }
0x106: {  	[tilespmem:$0x7350] =	vst v9  }
0x107: {  	v9 =	vld.idx.msk [tilespmem:v10+s12+$0x0], $0xffff;
	_ =	sdelay $0x2  }
0x108: {  	v10 =	vadd.s32 $0x938, v0;
	_ =	sdelay $0x1  }
0x109: {  	v9 =	vadd.f32 v9, v6;
	_ =	sdelay $0x1  }
0x10a: {  	[tilespmem:$0x7360] =	vst v9  }
0x10b: {  	v9 =	vld.idx.msk [tilespmem:v10+s12+$0x0], $0xffff;
	_ =	sdelay $0x2  }
0x10c: {  	v10 =	vadd.s32 $0x9, v0;
	_ =	sdelay $0x1  }
0x10d: {  	v9 =	vadd.f32 v9, v8;
	_ =	sdelay $0x1  }
0x10e: {  	[tilespmem:$0x7370] =	vst v9  }
0x10f: {  	v9 =	vld.idx.msk [tilespmem:v10+s12+$0x0], $0xffff;
	_ =	sdelay $0x2  }
0x110: {  	v10 =	vadd.s32 $0x159, v0;
	_ =	sdelay $0x1  }
0x111: {  	v9 =	vadd.f32 v9, v7;
	_ =	sdelay $0x1  }
0x112: {  	[tilespmem:$0x7380] =	vst v9  }
0x113: {  	v9 =	vld.idx.msk [tilespmem:v10+s12+$0x0], $0xffff;
	_ =	sdelay $0x2  }
0x114: {  	v10 =	vadd.s32 $0x2A9, v0;
	_ =	sdelay $0x1  }
0x115: {  	v9 =	vadd.f32 v9, v1;
	_ =	sdelay $0x1  }
0x116: {  	[tilespmem:$0x7390] =	vst v9  }
0x117: {  	v9 =	vld.idx.msk [tilespmem:v10+s12+$0x0], $0xffff;
	_ =	sdelay $0x2  }
0x118: {  	v10 =	vadd.s32 $0x3F9, v0;
	_ =	sdelay $0x1  }
0x119: {  	v9 =	vadd.f32 v9, v2;
	_ =	sdelay $0x1  }
0x11a: {  	[tilespmem:$0x73A0] =	vst v9  }
0x11b: {  	v9 =	vld.idx.msk [tilespmem:v10+s12+$0x0], $0xffff;
	_ =	sdelay $0x2  }
0x11c: {  	v10 =	vadd.s32 $0x549, v0;
	_ =	sdelay $0x1  }
0x11d: {  	v9 =	vadd.f32 v9, v3;
	_ =	sdelay $0x1  }
0x11e: {  	[tilespmem:$0x73B0] =	vst v9  }
0x11f: {  	v9 =	vld.idx.msk [tilespmem:v10+s12+$0x0], $0xffff;
	_ =	sdelay $0x2  }
0x120: {  	v10 =	vadd.s32 $0x699, v0;
	_ =	sdelay $0x1  }
0x121: {  	v9 =	vadd.f32 v9, v4;
	_ =	sdelay $0x1  }
0x122: {  	[tilespmem:$0x73C0] =	vst v9  }
0x123: {  	v9 =	vld.idx.msk [tilespmem:v10+s12+$0x0], $0xffff;
	_ =	sdelay $0x2  }
0x124: {  	v10 =	vadd.s32 $0x7E9, v0;
	_ =	sdelay $0x1  }
0x125: {  	v9 =	vadd.f32 v9, v5;
	_ =	sdelay $0x1  }
0x126: {  	[tilespmem:$0x73D0] =	vst v9  }
0x127: {  	v9 =	vld.idx.msk [tilespmem:v10+s12+$0x0], $0xffff;
	_ =	sdelay $0x2  }
0x128: {  	v10 =	vadd.s32 $0x939, v0;
	_ =	sdelay $0x1  }
0x129: {  	v9 =	vadd.f32 v9, v6;
	_ =	sdelay $0x1  }
0x12a: {  	[tilespmem:$0x73E0] =	vst v9  }
0x12b: {  	v9 =	vld.idx.msk [tilespmem:v10+s12+$0x0], $0xffff;
	_ =	sdelay $0x2  }
0x12c: {  	v10 =	vadd.s32 $0xA, v0;
	_ =	sdelay $0x1  }
0x12d: {  	v9 =	vadd.f32 v9, v8;
	_ =	sdelay $0x1  }
0x12e: {  	[tilespmem:$0x73F0] =	vst v9  }
0x12f: {  	v9 =	vld.idx.msk [tilespmem:v10+s12+$0x0], $0xffff;
	_ =	sdelay $0x2  }
0x130: {  	v10 =	vadd.s32 $0x15A, v0;
	_ =	sdelay $0x1  }
0x131: {  	v9 =	vadd.f32 v9, v7;
	_ =	sdelay $0x1  }
0x132: {  	[tilespmem:$0x7400] =	vst v9  }
0x133: {  	v9 =	vld.idx.msk [tilespmem:v10+s12+$0x0], $0xffff;
	_ =	sdelay $0x2  }
0x134: {  	v10 =	vadd.s32 $0x2AA, v0;
	_ =	sdelay $0x1  }
0x135: {  	v9 =	vadd.f32 v9, v1;
	_ =	sdelay $0x1  }
0x136: {  	[tilespmem:$0x7410] =	vst v9  }
0x137: {  	v9 =	vld.idx.msk [tilespmem:v10+s12+$0x0], $0xffff;
	_ =	sdelay $0x2  }
0x138: {  	v10 =	vadd.s32 $0x3FA, v0;
	_ =	sdelay $0x1  }
0x139: {  	v9 =	vadd.f32 v9, v2;
	_ =	sdelay $0x1  }
0x13a: {  	[tilespmem:$0x7420] =	vst v9  }
0x13b: {  	v9 =	vld.idx.msk [tilespmem:v10+s12+$0x0], $0xffff;
	_ =	sdelay $0x2  }
0x13c: {  	v10 =	vadd.s32 $0x54A, v0;
	_ =	sdelay $0x1  }
0x13d: {  	v9 =	vadd.f32 v9, v3;
	_ =	sdelay $0x1  }
0x13e: {  	[tilespmem:$0x7430] =	vst v9  }
0x13f: {  	v9 =	vld.idx.msk [tilespmem:v10+s12+$0x0], $0xffff;
	_ =	sdelay $0x2  }
0x140: {  	v10 =	vadd.s32 $0x69A, v0;
	_ =	sdelay $0x1  }
0x141: {  	v9 =	vadd.f32 v9, v4;
	_ =	sdelay $0x1  }
0x142: {  	[tilespmem:$0x7440] =	vst v9  }
0x143: {  	v9 =	vld.idx.msk [tilespmem:v10+s12+$0x0], $0xffff;
	_ =	sdelay $0x2  }
0x144: {  	v10 =	vadd.s32 $0x7EA, v0;
	_ =	sdelay $0x1  }
0x145: {  	v9 =	vadd.f32 v9, v5;
	_ =	sdelay $0x1  }
0x146: {  	[tilespmem:$0x7450] =	vst v9  }
0x147: {  	v9 =	vld.idx.msk [tilespmem:v10+s12+$0x0], $0xffff;
	_ =	sdelay $0x2  }
0x148: {  	v10 =	vadd.s32 $0x93A, v0;
	_ =	sdelay $0x1  }
0x149: {  	v9 =	vadd.f32 v9, v6;
	_ =	sdelay $0x1  }
0x14a: {  	[tilespmem:$0x7460] =	vst v9  }
0x14b: {  	v9 =	vld.idx.msk [tilespmem:v10+s12+$0x0], $0xffff;
	_ =	sdelay $0x2  }
0x14c: {  	v10 =	vadd.s32 $0xB, v0;
	_ =	sdelay $0x1  }
0x14d: {  	v9 =	vadd.f32 v9, v8;
	_ =	sdelay $0x1  }
0x14e: {  	[tilespmem:$0x7470] =	vst v9  }
0x14f: {  	v9 =	vld.idx.msk [tilespmem:v10+s12+$0x0], $0xffff;
	_ =	sdelay $0x2  }
0x150: {  	v10 =	vadd.s32 $0x15B, v0;
	_ =	sdelay $0x1  }
0x151: {  	v9 =	vadd.f32 v9, v7;
	_ =	sdelay $0x1  }
0x152: {  	[tilespmem:$0x7480] =	vst v9  }
0x153: {  	v9 =	vld.idx.msk [tilespmem:v10+s12+$0x0], $0xffff;
	_ =	sdelay $0x2  }
0x154: {  	v10 =	vadd.s32 $0x2AB, v0;
	_ =	sdelay $0x1  }
0x155: {  	v9 =	vadd.f32 v9, v1;
	_ =	sdelay $0x1  }
0x156: {  	[tilespmem:$0x7490] =	vst v9  }
0x157: {  	v9 =	vld.idx.msk [tilespmem:v10+s12+$0x0], $0xffff;
	_ =	sdelay $0x2  }
0x158: {  	v10 =	vadd.s32 $0x3FB, v0;
	_ =	sdelay $0x1  }
0x159: {  	v9 =	vadd.f32 v9, v2;
	_ =	sdelay $0x1  }
0x15a: {  	[tilespmem:$0x74A0] =	vst v9  }
0x15b: {  	v9 =	vld.idx.msk [tilespmem:v10+s12+$0x0], $0xffff;
	_ =	sdelay $0x2  }
0x15c: {  	v10 =	vadd.s32 $0x54B, v0;
	_ =	sdelay $0x1  }
0x15d: {  	v9 =	vadd.f32 v9, v3;
	_ =	sdelay $0x1  }
0x15e: {  	[tilespmem:$0x74B0] =	vst v9  }
0x15f: {  	v9 =	vld.idx.msk [tilespmem:v10+s12+$0x0], $0xffff;
	_ =	sdelay $0x2  }
0x160: {  	v10 =	vadd.s32 $0x69B, v0;
	_ =	sdelay $0x1  }
0x161: {  	v9 =	vadd.f32 v9, v4;
	_ =	sdelay $0x1  }
0x162: {  	[tilespmem:$0x74C0] =	vst v9  }
0x163: {  	v9 =	vld.idx.msk [tilespmem:v10+s12+$0x0], $0xffff;
	_ =	sdelay $0x2  }
0x164: {  	v10 =	vadd.s32 $0x7EB, v0;
	_ =	sdelay $0x1  }
0x165: {  	v9 =	vadd.f32 v9, v5;
	_ =	sdelay $0x1  }
0x166: {  	[tilespmem:$0x74D0] =	vst v9  }
0x167: {  	v9 =	vld.idx.msk [tilespmem:v10+s12+$0x0], $0xffff;
	_ =	sdelay $0x2  }
0x168: {  	v10 =	vadd.s32 $0x93B, v0;
	_ =	sdelay $0x1  }
0x169: {  	v9 =	vadd.f32 v9, v6;
	_ =	sdelay $0x1  }
0x16a: {  	[tilespmem:$0x74E0] =	vst v9  }
0x16b: {  	v9 =	vld.idx.msk [tilespmem:v10+s12+$0x0], $0xffff;
	_ =	sdelay $0x2  }
0x16c: {  	v10 =	vadd.s32 $0xC, v0;
	_ =	sdelay $0x1  }
0x16d: {  	v9 =	vadd.f32 v9, v8;
	_ =	sdelay $0x1  }
0x16e: {  	[tilespmem:$0x74F0] =	vst v9  }
0x16f: {  	v9 =	vld.idx.msk [tilespmem:v10+s12+$0x0], $0xffff;
	_ =	sdelay $0x2  }
0x170: {  	v10 =	vadd.s32 $0x15C, v0;
	_ =	sdelay $0x1  }
0x171: {  	v9 =	vadd.f32 v9, v7;
	_ =	sdelay $0x1  }
0x172: {  	[tilespmem:$0x7500] =	vst v9  }
0x173: {  	v9 =	vld.idx.msk [tilespmem:v10+s12+$0x0], $0xffff;
	_ =	sdelay $0x2  }
0x174: {  	v10 =	vadd.s32 $0x2AC, v0;
	_ =	sdelay $0x1  }
0x175: {  	v9 =	vadd.f32 v9, v1;
	_ =	sdelay $0x1  }
0x176: {  	[tilespmem:$0x7510] =	vst v9  }
0x177: {  	v9 =	vld.idx.msk [tilespmem:v10+s12+$0x0], $0xffff;
	_ =	sdelay $0x2  }
0x178: {  	v10 =	vadd.s32 $0x3FC, v0;
	_ =	sdelay $0x1  }
0x179: {  	v9 =	vadd.f32 v9, v2;
	_ =	sdelay $0x1  }
0x17a: {  	[tilespmem:$0x7520] =	vst v9  }
0x17b: {  	v9 =	vld.idx.msk [tilespmem:v10+s12+$0x0], $0xffff;
	_ =	sdelay $0x2  }
0x17c: {  	v10 =	vadd.s32 $0x54C, v0;
	_ =	sdelay $0x1  }
0x17d: {  	v9 =	vadd.f32 v9, v3;
	_ =	sdelay $0x1  }
0x17e: {  	[tilespmem:$0x7530] =	vst v9  }
0x17f: {  	v9 =	vld.idx.msk [tilespmem:v10+s12+$0x0], $0xffff;
	_ =	sdelay $0x2  }
0x180: {  	v10 =	vadd.s32 $0x69C, v0;
	_ =	sdelay $0x1  }
0x181: {  	v9 =	vadd.f32 v9, v4;
	_ =	sdelay $0x1  }
0x182: {  	[tilespmem:$0x7540] =	vst v9  }
0x183: {  	v9 =	vld.idx.msk [tilespmem:v10+s12+$0x0], $0xffff;
	_ =	sdelay $0x2  }
0x184: {  	v10 =	vadd.s32 $0x7EC, v0;
	_ =	sdelay $0x1  }
0x185: {  	v9 =	vadd.f32 v9, v5;
	_ =	sdelay $0x1  }
0x186: {  	[tilespmem:$0x7550] =	vst v9  }
0x187: {  	v9 =	vld.idx.msk [tilespmem:v10+s12+$0x0], $0xffff;
	_ =	sdelay $0x2  }
0x188: {  	v10 =	vadd.s32 $0x93C, v0;
	_ =	sdelay $0x1  }
0x189: {  	v9 =	vadd.f32 v9, v6;
	_ =	sdelay $0x1  }
0x18a: {  	[tilespmem:$0x7560] =	vst v9  }
0x18b: {  	v9 =	vld.idx.msk [tilespmem:v10+s12+$0x0], $0xffff;
	_ =	sdelay $0x2  }
0x18c: {  	v10 =	vadd.s32 $0xD, v0;
	_ =	sdelay $0x1  }
0x18d: {  	v9 =	vadd.f32 v9, v8;
	_ =	sdelay $0x1  }
0x18e: {  	[tilespmem:$0x7570] =	vst v9  }
0x18f: {  	v9 =	vld.idx.msk [tilespmem:v10+s12+$0x0], $0xffff;
	_ =	sdelay $0x2  }
0x190: {  	v10 =	vadd.s32 $0x15D, v0;
	_ =	sdelay $0x1  }
0x191: {  	v9 =	vadd.f32 v9, v7;
	_ =	sdelay $0x1  }
0x192: {  	[tilespmem:$0x7580] =	vst v9  }
0x193: {  	v9 =	vld.idx.msk [tilespmem:v10+s12+$0x0], $0xffff;
	_ =	sdelay $0x2  }
0x194: {  	v10 =	vadd.s32 $0x2AD, v0;
	_ =	sdelay $0x1  }
0x195: {  	v9 =	vadd.f32 v9, v1;
	_ =	sdelay $0x1  }
0x196: {  	[tilespmem:$0x7590] =	vst v9  }
0x197: {  	v9 =	vld.idx.msk [tilespmem:v10+s12+$0x0], $0xffff;
	_ =	sdelay $0x2  }
0x198: {  	v10 =	vadd.s32 $0x3FD, v0;
	_ =	sdelay $0x1  }
0x199: {  	v9 =	vadd.f32 v9, v2;
	_ =	sdelay $0x1  }
0x19a: {  	[tilespmem:$0x75A0] =	vst v9  }
0x19b: {  	v9 =	vld.idx.msk [tilespmem:v10+s12+$0x0], $0xffff;
	_ =	sdelay $0x2  }
0x19c: {  	v10 =	vadd.s32 $0x54D, v0;
	_ =	sdelay $0x1  }
0x19d: {  	v9 =	vadd.f32 v9, v3;
	_ =	sdelay $0x1  }
0x19e: {  	[tilespmem:$0x75B0] =	vst v9  }
0x19f: {  	v9 =	vld.idx.msk [tilespmem:v10+s12+$0x0], $0xffff;
	_ =	sdelay $0x2  }
0x1a0: {  	v10 =	vadd.s32 $0x69D, v0;
	_ =	sdelay $0x1  }
0x1a1: {  	v9 =	vadd.f32 v9, v4;
	_ =	sdelay $0x1  }
0x1a2: {  	[tilespmem:$0x75C0] =	vst v9  }
0x1a3: {  	v9 =	vld.idx.msk [tilespmem:v10+s12+$0x0], $0xffff;
	_ =	sdelay $0x2  }
0x1a4: {  	v10 =	vadd.s32 $0x7ED, v0;
	_ =	sdelay $0x1  }
0x1a5: {  	v9 =	vadd.f32 v9, v5;
	_ =	sdelay $0x1  }
0x1a6: {  	[tilespmem:$0x75D0] =	vst v9  }
0x1a7: {  	v9 =	vld.idx.msk [tilespmem:v10+s12+$0x0], $0xffff;
	_ =	sdelay $0x2  }
0x1a8: {  	v10 =	vadd.s32 $0x93D, v0;
	_ =	sdelay $0x1  }
0x1a9: {  	v9 =	vadd.f32 v9, v6;
	_ =	sdelay $0x1  }
0x1aa: {  	[tilespmem:$0x75E0] =	vst v9  }
0x1ab: {  	v9 =	vld.idx.msk [tilespmem:v10+s12+$0x0], $0xffff;
	_ =	sdelay $0x2  }
0x1ac: {  	v10 =	vadd.s32 $0xE, v0;
	_ =	sdelay $0x1  }
0x1ad: {  	v9 =	vadd.f32 v9, v8;
	_ =	sdelay $0x1  }
0x1ae: {  	[tilespmem:$0x75F0] =	vst v9  }
0x1af: {  	v9 =	vld.idx.msk [tilespmem:v10+s12+$0x0], $0xffff;
	_ =	sdelay $0x2  }
0x1b0: {  	v10 =	vadd.s32 $0x15E, v0;
	_ =	sdelay $0x1  }
0x1b1: {  	v9 =	vadd.f32 v9, v7;
	_ =	sdelay $0x1  }
0x1b2: {  	[tilespmem:$0x7600] =	vst v9  }
0x1b3: {  	v9 =	vld.idx.msk [tilespmem:v10+s12+$0x0], $0xffff;
	_ =	sdelay $0x2  }
0x1b4: {  	v10 =	vadd.s32 $0x2AE, v0;
	_ =	sdelay $0x1  }
0x1b5: {  	v9 =	vadd.f32 v9, v1;
	_ =	sdelay $0x1  }
0x1b6: {  	[tilespmem:$0x7610] =	vst v9  }
0x1b7: {  	v9 =	vld.idx.msk [tilespmem:v10+s12+$0x0], $0xffff;
	_ =	sdelay $0x2  }
0x1b8: {  	v10 =	vadd.s32 $0x3FE, v0;
	_ =	sdelay $0x1  }
0x1b9: {  	v9 =	vadd.f32 v9, v2;
	_ =	sdelay $0x1  }
0x1ba: {  	[tilespmem:$0x7620] =	vst v9  }
0x1bb: {  	v9 =	vld.idx.msk [tilespmem:v10+s12+$0x0], $0xffff;
	_ =	sdelay $0x2  }
0x1bc: {  	v10 =	vadd.s32 $0x54E, v0;
	_ =	sdelay $0x1  }
0x1bd: {  	v9 =	vadd.f32 v9, v3;
	_ =	sdelay $0x1  }
0x1be: {  	[tilespmem:$0x7630] =	vst v9  }
0x1bf: {  	v9 =	vld.idx.msk [tilespmem:v10+s12+$0x0], $0xffff;
	_ =	sdelay $0x2  }
0x1c0: {  	v10 =	vadd.s32 $0x69E, v0;
	_ =	sdelay $0x1  }
0x1c1: {  	v9 =	vadd.f32 v9, v4;
	_ =	sdelay $0x1  }
0x1c2: {  	[tilespmem:$0x7640] =	vst v9  }
0x1c3: {  	v9 =	vld.idx.msk [tilespmem:v10+s12+$0x0], $0xffff;
	_ =	sdelay $0x2  }
0x1c4: {  	v10 =	vadd.s32 $0x7EE, v0;
	_ =	sdelay $0x1  }
0x1c5: {  	v9 =	vadd.f32 v9, v5;
	_ =	sdelay $0x1  }
0x1c6: {  	[tilespmem:$0x7650] =	vst v9  }
0x1c7: {  	v9 =	vld.idx.msk [tilespmem:v10+s12+$0x0], $0xffff;
	_ =	sdelay $0x2  }
0x1c8: {  	v10 =	vadd.s32 $0x93E, v0;
	_ =	sdelay $0x1  }
0x1c9: {  	v9 =	vadd.f32 v9, v6;
	_ =	sdelay $0x1  }
0x1ca: {  	[tilespmem:$0x7660] =	vst v9  }
0x1cb: {  	v9 =	vld.idx.msk [tilespmem:v10+s12+$0x0], $0xffff;
	_ =	sdelay $0x2  }
0x1cc: {  	v10 =	vadd.s32 $0xF, v0;
	_ =	sdelay $0x1  }
0x1cd: {  	v9 =	vadd.f32 v9, v8;
	_ =	sdelay $0x1  }
0x1ce: {  	[tilespmem:$0x7670] =	vst v9  }
0x1cf: {  	v9 =	vld.idx.msk [tilespmem:v10+s12+$0x0], $0xffff;
	_ =	sdelay $0x2  }
0x1d0: {  	v10 =	vadd.s32 $0x15F, v0;
	_ =	sdelay $0x1  }
0x1d1: {  	v9 =	vadd.f32 v9, v7;
	_ =	sdelay $0x1  }
0x1d2: {  	[tilespmem:$0x7680] =	vst v9  }
0x1d3: {  	v9 =	vld.idx.msk [tilespmem:v10+s12+$0x0], $0xffff;
	_ =	sdelay $0x2  }
0x1d4: {  	v10 =	vadd.s32 $0x2AF, v0;
	_ =	sdelay $0x1  }
0x1d5: {  	v9 =	vadd.f32 v9, v1;
	_ =	sdelay $0x1  }
0x1d6: {  	[tilespmem:$0x7690] =	vst v9  }
0x1d7: {  	v9 =	vld.idx.msk [tilespmem:v10+s12+$0x0], $0xffff;
	_ =	sdelay $0x2  }
0x1d8: {  	v10 =	vadd.s32 $0x3FF, v0;
	_ =	sdelay $0x1  }
0x1d9: {  	v9 =	vadd.f32 v9, v2;
	_ =	sdelay $0x1  }
0x1da: {  	[tilespmem:$0x76A0] =	vst v9  }
0x1db: {  	v9 =	vld.idx.msk [tilespmem:v10+s12+$0x0], $0xffff;
	_ =	sdelay $0x2  }
0x1dc: {  	v10 =	vadd.s32 $0x54F, v0;
	_ =	sdelay $0x1  }
0x1dd: {  	v9 =	vadd.f32 v9, v3;
	_ =	sdelay $0x1  }
0x1de: {  	[tilespmem:$0x76B0] =	vst v9  }
0x1df: {  	v9 =	vld.idx.msk [tilespmem:v10+s12+$0x0], $0xffff;
	_ =	sdelay $0x2  }
0x1e0: {  	v10 =	vadd.s32 $0x69F, v0;
	_ =	sdelay $0x1  }
0x1e1: {  	v9 =	vadd.f32 v9, v4;
	_ =	sdelay $0x1  }
0x1e2: {  	[tilespmem:$0x76C0] =	vst v9  }
0x1e3: {  	v9 =	vld.idx.msk [tilespmem:v10+s12+$0x0], $0xffff;
	_ =	sdelay $0x2  }
0x1e4: {  	v10 =	vadd.s32 $0x7EF, v0;
	_ =	sdelay $0x1  }
0x1e5: {  	v9 =	vadd.f32 v9, v5;
	_ =	sdelay $0x1  }
0x1e6: {  	[tilespmem:$0x76D0] =	vst v9  }
0x1e7: {  	v9 =	vld.idx.msk [tilespmem:v10+s12+$0x0], $0xffff;
	_ =	sdelay $0x2  }
0x1e8: {  	v10 =	vadd.s32 $0x93F, v0;
	_ =	sdelay $0x1  }
0x1e9: {  	v9 =	vadd.f32 v9, v6;
	_ =	sdelay $0x1  }
0x1ea: {  	[tilespmem:$0x76E0] =	vst v9  }
0x1eb: {  	v9 =	vld.idx.msk [tilespmem:v10+s12+$0x0], $0xffff;
	_ =	sdelay $0x2  }
0x1ec: {  	v10 =	vadd.s32 $0x10, v0;
	_ =	sdelay $0x1  }
0x1ed: {  	v9 =	vadd.f32 v9, v8;
	_ =	sdelay $0x1  }
0x1ee: {  	[tilespmem:$0x76F0] =	vst v9  }
0x1ef: {  	v9 =	vld.idx.msk [tilespmem:v10+s12+$0x0], $0xffff;
	_ =	sdelay $0x2  }
0x1f0: {  	v10 =	vadd.s32 $0x160, v0;
	_ =	sdelay $0x1  }
0x1f1: {  	v9 =	vadd.f32 v9, v7;
	_ =	sdelay $0x1  }
0x1f2: {  	[tilespmem:$0x7700] =	vst v9  }
0x1f3: {  	v9 =	vld.idx.msk [tilespmem:v10+s12+$0x0], $0xffff;
	_ =	sdelay $0x2  }
0x1f4: {  	v10 =	vadd.s32 $0x2B0, v0;
	_ =	sdelay $0x1  }
0x1f5: {  	v9 =	vadd.f32 v9, v1;
	_ =	sdelay $0x1  }
0x1f6: {  	[tilespmem:$0x7710] =	vst v9  }
0x1f7: {  	v9 =	vld.idx.msk [tilespmem:v10+s12+$0x0], $0xffff;
	_ =	sdelay $0x2  }
0x1f8: {  	v10 =	vor.u32 $0x400, v0;
	_ =	sdelay $0x1  }
0x1f9: {  	v9 =	vadd.f32 v9, v2;
	_ =	sdelay $0x1  }
0x1fa: {  	[tilespmem:$0x7720] =	vst v9  }
0x1fb: {  	v9 =	vld.idx.msk [tilespmem:v10+s12+$0x0], $0xffff;
	_ =	sdelay $0x2  }
0x1fc: {  	v10 =	vadd.s32 $0x550, v0;
	_ =	sdelay $0x1  }
0x1fd: {  	v9 =	vadd.f32 v9, v3;
	_ =	sdelay $0x1  }
0x1fe: {  	[tilespmem:$0x7730] =	vst v9  }
0x1ff: {  	v9 =	vld.idx.msk [tilespmem:v10+s12+$0x0], $0xffff;
	_ =	sdelay $0x2  }
0x200: {  	v10 =	vadd.s32 $0x6A0, v0;
	_ =	sdelay $0x1  }
0x201: {  	v9 =	vadd.f32 v9, v4;
	_ =	sdelay $0x1  }
0x202: {  	[tilespmem:$0x7740] =	vst v9  }
0x203: {  	v9 =	vld.idx.msk [tilespmem:v10+s12+$0x0], $0xffff;
	_ =	sdelay $0x2  }
0x204: {  	v10 =	vadd.s32 $0x7F0, v0;
	_ =	sdelay $0x1  }
0x205: {  	v9 =	vadd.f32 v9, v5;
	_ =	sdelay $0x1  }
0x206: {  	[tilespmem:$0x7750] =	vst v9  }
0x207: {  	v9 =	vld.idx.msk [tilespmem:v10+s12+$0x0], $0xffff;
	_ =	sdelay $0x2  }
0x208: {  	v10 =	vadd.s32 $0x940, v0;
	_ =	sdelay $0x1  }
0x209: {  	v9 =	vadd.f32 v9, v6;
	_ =	sdelay $0x1  }
0x20a: {  	[tilespmem:$0x7760] =	vst v9  }
0x20b: {  	v9 =	vld.idx.msk [tilespmem:v10+s12+$0x0], $0xffff;
	_ =	sdelay $0x2  }
0x20c: {  	v10 =	vadd.s32 $0x11, v0;
	_ =	sdelay $0x1  }
0x20d: {  	v9 =	vadd.f32 v9, v8;
	_ =	sdelay $0x1  }
0x20e: {  	[tilespmem:$0x7770] =	vst v9  }
0x20f: {  	v9 =	vld.idx.msk [tilespmem:v10+s12+$0x0], $0xffff;
	_ =	sdelay $0x2  }
0x210: {  	v10 =	vadd.s32 $0x161, v0;
	_ =	sdelay $0x1  }
0x211: {  	v9 =	vadd.f32 v9, v7;
	_ =	sdelay $0x1  }
0x212: {  	[tilespmem:$0x7780] =	vst v9  }
0x213: {  	v9 =	vld.idx.msk [tilespmem:v10+s12+$0x0], $0xffff;
	_ =	sdelay $0x2  }
0x214: {  	v10 =	vadd.s32 $0x2B1, v0;
	_ =	sdelay $0x1  }
0x215: {  	v9 =	vadd.f32 v9, v1;
	_ =	sdelay $0x1  }
0x216: {  	[tilespmem:$0x7790] =	vst v9  }
0x217: {  	v9 =	vld.idx.msk [tilespmem:v10+s12+$0x0], $0xffff;
	_ =	sdelay $0x2  }
0x218: {  	v10 =	vadd.s32 $0x401, v0;
	_ =	sdelay $0x1  }
0x219: {  	v9 =	vadd.f32 v9, v2;
	_ =	sdelay $0x1  }
0x21a: {  	[tilespmem:$0x77A0] =	vst v9  }
0x21b: {  	v9 =	vld.idx.msk [tilespmem:v10+s12+$0x0], $0xffff;
	_ =	sdelay $0x2  }
0x21c: {  	v10 =	vadd.s32 $0x551, v0;
	_ =	sdelay $0x1  }
0x21d: {  	v9 =	vadd.f32 v9, v3;
	_ =	sdelay $0x1  }
0x21e: {  	[tilespmem:$0x77B0] =	vst v9  }
0x21f: {  	v9 =	vld.idx.msk [tilespmem:v10+s12+$0x0], $0xffff;
	_ =	sdelay $0x2  }
0x220: {  	v10 =	vadd.s32 $0x6A1, v0;
	_ =	sdelay $0x1  }
0x221: {  	v9 =	vadd.f32 v9, v4;
	_ =	sdelay $0x1  }
0x222: {  	[tilespmem:$0x77C0] =	vst v9  }
0x223: {  	v9 =	vld.idx.msk [tilespmem:v10+s12+$0x0], $0xffff;
	_ =	sdelay $0x2  }
0x224: {  	v10 =	vadd.s32 $0x7F1, v0;
	_ =	sdelay $0x1  }
0x225: {  	v9 =	vadd.f32 v9, v5;
	_ =	sdelay $0x1  }
0x226: {  	[tilespmem:$0x77D0] =	vst v9  }
0x227: {  	v9 =	vld.idx.msk [tilespmem:v10+s12+$0x0], $0xffff;
	_ =	sdelay $0x2  }
0x228: {  	v10 =	vadd.s32 $0x941, v0;
	_ =	sdelay $0x1  }
0x229: {  	v9 =	vadd.f32 v9, v6;
	_ =	sdelay $0x1  }
0x22a: {  	[tilespmem:$0x77E0] =	vst v9  }
0x22b: {  	v9 =	vld.idx.msk [tilespmem:v10+s12+$0x0], $0xffff;
	_ =	sdelay $0x2  }
0x22c: {  	v10 =	vadd.s32 $0x12, v0;
	_ =	sdelay $0x1  }
0x22d: {  	v9 =	vadd.f32 v9, v8;
	_ =	sdelay $0x1  }
0x22e: {  	[tilespmem:$0x77F0] =	vst v9  }
0x22f: {  	v9 =	vld.idx.msk [tilespmem:v10+s12+$0x0], $0xffff;
	_ =	sdelay $0x2  }
0x230: {  	v10 =	vadd.s32 $0x162, v0;
	_ =	sdelay $0x1  }
0x231: {  	v9 =	vadd.f32 v9, v7;
	_ =	sdelay $0x1  }
0x232: {  	[tilespmem:$0x7800] =	vst v9  }
0x233: {  	v9 =	vld.idx.msk [tilespmem:v10+s12+$0x0], $0xffff;
	_ =	sdelay $0x2  }
0x234: {  	v10 =	vadd.s32 $0x2B2, v0;
	_ =	sdelay $0x1  }
0x235: {  	v9 =	vadd.f32 v9, v1;
	_ =	sdelay $0x1  }
0x236: {  	[tilespmem:$0x7810] =	vst v9  }
0x237: {  	v9 =	vld.idx.msk [tilespmem:v10+s12+$0x0], $0xffff;
	_ =	sdelay $0x2  }
0x238: {  	v10 =	vadd.s32 $0x402, v0;
	_ =	sdelay $0x1  }
0x239: {  	v9 =	vadd.f32 v9, v2;
	_ =	sdelay $0x1  }
0x23a: {  	[tilespmem:$0x7820] =	vst v9  }
0x23b: {  	v9 =	vld.idx.msk [tilespmem:v10+s12+$0x0], $0xffff;
	_ =	sdelay $0x2  }
0x23c: {  	v10 =	vadd.s32 $0x552, v0;
	_ =	sdelay $0x1  }
0x23d: {  	v9 =	vadd.f32 v9, v3;
	_ =	sdelay $0x1  }
0x23e: {  	[tilespmem:$0x7830] =	vst v9  }
0x23f: {  	v9 =	vld.idx.msk [tilespmem:v10+s12+$0x0], $0xffff;
	_ =	sdelay $0x2  }
0x240: {  	v10 =	vadd.s32 $0x6A2, v0;
	_ =	sdelay $0x1  }
0x241: {  	v9 =	vadd.f32 v9, v4;
	_ =	sdelay $0x1  }
0x242: {  	[tilespmem:$0x7840] =	vst v9  }
0x243: {  	v9 =	vld.idx.msk [tilespmem:v10+s12+$0x0], $0xffff;
	_ =	sdelay $0x2  }
0x244: {  	v10 =	vadd.s32 $0x7F2, v0;
	_ =	sdelay $0x1  }
0x245: {  	v9 =	vadd.f32 v9, v5;
	_ =	sdelay $0x1  }
0x246: {  	[tilespmem:$0x7850] =	vst v9  }
0x247: {  	v9 =	vld.idx.msk [tilespmem:v10+s12+$0x0], $0xffff;
	_ =	sdelay $0x2  }
0x248: {  	v10 =	vadd.s32 $0x942, v0;
	_ =	sdelay $0x1  }
0x249: {  	v9 =	vadd.f32 v9, v6;
	_ =	sdelay $0x1  }
0x24a: {  	[tilespmem:$0x7860] =	vst v9  }
0x24b: {  	v9 =	vld.idx.msk [tilespmem:v10+s12+$0x0], $0xffff;
	_ =	sdelay $0x2  }
0x24c: {  	v10 =	vadd.s32 $0x13, v0;
	_ =	sdelay $0x1  }
0x24d: {  	v9 =	vadd.f32 v9, v8;
	_ =	sdelay $0x1  }
0x24e: {  	[tilespmem:$0x7870] =	vst v9  }
0x24f: {  	v9 =	vld.idx.msk [tilespmem:v10+s12+$0x0], $0xffff;
	_ =	sdelay $0x2  }
0x250: {  	v10 =	vadd.s32 $0x163, v0;
	_ =	sdelay $0x1  }
0x251: {  	v9 =	vadd.f32 v9, v7;
	_ =	sdelay $0x1  }
0x252: {  	[tilespmem:$0x7880] =	vst v9  }
0x253: {  	v9 =	vld.idx.msk [tilespmem:v10+s12+$0x0], $0xffff;
	_ =	sdelay $0x2  }
0x254: {  	v10 =	vadd.s32 $0x2B3, v0;
	_ =	sdelay $0x1  }
0x255: {  	v9 =	vadd.f32 v9, v1;
	_ =	sdelay $0x1  }
0x256: {  	[tilespmem:$0x7890] =	vst v9  }
0x257: {  	v9 =	vld.idx.msk [tilespmem:v10+s12+$0x0], $0xffff;
	_ =	sdelay $0x2  }
0x258: {  	v10 =	vadd.s32 $0x403, v0;
	_ =	sdelay $0x1  }
0x259: {  	v9 =	vadd.f32 v9, v2;
	_ =	sdelay $0x1  }
0x25a: {  	[tilespmem:$0x78A0] =	vst v9  }
0x25b: {  	v9 =	vld.idx.msk [tilespmem:v10+s12+$0x0], $0xffff;
	_ =	sdelay $0x2  }
0x25c: {  	v10 =	vadd.s32 $0x553, v0;
	_ =	sdelay $0x1  }
0x25d: {  	v9 =	vadd.f32 v9, v3;
	_ =	sdelay $0x1  }
0x25e: {  	[tilespmem:$0x78B0] =	vst v9  }
0x25f: {  	v9 =	vld.idx.msk [tilespmem:v10+s12+$0x0], $0xffff;
	_ =	sdelay $0x2  }
0x260: {  	v10 =	vadd.s32 $0x6A3, v0;
	_ =	sdelay $0x1  }
0x261: {  	v9 =	vadd.f32 v9, v4;
	_ =	sdelay $0x1  }
0x262: {  	[tilespmem:$0x78C0] =	vst v9  }
0x263: {  	v9 =	vld.idx.msk [tilespmem:v10+s12+$0x0], $0xffff;
	_ =	sdelay $0x2  }
0x264: {  	v10 =	vadd.s32 $0x7F3, v0;
	_ =	sdelay $0x1  }
0x265: {  	v9 =	vadd.f32 v9, v5;
	_ =	sdelay $0x1  }
0x266: {  	[tilespmem:$0x78D0] =	vst v9  }
0x267: {  	v9 =	vld.idx.msk [tilespmem:v10+s12+$0x0], $0xffff;
	_ =	sdelay $0x2  }
0x268: {  	v10 =	vadd.s32 $0x943, v0;
	_ =	sdelay $0x1  }
0x269: {  	v9 =	vadd.f32 v9, v6;
	_ =	sdelay $0x1  }
0x26a: {  	[tilespmem:$0x78E0] =	vst v9  }
0x26b: {  	v9 =	vld.idx.msk [tilespmem:v10+s12+$0x0], $0xffff;
	_ =	sdelay $0x2  }
0x26c: {  	v10 =	vadd.s32 $0x14, v0;
	_ =	sdelay $0x1  }
0x26d: {  	v9 =	vadd.f32 v9, v8;
	_ =	sdelay $0x1  }
0x26e: {  	[tilespmem:$0x78F0] =	vst v9  }
0x26f: {  	v9 =	vld.idx.msk [tilespmem:v10+s12+$0x0], $0xffff;
	_ =	sdelay $0x2  }
0x270: {  	v10 =	vadd.s32 $0x164, v0;
	_ =	sdelay $0x1  }
0x271: {  	v7 =	vadd.f32 v9, v7;
	_ =	sdelay $0x1  }
0x272: {  	[tilespmem:$0x7900] =	vst v7  }
0x273: {  	v7 =	vld.idx.msk [tilespmem:v10+s12+$0x0], $0xffff;
	_ =	sdelay $0x2  }
0x274: {  	v9 =	vadd.s32 $0x2B4, v0;
	_ =	sdelay $0x1  }
0x275: {  	v1 =	vadd.f32 v7, v1;
	_ =	sdelay $0x1  }
0x276: {  	[tilespmem:$0x7910] =	vst v1  }
0x277: {  	v1 =	vld.idx.msk [tilespmem:v9+s12+$0x0], $0xffff;
	_ =	sdelay $0x2  }
0x278: {  	v7 =	vadd.s32 $0x404, v0;
	_ =	sdelay $0x1  }
0x279: {  	v1 =	vadd.f32 v1, v2;
	_ =	sdelay $0x1  }
0x27a: {  	[tilespmem:$0x7920] =	vst v1  }
0x27b: {  	v1 =	vld.idx.msk [tilespmem:v7+s12+$0x0], $0xffff;
	_ =	sdelay $0x2  }
0x27c: {  	v2 =	vadd.s32 $0x554, v0;
	_ =	sdelay $0x1  }
0x27d: {  	v1 =	vadd.f32 v1, v3;
	_ =	sdelay $0x1  }
0x27e: {  	[tilespmem:$0x7930] =	vst v1  }
0x27f: {  	v1 =	vld.idx.msk [tilespmem:v2+s12+$0x0], $0xffff;
	_ =	sdelay $0x2  }
0x280: {  	v2 =	vadd.s32 $0x6A4, v0;
	_ =	sdelay $0x1  }
0x281: {  	v1 =	vadd.f32 v1, v4;
	_ =	sdelay $0x1  }
0x282: {  	[tilespmem:$0x7940] =	vst v1  }
0x283: {  	v1 =	vld.idx.msk [tilespmem:v2+s12+$0x0], $0xffff;
	_ =	sdelay $0x2  }
0x284: {  	v2 =	vadd.s32 $0x7F4, v0;
	_ =	sdelay $0x1  }
0x285: {  	v1 =	vadd.f32 v1, v5;
	_ =	sdelay $0x1  }
0x286: {  	[tilespmem:$0x7950] =	vst v1  }
0x287: {  	v1 =	vld.idx.msk [tilespmem:v2+s12+$0x0], $0xffff;
	_ =	sdelay $0x2  }
0x288: {  	v2 =	vadd.s32 $0x944, v0;
	_ =	sdelay $0x1  }
0x289: {  	v1 =	vadd.f32 v1, v6;
	_ =	sdelay $0x1  }
0x28a: {  	[tilespmem:$0x7960] =	vst v1  }
0x28b: {  	v1 =	vld.idx.msk [tilespmem:v2+s12+$0x0], $0xffff;
	_ =	sdelay $0x4  }
0x28c: {  	v1 =	vadd.f32 v1, v8;
	_ =	sdelay $0x1  }
0x28d: {  	s0 =	simm.s32 @!p0 $0x6F00;
	[tilespmem:$0x7970] =	vst v1  }
0x28e: {  	[spmem:s3] =	stream.linear.scatter @!p0 [tilespmem:s0], [sflag:$0xB], $0xA80, $0x38;
	[tilespmem:$0x1BBA8] =	vst v63  }
0x28f: {  	s0 =	simm.s32 @!p0 $0xB  }
0x290: {  	_ =	swait.ge @!p0 [sflag:s0], $0xA80  }
0x291: {  	[sflag:s0] =	ssyncset.done @!p0 $0x0  }
0x292: {  	p1 =	por $0x0, $0x0;
	[sflag:s0] =	ssyncadd.s32 @!p0 $0xFFFFF580  }
0x293: {  	s0 =	simm.s32 @p1 $0x6;
	[bflag:$0x0] =	sbarrier.arrive $0xFFFF  }
0x294: {  	_ =	swait.ge @p1 [sflag:s0], $0x4000  }
0x295: {  	s10 =	simm.s32 @p1 $0x7B00;
	s28 =	simm.s32 @p1 $0x0;
	[sflag:s0] =	ssyncset.done @p1 $0x0  }
0x296: {  	s29 =	simm.s32 @p1 $0x80;
	s26 =	simm.s32 @p1 $0x7;
	[sflag:s0] =	ssyncadd.s32 @p1 $0xFFFFC000  }
0x297: {  	[tilespmem:s10], [sflag:$0x1] =	stream.indirect.gather @p1 [spmem:s3], $0x80, s28, s29, $0xb8;
	[tilespmem:$0x1BBA8] =	vst v63  }
0x298: {  	_ =	swait.ge @p1 [sflag:s26], $0x4000  }
0x299: {  	s0 =	simm.s32 @p1 $0x80;
	[sflag:s26] =	ssyncset.done @p1 $0x0  }
0x29a: {  	s10 =	simm.s32 @p1 $0xBB00;
	s28 =	simm.s32 @p1 $0x8;
	[sflag:s26] =	ssyncadd.s32 @p1 $0xFFFFC000  }
0x29b: {  	[tilespmem:s10], [sflag:$0x2] =	stream.indirect.gather @p1 [spmem:s3], $0x80, s0, s29, $0xb8;
	[tilespmem:$0x1BBA8] =	vst v63  }
0x29c: {  	_ =	swait.ge @p1 [sflag:s28], $0x4000  }
0x29d: {  	s26 =	simm.s32 @p1 $0x9;
	[sflag:s28] =	ssyncset.done @p1 $0x0  }
0x29e: {  	s0 =	simm.s32 @p1 $0x100;
	s10 =	simm.s32 @p1 $0xFB00;
	[sflag:s28] =	ssyncadd.s32 @p1 $0xFFFFC000  }
0x29f: {  	[tilespmem:s10], [sflag:$0x3] =	stream.indirect.gather @p1 [spmem:s3], $0x80, s0, s29, $0xb8;
	[tilespmem:$0x1BBA8] =	vst v63  }
0x2a0: {  	_ =	swait.ge @p1 [sflag:s26], $0x4000  }
0x2a1: {  	s28 =	simm.s32 @p1 $0xA;
	[sflag:s26] =	ssyncset.done @p1 $0x0  }
0x2a2: {  	s0 =	simm.s32 @p1 $0x180;
	s10 =	simm.s32 @p1 $0x13B00;
	[sflag:s26] =	ssyncadd.s32 @p1 $0xFFFFC000  }
0x2a3: {  	[tilespmem:s10], [sflag:$0x4] =	stream.indirect.gather @p1 [spmem:s3], $0x80, s0, s29, $0xb8;
	[tilespmem:$0x1BBA8] =	vst v63  }
0x2a4: {  	_ =	swait.ge @p1 [sflag:s28], $0x4000  }
0x2a5: {  	s26 =	simm.s32 @!p1 $0x0;
	[sflag:s28] =	ssyncset.done @p1 $0x0  }
0x2a6: {  	s0 =	simm.s32 @!p1 $0x7B00;
	s10 =	simm.s32 @!p1 $0x80;
	[sflag:s28] =	ssyncadd.s32 @p1 $0xFFFFC000  }
0x2a7: {  	[tilespmem:s0], [sflag:$0x1] =	stream.indirect.gather @!p1 [spmem:s3], $0x80, s26, s10, $0xb8;
	[tilespmem:$0x1BBA8] =	vst v63  }
0x2a8: {  	s0 =	simm.s32 @!p1 $0xBB00  }
0x2a9: {  	[tilespmem:s0], [sflag:$0x2] =	stream.indirect.gather @!p1 [spmem:s3], $0x80, s10, s10, $0xb8;
	[tilespmem:$0x1BBA8] =	vst v63  }
0x2aa: {  	s7 =	simm.s32 $0x200;
	s26 =	simm.s32 @!p1 $0xFB00;
	s0 =	simm.s32 @!p1 $0x100  }
0x2ab: {  	[tilespmem:s26], [sflag:$0x3] =	stream.indirect.gather @!p1 [spmem:s3], $0x80, s0, s10, $0xb8;
	[tilespmem:$0x1BBA8] =	vst v63  }
0x2ac: {  	s30 =	simm.s32 $0xA00;
	s0 =	simm.s32 @!p1 $0x180;
	s26 =	simm.s32 @!p1 $0x13B00  }
0x2ad: {  	[tilespmem:s26], [sflag:$0x4] =	stream.indirect.gather @!p1 [spmem:s3], $0x80, s0, s10, $0xb8;
	[tilespmem:$0x1BBA8] =	vst v63  }
0x2ae: {  	s31 =	simm.s32 $0x1400;
	s29 =	sadd.s32 $0x2800, s9;
	s28 =	rddreg [dreg:$0x5]  }
0x2af: {  	[tilespmem:s14], [sflag:$0x5] =	stream.indirect.gather [spmem:s3], $0x80, s7, s28, $0xb8;
	[tilespmem:$0x1BBA8] =	vst v63  }
0x2b0: {  	s10 =	simm.s32 @p1 $0x1;
	s26 =	simm.s32 @p1 $0x2;
	_ =	swait.ge [sflag:s15], $0x4000  }
0x2b1: {  	s10 =	simm.s32 @!p1 $0x1;
	s26 =	simm.s32 @!p1 $0x2;
	[sflag:s15] =	ssyncset.done $0x0  }
0x2b2: {  	s10 =	sadd.s32 s5, s10;
	s8 =	rddreg [dreg:$0x6];
	[sflag:s15] =	ssyncadd.s32 $0xFFFFC000  }
0x2b3: {  	[hbm4b:s9+s4] =	stream.linear.scatter [tilespmem:s8], [sflag:$0x6], $0x4000, $0x38;
	[tilespmem:$0x1BBA8] =	vst v63  }
0x2b4: {  	s20 =	sadd.s32 s5, s26;
	s0 =	sshll.u32 s10, $0xB;
	_ =	swait.ge [sflag:s16], $0x4000  }
0x2b5: {  	s26 =	simm.s32 $0x3;
	s0 =	sand.u32 $0x1FFFF800, s0;
	[sflag:s16] =	ssyncset.done $0x0  }
0x2b6: {  	s0 =	sadd.s32 s1, s0;
	s13 =	rddreg [dreg:$0x7];
	[sflag:s16] =	ssyncadd.s32 $0xFFFFC000  }
0x2b7: {  	[hbm4b:s0+s4] =	stream.linear.scatter [tilespmem:s13], [sflag:$0x7], $0x4000, $0x38;
	[tilespmem:$0x1BBA8] =	vst v63  }
0x2b8: {  	s26 =	simm.s32 @!p1 $0x3;
	s0 =	sshll.u32 s20, $0xB;
	_ =	swait.ge [sflag:s17], $0x4000  }
0x2b9: {  	s22 =	sadd.s32 s5, s26;
	s0 =	sand.u32 $0x1FFFF800, s0;
	[sflag:s17] =	ssyncset.done $0x0  }
0x2ba: {  	s21 =	rddreg [dreg:$0x8];
	s0 =	sadd.s32 s1, s0;
	[sflag:s17] =	ssyncadd.s32 $0xFFFFC000  }
0x2bb: {  	[hbm4b:s0+s4] =	stream.linear.scatter [tilespmem:s21], [sflag:$0x8], $0x4000, $0x38;
	[tilespmem:$0x1BBA8] =	vst v63  }
0x2bc: {  	s28 =	simm.s32 $0x8;
	s0 =	sshll.u32 s22, $0xB;
	_ =	swait.ge [sflag:s18], $0x4000  }
0x2bd: {  	p1 =	por $0x1, $0x1;
	s0 =	sand.u32 $0x1FFFF800, s0;
	[sflag:s18] =	ssyncset.done $0x0  }
0x2be: {  	s26 =	rddreg [dreg:$0x9];
	s0 =	sadd.s32 s1, s0;
	[sflag:s18] =	ssyncadd.s32 $0xFFFFC000  }
0x2bf: {  	[hbm4b:s0+s4] =	stream.linear.scatter [tilespmem:s26], [sflag:$0x9], $0x4000, $0x38;
	[tilespmem:$0x1BBA8] =	vst v63  }
0x2c0: {  	s10 =	smov.u32 s2;
	s26 =	sadd.s32 $0x2800, s2;
	_ =	swait.ge [sflag:s19], $0x4000  }
.LBB2_2:
0x2c1: {  	[sflag:s19] =	ssyncset.done $0x0  }
0x2c2: {  	s13 =	simm.s32 @p1 $0x6;
	[sflag:s19] =	ssyncadd.s32 $0xFFFFC000  }
0x2c3: {  	[hbm4b:s10+s4] =	stream.linear.scatter [tilespmem:s14], [sflag:$0xA], $0x4000, $0x38;
	[tilespmem:$0x1BBA8] =	vst v63  }
0x2c4: {  	_ =	swait.ge @p1 [sflag:s13], $0x4000  }
0x2c5: {  	s6 =	simm.s32 @p1 $0x7;
	s7 =	sshra.s32 @p1 s30, $0x2;
	[sflag:s13] =	ssyncset.done @p1 $0x0  }
0x2c6: {  	s8 =	simm.s32 @p1 $0x80;
	s10 =	simm.s32 @p1 $0x7B00;
	[sflag:s13] =	ssyncadd.s32 @p1 $0xFFFFC000  }
0x2c7: {  	[tilespmem:s10], [sflag:$0x1] =	stream.indirect.gather @p1 [spmem:s3], $0x80, s7, s8, $0xb8;
	[tilespmem:$0x1BBA8] =	vst v63  }
0x2c8: {  	_ =	swait.ge @p1 [sflag:s6], $0x4000  }
0x2c9: {  	s21 =	simm.s32 @p1 $0xBB00;
	[sflag:s6] =	ssyncset.done @p1 $0x0  }
0x2ca: {  	s22 =	simm.s32 @p1 $0x8;
	s13 =	sadd.s32 @p1 $0x80, s7;
	[sflag:s6] =	ssyncadd.s32 @p1 $0xFFFFC000  }
0x2cb: {  	[tilespmem:s21], [sflag:$0x2] =	stream.indirect.gather @p1 [spmem:s3], $0x80, s13, s8, $0xb8;
	[tilespmem:$0x1BBA8] =	vst v63  }
0x2cc: {  	_ =	swait.ge @p1 [sflag:s22], $0x4000  }
0x2cd: {  	s20 =	sadd.s32 @p1 $0x100, s7;
	[sflag:s22] =	ssyncset.done @p1 $0x0  }
0x2ce: {  	s6 =	simm.s32 @p1 $0xFB00;
	s13 =	simm.s32 @p1 $0x9;
	[sflag:s22] =	ssyncadd.s32 @p1 $0xFFFFC000  }
0x2cf: {  	[tilespmem:s6], [sflag:$0x3] =	stream.indirect.gather @p1 [spmem:s3], $0x80, s20, s8, $0xb8;
	[tilespmem:$0x1BBA8] =	vst v63  }
0x2d0: {  	_ =	swait.ge @p1 [sflag:s13], $0x4000  }
0x2d1: {  	s7 =	sadd.s32 @p1 $0x180, s7;
	[sflag:s13] =	ssyncset.done @p1 $0x0  }
0x2d2: {  	s6 =	simm.s32 @p1 $0x13B00;
	s20 =	simm.s32 @p1 $0xA;
	[sflag:s13] =	ssyncadd.s32 @p1 $0xFFFFC000  }
0x2d3: {  	[tilespmem:s6], [sflag:$0x4] =	stream.indirect.gather @p1 [spmem:s3], $0x80, s7, s8, $0xb8;
	[tilespmem:$0x1BBA8] =	vst v63  }
0x2d4: {  	_ =	swait.ge @p1 [sflag:s20], $0x4000  }
0x2d5: {  	s6 =	simm.s32 @!p1 $0x7B00;
	[sflag:s20] =	ssyncset.done @p1 $0x0  }
0x2d6: {  	s7 =	simm.s32 @!p1 $0x80;
	s8 =	simm.s32 @!p1 $0x0;
	[sflag:s20] =	ssyncadd.s32 @p1 $0xFFFFC000  }
0x2d7: {  	[tilespmem:s6], [sflag:$0x1] =	stream.indirect.gather @!p1 [spmem:s3], $0x80, s8, s7, $0xb8;
	[tilespmem:$0x1BBA8] =	vst v63  }
0x2d8: {  	s0 =	smov.u32 s31;
	s6 =	simm.s32 @!p1 $0xBB00  }
0x2d9: {  	[tilespmem:s6], [sflag:$0x2] =	stream.indirect.gather @!p1 [spmem:s3], $0x80, s7, s7, $0xb8;
	[tilespmem:$0x1BBA8] =	vst v63  }
0x2da: {  	s31 =	sadd.s32 $0xA00, s31;
	s8 =	simm.s32 @!p1 $0xFB00;
	s6 =	simm.s32 @!p1 $0x100  }
0x2db: {  	[tilespmem:s8], [sflag:$0x3] =	stream.indirect.gather @!p1 [spmem:s3], $0x80, s6, s7, $0xb8;
	[tilespmem:$0x1BBA8] =	vst v63  }
0x2dc: {  	p2 =	sne.s32 s31, $0x19000;
	s6 =	simm.s32 @!p1 $0x180;
	s8 =	simm.s32 @!p1 $0x13B00  }
0x2dd: {  	[tilespmem:s8], [sflag:$0x4] =	stream.indirect.gather @!p1 [spmem:s3], $0x80, s6, s7, $0xb8;
	[tilespmem:$0x1BBA8] =	vst v63  }
0x2de: {  	s10 =	smov.u32 s26;
	s21 =	sshra.s32 s30, $0x2;
	s6 =	sadd.s32 @p1 $0xFFFFFFFE, s28  }
0x2df: {  	s21 =	sadd.s32 $0x200, s21;
	s22 =	rddreg [dreg:$0x5];
	s6 =	simm.s32 @!p1 $0x1  }
0x2e0: {  	[tilespmem:s14], [sflag:$0x5] =	stream.indirect.gather [spmem:s3], $0x80, s21, s22, $0xb8;
	[tilespmem:$0x1BBA8] =	vst v63  }
0x2e1: {  	s26 =	sadd.s32 $0x2800, s26;
	s7 =	sadd.s32 s5, s6;
	_ =	swait.ge [sflag:s15], $0x4000  }
0x2e2: {  	s30 =	smov.u32 s0;
	s0 =	sshll.u32 s7, $0xB;
	[sflag:s15] =	ssyncset.done $0x0  }
0x2e3: {  	s7 =	sadd.s32 @p1 $0xFFFFFFFF, s28;
	s22 =	rddreg [dreg:$0x6];
	[sflag:s15] =	ssyncadd.s32 $0xFFFFC000  }
0x2e4: {  	[hbm4b:s29+s4] =	stream.linear.scatter [tilespmem:s22], [sflag:$0x6], $0x4000, $0x38;
	[tilespmem:$0x1BBA8] =	vst v63  }
0x2e5: {  	s0 =	sand.u32 $0x1FFFF800, s0;
	s7 =	simm.s32 @!p1 $0x2;
	_ =	swait.ge [sflag:s16], $0x4000  }
0x2e6: {  	s0 =	sadd.s32 s1, s0;
	s13 =	sadd.s32 s5, s7;
	[sflag:s16] =	ssyncset.done $0x0  }
0x2e7: {  	s7 =	smov.u32 s28;
	s8 =	rddreg [dreg:$0x7];
	[sflag:s16] =	ssyncadd.s32 $0xFFFFC000  }
0x2e8: {  	[hbm4b:s0+s4] =	stream.linear.scatter [tilespmem:s8], [sflag:$0x7], $0x4000, $0x38;
	[tilespmem:$0x1BBA8] =	vst v63  }
0x2e9: {  	s7 =	simm.s32 @!p1 $0x3;
	s0 =	sshll.u32 s13, $0xB;
	_ =	swait.ge [sflag:s17], $0x4000  }
0x2ea: {  	s21 =	sadd.s32 s5, s7;
	s0 =	sand.u32 $0x1FFFF800, s0;
	[sflag:s17] =	ssyncset.done $0x0  }
0x2eb: {  	s20 =	rddreg [dreg:$0x8];
	s0 =	sadd.s32 s1, s0;
	[sflag:s17] =	ssyncadd.s32 $0xFFFFC000  }
0x2ec: {  	[hbm4b:s0+s4] =	stream.linear.scatter [tilespmem:s20], [sflag:$0x8], $0x4000, $0x38;
	[tilespmem:$0x1BBA8] =	vst v63  }
.Ltmp0:
0x2ed: {  	s0 =	sshll.u32 s21, $0xB;
	_ =	swait.ge [sflag:s18], $0x4000;
	(pc) =	sbr.rel @p2 .LBB2_2-.Ltmp0, $4  }
0x2ee: {  	s28 =	sadd.s32 $0x5, s28;
	s0 =	sand.u32 $0x1FFFF800, s0;
	[sflag:s18] =	ssyncset.done $0x0  }
0x2ef: {  	s22 =	rddreg [dreg:$0x9];
	s0 =	sadd.s32 s1, s0;
	[sflag:s18] =	ssyncadd.s32 $0xFFFFC000  }
0x2f0: {  	[hbm4b:s0+s4] =	stream.linear.scatter [tilespmem:s22], [sflag:$0x9], $0x4000, $0x38;
	[tilespmem:$0x1BBA8] =	vst v63  }
0x2f1: {  	p1 =	sne.s32 s30, $0x0;
	s29 =	sadd.s32 $0x2800, s29;
	_ =	swait.ge [sflag:s19], $0x4000  }
0x2f2: {  	[sflag:s19] =	ssyncset.done $0x0  }
0x2f3: {  	s0 =	simm.s32 @p1 $0x6;
	[sflag:s19] =	ssyncadd.s32 $0xFFFFC000  }
0x2f4: {  	[hbm4b:s10+s4] =	stream.linear.scatter [tilespmem:s14], [sflag:$0xA], $0x4000, $0x38;
	[tilespmem:$0x1BBA8] =	vst v63  }
0x2f5: {  	_ =	swait.ge @p1 [sflag:s0], $0x4000  }
0x2f6: {  	s6 =	simm.s32 @p1 $0x7B00;
	s7 =	simm.s32 @p1 $0x7;
	[sflag:s0] =	ssyncset.done @p1 $0x0  }
0x2f7: {  	s8 =	sshra.s32 @p1 s30, $0x2;
	[sflag:s0] =	ssyncadd.s32 @p1 $0xFFFFC000;
	s0 =	simm.s32 @p1 $0x80  }
0x2f8: {  	[tilespmem:s6], [sflag:$0x1] =	stream.indirect.gather @p1 [spmem:s3], $0x80, s8, s0, $0xb8;
	[tilespmem:$0x1BBA8] =	vst v63  }
0x2f9: {  	_ =	swait.ge @p1 [sflag:s7], $0x4000  }
0x2fa: {  	[sflag:s7] =	ssyncset.done @p1 $0x0  }
0x2fb: {  	s6 =	sadd.s32 @p1 $0x80, s8;
	[sflag:s7] =	ssyncadd.s32 @p1 $0xFFFFC000;
	s7 =	simm.s32 @p1 $0xBB00  }
0x2fc: {  	[tilespmem:s7], [sflag:$0x2] =	stream.indirect.gather @p1 [spmem:s3], $0x80, s6, s0, $0xb8;
	[tilespmem:$0x1BBA8] =	vst v63  }
0x2fd: {  	s6 =	simm.s32 @p1 $0x8  }
0x2fe: {  	_ =	swait.ge @p1 [sflag:s6], $0x4000  }
0x2ff: {  	[sflag:s6] =	ssyncset.done @p1 $0x0  }
0x300: {  	s7 =	sadd.s32 @p1 $0x100, s8;
	[sflag:s6] =	ssyncadd.s32 @p1 $0xFFFFC000;
	s6 =	simm.s32 @p1 $0xFB00  }
0x301: {  	[tilespmem:s6], [sflag:$0x3] =	stream.indirect.gather @p1 [spmem:s3], $0x80, s7, s0, $0xb8;
	[tilespmem:$0x1BBA8] =	vst v63  }
0x302: {  	s6 =	simm.s32 @p1 $0x9  }
0x303: {  	_ =	swait.ge @p1 [sflag:s6], $0x4000  }
0x304: {  	[sflag:s6] =	ssyncset.done @p1 $0x0  }
0x305: {  	s7 =	sadd.s32 @p1 $0x180, s8;
	[sflag:s6] =	ssyncadd.s32 @p1 $0xFFFFC000;
	s6 =	simm.s32 @p1 $0x13B00  }
0x306: {  	[tilespmem:s6], [sflag:$0x4] =	stream.indirect.gather @p1 [spmem:s3], $0x80, s7, s0, $0xb8;
	[tilespmem:$0x1BBA8] =	vst v63  }
0x307: {  	s0 =	simm.s32 @p1 $0xA  }
0x308: {  	_ =	swait.ge @p1 [sflag:s0], $0x4000  }
0x309: {  	s6 =	simm.s32 @!p1 $0x7B00;
	[sflag:s0] =	ssyncset.done @p1 $0x0  }
0x30a: {  	s7 =	simm.s32 @!p1 $0x80;
	[sflag:s0] =	ssyncadd.s32 @p1 $0xFFFFC000;
	s0 =	simm.s32 @!p1 $0x0  }
0x30b: {  	[tilespmem:s6], [sflag:$0x1] =	stream.indirect.gather @!p1 [spmem:s3], $0x80, s0, s7, $0xb8;
	[tilespmem:$0x1BBA8] =	vst v63  }
0x30c: {  	s0 =	simm.s32 @!p1 $0xBB00  }
0x30d: {  	[tilespmem:s0], [sflag:$0x2] =	stream.indirect.gather @!p1 [spmem:s3], $0x80, s7, s7, $0xb8;
	[tilespmem:$0x1BBA8] =	vst v63  }
0x30e: {  	s6 =	simm.s32 @!p1 $0xFB00;
	s0 =	simm.s32 @!p1 $0x100  }
0x30f: {  	[tilespmem:s6], [sflag:$0x3] =	stream.indirect.gather @!p1 [spmem:s3], $0x80, s0, s7, $0xb8;
	[tilespmem:$0x1BBA8] =	vst v63  }
0x310: {  	s8 =	sshra.s32 s30, $0x2;
	s0 =	simm.s32 @!p1 $0x180;
	s6 =	simm.s32 @!p1 $0x13B00  }
0x311: {  	[tilespmem:s6], [sflag:$0x4] =	stream.indirect.gather @!p1 [spmem:s3], $0x80, s0, s7, $0xb8;
	[tilespmem:$0x1BBA8] =	vst v63  }
0x312: {  	s7 =	rddreg [dreg:$0x5];
	s6 =	sadd.s32 $0x200, s8  }
0x313: {  	[tilespmem:s14], [sflag:$0x5] =	stream.indirect.gather [spmem:s3], $0x80, s6, s7, $0xb8;
	[tilespmem:$0x1BBA8] =	vst v63  }
0x314: {  	s0 =	sadd.s32 @p1 $0xFFFFFFFE, s28;
	_ =	swait.ge [sflag:s15], $0x4000  }
0x315: {  	s0 =	simm.s32 @!p1 $0x1;
	[sflag:s15] =	ssyncset.done $0x0  }
0x316: {  	s0 =	sadd.s32 s5, s0;
	s10 =	rddreg [dreg:$0x6];
	[sflag:s15] =	ssyncadd.s32 $0xFFFFC000  }
0x317: {  	[hbm4b:s29+s4] =	stream.linear.scatter [tilespmem:s10], [sflag:$0x6], $0x4000, $0x38;
	[tilespmem:$0x1BBA8] =	vst v63  }
0x318: {  	s0 =	sshll.u32 s0, $0xB;
	_ =	swait.ge [sflag:s16], $0x4000  }
0x319: {  	s0 =	sand.u32 $0x1FFFF800, s0;
	[sflag:s16] =	ssyncset.done $0x0  }
0x31a: {  	s0 =	sadd.s32 s1, s0;
	s13 =	rddreg [dreg:$0x7];
	[sflag:s16] =	ssyncadd.s32 $0xFFFFC000  }
0x31b: {  	[hbm4b:s0+s4] =	stream.linear.scatter [tilespmem:s13], [sflag:$0x7], $0x4000, $0x38;
	[tilespmem:$0x1BBA8] =	vst v63  }
0x31c: {  	s0 =	sadd.s32 @p1 $0xFFFFFFFF, s28  }
0x31d: {  	s0 =	simm.s32 @!p1 $0x2  }
0x31e: {  	s0 =	sadd.s32 s5, s0  }
0x31f: {  	s28 =	simm.s32 @!p1 $0x3;
	_ =	swait.ge [sflag:s17], $0x4000;
	s0 =	sshll.u32 s0, $0xB  }
0x320: {  	s21 =	sadd.s32 s5, s28;
	[sflag:s17] =	ssyncset.done $0x0;
	s0 =	sand.u32 $0x1FFFF800, s0  }
0x321: {  	s20 =	rddreg [dreg:$0x8];
	[sflag:s17] =	ssyncadd.s32 $0xFFFFC000;
	s0 =	sadd.s32 s1, s0  }
0x322: {  	[hbm4b:s0+s4] =	stream.linear.scatter [tilespmem:s20], [sflag:$0x8], $0x4000, $0x38;
	[tilespmem:$0x1BBA8] =	vst v63  }
0x323: {  	s0 =	sshll.u32 s21, $0xB;
	_ =	swait.ge [sflag:s18], $0x4000  }
0x324: {  	s0 =	sand.u32 $0x1FFFF800, s0;
	[sflag:s18] =	ssyncset.done $0x0  }
0x325: {  	s22 =	rddreg [dreg:$0x9];
	s0 =	sadd.s32 s1, s0;
	[sflag:s18] =	ssyncadd.s32 $0xFFFFC000  }
0x326: {  	[hbm4b:s0+s4] =	stream.linear.scatter [tilespmem:s22], [sflag:$0x9], $0x4000, $0x38;
	[tilespmem:$0x1BBA8] =	vst v63  }
0x327: {  	_ =	swait.ge [sflag:s19], $0x4000  }
0x328: {  	[sflag:s19] =	ssyncset.done $0x0  }
0x329: {  	s28 =	simm.s32 $0x6;
	[sflag:s19] =	ssyncadd.s32 $0xFFFFC000  }
0x32a: {  	[hbm4b:s26+s4] =	stream.linear.scatter [tilespmem:s14], [sflag:$0xA], $0x4000, $0x38;
	[tilespmem:$0x1BBA8] =	vst v63  }
0x32b: {  	_ =	swait.ge [sflag:s28], $0x4000  }
0x32c: {  	[sflag:s28] =	ssyncset.done $0x0  }
0x32d: {  	s29 =	simm.s32 $0x7;
	[sflag:s28] =	ssyncadd.s32 $0xFFFFC000  }
0x32e: {  	_ =	swait.ge [sflag:s29], $0x4000  }
0x32f: {  	[sflag:s29] =	ssyncset.done $0x0  }
0x330: {  	s30 =	simm.s32 $0x8;
	[sflag:s29] =	ssyncadd.s32 $0xFFFFC000  }
0x331: {  	_ =	swait.ge [sflag:s30], $0x4000  }
0x332: {  	[sflag:s30] =	ssyncset.done $0x0  }
0x333: {  	[sflag:s30] =	ssyncadd.s32 $0xFFFFC000  }
0x334: {  	_ =	swait.ge [sflag:s23], $0x4000  }
0x335: {  	[sflag:s23] =	ssyncset.done $0x0  }
0x336: {  	[sflag:s23] =	ssyncadd.s32 $0xFFFFC000  }
0x337: {  	_ =	swait.ge [sflag:s24], $0x4000  }
0x338: {  	s25 =	sadd.s32 $0x1, s25;
	s31 =	rddreg [dreg:$0xc]  }
0x339: {  	p1 =	sne.s32 s25, s31  }
.Ltmp1:
0x33a: {  	_ = 	snop;
	(pc) =	sbr.rel @p1 .LBB2_1-.Ltmp1, $3  }
0x33b: {  	_ =	sdelay $0x1  }
0x33c: {  	[sflag:s24] =	ssyncset.done $0x0  }
0x33d: {  	[sflag:s24] =	ssyncadd.s32 $0xFFFFC000  }
0x33e: {  	_ =	sfence.sel $0x180000  }
0x33f: {  	[bflag:$0x0] =	sbarrier.arrive $0xFFFF  }
0x340: {  	_ =	strace $0x90000047  }
0x341: {  	[bflag:$0x2] =	sbarrier.arrive $0xFFFF  }
0x342: {  	s0 =	rddreg [dreg:$0x4]  }
0x343: {  	s0 =	sadd.s32 @!p0 $0x100000, s0  }
0x344: {  	[sflag:s0] =	ssyncadd.tile.s32 @!p0 $0x1;
	_ =	shalt  }
.Lfunc_end2:
_tile_overlayer_lowered:
.L_overlay_start_2:
0x345: {  	(tag) =	ssettag $0x2  }
0x346: {  	s0 =	rddreg [dreg:$0x0];
	s2 =	stileid.u32  }
0x347: {  	s1 =	rddreg [dreg:$0x1];
	p0 =	sne.s32 s2, $0x0  }
0x348: {  	s3 =	rddreg [dreg:$0x2];
	[bflag:$0x3] =	sbarrier.arrive $0xFFFF;
	s2 =	simm.s32 @!p0 $0x1C0B  }
0x349: {  	[timem:s3], [sflag:s2] =	dma.local @!p0 [hbm:s0], s1  }
0x34a: {  	s0 =	simm.s32 @!p0 $0xB  }
0x34b: {  	_ =	swait.ge @!p0 [sflag:s0], s1  }
0x34c: {  	s1 =	ssub.s32 @!p0 $0x0, s1;
	[sflag:s0] =	ssyncset.done @!p0 $0x0  }
0x34d: {  	[sflag:s0] =	ssyncadd.s32 @!p0 s1  }
0x34e: {  	[bflag:$0x3] =	sbarrier.arrive $0xFFFF  }
0x34f: {  	_ =	shalt  }

</sc_bundles>
